<compile_context>
chip_gen: v7x
topology: tpu7x:2x2x1
jax: 0.10.2.dev20260603
libtpu: 0.0.44.dev20260713+nightly
codegen_flags: <defaults>
</compile_context>

<pallas_src>
import jax
import jax.numpy as jnp
from jax import lax
from jax.experimental import pallas as pl
from jax.experimental.pallas import tpu as pltpu
from jax.experimental.pallas import tpu_sc as plsc

NUM_EMB = 1000000
DIM = 64
BATCH = 16384
N_IDX = 327680

NC = 2
NS = 16
NW = NC * NS
BAGS_W = BATCH // NW
BLK = BAGS_W + 8
DUMP = BAGS_W
SEG_P = 16384
SEG_ROWS = SEG_P // 128
NBV = SEG_P // 16 // 16
OFFV = 528
OFF_PAD = 31 * BAGS_W + OFFV
IDX_PAD = N_IDX + SEG_P


def _sc_body(weight, indices, offsets, out, idx_v, seg_v, off_v, bv_v, pv_v,
             rows_v, acc, sem0, sem1):
    c = lax.axis_index("c")
    s = lax.axis_index("s")
    wid = c * NS + s
    blk0 = s * BLK

    iota16 = lax.iota(jnp.int32, 16)
    zi16 = jnp.zeros((16,), jnp.int32)
    zf16 = jnp.zeros((16,), jnp.float32)
    ones16 = jnp.ones((16,), jnp.int32)

    def zrow(t, _):
        rows_v[0, t >> 2, pl.ds((t & 3) * 16, 16)] = zf16
        return 0

    lax.fori_loop(0, 128 * DIM // 16, zrow, 0)
    for k in range(4):
        pltpu.sync_copy(rows_v.at[0], acc.at[pl.ds(blk0 + k * 128, 128)])
    pltpu.sync_copy(rows_v.at[0, pl.ds(0, 8)], acc.at[pl.ds(blk0 + 512, 8)])

    pltpu.sync_copy(offsets.at[pl.ds(wid * BAGS_W, OFFV)], off_v)
    first = off_v[pl.ds(0, 16)][0]
    last = off_v[pl.ds(512, 16)][0]
    pstart = jnp.where(wid == 0, 0, first)
    pend = jnp.where(wid == NW - 1, N_IDX, last)
    a0 = (pstart >> 7) << 7
    nsc = jnp.maximum(0, (pend - a0 + SEG_P - 1) >> 14)

    def superchunk(sc_i, _):
        a0_sc = pl.multiple_of(a0 + sc_i * SEG_P, 128)

        def zseg(t, _):
            seg_v[t >> 3, pl.ds((t & 7) * 16, 16)] = zi16
            return 0

        lax.fori_loop(0, SEG_P // 16, zseg, 0)

        def zb(u, _):
            bv_v[pl.ds(u * 16, 16)] = zi16
            return 0

        lax.fori_loop(0, NBV, zb, 0)

        pltpu.sync_copy(indices.at[pl.ds(a0_sc, SEG_P)], idx_v)

        def remap(t, _):
            v = idx_v[pl.ds(t * 16, 16)]
            r = v & 4095
            h = jnp.where(r >= 2048, ones16, zi16)
            idx_v[pl.ds(t * 16, 16)] = (v - r) + ((r & 2047) << 1) + h
            return 0

        lax.fori_loop(0, SEG_P // 16, remap, 0)

        def do_boundary(k, v_k, base):
            v_k = jnp.where(
                jnp.logical_and(k == BAGS_W, wid == NW - 1), N_IDX, v_k)
            rel = v_k - a0_sc
            below = rel < 0
            inr = jnp.logical_and(rel >= 0, rel < SEG_P)
            relc = jnp.clip(rel, 0, SEG_P - 1)
            row = relc >> 7
            cg = (relc >> 4) & 7
            lane = relc & 15
            inr_i = jnp.where(inr, 1, 0)
            cur = seg_v[row, pl.ds(cg * 16, 16)]
            ramp = jnp.where(iota16 >= lane, ones16, zi16) * inr_i
            seg_v[row, pl.ds(cg * 16, 16)] = cur + ramp
            tv = relc >> 4
            boff = (tv >> 4) * 16
            bl = tv & 15
            bcur = bv_v[pl.ds(boff, 16)]
            binc = jnp.where(iota16 == bl, ones16, zi16) * inr_i
            bv_v[pl.ds(boff, 16)] = bcur + binc
            return base + jnp.where(below, 1, 0)

        def bgroup(kk, base):
            va = off_v[pl.ds(kk * 16, 16)]
            for u in range(16):
                k = kk * 16 + u
                is_valid = jnp.logical_and(k >= 1, k <= BAGS_W)
                v_k = jnp.where(is_valid, va[u], jnp.int32(2 * N_IDX))
                base = do_boundary(k, v_k, base)
            return base

        base = lax.fori_loop(0, (BAGS_W + 16) // 16, bgroup, jnp.int32(0))

        def prefix(u, carry):
            bv = bv_v[pl.ds(u * 16, 16)]
            incl = bv
            for sh in (1, 2, 4, 8):
                shifted = jnp.take(incl, jnp.clip(iota16 - sh, 0, 15))
                incl = incl + jnp.where(iota16 >= sh, shifted, zi16)
            pv_v[pl.ds(u * 16, 16)] = (incl - bv) + carry
            return carry + incl[15]

        lax.fori_loop(0, NBV, prefix, base)

        def finalize(g, _):
            pv = pv_v[pl.ds(g * 16, 16)]
            for u in range(16):
                t = g * 16 + u
                row = t >> 3
                cg = t & 7
                val = seg_v[row, pl.ds(cg * 16, 16)] + pv[u]
                p16 = (a0_sc + t * 16) + iota16
                val = jnp.where(p16 < pstart,
                                jnp.full((16,), DUMP, jnp.int32), val)
                seg_v[row, pl.ds(cg * 16, 16)] = val + blk0
            return 0

        lax.fori_loop(0, NBV, finalize, 0)

        nch = jnp.clip((pend - a0_sc + 127) >> 7, 0, SEG_ROWS)
        nch2 = nch >> 1

        def g_issue(j, b_ref, sem):
            pltpu.async_copy(
                weight.at[idx_v.at[pl.ds(j * 128, 128)]], b_ref, sem)

        def g_wait(b_ref, sem):
            pltpu.make_async_copy(
                weight.at[idx_v.at[pl.ds(0, 128)]], b_ref, sem).wait()

        g_issue(0, rows_v.at[0], sem0)

        def pair(m, _):
            j0 = m * 2
            g_issue(j0 + 1, rows_v.at[1], sem1)
            g_wait(rows_v.at[0], sem0)
            pltpu.sync_copy(rows_v.at[0], acc.at[seg_v.at[j0]], add=True)
            g_issue(jnp.minimum(j0 + 2, nch - 1), rows_v.at[0], sem0)
            g_wait(rows_v.at[1], sem1)
            pltpu.sync_copy(rows_v.at[1], acc.at[seg_v.at[j0 + 1]], add=True)
            return 0

        lax.fori_loop(0, nch2, pair, 0)

        def odd(_t, _c):
            g_wait(rows_v.at[0], sem0)
            pltpu.sync_copy(rows_v.at[0], acc.at[seg_v.at[nch - 1]], add=True)
            return 0

        lax.fori_loop(0, nch & 1, odd, 0)

        def drain(_t, _c):
            g_wait(rows_v.at[0], sem0)
            return 0

        lax.fori_loop(0, ((nch & 1) ^ 1) * jnp.minimum(nch2, 1), drain, 0)
        return 0

    lax.fori_loop(0, nsc, superchunk, 0)

    pltpu.sync_copy(acc.at[pl.ds(blk0, BAGS_W)],
                    out.at[pl.ds(wid * BAGS_W, BAGS_W)])


TBLK = 2048
GROUPS = (NUM_EMB + 2 * TBLK - 1) // (2 * TBLK)


STEP_COLS = 8 * TBLK
NFULL = NUM_EMB // STEP_COLS
NSTEP = GROUPS // 4 + 1
V_ROWS = NSTEP * STEP_COLS


def _tc_transpose_body(a_ref, last_ref, o_ref):
    i = pl.program_id(0)
    src = jnp.where(i == NSTEP - 1, last_ref[...], a_ref[...])
    for j in range(4):
        o_ref[pl.ds(j * TBLK, TBLK), 0:DIM] = (
            src[:, j * 2 * TBLK:j * 2 * TBLK + TBLK].T)
        o_ref[pl.ds(j * TBLK, TBLK), DIM:2 * DIM] = (
            src[:, j * 2 * TBLK + TBLK:(j + 1) * 2 * TBLK].T)


def _relayout(weight):
    wt = weight.T
    tail = jax.lax.slice(wt, (0, NFULL * STEP_COLS), (DIM, NUM_EMB))
    wlast = jnp.concatenate(
        [tail,
         jnp.zeros((DIM, STEP_COLS - (NUM_EMB - NFULL * STEP_COLS)),
                   jnp.float32)], axis=1)
    paired = pl.pallas_call(
        _tc_transpose_body,
        out_shape=jax.ShapeDtypeStruct((NSTEP * 4 * TBLK, 2 * DIM),
                                       jnp.float32),
        grid=(NSTEP,),
        in_specs=[
            pl.BlockSpec((DIM, STEP_COLS),
                         lambda i: (0, jnp.minimum(i, NFULL - 1))),
            pl.BlockSpec((DIM, STEP_COLS), lambda i: (0, 0)),
        ],
        out_specs=pl.BlockSpec((4 * TBLK, 2 * DIM), lambda i: (i, 0)),
    )(wt, wlast)
    return paired.reshape(V_ROWS, DIM)


@jax.jit
def kernel(weight, indices, offsets):
    indices = indices.astype(jnp.int32)
    offsets = offsets.astype(jnp.int32)
    weight_rm = _relayout(weight)
    indices_p = jnp.concatenate(
        [indices, jnp.zeros((IDX_PAD - N_IDX,), jnp.int32)])
    offsets_p = jnp.concatenate(
        [offsets, jnp.full((OFF_PAD - (BATCH + 1),), N_IDX, jnp.int32)])

    mesh = plsc.VectorSubcoreMesh(core_axis_name="c", subcore_axis_name="s")
    out = pl.kernel(
        _sc_body,
        out_type=jax.ShapeDtypeStruct((BATCH, DIM), jnp.float32),
        mesh=mesh,
        compiler_params=pltpu.CompilerParams(use_tc_tiling_on_sc=False),
        scratch_types=[
            pltpu.VMEM((SEG_P,), jnp.int32),
            pltpu.VMEM((SEG_ROWS, 128), jnp.int32),
            pltpu.VMEM((OFFV,), jnp.int32),
            pltpu.VMEM((SEG_P // 16,), jnp.int32),
            pltpu.VMEM((SEG_P // 16,), jnp.int32),
            pltpu.VMEM((2, 128, DIM), jnp.float32),
            pltpu.VMEM_SHARED((NS * BLK, DIM), jnp.float32),
            pltpu.SemaphoreType.DMA,
            pltpu.SemaphoreType.DMA,
        ],
    )(weight_rm, indices_p, offsets_p)
    return out

# --- scband reference (transcript-rebuilt; emitter-appended) ---
"""Pipeline reference for scband-base-batched-embedding-39101382263504 (READ-ONLY COPY).

The authoritative reference and input builder live on the scoring server;
editing this copy changes nothing except your own understanding.
"""

import jax, jax.numpy as jnp
import numpy as np

NUM_EMBEDDINGS = 1000000
EMBED_DIM = 64
BATCH = 16384
TOTAL_INDICES = 327680


def setup_inputs(seed: int = 0) -> dict:
    key = jax.random.key(seed)
    k1, k2, k3 = jax.random.split(key, 3)
    indices = jax.random.randint(k1, (TOTAL_INDICES,), 0, NUM_EMBEDDINGS, dtype=jnp.int64 if jax.config.jax_enable_x64 else jnp.int32)
    offsets = jnp.sort(jax.random.randint(k2, (BATCH + 1,), 0, TOTAL_INDICES, dtype=jnp.int64 if jax.config.jax_enable_x64 else jnp.int32))
    weight = jax.random.normal(k3, (NUM_EMBEDDINGS, EMBED_DIM), dtype=jnp.float32) * 0.01
    return {"weight": weight, "indices": indices, "offsets": offsets}


def reference(weight, indices, offsets):
    # BaseBatchedEmbedding.forward: emb_module(indices=values, offsets=offsets)
    # i.e. a table-batched embedding-bag lookup with sum pooling over each bag.
    n = indices.shape[0]
    num_bags = offsets.shape[0] - 1
    # gather rows (SparseCore-friendly gather)
    emb = jnp.take(weight, indices, axis=0)
    # map each flat index position to its bag id via the offsets (cumulative lengths)
    seg = jnp.searchsorted(offsets, jnp.arange(n), side="right") - 1
    seg = jnp.clip(seg, 0, num_bags - 1)
    pooled = jax.ops.segment_sum(emb, seg, num_segments=num_bags)
    return pooled

if __name__ == "__main__":
    import jax
    _d = setup_inputs()
    print(jax.jit(kernel)(*tuple(_d.values())))

</pallas_src>

<mosaic_0001>
#map = affine_map<(d0, d1) -> (0, 0)>
#map1 = affine_map<(d0, d1) -> (0)>
module attributes {stable_mosaic.version = 14 : i64} {
  func.func @_sc_body(%arg0: i32, %arg1: i32, %arg2: memref<1015808x64xf32, #tpu.memory_space<hbm>>, %arg3: memref<344064xi32, #tpu.memory_space<hbm>>, %arg4: memref<16400xi32, #tpu.memory_space<hbm>>, %arg5: memref<16384x64xf32, #tpu.memory_space<hbm>>, %arg6: memref<16384xi32, #tpu.memory_space<vmem>>, %arg7: memref<128x128xi32, #tpu.memory_space<vmem>>, %arg8: memref<528xi32, #tpu.memory_space<vmem>>, %arg9: memref<1024xi32, #tpu.memory_space<vmem>>, %arg10: memref<1024xi32, #tpu.memory_space<vmem>>, %arg11: memref<2x128x64xf32, #tpu.memory_space<vmem>>, %arg12: memref<8320x64xf32, #tpu.memory_space<vmem_shared>>, %arg13: memref<!tpu.dma_semaphore, #tpu.memory_space<semaphore_mem>>, %arg14: memref<!tpu.dma_semaphore, #tpu.memory_space<semaphore_mem>>) attributes {dimension_semantics = [#tpu.dimension_semantics<core_parallel>, #tpu.dimension_semantics<subcore_parallel>], iteration_bounds = array<i64: 2, 16>, scalar_prefetch = 0 : i64, scratch_operands = 9 : i64, tpu.core_type = #tpu.core_type<sc_vector_subcore>, window_params = [{transform_indices = #map}, {transform_indices = #map1}, {transform_indices = #map1}, {transform_indices = #map}]} {
    %mul3A = arith.constant 16 : i32
    %mul3A_0 = arith.muli %arg0, %mul3A : i32
    %add3A = arith.addi %mul3A_0, %arg1 : i32
    %mul3A_1 = arith.constant 520 : i32
    %mul3A_2 = arith.muli %arg1, %mul3A_1 : i32
    %iota3A = tpu.iota {dimensions = array<i32: 0>} : vector<16xi32>
    %broadcast_in_dim3A = arith.constant 0 : i32
    %broadcast_in_dim3A_3 = vector.broadcast %broadcast_in_dim3A : i32 to vector<16xi32>
    %broadcast_in_dim3A_4 = arith.constant 0.000000e+00 : f32
    %broadcast_in_dim3A_5 = vector.broadcast %broadcast_in_dim3A_4 : f32 to vector<16xf32>
    %broadcast_in_dim3A_6 = arith.constant 1 : i32
    %broadcast_in_dim3A_7 = vector.broadcast %broadcast_in_dim3A_6 : i32 to vector<16xi32>
    %scan3A = arith.constant 0 : i32
    %scan3A_8 = arith.constant 0 : i32
    %scan3A_9 = arith.constant 512 : i32
    %scan3A_10 = arith.addi %scan3A_8, %scan3A_9 : i32
    %scan3A_11 = arith.constant 1 : i32
    %scan3A_12 = scf.for %scan3A_64 = %scan3A_8 to %scan3A_10 step %scan3A_11 iter_args(%scan3A_65 = %scan3A) -> (i32)  : i32 {
      %shift_right_arithmetic3A_66 = arith.constant 2 : i32
      %shift_right_arithmetic3A_67 = arith.shrsi %scan3A_64, %shift_right_arithmetic3A_66 : i32
      %and3A = arith.constant 3 : i32
      %and3A_68 = arith.andi %scan3A_64, %and3A : i32
      %mul3A_69 = arith.constant 16 : i32
      %mul3A_70 = arith.muli %and3A_68, %mul3A_69 : i32
      %swap3A = arith.constant 0 : i32
      %swap3A_71 = arith.index_cast %swap3A : i32 to index
      %swap3A_72 = arith.index_cast %shift_right_arithmetic3A_67 : i32 to index
      %swap3A_73 = arith.index_cast %mul3A_70 : i32 to index
      %swap3A_74 = tpu.vector_load %arg11[%swap3A_71, %swap3A_72, %swap3A_73] {strides = array<i32>} : memref<2x128x64xf32, #tpu.memory_space<vmem>>, vector<1x1x16xf32>,
      %swap3A_75 = vector.shape_cast %swap3A_74 : vector<1x1x16xf32> to vector<16xf32>
      %swap3A_76 = vector.shape_cast %broadcast_in_dim3A_5 : vector<16xf32> to vector<1x1x16xf32>
      tpu.vector_store %arg11[%swap3A_71, %swap3A_72, %swap3A_73], %swap3A_76 {strides = array<i32>} : memref<2x128x64xf32, #tpu.memory_space<vmem>>, vector<1x1x16xf32>,
      %scan3A_77 = arith.constant 0 : i32
      scf.yield %scan3A_77 : i32
    }
    %scan3A_13 = arith.constant 512 : i32
    %add3A_14 = arith.constant 0 : i32
    %add3A_15 = arith.addi %mul3A_2, %add3A_14 : i32
    %run_scoped3A = arith.constant 0 : i32
    "tpu.region"() ({
      %run_scoped3A_64 = tpu.sem_alloc : memref<!tpu.dma_semaphore, #tpu.memory_space<semaphore_mem>>
      %dma_start3A = arith.constant 0 : i32
      %dma_start3A_65 = arith.constant 0 : i32
      %dma_start3A_66 = tpu.memref_slice %arg11[%run_scoped3A, %dma_start3A, %dma_start3A_65] : memref<2x128x64xf32, #tpu.memory_space<vmem>> -> memref<1x128x64xf32, #tpu.memory_space<vmem>>
      %dma_start3A_67 = tpu.memref_squeeze %dma_start3A_66 : memref<1x128x64xf32, #tpu.memory_space<vmem>> -> memref<128x64xf32, #tpu.memory_space<vmem>>
      %dma_start3A_68 = arith.constant 0 : i32
      %dma_start3A_69 = tpu.memref_slice %arg12[%add3A_15, %dma_start3A_68] : memref<8320x64xf32, #tpu.memory_space<vmem_shared>> -> memref<128x64xf32, #tpu.memory_space<vmem_shared>>
      %dma_start3A_70 = arith.constant 0 : i32
      %dma_start3A_71 = tpu.memref_slice %arg12[%add3A_15, %dma_start3A_70] : memref<8320x64xf32, #tpu.memory_space<vmem_shared>> -> memref<128x64xf32, #tpu.memory_space<vmem_shared>>
      %dma_start3A_72 = arith.constant 0 : i32
      %dma_start3A_73 = arith.constant 0 : i32
      %dma_start3A_74 = tpu.memref_slice %arg11[%run_scoped3A, %dma_start3A_72, %dma_start3A_73] : memref<2x128x64xf32, #tpu.memory_space<vmem>> -> memref<1x128x64xf32, #tpu.memory_space<vmem>>
      %dma_start3A_75 = tpu.memref_squeeze %dma_start3A_74 : memref<1x128x64xf32, #tpu.memory_space<vmem>> -> memref<128x64xf32, #tpu.memory_space<vmem>>
      tpu.enqueue_dma source(%dma_start3A_75 : memref<128x64xf32, #tpu.memory_space<vmem>>) target(%dma_start3A_71 : memref<128x64xf32, #tpu.memory_space<vmem_shared>>) target_semaphore(%run_scoped3A_64 : memref<!tpu.dma_semaphore, #tpu.memory_space<semaphore_mem>>)
      %dma_wait3A = arith.constant 0 : i32
      %dma_wait3A_76 = arith.constant 0 : i32
      %dma_wait3A_77 = tpu.memref_slice %arg11[%run_scoped3A, %dma_wait3A, %dma_wait3A_76] : memref<2x128x64xf32, #tpu.memory_space<vmem>> -> memref<1x128x64xf32, #tpu.memory_space<vmem>>
      %dma_wait3A_78 = tpu.memref_squeeze %dma_wait3A_77 : memref<1x128x64xf32, #tpu.memory_space<vmem>> -> memref<128x64xf32, #tpu.memory_space<vmem>>
      %dma_wait3A_79 = arith.constant 0 : i32
      %dma_wait3A_80 = tpu.memref_slice %arg12[%add3A_15, %dma_wait3A_79] : memref<8320x64xf32, #tpu.memory_space<vmem_shared>> -> memref<128x64xf32, #tpu.memory_space<vmem_shared>>
      %dma_wait3A_81 = arith.constant 0 : i32
      %dma_wait3A_82 = tpu.memref_slice %arg12[%add3A_15, %dma_wait3A_81] : memref<8320x64xf32, #tpu.memory_space<vmem_shared>> -> memref<128x64xf32, #tpu.memory_space<vmem_shared>>
      %dma_wait3A_83 = arith.constant 0 : i32
      %dma_wait3A_84 = arith.constant 0 : i32
      %dma_wait3A_85 = tpu.memref_slice %arg11[%run_scoped3A, %dma_wait3A_83, %dma_wait3A_84] : memref<2x128x64xf32, #tpu.memory_space<vmem>> -> memref<1x128x64xf32, #tpu.memory_space<vmem>>
      %dma_wait3A_86 = tpu.memref_squeeze %dma_wait3A_85 : memref<1x128x64xf32, #tpu.memory_space<vmem>> -> memref<128x64xf32, #tpu.memory_space<vmem>>
      tpu.wait_dma2 semaphore(%run_scoped3A_64 : memref<!tpu.dma_semaphore, #tpu.memory_space<semaphore_mem>>) src(%dma_wait3A_86 : memref<128x64xf32, #tpu.memory_space<vmem>>) dst(%dma_wait3A_82 : memref<128x64xf32, #tpu.memory_space<vmem_shared>>)
      tpu.yield
    }) : () -> ()
    %add3A_16 = arith.constant 128 : i32
    %add3A_17 = arith.addi %mul3A_2, %add3A_16 : i32
    %run_scoped3A_18 = arith.constant 0 : i32
    "tpu.region"() ({
      %run_scoped3A_64 = tpu.sem_alloc : memref<!tpu.dma_semaphore, #tpu.memory_space<semaphore_mem>>
      %dma_start3A = arith.constant 0 : i32
      %dma_start3A_65 = arith.constant 0 : i32
      %dma_start3A_66 = tpu.memref_slice %arg11[%run_scoped3A_18, %dma_start3A, %dma_start3A_65] : memref<2x128x64xf32, #tpu.memory_space<vmem>> -> memref<1x128x64xf32, #tpu.memory_space<vmem>>
      %dma_start3A_67 = tpu.memref_squeeze %dma_start3A_66 : memref<1x128x64xf32, #tpu.memory_space<vmem>> -> memref<128x64xf32, #tpu.memory_space<vmem>>
      %dma_start3A_68 = arith.constant 0 : i32
      %dma_start3A_69 = tpu.memref_slice %arg12[%add3A_17, %dma_start3A_68] : memref<8320x64xf32, #tpu.memory_space<vmem_shared>> -> memref<128x64xf32, #tpu.memory_space<vmem_shared>>
      %dma_start3A_70 = arith.constant 0 : i32
      %dma_start3A_71 = tpu.memref_slice %arg12[%add3A_17, %dma_start3A_70] : memref<8320x64xf32, #tpu.memory_space<vmem_shared>> -> memref<128x64xf32, #tpu.memory_space<vmem_shared>>
      %dma_start3A_72 = arith.constant 0 : i32
      %dma_start3A_73 = arith.constant 0 : i32
      %dma_start3A_74 = tpu.memref_slice %arg11[%run_scoped3A_18, %dma_start3A_72, %dma_start3A_73] : memref<2x128x64xf32, #tpu.memory_space<vmem>> -> memref<1x128x64xf32, #tpu.memory_space<vmem>>
      %dma_start3A_75 = tpu.memref_squeeze %dma_start3A_74 : memref<1x128x64xf32, #tpu.memory_space<vmem>> -> memref<128x64xf32, #tpu.memory_space<vmem>>
      tpu.enqueue_dma source(%dma_start3A_75 : memref<128x64xf32, #tpu.memory_space<vmem>>) target(%dma_start3A_71 : memref<128x64xf32, #tpu.memory_space<vmem_shared>>) target_semaphore(%run_scoped3A_64 : memref<!tpu.dma_semaphore, #tpu.memory_space<semaphore_mem>>)
      %dma_wait3A = arith.constant 0 : i32
      %dma_wait3A_76 = arith.constant 0 : i32
      %dma_wait3A_77 = tpu.memref_slice %arg11[%run_scoped3A_18, %dma_wait3A, %dma_wait3A_76] : memref<2x128x64xf32, #tpu.memory_space<vmem>> -> memref<1x128x64xf32, #tpu.memory_space<vmem>>
      %dma_wait3A_78 = tpu.memref_squeeze %dma_wait3A_77 : memref<1x128x64xf32, #tpu.memory_space<vmem>> -> memref<128x64xf32, #tpu.memory_space<vmem>>
      %dma_wait3A_79 = arith.constant 0 : i32
      %dma_wait3A_80 = tpu.memref_slice %arg12[%add3A_17, %dma_wait3A_79] : memref<8320x64xf32, #tpu.memory_space<vmem_shared>> -> memref<128x64xf32, #tpu.memory_space<vmem_shared>>
      %dma_wait3A_81 = arith.constant 0 : i32
      %dma_wait3A_82 = tpu.memref_slice %arg12[%add3A_17, %dma_wait3A_81] : memref<8320x64xf32, #tpu.memory_space<vmem_shared>> -> memref<128x64xf32, #tpu.memory_space<vmem_shared>>
      %dma_wait3A_83 = arith.constant 0 : i32
      %dma_wait3A_84 = arith.constant 0 : i32
      %dma_wait3A_85 = tpu.memref_slice %arg11[%run_scoped3A_18, %dma_wait3A_83, %dma_wait3A_84] : memref<2x128x64xf32, #tpu.memory_space<vmem>> -> memref<1x128x64xf32, #tpu.memory_space<vmem>>
      %dma_wait3A_86 = tpu.memref_squeeze %dma_wait3A_85 : memref<1x128x64xf32, #tpu.memory_space<vmem>> -> memref<128x64xf32, #tpu.memory_space<vmem>>
      tpu.wait_dma2 semaphore(%run_scoped3A_64 : memref<!tpu.dma_semaphore, #tpu.memory_space<semaphore_mem>>) src(%dma_wait3A_86 : memref<128x64xf32, #tpu.memory_space<vmem>>) dst(%dma_wait3A_82 : memref<128x64xf32, #tpu.memory_space<vmem_shared>>)
      tpu.yield
    }) : () -> ()
    %add3A_19 = arith.constant 256 : i32
    %add3A_20 = arith.addi %mul3A_2, %add3A_19 : i32
    %run_scoped3A_21 = arith.constant 0 : i32
    "tpu.region"() ({
      %run_scoped3A_64 = tpu.sem_alloc : memref<!tpu.dma_semaphore, #tpu.memory_space<semaphore_mem>>
      %dma_start3A = arith.constant 0 : i32
      %dma_start3A_65 = arith.constant 0 : i32
      %dma_start3A_66 = tpu.memref_slice %arg11[%run_scoped3A_21, %dma_start3A, %dma_start3A_65] : memref<2x128x64xf32, #tpu.memory_space<vmem>> -> memref<1x128x64xf32, #tpu.memory_space<vmem>>
      %dma_start3A_67 = tpu.memref_squeeze %dma_start3A_66 : memref<1x128x64xf32, #tpu.memory_space<vmem>> -> memref<128x64xf32, #tpu.memory_space<vmem>>
      %dma_start3A_68 = arith.constant 0 : i32
      %dma_start3A_69 = tpu.memref_slice %arg12[%add3A_20, %dma_start3A_68] : memref<8320x64xf32, #tpu.memory_space<vmem_shared>> -> memref<128x64xf32, #tpu.memory_space<vmem_shared>>
      %dma_start3A_70 = arith.constant 0 : i32
      %dma_start3A_71 = tpu.memref_slice %arg12[%add3A_20, %dma_start3A_70] : memref<8320x64xf32, #tpu.memory_space<vmem_shared>> -> memref<128x64xf32, #tpu.memory_space<vmem_shared>>
      %dma_start3A_72 = arith.constant 0 : i32
      %dma_start3A_73 = arith.constant 0 : i32
      %dma_start3A_74 = tpu.memref_slice %arg11[%run_scoped3A_21, %dma_start3A_72, %dma_start3A_73] : memref<2x128x64xf32, #tpu.memory_space<vmem>> -> memref<1x128x64xf32, #tpu.memory_space<vmem>>
      %dma_start3A_75 = tpu.memref_squeeze %dma_start3A_74 : memref<1x128x64xf32, #tpu.memory_space<vmem>> -> memref<128x64xf32, #tpu.memory_space<vmem>>
      tpu.enqueue_dma source(%dma_start3A_75 : memref<128x64xf32, #tpu.memory_space<vmem>>) target(%dma_start3A_71 : memref<128x64xf32, #tpu.memory_space<vmem_shared>>) target_semaphore(%run_scoped3A_64 : memref<!tpu.dma_semaphore, #tpu.memory_space<semaphore_mem>>)
      %dma_wait3A = arith.constant 0 : i32
      %dma_wait3A_76 = arith.constant 0 : i32
      %dma_wait3A_77 = tpu.memref_slice %arg11[%run_scoped3A_21, %dma_wait3A, %dma_wait3A_76] : memref<2x128x64xf32, #tpu.memory_space<vmem>> -> memref<1x128x64xf32, #tpu.memory_space<vmem>>
      %dma_wait3A_78 = tpu.memref_squeeze %dma_wait3A_77 : memref<1x128x64xf32, #tpu.memory_space<vmem>> -> memref<128x64xf32, #tpu.memory_space<vmem>>
      %dma_wait3A_79 = arith.constant 0 : i32
      %dma_wait3A_80 = tpu.memref_slice %arg12[%add3A_20, %dma_wait3A_79] : memref<8320x64xf32, #tpu.memory_space<vmem_shared>> -> memref<128x64xf32, #tpu.memory_space<vmem_shared>>
      %dma_wait3A_81 = arith.constant 0 : i32
      %dma_wait3A_82 = tpu.memref_slice %arg12[%add3A_20, %dma_wait3A_81] : memref<8320x64xf32, #tpu.memory_space<vmem_shared>> -> memref<128x64xf32, #tpu.memory_space<vmem_shared>>
      %dma_wait3A_83 = arith.constant 0 : i32
      %dma_wait3A_84 = arith.constant 0 : i32
      %dma_wait3A_85 = tpu.memref_slice %arg11[%run_scoped3A_21, %dma_wait3A_83, %dma_wait3A_84] : memref<2x128x64xf32, #tpu.memory_space<vmem>> -> memref<1x128x64xf32, #tpu.memory_space<vmem>>
      %dma_wait3A_86 = tpu.memref_squeeze %dma_wait3A_85 : memref<1x128x64xf32, #tpu.memory_space<vmem>> -> memref<128x64xf32, #tpu.memory_space<vmem>>
      tpu.wait_dma2 semaphore(%run_scoped3A_64 : memref<!tpu.dma_semaphore, #tpu.memory_space<semaphore_mem>>) src(%dma_wait3A_86 : memref<128x64xf32, #tpu.memory_space<vmem>>) dst(%dma_wait3A_82 : memref<128x64xf32, #tpu.memory_space<vmem_shared>>)
      tpu.yield
    }) : () -> ()
    %add3A_22 = arith.constant 384 : i32
    %add3A_23 = arith.addi %mul3A_2, %add3A_22 : i32
    %run_scoped3A_24 = arith.constant 0 : i32
    "tpu.region"() ({
      %run_scoped3A_64 = tpu.sem_alloc : memref<!tpu.dma_semaphore, #tpu.memory_space<semaphore_mem>>
      %dma_start3A = arith.constant 0 : i32
      %dma_start3A_65 = arith.constant 0 : i32
      %dma_start3A_66 = tpu.memref_slice %arg11[%run_scoped3A_24, %dma_start3A, %dma_start3A_65] : memref<2x128x64xf32, #tpu.memory_space<vmem>> -> memref<1x128x64xf32, #tpu.memory_space<vmem>>
      %dma_start3A_67 = tpu.memref_squeeze %dma_start3A_66 : memref<1x128x64xf32, #tpu.memory_space<vmem>> -> memref<128x64xf32, #tpu.memory_space<vmem>>
      %dma_start3A_68 = arith.constant 0 : i32
      %dma_start3A_69 = tpu.memref_slice %arg12[%add3A_23, %dma_start3A_68] : memref<8320x64xf32, #tpu.memory_space<vmem_shared>> -> memref<128x64xf32, #tpu.memory_space<vmem_shared>>
      %dma_start3A_70 = arith.constant 0 : i32
      %dma_start3A_71 = tpu.memref_slice %arg12[%add3A_23, %dma_start3A_70] : memref<8320x64xf32, #tpu.memory_space<vmem_shared>> -> memref<128x64xf32, #tpu.memory_space<vmem_shared>>
      %dma_start3A_72 = arith.constant 0 : i32
      %dma_start3A_73 = arith.constant 0 : i32
      %dma_start3A_74 = tpu.memref_slice %arg11[%run_scoped3A_24, %dma_start3A_72, %dma_start3A_73] : memref<2x128x64xf32, #tpu.memory_space<vmem>> -> memref<1x128x64xf32, #tpu.memory_space<vmem>>
      %dma_start3A_75 = tpu.memref_squeeze %dma_start3A_74 : memref<1x128x64xf32, #tpu.memory_space<vmem>> -> memref<128x64xf32, #tpu.memory_space<vmem>>
      tpu.enqueue_dma source(%dma_start3A_75 : memref<128x64xf32, #tpu.memory_space<vmem>>) target(%dma_start3A_71 : memref<128x64xf32, #tpu.memory_space<vmem_shared>>) target_semaphore(%run_scoped3A_64 : memref<!tpu.dma_semaphore, #tpu.memory_space<semaphore_mem>>)
      %dma_wait3A = arith.constant 0 : i32
      %dma_wait3A_76 = arith.constant 0 : i32
      %dma_wait3A_77 = tpu.memref_slice %arg11[%run_scoped3A_24, %dma_wait3A, %dma_wait3A_76] : memref<2x128x64xf32, #tpu.memory_space<vmem>> -> memref<1x128x64xf32, #tpu.memory_space<vmem>>
      %dma_wait3A_78 = tpu.memref_squeeze %dma_wait3A_77 : memref<1x128x64xf32, #tpu.memory_space<vmem>> -> memref<128x64xf32, #tpu.memory_space<vmem>>
      %dma_wait3A_79 = arith.constant 0 : i32
      %dma_wait3A_80 = tpu.memref_slice %arg12[%add3A_23, %dma_wait3A_79] : memref<8320x64xf32, #tpu.memory_space<vmem_shared>> -> memref<128x64xf32, #tpu.memory_space<vmem_shared>>
      %dma_wait3A_81 = arith.constant 0 : i32
      %dma_wait3A_82 = tpu.memref_slice %arg12[%add3A_23, %dma_wait3A_81] : memref<8320x64xf32, #tpu.memory_space<vmem_shared>> -> memref<128x64xf32, #tpu.memory_space<vmem_shared>>
      %dma_wait3A_83 = arith.constant 0 : i32
      %dma_wait3A_84 = arith.constant 0 : i32
      %dma_wait3A_85 = tpu.memref_slice %arg11[%run_scoped3A_24, %dma_wait3A_83, %dma_wait3A_84] : memref<2x128x64xf32, #tpu.memory_space<vmem>> -> memref<1x128x64xf32, #tpu.memory_space<vmem>>
      %dma_wait3A_86 = tpu.memref_squeeze %dma_wait3A_85 : memref<1x128x64xf32, #tpu.memory_space<vmem>> -> memref<128x64xf32, #tpu.memory_space<vmem>>
      tpu.wait_dma2 semaphore(%run_scoped3A_64 : memref<!tpu.dma_semaphore, #tpu.memory_space<semaphore_mem>>) src(%dma_wait3A_86 : memref<128x64xf32, #tpu.memory_space<vmem>>) dst(%dma_wait3A_82 : memref<128x64xf32, #tpu.memory_space<vmem_shared>>)
      tpu.yield
    }) : () -> ()
    %add3A_25 = arith.constant 512 : i32
    %add3A_26 = arith.addi %mul3A_2, %add3A_25 : i32
    %run_scoped3A_27 = arith.constant 0 : i32
    "tpu.region"() ({
      %run_scoped3A_64 = tpu.sem_alloc : memref<!tpu.dma_semaphore, #tpu.memory_space<semaphore_mem>>
      %dma_start3A = arith.constant 0 : i32
      %dma_start3A_65 = arith.constant 0 : i32
      %dma_start3A_66 = tpu.memref_slice %arg11[%run_scoped3A_27, %dma_start3A, %dma_start3A_65] : memref<2x128x64xf32, #tpu.memory_space<vmem>> -> memref<1x8x64xf32, #tpu.memory_space<vmem>>
      %dma_start3A_67 = tpu.memref_squeeze %dma_start3A_66 : memref<1x8x64xf32, #tpu.memory_space<vmem>> -> memref<8x64xf32, #tpu.memory_space<vmem>>
      %dma_start3A_68 = arith.constant 0 : i32
      %dma_start3A_69 = tpu.memref_slice %arg12[%add3A_26, %dma_start3A_68] : memref<8320x64xf32, #tpu.memory_space<vmem_shared>> -> memref<8x64xf32, #tpu.memory_space<vmem_shared>>
      %dma_start3A_70 = arith.constant 0 : i32
      %dma_start3A_71 = tpu.memref_slice %arg12[%add3A_26, %dma_start3A_70] : memref<8320x64xf32, #tpu.memory_space<vmem_shared>> -> memref<8x64xf32, #tpu.memory_space<vmem_shared>>
      %dma_start3A_72 = arith.constant 0 : i32
      %dma_start3A_73 = arith.constant 0 : i32
      %dma_start3A_74 = tpu.memref_slice %arg11[%run_scoped3A_27, %dma_start3A_72, %dma_start3A_73] : memref<2x128x64xf32, #tpu.memory_space<vmem>> -> memref<1x8x64xf32, #tpu.memory_space<vmem>>
      %dma_start3A_75 = tpu.memref_squeeze %dma_start3A_74 : memref<1x8x64xf32, #tpu.memory_space<vmem>> -> memref<8x64xf32, #tpu.memory_space<vmem>>
      tpu.enqueue_dma source(%dma_start3A_75 : memref<8x64xf32, #tpu.memory_space<vmem>>) target(%dma_start3A_71 : memref<8x64xf32, #tpu.memory_space<vmem_shared>>) target_semaphore(%run_scoped3A_64 : memref<!tpu.dma_semaphore, #tpu.memory_space<semaphore_mem>>)
      %dma_wait3A = arith.constant 0 : i32
      %dma_wait3A_76 = arith.constant 0 : i32
      %dma_wait3A_77 = tpu.memref_slice %arg11[%run_scoped3A_27, %dma_wait3A, %dma_wait3A_76] : memref<2x128x64xf32, #tpu.memory_space<vmem>> -> memref<1x8x64xf32, #tpu.memory_space<vmem>>
      %dma_wait3A_78 = tpu.memref_squeeze %dma_wait3A_77 : memref<1x8x64xf32, #tpu.memory_space<vmem>> -> memref<8x64xf32, #tpu.memory_space<vmem>>
      %dma_wait3A_79 = arith.constant 0 : i32
      %dma_wait3A_80 = tpu.memref_slice %arg12[%add3A_26, %dma_wait3A_79] : memref<8320x64xf32, #tpu.memory_space<vmem_shared>> -> memref<8x64xf32, #tpu.memory_space<vmem_shared>>
      %dma_wait3A_81 = arith.constant 0 : i32
      %dma_wait3A_82 = tpu.memref_slice %arg12[%add3A_26, %dma_wait3A_81] : memref<8320x64xf32, #tpu.memory_space<vmem_shared>> -> memref<8x64xf32, #tpu.memory_space<vmem_shared>>
      %dma_wait3A_83 = arith.constant 0 : i32
      %dma_wait3A_84 = arith.constant 0 : i32
      %dma_wait3A_85 = tpu.memref_slice %arg11[%run_scoped3A_27, %dma_wait3A_83, %dma_wait3A_84] : memref<2x128x64xf32, #tpu.memory_space<vmem>> -> memref<1x8x64xf32, #tpu.memory_space<vmem>>
      %dma_wait3A_86 = tpu.memref_squeeze %dma_wait3A_85 : memref<1x8x64xf32, #tpu.memory_space<vmem>> -> memref<8x64xf32, #tpu.memory_space<vmem>>
      tpu.wait_dma2 semaphore(%run_scoped3A_64 : memref<!tpu.dma_semaphore, #tpu.memory_space<semaphore_mem>>) src(%dma_wait3A_86 : memref<8x64xf32, #tpu.memory_space<vmem>>) dst(%dma_wait3A_82 : memref<8x64xf32, #tpu.memory_space<vmem_shared>>)
      tpu.yield
    }) : () -> ()
    %mul3A_28 = arith.constant 512 : i32
    %mul3A_29 = arith.muli %add3A, %mul3A_28 : i32
    "tpu.region"() ({
      %run_scoped3A_64 = tpu.sem_alloc : memref<!tpu.dma_semaphore, #tpu.memory_space<semaphore_mem>>
      %dma_start3A = tpu.memref_slice %arg4[%mul3A_29] : memref<16400xi32, #tpu.memory_space<hbm>> -> memref<528xi32, #tpu.memory_space<hbm>>
      %dma_start3A_65 = tpu.memref_slice %arg4[%mul3A_29] : memref<16400xi32, #tpu.memory_space<hbm>> -> memref<528xi32, #tpu.memory_space<hbm>>
      tpu.enqueue_dma source(%dma_start3A_65 : memref<528xi32, #tpu.memory_space<hbm>>) target(%arg8 : memref<528xi32, #tpu.memory_space<vmem>>) target_semaphore(%run_scoped3A_64 : memref<!tpu.dma_semaphore, #tpu.memory_space<semaphore_mem>>)
      %dma_wait3A = tpu.memref_slice %arg4[%mul3A_29] : memref<16400xi32, #tpu.memory_space<hbm>> -> memref<528xi32, #tpu.memory_space<hbm>>
      %dma_wait3A_66 = tpu.memref_slice %arg4[%mul3A_29] : memref<16400xi32, #tpu.memory_space<hbm>> -> memref<528xi32, #tpu.memory_space<hbm>>
      tpu.wait_dma2 semaphore(%run_scoped3A_64 : memref<!tpu.dma_semaphore, #tpu.memory_space<semaphore_mem>>) src(%dma_wait3A_66 : memref<528xi32, #tpu.memory_space<hbm>>) dst(%arg8 : memref<528xi32, #tpu.memory_space<vmem>>)
      tpu.yield
    }) : () -> ()
    %get3A = arith.constant 0 : index
    %get3A_30 = tpu.vector_load %arg8[%get3A] {strides = array<i32>} : memref<528xi32, #tpu.memory_space<vmem>>, vector<16xi32>,
    %get3A_31 = vector.shape_cast %get3A_30 : vector<16xi32> to vector<16xi32>
    %slice3A = vector.extract_strided_slice %get3A_31 {offsets = [0], sizes = [1], strides = [1]} : vector<16xi32> to vector<1xi32>
    %squeeze3A = vector.extract %slice3A[0] : i32 from vector<1xi32>
    %get3A_32 = arith.constant 512 : index
    %get3A_33 = tpu.vector_load %arg8[%get3A_32] {strides = array<i32>} : memref<528xi32, #tpu.memory_space<vmem>>, vector<16xi32>,
    %get3A_34 = vector.shape_cast %get3A_33 : vector<16xi32> to vector<16xi32>
    %slice3A_35 = vector.extract_strided_slice %get3A_34 {offsets = [0], sizes = [1], strides = [1]} : vector<16xi32> to vector<1xi32>
    %squeeze3A_36 = vector.extract %slice3A_35[0] : i32 from vector<1xi32>
    %eq3A = arith.constant 0 : i32
    %eq3A_37 = arith.cmpi eq, %add3A, %eq3A : i32
    %jit3A = arith.constant 0 : i32
    %select_n3A = arith.select %eq3A_37, %jit3A, %squeeze3A : i32
    %eq3A_38 = arith.constant 31 : i32
    %eq3A_39 = arith.cmpi eq, %add3A, %eq3A_38 : i32
    %jit3A_40 = arith.constant 327680 : i32
    %select_n3A_41 = arith.select %eq3A_39, %jit3A_40, %squeeze3A_36 : i32
    %shift_right_arithmetic3A = arith.constant 7 : i32
    %shift_right_arithmetic3A_42 = arith.shrsi %select_n3A, %shift_right_arithmetic3A : i32
    %shift_left3A = arith.constant 7 : i32
    %shift_left3A_43 = arith.shli %shift_right_arithmetic3A_42, %shift_left3A : i32
    %sub3A = arith.subi %select_n3A_41, %shift_left3A_43 : i32
    %add3A_44 = arith.constant 16384 : i32
    %add3A_45 = arith.addi %sub3A, %add3A_44 : i32
    %sub3A_46 = arith.constant 1 : i32
    %sub3A_47 = arith.subi %add3A_45, %sub3A_46 : i32
    %shift_right_arithmetic3A_48 = arith.constant 14 : i32
    %shift_right_arithmetic3A_49 = arith.shrsi %sub3A_47, %shift_right_arithmetic3A_48 : i32
    %max3A = arith.constant 0 : i32
    %max3A_50 = arith.maxsi %max3A, %shift_right_arithmetic3A_49 : i32
    %while3A = arith.constant 0 : i32
    %while3A_51 = arith.constant 0 : i32
    %while3A_52 = arith.subi %max3A_50, %while3A : i32
    %while3A_53 = arith.addi %while3A, %while3A_52 : i32
    %while3A_54 = arith.constant 1 : i32
    %while3A_55 = arith.divsi %while3A_52, %while3A_54 : i32
    %while3A_56 = arith.muli %while3A_55, %while3A_54 : i32
    %while3A_57 = arith.addi %while3A, %while3A_56 : i32
    %while3A_58 = arith.constant 1 : i32
    %while3A_59 = scf.for %while3A_64 = %while3A to %while3A_57 step %while3A_58 iter_args(%while3A_65 = %while3A_51) -> (i32)  : i32 {
      %mul3A_66 = arith.constant 16384 : i32
      %mul3A_67 = arith.muli %while3A_64, %mul3A_66 : i32
      %add3A_68 = arith.addi %shift_left3A_43, %mul3A_67 : i32
      %multiple_of3A = tpu.assume_multiple %add3A_68, 128 : i32
      %scan3A_69 = arith.constant 0 : i32
      %scan3A_70 = arith.constant 0 : i32
      %scan3A_71 = arith.constant 1024 : i32
      %scan3A_72 = arith.addi %scan3A_70, %scan3A_71 : i32
      %scan3A_73 = arith.constant 1 : i32
      %scan3A_74 = scf.for %scan3A_173 = %scan3A_70 to %scan3A_72 step %scan3A_73 iter_args(%scan3A_174 = %scan3A_69) -> (i32)  : i32 {
        %shift_right_arithmetic3A_175 = arith.constant 3 : i32
        %shift_right_arithmetic3A_176 = arith.shrsi %scan3A_173, %shift_right_arithmetic3A_175 : i32
        %and3A_177 = arith.constant 7 : i32
        %and3A_178 = arith.andi %scan3A_173, %and3A_177 : i32
        %mul3A_179 = arith.constant 16 : i32
        %mul3A_180 = arith.muli %and3A_178, %mul3A_179 : i32
        %swap3A = arith.index_cast %shift_right_arithmetic3A_176 : i32 to index
        %swap3A_181 = arith.index_cast %mul3A_180 : i32 to index
        %swap3A_182 = tpu.vector_load %arg7[%swap3A, %swap3A_181] {strides = array<i32>} : memref<128x128xi32, #tpu.memory_space<vmem>>, vector<1x16xi32>,
        %swap3A_183 = vector.shape_cast %swap3A_182 : vector<1x16xi32> to vector<16xi32>
        %swap3A_184 = vector.shape_cast %broadcast_in_dim3A_3 : vector<16xi32> to vector<1x16xi32>
        tpu.vector_store %arg7[%swap3A, %swap3A_181], %swap3A_184 {strides = array<i32>} : memref<128x128xi32, #tpu.memory_space<vmem>>, vector<1x16xi32>,
        %scan3A_185 = arith.constant 0 : i32
        scf.yield %scan3A_185 : i32
      }
      %scan3A_75 = arith.constant 1024 : i32
      %scan3A_76 = arith.constant 0 : i32
      %scan3A_77 = arith.constant 0 : i32
      %scan3A_78 = arith.constant 64 : i32
      %scan3A_79 = arith.addi %scan3A_77, %scan3A_78 : i32
      %scan3A_80 = arith.constant 1 : i32
      %scan3A_81 = scf.for %scan3A_173 = %scan3A_77 to %scan3A_79 step %scan3A_80 iter_args(%scan3A_174 = %scan3A_76) -> (i32)  : i32 {
        %mul3A_175 = arith.constant 16 : i32
        %mul3A_176 = arith.muli %scan3A_173, %mul3A_175 : i32
        %swap3A = arith.index_cast %mul3A_176 : i32 to index
        %swap3A_177 = tpu.vector_load %arg9[%swap3A] {strides = array<i32>} : memref<1024xi32, #tpu.memory_space<vmem>>, vector<16xi32>,
        %swap3A_178 = vector.shape_cast %swap3A_177 : vector<16xi32> to vector<16xi32>
        %swap3A_179 = vector.shape_cast %broadcast_in_dim3A_3 : vector<16xi32> to vector<16xi32>
        tpu.vector_store %arg9[%swap3A], %swap3A_179 {strides = array<i32>} : memref<1024xi32, #tpu.memory_space<vmem>>, vector<16xi32>,
        %scan3A_180 = arith.constant 0 : i32
        scf.yield %scan3A_180 : i32
      }
      %scan3A_82 = arith.constant 64 : i32
      "tpu.region"() ({
        %run_scoped3A_173 = tpu.sem_alloc : memref<!tpu.dma_semaphore, #tpu.memory_space<semaphore_mem>>
        %dma_start3A_174 = tpu.memref_slice %arg3[%multiple_of3A] : memref<344064xi32, #tpu.memory_space<hbm>> -> memref<16384xi32, #tpu.memory_space<hbm>>
        %dma_start3A_175 = tpu.memref_slice %arg3[%multiple_of3A] : memref<344064xi32, #tpu.memory_space<hbm>> -> memref<16384xi32, #tpu.memory_space<hbm>>
        tpu.enqueue_dma source(%dma_start3A_175 : memref<16384xi32, #tpu.memory_space<hbm>>) target(%arg6 : memref<16384xi32, #tpu.memory_space<vmem>>) target_semaphore(%run_scoped3A_173 : memref<!tpu.dma_semaphore, #tpu.memory_space<semaphore_mem>>)
        %dma_wait3A = tpu.memref_slice %arg3[%multiple_of3A] : memref<344064xi32, #tpu.memory_space<hbm>> -> memref<16384xi32, #tpu.memory_space<hbm>>
        %dma_wait3A_176 = tpu.memref_slice %arg3[%multiple_of3A] : memref<344064xi32, #tpu.memory_space<hbm>> -> memref<16384xi32, #tpu.memory_space<hbm>>
        tpu.wait_dma2 semaphore(%run_scoped3A_173 : memref<!tpu.dma_semaphore, #tpu.memory_space<semaphore_mem>>) src(%dma_wait3A_176 : memref<16384xi32, #tpu.memory_space<hbm>>) dst(%arg6 : memref<16384xi32, #tpu.memory_space<vmem>>)
        tpu.yield
      }) : () -> ()
      %scan3A_83 = arith.constant 0 : i32
      %scan3A_84 = arith.constant 0 : i32
      %scan3A_85 = arith.constant 1024 : i32
      %scan3A_86 = arith.addi %scan3A_84, %scan3A_85 : i32
      %scan3A_87 = arith.constant 1 : i32
      %scan3A_88 = scf.for %scan3A_173 = %scan3A_84 to %scan3A_86 step %scan3A_87 iter_args(%scan3A_174 = %scan3A_83) -> (i32)  : i32 {
        %mul3A_175 = arith.constant 16 : i32
        %mul3A_176 = arith.muli %scan3A_173, %mul3A_175 : i32
        %get3A_177 = arith.index_cast %mul3A_176 : i32 to index
        %get3A_178 = tpu.vector_load %arg6[%get3A_177] {strides = array<i32>} : memref<16384xi32, #tpu.memory_space<vmem>>, vector<16xi32>,
        %get3A_179 = vector.shape_cast %get3A_178 : vector<16xi32> to vector<16xi32>
        %and3A_180 = arith.constant 4095 : i32
        %and3A_181 = vector.broadcast %and3A_180 : i32 to vector<16xi32>
        %and3A_182 = arith.andi %get3A_179, %and3A_181 : vector<16xi32>
        %ge3A = arith.constant 2048 : i32
        %ge3A_183 = vector.broadcast %ge3A : i32 to vector<16xi32>
        %ge3A_184 = arith.cmpi sge, %and3A_182, %ge3A_183 : vector<16xi32>
        %select_n3A_185 = arith.select %ge3A_184, %broadcast_in_dim3A_7, %broadcast_in_dim3A_3 : vector<16xi1>, vector<16xi32>
        %sub3A_186 = arith.subi %get3A_179, %and3A_182 : vector<16xi32>
        %and3A_187 = arith.constant 2047 : i32
        %and3A_188 = vector.broadcast %and3A_187 : i32 to vector<16xi32>
        %and3A_189 = arith.andi %and3A_182, %and3A_188 : vector<16xi32>
        %shift_left3A_190 = arith.constant 1 : i32
        %shift_left3A_191 = vector.broadcast %shift_left3A_190 : i32 to vector<16xi32>
        %shift_left3A_192 = arith.shli %and3A_189, %shift_left3A_191 : vector<16xi32>
        %add3A_193 = arith.addi %sub3A_186, %shift_left3A_192 : vector<16xi32>
        %add3A_194 = arith.addi %add3A_193, %select_n3A_185 : vector<16xi32>
        %mul3A_195 = arith.constant 16 : i32
        %mul3A_196 = arith.muli %scan3A_173, %mul3A_195 : i32
        %swap3A = arith.index_cast %mul3A_196 : i32 to index
        %swap3A_197 = tpu.vector_load %arg6[%swap3A] {strides = array<i32>} : memref<16384xi32, #tpu.memory_space<vmem>>, vector<16xi32>,
        %swap3A_198 = vector.shape_cast %swap3A_197 : vector<16xi32> to vector<16xi32>
        %swap3A_199 = vector.shape_cast %add3A_194 : vector<16xi32> to vector<16xi32>
        tpu.vector_store %arg6[%swap3A], %swap3A_199 {strides = array<i32>} : memref<16384xi32, #tpu.memory_space<vmem>>, vector<16xi32>,
        %scan3A_200 = arith.constant 0 : i32
        scf.yield %scan3A_200 : i32
      }
      %scan3A_89 = arith.constant 1024 : i32
      %scan3A_90 = arith.constant 0 : i32
      %scan3A_91 = arith.constant 0 : i32
      %scan3A_92 = arith.constant 33 : i32
      %scan3A_93 = arith.addi %scan3A_91, %scan3A_92 : i32
      %scan3A_94 = arith.constant 1 : i32
      %scan3A_95 = scf.for %scan3A_173 = %scan3A_91 to %scan3A_93 step %scan3A_94 iter_args(%scan3A_174 = %scan3A_90) -> (i32)  : i32 {
        %mul3A_175 = arith.constant 16 : i32
        %mul3A_176 = arith.muli %scan3A_173, %mul3A_175 : i32
        %get3A_177 = arith.index_cast %mul3A_176 : i32 to index
        %get3A_178 = tpu.vector_load %arg8[%get3A_177] {strides = array<i32>} : memref<528xi32, #tpu.memory_space<vmem>>, vector<16xi32>,
        %get3A_179 = vector.shape_cast %get3A_178 : vector<16xi32> to vector<16xi32>
        %mul3A_180 = arith.constant 16 : i32
        %mul3A_181 = arith.muli %scan3A_173, %mul3A_180 : i32
        %add3A_182 = arith.constant 0 : i32
        %add3A_183 = arith.addi %mul3A_181, %add3A_182 : i32
        %ge3A = arith.constant 1 : i32
        %ge3A_184 = arith.cmpi sge, %add3A_183, %ge3A : i32
        %le3A = arith.constant 512 : i32
        %le3A_185 = arith.cmpi sle, %add3A_183, %le3A : i32
        %and3A_186 = arith.andi %ge3A_184, %le3A_185 : i1
        %slice3A_187 = vector.extract_strided_slice %get3A_179 {offsets = [0], sizes = [1], strides = [1]} : vector<16xi32> to vector<1xi32>
        %squeeze3A_188 = vector.extract %slice3A_187[0] : i32 from vector<1xi32>
        %jit3A_189 = arith.constant 655360 : i32
        %select_n3A_190 = arith.select %and3A_186, %squeeze3A_188, %jit3A_189 : i32
        %eq3A_191 = arith.constant 512 : i32
        %eq3A_192 = arith.cmpi eq, %add3A_183, %eq3A_191 : i32
        %eq3A_193 = arith.constant 31 : i32
        %eq3A_194 = arith.cmpi eq, %add3A, %eq3A_193 : i32
        %and3A_195 = arith.andi %eq3A_192, %eq3A_194 : i1
        %jit3A_196 = arith.constant 327680 : i32
        %select_n3A_197 = arith.select %and3A_195, %jit3A_196, %select_n3A_190 : i32
        %sub3A_198 = arith.subi %select_n3A_197, %multiple_of3A : i32
        %lt3A = arith.constant 0 : i32
        %lt3A_199 = arith.cmpi slt, %sub3A_198, %lt3A : i32
        %ge3A_200 = arith.constant 0 : i32
        %ge3A_201 = arith.cmpi sge, %sub3A_198, %ge3A_200 : i32
        %lt3A_202 = arith.constant 16384 : i32
        %lt3A_203 = arith.cmpi slt, %sub3A_198, %lt3A_202 : i32
        %and3A_204 = arith.andi %ge3A_201, %lt3A_203 : i1
        %jit3A_205 = arith.constant 0 : i32
        %jit3A_206 = arith.constant 16383 : i32
        %max3A_207 = arith.maxsi %jit3A_205, %sub3A_198 : i32
        %min3A_208 = arith.minsi %jit3A_206, %max3A_207 : i32
        %shift_right_arithmetic3A_209 = arith.constant 7 : i32
        %shift_right_arithmetic3A_210 = arith.shrsi %min3A_208, %shift_right_arithmetic3A_209 : i32
        %shift_right_arithmetic3A_211 = arith.constant 4 : i32
        %shift_right_arithmetic3A_212 = arith.shrsi %min3A_208, %shift_right_arithmetic3A_211 : i32
        %and3A_213 = arith.constant 7 : i32
        %and3A_214 = arith.andi %shift_right_arithmetic3A_212, %and3A_213 : i32
        %and3A_215 = arith.constant 15 : i32
        %and3A_216 = arith.andi %min3A_208, %and3A_215 : i32
        %jit3A_217 = arith.constant 1 : i32
        %jit3A_218 = arith.constant 0 : i32
        %select_n3A_219 = arith.select %and3A_204, %jit3A_217, %jit3A_218 : i32
        %mul3A_220 = arith.constant 16 : i32
        %mul3A_221 = arith.muli %and3A_214, %mul3A_220 : i32
        %get3A_222 = arith.index_cast %shift_right_arithmetic3A_210 : i32 to index
        %get3A_223 = arith.index_cast %mul3A_221 : i32 to index
        %get3A_224 = tpu.vector_load %arg7[%get3A_222, %get3A_223] {strides = array<i32>} : memref<128x128xi32, #tpu.memory_space<vmem>>, vector<1x16xi32>,
        %get3A_225 = vector.shape_cast %get3A_224 : vector<1x16xi32> to vector<16xi32>
        %ge3A_226 = vector.broadcast %and3A_216 : i32 to vector<16xi32>
        %ge3A_227 = arith.cmpi sge, %iota3A, %ge3A_226 : vector<16xi32>
        %select_n3A_228 = arith.select %ge3A_227, %broadcast_in_dim3A_7, %broadcast_in_dim3A_3 : vector<16xi1>, vector<16xi32>
        %mul3A_229 = vector.broadcast %select_n3A_219 : i32 to vector<16xi32>
        %mul3A_230 = arith.muli %select_n3A_228, %mul3A_229 : vector<16xi32>
        %add3A_231 = arith.addi %get3A_225, %mul3A_230 : vector<16xi32>
        %mul3A_232 = arith.constant 16 : i32
        %mul3A_233 = arith.muli %and3A_214, %mul3A_232 : i32
        %swap3A = arith.index_cast %shift_right_arithmetic3A_210 : i32 to index
        %swap3A_234 = arith.index_cast %mul3A_233 : i32 to index
        %swap3A_235 = tpu.vector_load %arg7[%swap3A, %swap3A_234] {strides = array<i32>} : memref<128x128xi32, #tpu.memory_space<vmem>>, vector<1x16xi32>,
        %swap3A_236 = vector.shape_cast %swap3A_235 : vector<1x16xi32> to vector<16xi32>
        %swap3A_237 = vector.shape_cast %add3A_231 : vector<16xi32> to vector<1x16xi32>
        tpu.vector_store %arg7[%swap3A, %swap3A_234], %swap3A_237 {strides = array<i32>} : memref<128x128xi32, #tpu.memory_space<vmem>>, vector<1x16xi32>,
        %shift_right_arithmetic3A_238 = arith.constant 4 : i32
        %shift_right_arithmetic3A_239 = arith.shrsi %min3A_208, %shift_right_arithmetic3A_238 : i32
        %shift_right_arithmetic3A_240 = arith.constant 4 : i32
        %shift_right_arithmetic3A_241 = arith.shrsi %shift_right_arithmetic3A_239, %shift_right_arithmetic3A_240 : i32
        %mul3A_242 = arith.constant 16 : i32
        %mul3A_243 = arith.muli %shift_right_arithmetic3A_241, %mul3A_242 : i32
        %and3A_244 = arith.constant 15 : i32
        %and3A_245 = arith.andi %shift_right_arithmetic3A_239, %and3A_244 : i32
        %get3A_246 = arith.index_cast %mul3A_243 : i32 to index
        %get3A_247 = tpu.vector_load %arg9[%get3A_246] {strides = array<i32>} : memref<1024xi32, #tpu.memory_space<vmem>>, vector<16xi32>,
        %get3A_248 = vector.shape_cast %get3A_247 : vector<16xi32> to vector<16xi32>
        %eq3A_249 = vector.broadcast %and3A_245 : i32 to vector<16xi32>
        %eq3A_250 = arith.cmpi eq, %iota3A, %eq3A_249 : vector<16xi32>
        %select_n3A_251 = arith.select %eq3A_250, %broadcast_in_dim3A_7, %broadcast_in_dim3A_3 : vector<16xi1>, vector<16xi32>
        %mul3A_252 = vector.broadcast %select_n3A_219 : i32 to vector<16xi32>
        %mul3A_253 = arith.muli %select_n3A_251, %mul3A_252 : vector<16xi32>
        %add3A_254 = arith.addi %get3A_248, %mul3A_253 : vector<16xi32>
        %swap3A_255 = arith.index_cast %mul3A_243 : i32 to index
        %swap3A_256 = tpu.vector_load %arg9[%swap3A_255] {strides = array<i32>} : memref<1024xi32, #tpu.memory_space<vmem>>, vector<16xi32>,
        %swap3A_257 = vector.shape_cast %swap3A_256 : vector<16xi32> to vector<16xi32>
        %swap3A_258 = vector.shape_cast %add3A_254 : vector<16xi32> to vector<16xi32>
        tpu.vector_store %arg9[%swap3A_255], %swap3A_258 {strides = array<i32>} : memref<1024xi32, #tpu.memory_space<vmem>>, vector<16xi32>,
        %jit3A_259 = arith.constant 1 : i32
        %jit3A_260 = arith.constant 0 : i32
        %select_n3A_261 = arith.select %lt3A_199, %jit3A_259, %jit3A_260 : i32
        %add3A_262 = arith.addi %scan3A_174, %select_n3A_261 : i32
        %mul3A_263 = arith.constant 16 : i32
        %mul3A_264 = arith.muli %scan3A_173, %mul3A_263 : i32
        %add3A_265 = arith.constant 1 : i32
        %add3A_266 = arith.addi %mul3A_264, %add3A_265 : i32
        %ge3A_267 = arith.constant 1 : i32
        %ge3A_268 = arith.cmpi sge, %add3A_266, %ge3A_267 : i32
        %le3A_269 = arith.constant 512 : i32
        %le3A_270 = arith.cmpi sle, %add3A_266, %le3A_269 : i32
        %and3A_271 = arith.andi %ge3A_268, %le3A_270 : i1
        %slice3A_272 = vector.extract_strided_slice %get3A_179 {offsets = [1], sizes = [1], strides = [1]} : vector<16xi32> to vector<1xi32>
        %squeeze3A_273 = vector.extract %slice3A_272[0] : i32 from vector<1xi32>
        %jit3A_274 = arith.constant 655360 : i32
        %select_n3A_275 = arith.select %and3A_271, %squeeze3A_273, %jit3A_274 : i32
        %eq3A_276 = arith.constant 512 : i32
        %eq3A_277 = arith.cmpi eq, %add3A_266, %eq3A_276 : i32
        %eq3A_278 = arith.constant 31 : i32
        %eq3A_279 = arith.cmpi eq, %add3A, %eq3A_278 : i32
        %and3A_280 = arith.andi %eq3A_277, %eq3A_279 : i1
        %jit3A_281 = arith.constant 327680 : i32
        %select_n3A_282 = arith.select %and3A_280, %jit3A_281, %select_n3A_275 : i32
        %sub3A_283 = arith.subi %select_n3A_282, %multiple_of3A : i32
        %lt3A_284 = arith.constant 0 : i32
        %lt3A_285 = arith.cmpi slt, %sub3A_283, %lt3A_284 : i32
        %ge3A_286 = arith.constant 0 : i32
        %ge3A_287 = arith.cmpi sge, %sub3A_283, %ge3A_286 : i32
        %lt3A_288 = arith.constant 16384 : i32
        %lt3A_289 = arith.cmpi slt, %sub3A_283, %lt3A_288 : i32
        %and3A_290 = arith.andi %ge3A_287, %lt3A_289 : i1
        %jit3A_291 = arith.constant 0 : i32
        %jit3A_292 = arith.constant 16383 : i32
        %max3A_293 = arith.maxsi %jit3A_291, %sub3A_283 : i32
        %min3A_294 = arith.minsi %jit3A_292, %max3A_293 : i32
        %shift_right_arithmetic3A_295 = arith.constant 7 : i32
        %shift_right_arithmetic3A_296 = arith.shrsi %min3A_294, %shift_right_arithmetic3A_295 : i32
        %shift_right_arithmetic3A_297 = arith.constant 4 : i32
        %shift_right_arithmetic3A_298 = arith.shrsi %min3A_294, %shift_right_arithmetic3A_297 : i32
        %and3A_299 = arith.constant 7 : i32
        %and3A_300 = arith.andi %shift_right_arithmetic3A_298, %and3A_299 : i32
        %and3A_301 = arith.constant 15 : i32
        %and3A_302 = arith.andi %min3A_294, %and3A_301 : i32
        %jit3A_303 = arith.constant 1 : i32
        %jit3A_304 = arith.constant 0 : i32
        %select_n3A_305 = arith.select %and3A_290, %jit3A_303, %jit3A_304 : i32
        %mul3A_306 = arith.constant 16 : i32
        %mul3A_307 = arith.muli %and3A_300, %mul3A_306 : i32
        %get3A_308 = arith.index_cast %shift_right_arithmetic3A_296 : i32 to index
        %get3A_309 = arith.index_cast %mul3A_307 : i32 to index
        %get3A_310 = tpu.vector_load %arg7[%get3A_308, %get3A_309] {strides = array<i32>} : memref<128x128xi32, #tpu.memory_space<vmem>>, vector<1x16xi32>,
        %get3A_311 = vector.shape_cast %get3A_310 : vector<1x16xi32> to vector<16xi32>
        %ge3A_312 = vector.broadcast %and3A_302 : i32 to vector<16xi32>
        %ge3A_313 = arith.cmpi sge, %iota3A, %ge3A_312 : vector<16xi32>
        %select_n3A_314 = arith.select %ge3A_313, %broadcast_in_dim3A_7, %broadcast_in_dim3A_3 : vector<16xi1>, vector<16xi32>
        %mul3A_315 = vector.broadcast %select_n3A_305 : i32 to vector<16xi32>
        %mul3A_316 = arith.muli %select_n3A_314, %mul3A_315 : vector<16xi32>
        %add3A_317 = arith.addi %get3A_311, %mul3A_316 : vector<16xi32>
        %mul3A_318 = arith.constant 16 : i32
        %mul3A_319 = arith.muli %and3A_300, %mul3A_318 : i32
        %swap3A_320 = arith.index_cast %shift_right_arithmetic3A_296 : i32 to index
        %swap3A_321 = arith.index_cast %mul3A_319 : i32 to index
        %swap3A_322 = tpu.vector_load %arg7[%swap3A_320, %swap3A_321] {strides = array<i32>} : memref<128x128xi32, #tpu.memory_space<vmem>>, vector<1x16xi32>,
        %swap3A_323 = vector.shape_cast %swap3A_322 : vector<1x16xi32> to vector<16xi32>
        %swap3A_324 = vector.shape_cast %add3A_317 : vector<16xi32> to vector<1x16xi32>
        tpu.vector_store %arg7[%swap3A_320, %swap3A_321], %swap3A_324 {strides = array<i32>} : memref<128x128xi32, #tpu.memory_space<vmem>>, vector<1x16xi32>,
        %shift_right_arithmetic3A_325 = arith.constant 4 : i32
        %shift_right_arithmetic3A_326 = arith.shrsi %min3A_294, %shift_right_arithmetic3A_325 : i32
        %shift_right_arithmetic3A_327 = arith.constant 4 : i32
        %shift_right_arithmetic3A_328 = arith.shrsi %shift_right_arithmetic3A_326, %shift_right_arithmetic3A_327 : i32
        %mul3A_329 = arith.constant 16 : i32
        %mul3A_330 = arith.muli %shift_right_arithmetic3A_328, %mul3A_329 : i32
        %and3A_331 = arith.constant 15 : i32
        %and3A_332 = arith.andi %shift_right_arithmetic3A_326, %and3A_331 : i32
        %get3A_333 = arith.index_cast %mul3A_330 : i32 to index
        %get3A_334 = tpu.vector_load %arg9[%get3A_333] {strides = array<i32>} : memref<1024xi32, #tpu.memory_space<vmem>>, vector<16xi32>,
        %get3A_335 = vector.shape_cast %get3A_334 : vector<16xi32> to vector<16xi32>
        %eq3A_336 = vector.broadcast %and3A_332 : i32 to vector<16xi32>
        %eq3A_337 = arith.cmpi eq, %iota3A, %eq3A_336 : vector<16xi32>
        %select_n3A_338 = arith.select %eq3A_337, %broadcast_in_dim3A_7, %broadcast_in_dim3A_3 : vector<16xi1>, vector<16xi32>
        %mul3A_339 = vector.broadcast %select_n3A_305 : i32 to vector<16xi32>
        %mul3A_340 = arith.muli %select_n3A_338, %mul3A_339 : vector<16xi32>
        %add3A_341 = arith.addi %get3A_335, %mul3A_340 : vector<16xi32>
        %swap3A_342 = arith.index_cast %mul3A_330 : i32 to index
        %swap3A_343 = tpu.vector_load %arg9[%swap3A_342] {strides = array<i32>} : memref<1024xi32, #tpu.memory_space<vmem>>, vector<16xi32>,
        %swap3A_344 = vector.shape_cast %swap3A_343 : vector<16xi32> to vector<16xi32>
        %swap3A_345 = vector.shape_cast %add3A_341 : vector<16xi32> to vector<16xi32>
        tpu.vector_store %arg9[%swap3A_342], %swap3A_345 {strides = array<i32>} : memref<1024xi32, #tpu.memory_space<vmem>>, vector<16xi32>,
        %jit3A_346 = arith.constant 1 : i32
        %jit3A_347 = arith.constant 0 : i32
        %select_n3A_348 = arith.select %lt3A_285, %jit3A_346, %jit3A_347 : i32
        %add3A_349 = arith.addi %add3A_262, %select_n3A_348 : i32
        %mul3A_350 = arith.constant 16 : i32
        %mul3A_351 = arith.muli %scan3A_173, %mul3A_350 : i32
        %add3A_352 = arith.constant 2 : i32
        %add3A_353 = arith.addi %mul3A_351, %add3A_352 : i32
        %ge3A_354 = arith.constant 1 : i32
        %ge3A_355 = arith.cmpi sge, %add3A_353, %ge3A_354 : i32
        %le3A_356 = arith.constant 512 : i32
        %le3A_357 = arith.cmpi sle, %add3A_353, %le3A_356 : i32
        %and3A_358 = arith.andi %ge3A_355, %le3A_357 : i1
        %slice3A_359 = vector.extract_strided_slice %get3A_179 {offsets = [2], sizes = [1], strides = [1]} : vector<16xi32> to vector<1xi32>
        %squeeze3A_360 = vector.extract %slice3A_359[0] : i32 from vector<1xi32>
        %jit3A_361 = arith.constant 655360 : i32
        %select_n3A_362 = arith.select %and3A_358, %squeeze3A_360, %jit3A_361 : i32
        %eq3A_363 = arith.constant 512 : i32
        %eq3A_364 = arith.cmpi eq, %add3A_353, %eq3A_363 : i32
        %eq3A_365 = arith.constant 31 : i32
        %eq3A_366 = arith.cmpi eq, %add3A, %eq3A_365 : i32
        %and3A_367 = arith.andi %eq3A_364, %eq3A_366 : i1
        %jit3A_368 = arith.constant 327680 : i32
        %select_n3A_369 = arith.select %and3A_367, %jit3A_368, %select_n3A_362 : i32
        %sub3A_370 = arith.subi %select_n3A_369, %multiple_of3A : i32
        %lt3A_371 = arith.constant 0 : i32
        %lt3A_372 = arith.cmpi slt, %sub3A_370, %lt3A_371 : i32
        %ge3A_373 = arith.constant 0 : i32
        %ge3A_374 = arith.cmpi sge, %sub3A_370, %ge3A_373 : i32
        %lt3A_375 = arith.constant 16384 : i32
        %lt3A_376 = arith.cmpi slt, %sub3A_370, %lt3A_375 : i32
        %and3A_377 = arith.andi %ge3A_374, %lt3A_376 : i1
        %jit3A_378 = arith.constant 0 : i32
        %jit3A_379 = arith.constant 16383 : i32
        %max3A_380 = arith.maxsi %jit3A_378, %sub3A_370 : i32
        %min3A_381 = arith.minsi %jit3A_379, %max3A_380 : i32
        %shift_right_arithmetic3A_382 = arith.constant 7 : i32
        %shift_right_arithmetic3A_383 = arith.shrsi %min3A_381, %shift_right_arithmetic3A_382 : i32
        %shift_right_arithmetic3A_384 = arith.constant 4 : i32
        %shift_right_arithmetic3A_385 = arith.shrsi %min3A_381, %shift_right_arithmetic3A_384 : i32
        %and3A_386 = arith.constant 7 : i32
        %and3A_387 = arith.andi %shift_right_arithmetic3A_385, %and3A_386 : i32
        %and3A_388 = arith.constant 15 : i32
        %and3A_389 = arith.andi %min3A_381, %and3A_388 : i32
        %jit3A_390 = arith.constant 1 : i32
        %jit3A_391 = arith.constant 0 : i32
        %select_n3A_392 = arith.select %and3A_377, %jit3A_390, %jit3A_391 : i32
        %mul3A_393 = arith.constant 16 : i32
        %mul3A_394 = arith.muli %and3A_387, %mul3A_393 : i32
        %get3A_395 = arith.index_cast %shift_right_arithmetic3A_383 : i32 to index
        %get3A_396 = arith.index_cast %mul3A_394 : i32 to index
        %get3A_397 = tpu.vector_load %arg7[%get3A_395, %get3A_396] {strides = array<i32>} : memref<128x128xi32, #tpu.memory_space<vmem>>, vector<1x16xi32>,
        %get3A_398 = vector.shape_cast %get3A_397 : vector<1x16xi32> to vector<16xi32>
        %ge3A_399 = vector.broadcast %and3A_389 : i32 to vector<16xi32>
        %ge3A_400 = arith.cmpi sge, %iota3A, %ge3A_399 : vector<16xi32>
        %select_n3A_401 = arith.select %ge3A_400, %broadcast_in_dim3A_7, %broadcast_in_dim3A_3 : vector<16xi1>, vector<16xi32>
        %mul3A_402 = vector.broadcast %select_n3A_392 : i32 to vector<16xi32>
        %mul3A_403 = arith.muli %select_n3A_401, %mul3A_402 : vector<16xi32>
        %add3A_404 = arith.addi %get3A_398, %mul3A_403 : vector<16xi32>
        %mul3A_405 = arith.constant 16 : i32
        %mul3A_406 = arith.muli %and3A_387, %mul3A_405 : i32
        %swap3A_407 = arith.index_cast %shift_right_arithmetic3A_383 : i32 to index
        %swap3A_408 = arith.index_cast %mul3A_406 : i32 to index
        %swap3A_409 = tpu.vector_load %arg7[%swap3A_407, %swap3A_408] {strides = array<i32>} : memref<128x128xi32, #tpu.memory_space<vmem>>, vector<1x16xi32>,
        %swap3A_410 = vector.shape_cast %swap3A_409 : vector<1x16xi32> to vector<16xi32>
        %swap3A_411 = vector.shape_cast %add3A_404 : vector<16xi32> to vector<1x16xi32>
        tpu.vector_store %arg7[%swap3A_407, %swap3A_408], %swap3A_411 {strides = array<i32>} : memref<128x128xi32, #tpu.memory_space<vmem>>, vector<1x16xi32>,
        %shift_right_arithmetic3A_412 = arith.constant 4 : i32
        %shift_right_arithmetic3A_413 = arith.shrsi %min3A_381, %shift_right_arithmetic3A_412 : i32
        %shift_right_arithmetic3A_414 = arith.constant 4 : i32
        %shift_right_arithmetic3A_415 = arith.shrsi %shift_right_arithmetic3A_413, %shift_right_arithmetic3A_414 : i32
        %mul3A_416 = arith.constant 16 : i32
        %mul3A_417 = arith.muli %shift_right_arithmetic3A_415, %mul3A_416 : i32
        %and3A_418 = arith.constant 15 : i32
        %and3A_419 = arith.andi %shift_right_arithmetic3A_413, %and3A_418 : i32
        %get3A_420 = arith.index_cast %mul3A_417 : i32 to index
        %get3A_421 = tpu.vector_load %arg9[%get3A_420] {strides = array<i32>} : memref<1024xi32, #tpu.memory_space<vmem>>, vector<16xi32>,
        %get3A_422 = vector.shape_cast %get3A_421 : vector<16xi32> to vector<16xi32>
        %eq3A_423 = vector.broadcast %and3A_419 : i32 to vector<16xi32>
        %eq3A_424 = arith.cmpi eq, %iota3A, %eq3A_423 : vector<16xi32>
        %select_n3A_425 = arith.select %eq3A_424, %broadcast_in_dim3A_7, %broadcast_in_dim3A_3 : vector<16xi1>, vector<16xi32>
        %mul3A_426 = vector.broadcast %select_n3A_392 : i32 to vector<16xi32>
        %mul3A_427 = arith.muli %select_n3A_425, %mul3A_426 : vector<16xi32>
        %add3A_428 = arith.addi %get3A_422, %mul3A_427 : vector<16xi32>
        %swap3A_429 = arith.index_cast %mul3A_417 : i32 to index
        %swap3A_430 = tpu.vector_load %arg9[%swap3A_429] {strides = array<i32>} : memref<1024xi32, #tpu.memory_space<vmem>>, vector<16xi32>,
        %swap3A_431 = vector.shape_cast %swap3A_430 : vector<16xi32> to vector<16xi32>
        %swap3A_432 = vector.shape_cast %add3A_428 : vector<16xi32> to vector<16xi32>
        tpu.vector_store %arg9[%swap3A_429], %swap3A_432 {strides = array<i32>} : memref<1024xi32, #tpu.memory_space<vmem>>, vector<16xi32>,
        %jit3A_433 = arith.constant 1 : i32
        %jit3A_434 = arith.constant 0 : i32
        %select_n3A_435 = arith.select %lt3A_372, %jit3A_433, %jit3A_434 : i32
        %add3A_436 = arith.addi %add3A_349, %select_n3A_435 : i32
        %mul3A_437 = arith.constant 16 : i32
        %mul3A_438 = arith.muli %scan3A_173, %mul3A_437 : i32
        %add3A_439 = arith.constant 3 : i32
        %add3A_440 = arith.addi %mul3A_438, %add3A_439 : i32
        %ge3A_441 = arith.constant 1 : i32
        %ge3A_442 = arith.cmpi sge, %add3A_440, %ge3A_441 : i32
        %le3A_443 = arith.constant 512 : i32
        %le3A_444 = arith.cmpi sle, %add3A_440, %le3A_443 : i32
        %and3A_445 = arith.andi %ge3A_442, %le3A_444 : i1
        %slice3A_446 = vector.extract_strided_slice %get3A_179 {offsets = [3], sizes = [1], strides = [1]} : vector<16xi32> to vector<1xi32>
        %squeeze3A_447 = vector.extract %slice3A_446[0] : i32 from vector<1xi32>
        %jit3A_448 = arith.constant 655360 : i32
        %select_n3A_449 = arith.select %and3A_445, %squeeze3A_447, %jit3A_448 : i32
        %eq3A_450 = arith.constant 512 : i32
        %eq3A_451 = arith.cmpi eq, %add3A_440, %eq3A_450 : i32
        %eq3A_452 = arith.constant 31 : i32
        %eq3A_453 = arith.cmpi eq, %add3A, %eq3A_452 : i32
        %and3A_454 = arith.andi %eq3A_451, %eq3A_453 : i1
        %jit3A_455 = arith.constant 327680 : i32
        %select_n3A_456 = arith.select %and3A_454, %jit3A_455, %select_n3A_449 : i32
        %sub3A_457 = arith.subi %select_n3A_456, %multiple_of3A : i32
        %lt3A_458 = arith.constant 0 : i32
        %lt3A_459 = arith.cmpi slt, %sub3A_457, %lt3A_458 : i32
        %ge3A_460 = arith.constant 0 : i32
        %ge3A_461 = arith.cmpi sge, %sub3A_457, %ge3A_460 : i32
        %lt3A_462 = arith.constant 16384 : i32
        %lt3A_463 = arith.cmpi slt, %sub3A_457, %lt3A_462 : i32
        %and3A_464 = arith.andi %ge3A_461, %lt3A_463 : i1
        %jit3A_465 = arith.constant 0 : i32
        %jit3A_466 = arith.constant 16383 : i32
        %max3A_467 = arith.maxsi %jit3A_465, %sub3A_457 : i32
        %min3A_468 = arith.minsi %jit3A_466, %max3A_467 : i32
        %shift_right_arithmetic3A_469 = arith.constant 7 : i32
        %shift_right_arithmetic3A_470 = arith.shrsi %min3A_468, %shift_right_arithmetic3A_469 : i32
        %shift_right_arithmetic3A_471 = arith.constant 4 : i32
        %shift_right_arithmetic3A_472 = arith.shrsi %min3A_468, %shift_right_arithmetic3A_471 : i32
        %and3A_473 = arith.constant 7 : i32
        %and3A_474 = arith.andi %shift_right_arithmetic3A_472, %and3A_473 : i32
        %and3A_475 = arith.constant 15 : i32
        %and3A_476 = arith.andi %min3A_468, %and3A_475 : i32
        %jit3A_477 = arith.constant 1 : i32
        %jit3A_478 = arith.constant 0 : i32
        %select_n3A_479 = arith.select %and3A_464, %jit3A_477, %jit3A_478 : i32
        %mul3A_480 = arith.constant 16 : i32
        %mul3A_481 = arith.muli %and3A_474, %mul3A_480 : i32
        %get3A_482 = arith.index_cast %shift_right_arithmetic3A_470 : i32 to index
        %get3A_483 = arith.index_cast %mul3A_481 : i32 to index
        %get3A_484 = tpu.vector_load %arg7[%get3A_482, %get3A_483] {strides = array<i32>} : memref<128x128xi32, #tpu.memory_space<vmem>>, vector<1x16xi32>,
        %get3A_485 = vector.shape_cast %get3A_484 : vector<1x16xi32> to vector<16xi32>
        %ge3A_486 = vector.broadcast %and3A_476 : i32 to vector<16xi32>
        %ge3A_487 = arith.cmpi sge, %iota3A, %ge3A_486 : vector<16xi32>
        %select_n3A_488 = arith.select %ge3A_487, %broadcast_in_dim3A_7, %broadcast_in_dim3A_3 : vector<16xi1>, vector<16xi32>
        %mul3A_489 = vector.broadcast %select_n3A_479 : i32 to vector<16xi32>
        %mul3A_490 = arith.muli %select_n3A_488, %mul3A_489 : vector<16xi32>
        %add3A_491 = arith.addi %get3A_485, %mul3A_490 : vector<16xi32>
        %mul3A_492 = arith.constant 16 : i32
        %mul3A_493 = arith.muli %and3A_474, %mul3A_492 : i32
        %swap3A_494 = arith.index_cast %shift_right_arithmetic3A_470 : i32 to index
        %swap3A_495 = arith.index_cast %mul3A_493 : i32 to index
        %swap3A_496 = tpu.vector_load %arg7[%swap3A_494, %swap3A_495] {strides = array<i32>} : memref<128x128xi32, #tpu.memory_space<vmem>>, vector<1x16xi32>,
        %swap3A_497 = vector.shape_cast %swap3A_496 : vector<1x16xi32> to vector<16xi32>
        %swap3A_498 = vector.shape_cast %add3A_491 : vector<16xi32> to vector<1x16xi32>
        tpu.vector_store %arg7[%swap3A_494, %swap3A_495], %swap3A_498 {strides = array<i32>} : memref<128x128xi32, #tpu.memory_space<vmem>>, vector<1x16xi32>,
        %shift_right_arithmetic3A_499 = arith.constant 4 : i32
        %shift_right_arithmetic3A_500 = arith.shrsi %min3A_468, %shift_right_arithmetic3A_499 : i32
        %shift_right_arithmetic3A_501 = arith.constant 4 : i32
        %shift_right_arithmetic3A_502 = arith.shrsi %shift_right_arithmetic3A_500, %shift_right_arithmetic3A_501 : i32
        %mul3A_503 = arith.constant 16 : i32
        %mul3A_504 = arith.muli %shift_right_arithmetic3A_502, %mul3A_503 : i32
        %and3A_505 = arith.constant 15 : i32
        %and3A_506 = arith.andi %shift_right_arithmetic3A_500, %and3A_505 : i32
        %get3A_507 = arith.index_cast %mul3A_504 : i32 to index
        %get3A_508 = tpu.vector_load %arg9[%get3A_507] {strides = array<i32>} : memref<1024xi32, #tpu.memory_space<vmem>>, vector<16xi32>,
        %get3A_509 = vector.shape_cast %get3A_508 : vector<16xi32> to vector<16xi32>
        %eq3A_510 = vector.broadcast %and3A_506 : i32 to vector<16xi32>
        %eq3A_511 = arith.cmpi eq, %iota3A, %eq3A_510 : vector<16xi32>
        %select_n3A_512 = arith.select %eq3A_511, %broadcast_in_dim3A_7, %broadcast_in_dim3A_3 : vector<16xi1>, vector<16xi32>
        %mul3A_513 = vector.broadcast %select_n3A_479 : i32 to vector<16xi32>
        %mul3A_514 = arith.muli %select_n3A_512, %mul3A_513 : vector<16xi32>
        %add3A_515 = arith.addi %get3A_509, %mul3A_514 : vector<16xi32>
        %swap3A_516 = arith.index_cast %mul3A_504 : i32 to index
        %swap3A_517 = tpu.vector_load %arg9[%swap3A_516] {strides = array<i32>} : memref<1024xi32, #tpu.memory_space<vmem>>, vector<16xi32>,
        %swap3A_518 = vector.shape_cast %swap3A_517 : vector<16xi32> to vector<16xi32>
        %swap3A_519 = vector.shape_cast %add3A_515 : vector<16xi32> to vector<16xi32>
        tpu.vector_store %arg9[%swap3A_516], %swap3A_519 {strides = array<i32>} : memref<1024xi32, #tpu.memory_space<vmem>>, vector<16xi32>,
        %jit3A_520 = arith.constant 1 : i32
        %jit3A_521 = arith.constant 0 : i32
        %select_n3A_522 = arith.select %lt3A_459, %jit3A_520, %jit3A_521 : i32
        %add3A_523 = arith.addi %add3A_436, %select_n3A_522 : i32
        %mul3A_524 = arith.constant 16 : i32
        %mul3A_525 = arith.muli %scan3A_173, %mul3A_524 : i32
        %add3A_526 = arith.constant 4 : i32
        %add3A_527 = arith.addi %mul3A_525, %add3A_526 : i32
        %ge3A_528 = arith.constant 1 : i32
        %ge3A_529 = arith.cmpi sge, %add3A_527, %ge3A_528 : i32
        %le3A_530 = arith.constant 512 : i32
        %le3A_531 = arith.cmpi sle, %add3A_527, %le3A_530 : i32
        %and3A_532 = arith.andi %ge3A_529, %le3A_531 : i1
        %slice3A_533 = vector.extract_strided_slice %get3A_179 {offsets = [4], sizes = [1], strides = [1]} : vector<16xi32> to vector<1xi32>
        %squeeze3A_534 = vector.extract %slice3A_533[0] : i32 from vector<1xi32>
        %jit3A_535 = arith.constant 655360 : i32
        %select_n3A_536 = arith.select %and3A_532, %squeeze3A_534, %jit3A_535 : i32
        %eq3A_537 = arith.constant 512 : i32
        %eq3A_538 = arith.cmpi eq, %add3A_527, %eq3A_537 : i32
        %eq3A_539 = arith.constant 31 : i32
        %eq3A_540 = arith.cmpi eq, %add3A, %eq3A_539 : i32
        %and3A_541 = arith.andi %eq3A_538, %eq3A_540 : i1
        %jit3A_542 = arith.constant 327680 : i32
        %select_n3A_543 = arith.select %and3A_541, %jit3A_542, %select_n3A_536 : i32
        %sub3A_544 = arith.subi %select_n3A_543, %multiple_of3A : i32
        %lt3A_545 = arith.constant 0 : i32
        %lt3A_546 = arith.cmpi slt, %sub3A_544, %lt3A_545 : i32
        %ge3A_547 = arith.constant 0 : i32
        %ge3A_548 = arith.cmpi sge, %sub3A_544, %ge3A_547 : i32
        %lt3A_549 = arith.constant 16384 : i32
        %lt3A_550 = arith.cmpi slt, %sub3A_544, %lt3A_549 : i32
        %and3A_551 = arith.andi %ge3A_548, %lt3A_550 : i1
        %jit3A_552 = arith.constant 0 : i32
        %jit3A_553 = arith.constant 16383 : i32
        %max3A_554 = arith.maxsi %jit3A_552, %sub3A_544 : i32
        %min3A_555 = arith.minsi %jit3A_553, %max3A_554 : i32
        %shift_right_arithmetic3A_556 = arith.constant 7 : i32
        %shift_right_arithmetic3A_557 = arith.shrsi %min3A_555, %shift_right_arithmetic3A_556 : i32
        %shift_right_arithmetic3A_558 = arith.constant 4 : i32
        %shift_right_arithmetic3A_559 = arith.shrsi %min3A_555, %shift_right_arithmetic3A_558 : i32
        %and3A_560 = arith.constant 7 : i32
        %and3A_561 = arith.andi %shift_right_arithmetic3A_559, %and3A_560 : i32
        %and3A_562 = arith.constant 15 : i32
        %and3A_563 = arith.andi %min3A_555, %and3A_562 : i32
        %jit3A_564 = arith.constant 1 : i32
        %jit3A_565 = arith.constant 0 : i32
        %select_n3A_566 = arith.select %and3A_551, %jit3A_564, %jit3A_565 : i32
        %mul3A_567 = arith.constant 16 : i32
        %mul3A_568 = arith.muli %and3A_561, %mul3A_567 : i32
        %get3A_569 = arith.index_cast %shift_right_arithmetic3A_557 : i32 to index
        %get3A_570 = arith.index_cast %mul3A_568 : i32 to index
        %get3A_571 = tpu.vector_load %arg7[%get3A_569, %get3A_570] {strides = array<i32>} : memref<128x128xi32, #tpu.memory_space<vmem>>, vector<1x16xi32>,
        %get3A_572 = vector.shape_cast %get3A_571 : vector<1x16xi32> to vector<16xi32>
        %ge3A_573 = vector.broadcast %and3A_563 : i32 to vector<16xi32>
        %ge3A_574 = arith.cmpi sge, %iota3A, %ge3A_573 : vector<16xi32>
        %select_n3A_575 = arith.select %ge3A_574, %broadcast_in_dim3A_7, %broadcast_in_dim3A_3 : vector<16xi1>, vector<16xi32>
        %mul3A_576 = vector.broadcast %select_n3A_566 : i32 to vector<16xi32>
        %mul3A_577 = arith.muli %select_n3A_575, %mul3A_576 : vector<16xi32>
        %add3A_578 = arith.addi %get3A_572, %mul3A_577 : vector<16xi32>
        %mul3A_579 = arith.constant 16 : i32
        %mul3A_580 = arith.muli %and3A_561, %mul3A_579 : i32
        %swap3A_581 = arith.index_cast %shift_right_arithmetic3A_557 : i32 to index
        %swap3A_582 = arith.index_cast %mul3A_580 : i32 to index
        %swap3A_583 = tpu.vector_load %arg7[%swap3A_581, %swap3A_582] {strides = array<i32>} : memref<128x128xi32, #tpu.memory_space<vmem>>, vector<1x16xi32>,
        %swap3A_584 = vector.shape_cast %swap3A_583 : vector<1x16xi32> to vector<16xi32>
        %swap3A_585 = vector.shape_cast %add3A_578 : vector<16xi32> to vector<1x16xi32>
        tpu.vector_store %arg7[%swap3A_581, %swap3A_582], %swap3A_585 {strides = array<i32>} : memref<128x128xi32, #tpu.memory_space<vmem>>, vector<1x16xi32>,
        %shift_right_arithmetic3A_586 = arith.constant 4 : i32
        %shift_right_arithmetic3A_587 = arith.shrsi %min3A_555, %shift_right_arithmetic3A_586 : i32
        %shift_right_arithmetic3A_588 = arith.constant 4 : i32
        %shift_right_arithmetic3A_589 = arith.shrsi %shift_right_arithmetic3A_587, %shift_right_arithmetic3A_588 : i32
        %mul3A_590 = arith.constant 16 : i32
        %mul3A_591 = arith.muli %shift_right_arithmetic3A_589, %mul3A_590 : i32
        %and3A_592 = arith.constant 15 : i32
        %and3A_593 = arith.andi %shift_right_arithmetic3A_587, %and3A_592 : i32
        %get3A_594 = arith.index_cast %mul3A_591 : i32 to index
        %get3A_595 = tpu.vector_load %arg9[%get3A_594] {strides = array<i32>} : memref<1024xi32, #tpu.memory_space<vmem>>, vector<16xi32>,
        %get3A_596 = vector.shape_cast %get3A_595 : vector<16xi32> to vector<16xi32>
        %eq3A_597 = vector.broadcast %and3A_593 : i32 to vector<16xi32>
        %eq3A_598 = arith.cmpi eq, %iota3A, %eq3A_597 : vector<16xi32>
        %select_n3A_599 = arith.select %eq3A_598, %broadcast_in_dim3A_7, %broadcast_in_dim3A_3 : vector<16xi1>, vector<16xi32>
        %mul3A_600 = vector.broadcast %select_n3A_566 : i32 to vector<16xi32>
        %mul3A_601 = arith.muli %select_n3A_599, %mul3A_600 : vector<16xi32>
        %add3A_602 = arith.addi %get3A_596, %mul3A_601 : vector<16xi32>
        %swap3A_603 = arith.index_cast %mul3A_591 : i32 to index
        %swap3A_604 = tpu.vector_load %arg9[%swap3A_603] {strides = array<i32>} : memref<1024xi32, #tpu.memory_space<vmem>>, vector<16xi32>,
        %swap3A_605 = vector.shape_cast %swap3A_604 : vector<16xi32> to vector<16xi32>
        %swap3A_606 = vector.shape_cast %add3A_602 : vector<16xi32> to vector<16xi32>
        tpu.vector_store %arg9[%swap3A_603], %swap3A_606 {strides = array<i32>} : memref<1024xi32, #tpu.memory_space<vmem>>, vector<16xi32>,
        %jit3A_607 = arith.constant 1 : i32
        %jit3A_608 = arith.constant 0 : i32
        %select_n3A_609 = arith.select %lt3A_546, %jit3A_607, %jit3A_608 : i32
        %add3A_610 = arith.addi %add3A_523, %select_n3A_609 : i32
        %mul3A_611 = arith.constant 16 : i32
        %mul3A_612 = arith.muli %scan3A_173, %mul3A_611 : i32
        %add3A_613 = arith.constant 5 : i32
        %add3A_614 = arith.addi %mul3A_612, %add3A_613 : i32
        %ge3A_615 = arith.constant 1 : i32
        %ge3A_616 = arith.cmpi sge, %add3A_614, %ge3A_615 : i32
        %le3A_617 = arith.constant 512 : i32
        %le3A_618 = arith.cmpi sle, %add3A_614, %le3A_617 : i32
        %and3A_619 = arith.andi %ge3A_616, %le3A_618 : i1
        %slice3A_620 = vector.extract_strided_slice %get3A_179 {offsets = [5], sizes = [1], strides = [1]} : vector<16xi32> to vector<1xi32>
        %squeeze3A_621 = vector.extract %slice3A_620[0] : i32 from vector<1xi32>
        %jit3A_622 = arith.constant 655360 : i32
        %select_n3A_623 = arith.select %and3A_619, %squeeze3A_621, %jit3A_622 : i32
        %eq3A_624 = arith.constant 512 : i32
        %eq3A_625 = arith.cmpi eq, %add3A_614, %eq3A_624 : i32
        %eq3A_626 = arith.constant 31 : i32
        %eq3A_627 = arith.cmpi eq, %add3A, %eq3A_626 : i32
        %and3A_628 = arith.andi %eq3A_625, %eq3A_627 : i1
        %jit3A_629 = arith.constant 327680 : i32
        %select_n3A_630 = arith.select %and3A_628, %jit3A_629, %select_n3A_623 : i32
        %sub3A_631 = arith.subi %select_n3A_630, %multiple_of3A : i32
        %lt3A_632 = arith.constant 0 : i32
        %lt3A_633 = arith.cmpi slt, %sub3A_631, %lt3A_632 : i32
        %ge3A_634 = arith.constant 0 : i32
        %ge3A_635 = arith.cmpi sge, %sub3A_631, %ge3A_634 : i32
        %lt3A_636 = arith.constant 16384 : i32
        %lt3A_637 = arith.cmpi slt, %sub3A_631, %lt3A_636 : i32
        %and3A_638 = arith.andi %ge3A_635, %lt3A_637 : i1
        %jit3A_639 = arith.constant 0 : i32
        %jit3A_640 = arith.constant 16383 : i32
        %max3A_641 = arith.maxsi %jit3A_639, %sub3A_631 : i32
        %min3A_642 = arith.minsi %jit3A_640, %max3A_641 : i32
        %shift_right_arithmetic3A_643 = arith.constant 7 : i32
        %shift_right_arithmetic3A_644 = arith.shrsi %min3A_642, %shift_right_arithmetic3A_643 : i32
        %shift_right_arithmetic3A_645 = arith.constant 4 : i32
        %shift_right_arithmetic3A_646 = arith.shrsi %min3A_642, %shift_right_arithmetic3A_645 : i32
        %and3A_647 = arith.constant 7 : i32
        %and3A_648 = arith.andi %shift_right_arithmetic3A_646, %and3A_647 : i32
        %and3A_649 = arith.constant 15 : i32
        %and3A_650 = arith.andi %min3A_642, %and3A_649 : i32
        %jit3A_651 = arith.constant 1 : i32
        %jit3A_652 = arith.constant 0 : i32
        %select_n3A_653 = arith.select %and3A_638, %jit3A_651, %jit3A_652 : i32
        %mul3A_654 = arith.constant 16 : i32
        %mul3A_655 = arith.muli %and3A_648, %mul3A_654 : i32
        %get3A_656 = arith.index_cast %shift_right_arithmetic3A_644 : i32 to index
        %get3A_657 = arith.index_cast %mul3A_655 : i32 to index
        %get3A_658 = tpu.vector_load %arg7[%get3A_656, %get3A_657] {strides = array<i32>} : memref<128x128xi32, #tpu.memory_space<vmem>>, vector<1x16xi32>,
        %get3A_659 = vector.shape_cast %get3A_658 : vector<1x16xi32> to vector<16xi32>
        %ge3A_660 = vector.broadcast %and3A_650 : i32 to vector<16xi32>
        %ge3A_661 = arith.cmpi sge, %iota3A, %ge3A_660 : vector<16xi32>
        %select_n3A_662 = arith.select %ge3A_661, %broadcast_in_dim3A_7, %broadcast_in_dim3A_3 : vector<16xi1>, vector<16xi32>
        %mul3A_663 = vector.broadcast %select_n3A_653 : i32 to vector<16xi32>
        %mul3A_664 = arith.muli %select_n3A_662, %mul3A_663 : vector<16xi32>
        %add3A_665 = arith.addi %get3A_659, %mul3A_664 : vector<16xi32>
        %mul3A_666 = arith.constant 16 : i32
        %mul3A_667 = arith.muli %and3A_648, %mul3A_666 : i32
        %swap3A_668 = arith.index_cast %shift_right_arithmetic3A_644 : i32 to index
        %swap3A_669 = arith.index_cast %mul3A_667 : i32 to index
        %swap3A_670 = tpu.vector_load %arg7[%swap3A_668, %swap3A_669] {strides = array<i32>} : memref<128x128xi32, #tpu.memory_space<vmem>>, vector<1x16xi32>,
        %swap3A_671 = vector.shape_cast %swap3A_670 : vector<1x16xi32> to vector<16xi32>
        %swap3A_672 = vector.shape_cast %add3A_665 : vector<16xi32> to vector<1x16xi32>
        tpu.vector_store %arg7[%swap3A_668, %swap3A_669], %swap3A_672 {strides = array<i32>} : memref<128x128xi32, #tpu.memory_space<vmem>>, vector<1x16xi32>,
        %shift_right_arithmetic3A_673 = arith.constant 4 : i32
        %shift_right_arithmetic3A_674 = arith.shrsi %min3A_642, %shift_right_arithmetic3A_673 : i32
        %shift_right_arithmetic3A_675 = arith.constant 4 : i32
        %shift_right_arithmetic3A_676 = arith.shrsi %shift_right_arithmetic3A_674, %shift_right_arithmetic3A_675 : i32
        %mul3A_677 = arith.constant 16 : i32
        %mul3A_678 = arith.muli %shift_right_arithmetic3A_676, %mul3A_677 : i32
        %and3A_679 = arith.constant 15 : i32
        %and3A_680 = arith.andi %shift_right_arithmetic3A_674, %and3A_679 : i32
        %get3A_681 = arith.index_cast %mul3A_678 : i32 to index
        %get3A_682 = tpu.vector_load %arg9[%get3A_681] {strides = array<i32>} : memref<1024xi32, #tpu.memory_space<vmem>>, vector<16xi32>,
        %get3A_683 = vector.shape_cast %get3A_682 : vector<16xi32> to vector<16xi32>
        %eq3A_684 = vector.broadcast %and3A_680 : i32 to vector<16xi32>
        %eq3A_685 = arith.cmpi eq, %iota3A, %eq3A_684 : vector<16xi32>
        %select_n3A_686 = arith.select %eq3A_685, %broadcast_in_dim3A_7, %broadcast_in_dim3A_3 : vector<16xi1>, vector<16xi32>
        %mul3A_687 = vector.broadcast %select_n3A_653 : i32 to vector<16xi32>
        %mul3A_688 = arith.muli %select_n3A_686, %mul3A_687 : vector<16xi32>
        %add3A_689 = arith.addi %get3A_683, %mul3A_688 : vector<16xi32>
        %swap3A_690 = arith.index_cast %mul3A_678 : i32 to index
        %swap3A_691 = tpu.vector_load %arg9[%swap3A_690] {strides = array<i32>} : memref<1024xi32, #tpu.memory_space<vmem>>, vector<16xi32>,
        %swap3A_692 = vector.shape_cast %swap3A_691 : vector<16xi32> to vector<16xi32>
        %swap3A_693 = vector.shape_cast %add3A_689 : vector<16xi32> to vector<16xi32>
        tpu.vector_store %arg9[%swap3A_690], %swap3A_693 {strides = array<i32>} : memref<1024xi32, #tpu.memory_space<vmem>>, vector<16xi32>,
        %jit3A_694 = arith.constant 1 : i32
        %jit3A_695 = arith.constant 0 : i32
        %select_n3A_696 = arith.select %lt3A_633, %jit3A_694, %jit3A_695 : i32
        %add3A_697 = arith.addi %add3A_610, %select_n3A_696 : i32
        %mul3A_698 = arith.constant 16 : i32
        %mul3A_699 = arith.muli %scan3A_173, %mul3A_698 : i32
        %add3A_700 = arith.constant 6 : i32
        %add3A_701 = arith.addi %mul3A_699, %add3A_700 : i32
        %ge3A_702 = arith.constant 1 : i32
        %ge3A_703 = arith.cmpi sge, %add3A_701, %ge3A_702 : i32
        %le3A_704 = arith.constant 512 : i32
        %le3A_705 = arith.cmpi sle, %add3A_701, %le3A_704 : i32
        %and3A_706 = arith.andi %ge3A_703, %le3A_705 : i1
        %slice3A_707 = vector.extract_strided_slice %get3A_179 {offsets = [6], sizes = [1], strides = [1]} : vector<16xi32> to vector<1xi32>
        %squeeze3A_708 = vector.extract %slice3A_707[0] : i32 from vector<1xi32>
        %jit3A_709 = arith.constant 655360 : i32
        %select_n3A_710 = arith.select %and3A_706, %squeeze3A_708, %jit3A_709 : i32
        %eq3A_711 = arith.constant 512 : i32
        %eq3A_712 = arith.cmpi eq, %add3A_701, %eq3A_711 : i32
        %eq3A_713 = arith.constant 31 : i32
        %eq3A_714 = arith.cmpi eq, %add3A, %eq3A_713 : i32
        %and3A_715 = arith.andi %eq3A_712, %eq3A_714 : i1
        %jit3A_716 = arith.constant 327680 : i32
        %select_n3A_717 = arith.select %and3A_715, %jit3A_716, %select_n3A_710 : i32
        %sub3A_718 = arith.subi %select_n3A_717, %multiple_of3A : i32
        %lt3A_719 = arith.constant 0 : i32
        %lt3A_720 = arith.cmpi slt, %sub3A_718, %lt3A_719 : i32
        %ge3A_721 = arith.constant 0 : i32
        %ge3A_722 = arith.cmpi sge, %sub3A_718, %ge3A_721 : i32
        %lt3A_723 = arith.constant 16384 : i32
        %lt3A_724 = arith.cmpi slt, %sub3A_718, %lt3A_723 : i32
        %and3A_725 = arith.andi %ge3A_722, %lt3A_724 : i1
        %jit3A_726 = arith.constant 0 : i32
        %jit3A_727 = arith.constant 16383 : i32
        %max3A_728 = arith.maxsi %jit3A_726, %sub3A_718 : i32
        %min3A_729 = arith.minsi %jit3A_727, %max3A_728 : i32
        %shift_right_arithmetic3A_730 = arith.constant 7 : i32
        %shift_right_arithmetic3A_731 = arith.shrsi %min3A_729, %shift_right_arithmetic3A_730 : i32
        %shift_right_arithmetic3A_732 = arith.constant 4 : i32
        %shift_right_arithmetic3A_733 = arith.shrsi %min3A_729, %shift_right_arithmetic3A_732 : i32
        %and3A_734 = arith.constant 7 : i32
        %and3A_735 = arith.andi %shift_right_arithmetic3A_733, %and3A_734 : i32
        %and3A_736 = arith.constant 15 : i32
        %and3A_737 = arith.andi %min3A_729, %and3A_736 : i32
        %jit3A_738 = arith.constant 1 : i32
        %jit3A_739 = arith.constant 0 : i32
        %select_n3A_740 = arith.select %and3A_725, %jit3A_738, %jit3A_739 : i32
        %mul3A_741 = arith.constant 16 : i32
        %mul3A_742 = arith.muli %and3A_735, %mul3A_741 : i32
        %get3A_743 = arith.index_cast %shift_right_arithmetic3A_731 : i32 to index
        %get3A_744 = arith.index_cast %mul3A_742 : i32 to index
        %get3A_745 = tpu.vector_load %arg7[%get3A_743, %get3A_744] {strides = array<i32>} : memref<128x128xi32, #tpu.memory_space<vmem>>, vector<1x16xi32>,
        %get3A_746 = vector.shape_cast %get3A_745 : vector<1x16xi32> to vector<16xi32>
        %ge3A_747 = vector.broadcast %and3A_737 : i32 to vector<16xi32>
        %ge3A_748 = arith.cmpi sge, %iota3A, %ge3A_747 : vector<16xi32>
        %select_n3A_749 = arith.select %ge3A_748, %broadcast_in_dim3A_7, %broadcast_in_dim3A_3 : vector<16xi1>, vector<16xi32>
        %mul3A_750 = vector.broadcast %select_n3A_740 : i32 to vector<16xi32>
        %mul3A_751 = arith.muli %select_n3A_749, %mul3A_750 : vector<16xi32>
        %add3A_752 = arith.addi %get3A_746, %mul3A_751 : vector<16xi32>
        %mul3A_753 = arith.constant 16 : i32
        %mul3A_754 = arith.muli %and3A_735, %mul3A_753 : i32
        %swap3A_755 = arith.index_cast %shift_right_arithmetic3A_731 : i32 to index
        %swap3A_756 = arith.index_cast %mul3A_754 : i32 to index
        %swap3A_757 = tpu.vector_load %arg7[%swap3A_755, %swap3A_756] {strides = array<i32>} : memref<128x128xi32, #tpu.memory_space<vmem>>, vector<1x16xi32>,
        %swap3A_758 = vector.shape_cast %swap3A_757 : vector<1x16xi32> to vector<16xi32>
        %swap3A_759 = vector.shape_cast %add3A_752 : vector<16xi32> to vector<1x16xi32>
        tpu.vector_store %arg7[%swap3A_755, %swap3A_756], %swap3A_759 {strides = array<i32>} : memref<128x128xi32, #tpu.memory_space<vmem>>, vector<1x16xi32>,
        %shift_right_arithmetic3A_760 = arith.constant 4 : i32
        %shift_right_arithmetic3A_761 = arith.shrsi %min3A_729, %shift_right_arithmetic3A_760 : i32
        %shift_right_arithmetic3A_762 = arith.constant 4 : i32
        %shift_right_arithmetic3A_763 = arith.shrsi %shift_right_arithmetic3A_761, %shift_right_arithmetic3A_762 : i32
        %mul3A_764 = arith.constant 16 : i32
        %mul3A_765 = arith.muli %shift_right_arithmetic3A_763, %mul3A_764 : i32
        %and3A_766 = arith.constant 15 : i32
        %and3A_767 = arith.andi %shift_right_arithmetic3A_761, %and3A_766 : i32
        %get3A_768 = arith.index_cast %mul3A_765 : i32 to index
        %get3A_769 = tpu.vector_load %arg9[%get3A_768] {strides = array<i32>} : memref<1024xi32, #tpu.memory_space<vmem>>, vector<16xi32>,
        %get3A_770 = vector.shape_cast %get3A_769 : vector<16xi32> to vector<16xi32>
        %eq3A_771 = vector.broadcast %and3A_767 : i32 to vector<16xi32>
        %eq3A_772 = arith.cmpi eq, %iota3A, %eq3A_771 : vector<16xi32>
        %select_n3A_773 = arith.select %eq3A_772, %broadcast_in_dim3A_7, %broadcast_in_dim3A_3 : vector<16xi1>, vector<16xi32>
        %mul3A_774 = vector.broadcast %select_n3A_740 : i32 to vector<16xi32>
        %mul3A_775 = arith.muli %select_n3A_773, %mul3A_774 : vector<16xi32>
        %add3A_776 = arith.addi %get3A_770, %mul3A_775 : vector<16xi32>
        %swap3A_777 = arith.index_cast %mul3A_765 : i32 to index
        %swap3A_778 = tpu.vector_load %arg9[%swap3A_777] {strides = array<i32>} : memref<1024xi32, #tpu.memory_space<vmem>>, vector<16xi32>,
        %swap3A_779 = vector.shape_cast %swap3A_778 : vector<16xi32> to vector<16xi32>
        %swap3A_780 = vector.shape_cast %add3A_776 : vector<16xi32> to vector<16xi32>
        tpu.vector_store %arg9[%swap3A_777], %swap3A_780 {strides = array<i32>} : memref<1024xi32, #tpu.memory_space<vmem>>, vector<16xi32>,
        %jit3A_781 = arith.constant 1 : i32
        %jit3A_782 = arith.constant 0 : i32
        %select_n3A_783 = arith.select %lt3A_720, %jit3A_781, %jit3A_782 : i32
        %add3A_784 = arith.addi %add3A_697, %select_n3A_783 : i32
        %mul3A_785 = arith.constant 16 : i32
        %mul3A_786 = arith.muli %scan3A_173, %mul3A_785 : i32
        %add3A_787 = arith.constant 7 : i32
        %add3A_788 = arith.addi %mul3A_786, %add3A_787 : i32
        %ge3A_789 = arith.constant 1 : i32
        %ge3A_790 = arith.cmpi sge, %add3A_788, %ge3A_789 : i32
        %le3A_791 = arith.constant 512 : i32
        %le3A_792 = arith.cmpi sle, %add3A_788, %le3A_791 : i32
        %and3A_793 = arith.andi %ge3A_790, %le3A_792 : i1
        %slice3A_794 = vector.extract_strided_slice %get3A_179 {offsets = [7], sizes = [1], strides = [1]} : vector<16xi32> to vector<1xi32>
        %squeeze3A_795 = vector.extract %slice3A_794[0] : i32 from vector<1xi32>
        %jit3A_796 = arith.constant 655360 : i32
        %select_n3A_797 = arith.select %and3A_793, %squeeze3A_795, %jit3A_796 : i32
        %eq3A_798 = arith.constant 512 : i32
        %eq3A_799 = arith.cmpi eq, %add3A_788, %eq3A_798 : i32
        %eq3A_800 = arith.constant 31 : i32
        %eq3A_801 = arith.cmpi eq, %add3A, %eq3A_800 : i32
        %and3A_802 = arith.andi %eq3A_799, %eq3A_801 : i1
        %jit3A_803 = arith.constant 327680 : i32
        %select_n3A_804 = arith.select %and3A_802, %jit3A_803, %select_n3A_797 : i32
        %sub3A_805 = arith.subi %select_n3A_804, %multiple_of3A : i32
        %lt3A_806 = arith.constant 0 : i32
        %lt3A_807 = arith.cmpi slt, %sub3A_805, %lt3A_806 : i32
        %ge3A_808 = arith.constant 0 : i32
        %ge3A_809 = arith.cmpi sge, %sub3A_805, %ge3A_808 : i32
        %lt3A_810 = arith.constant 16384 : i32
        %lt3A_811 = arith.cmpi slt, %sub3A_805, %lt3A_810 : i32
        %and3A_812 = arith.andi %ge3A_809, %lt3A_811 : i1
        %jit3A_813 = arith.constant 0 : i32
        %jit3A_814 = arith.constant 16383 : i32
        %max3A_815 = arith.maxsi %jit3A_813, %sub3A_805 : i32
        %min3A_816 = arith.minsi %jit3A_814, %max3A_815 : i32
        %shift_right_arithmetic3A_817 = arith.constant 7 : i32
        %shift_right_arithmetic3A_818 = arith.shrsi %min3A_816, %shift_right_arithmetic3A_817 : i32
        %shift_right_arithmetic3A_819 = arith.constant 4 : i32
        %shift_right_arithmetic3A_820 = arith.shrsi %min3A_816, %shift_right_arithmetic3A_819 : i32
        %and3A_821 = arith.constant 7 : i32
        %and3A_822 = arith.andi %shift_right_arithmetic3A_820, %and3A_821 : i32
        %and3A_823 = arith.constant 15 : i32
        %and3A_824 = arith.andi %min3A_816, %and3A_823 : i32
        %jit3A_825 = arith.constant 1 : i32
        %jit3A_826 = arith.constant 0 : i32
        %select_n3A_827 = arith.select %and3A_812, %jit3A_825, %jit3A_826 : i32
        %mul3A_828 = arith.constant 16 : i32
        %mul3A_829 = arith.muli %and3A_822, %mul3A_828 : i32
        %get3A_830 = arith.index_cast %shift_right_arithmetic3A_818 : i32 to index
        %get3A_831 = arith.index_cast %mul3A_829 : i32 to index
        %get3A_832 = tpu.vector_load %arg7[%get3A_830, %get3A_831] {strides = array<i32>} : memref<128x128xi32, #tpu.memory_space<vmem>>, vector<1x16xi32>,
        %get3A_833 = vector.shape_cast %get3A_832 : vector<1x16xi32> to vector<16xi32>
        %ge3A_834 = vector.broadcast %and3A_824 : i32 to vector<16xi32>
        %ge3A_835 = arith.cmpi sge, %iota3A, %ge3A_834 : vector<16xi32>
        %select_n3A_836 = arith.select %ge3A_835, %broadcast_in_dim3A_7, %broadcast_in_dim3A_3 : vector<16xi1>, vector<16xi32>
        %mul3A_837 = vector.broadcast %select_n3A_827 : i32 to vector<16xi32>
        %mul3A_838 = arith.muli %select_n3A_836, %mul3A_837 : vector<16xi32>
        %add3A_839 = arith.addi %get3A_833, %mul3A_838 : vector<16xi32>
        %mul3A_840 = arith.constant 16 : i32
        %mul3A_841 = arith.muli %and3A_822, %mul3A_840 : i32
        %swap3A_842 = arith.index_cast %shift_right_arithmetic3A_818 : i32 to index
        %swap3A_843 = arith.index_cast %mul3A_841 : i32 to index
        %swap3A_844 = tpu.vector_load %arg7[%swap3A_842, %swap3A_843] {strides = array<i32>} : memref<128x128xi32, #tpu.memory_space<vmem>>, vector<1x16xi32>,
        %swap3A_845 = vector.shape_cast %swap3A_844 : vector<1x16xi32> to vector<16xi32>
        %swap3A_846 = vector.shape_cast %add3A_839 : vector<16xi32> to vector<1x16xi32>
        tpu.vector_store %arg7[%swap3A_842, %swap3A_843], %swap3A_846 {strides = array<i32>} : memref<128x128xi32, #tpu.memory_space<vmem>>, vector<1x16xi32>,
        %shift_right_arithmetic3A_847 = arith.constant 4 : i32
        %shift_right_arithmetic3A_848 = arith.shrsi %min3A_816, %shift_right_arithmetic3A_847 : i32
        %shift_right_arithmetic3A_849 = arith.constant 4 : i32
        %shift_right_arithmetic3A_850 = arith.shrsi %shift_right_arithmetic3A_848, %shift_right_arithmetic3A_849 : i32
        %mul3A_851 = arith.constant 16 : i32
        %mul3A_852 = arith.muli %shift_right_arithmetic3A_850, %mul3A_851 : i32
        %and3A_853 = arith.constant 15 : i32
        %and3A_854 = arith.andi %shift_right_arithmetic3A_848, %and3A_853 : i32
        %get3A_855 = arith.index_cast %mul3A_852 : i32 to index
        %get3A_856 = tpu.vector_load %arg9[%get3A_855] {strides = array<i32>} : memref<1024xi32, #tpu.memory_space<vmem>>, vector<16xi32>,
        %get3A_857 = vector.shape_cast %get3A_856 : vector<16xi32> to vector<16xi32>
        %eq3A_858 = vector.broadcast %and3A_854 : i32 to vector<16xi32>
        %eq3A_859 = arith.cmpi eq, %iota3A, %eq3A_858 : vector<16xi32>
        %select_n3A_860 = arith.select %eq3A_859, %broadcast_in_dim3A_7, %broadcast_in_dim3A_3 : vector<16xi1>, vector<16xi32>
        %mul3A_861 = vector.broadcast %select_n3A_827 : i32 to vector<16xi32>
        %mul3A_862 = arith.muli %select_n3A_860, %mul3A_861 : vector<16xi32>
        %add3A_863 = arith.addi %get3A_857, %mul3A_862 : vector<16xi32>
        %swap3A_864 = arith.index_cast %mul3A_852 : i32 to index
        %swap3A_865 = tpu.vector_load %arg9[%swap3A_864] {strides = array<i32>} : memref<1024xi32, #tpu.memory_space<vmem>>, vector<16xi32>,
        %swap3A_866 = vector.shape_cast %swap3A_865 : vector<16xi32> to vector<16xi32>
        %swap3A_867 = vector.shape_cast %add3A_863 : vector<16xi32> to vector<16xi32>
        tpu.vector_store %arg9[%swap3A_864], %swap3A_867 {strides = array<i32>} : memref<1024xi32, #tpu.memory_space<vmem>>, vector<16xi32>,
        %jit3A_868 = arith.constant 1 : i32
        %jit3A_869 = arith.constant 0 : i32
        %select_n3A_870 = arith.select %lt3A_807, %jit3A_868, %jit3A_869 : i32
        %add3A_871 = arith.addi %add3A_784, %select_n3A_870 : i32
        %mul3A_872 = arith.constant 16 : i32
        %mul3A_873 = arith.muli %scan3A_173, %mul3A_872 : i32
        %add3A_874 = arith.constant 8 : i32
        %add3A_875 = arith.addi %mul3A_873, %add3A_874 : i32
        %ge3A_876 = arith.constant 1 : i32
        %ge3A_877 = arith.cmpi sge, %add3A_875, %ge3A_876 : i32
        %le3A_878 = arith.constant 512 : i32
        %le3A_879 = arith.cmpi sle, %add3A_875, %le3A_878 : i32
        %and3A_880 = arith.andi %ge3A_877, %le3A_879 : i1
        %slice3A_881 = vector.extract_strided_slice %get3A_179 {offsets = [8], sizes = [1], strides = [1]} : vector<16xi32> to vector<1xi32>
        %squeeze3A_882 = vector.extract %slice3A_881[0] : i32 from vector<1xi32>
        %jit3A_883 = arith.constant 655360 : i32
        %select_n3A_884 = arith.select %and3A_880, %squeeze3A_882, %jit3A_883 : i32
        %eq3A_885 = arith.constant 512 : i32
        %eq3A_886 = arith.cmpi eq, %add3A_875, %eq3A_885 : i32
        %eq3A_887 = arith.constant 31 : i32
        %eq3A_888 = arith.cmpi eq, %add3A, %eq3A_887 : i32
        %and3A_889 = arith.andi %eq3A_886, %eq3A_888 : i1
        %jit3A_890 = arith.constant 327680 : i32
        %select_n3A_891 = arith.select %and3A_889, %jit3A_890, %select_n3A_884 : i32
        %sub3A_892 = arith.subi %select_n3A_891, %multiple_of3A : i32
        %lt3A_893 = arith.constant 0 : i32
        %lt3A_894 = arith.cmpi slt, %sub3A_892, %lt3A_893 : i32
        %ge3A_895 = arith.constant 0 : i32
        %ge3A_896 = arith.cmpi sge, %sub3A_892, %ge3A_895 : i32
        %lt3A_897 = arith.constant 16384 : i32
        %lt3A_898 = arith.cmpi slt, %sub3A_892, %lt3A_897 : i32
        %and3A_899 = arith.andi %ge3A_896, %lt3A_898 : i1
        %jit3A_900 = arith.constant 0 : i32
        %jit3A_901 = arith.constant 16383 : i32
        %max3A_902 = arith.maxsi %jit3A_900, %sub3A_892 : i32
        %min3A_903 = arith.minsi %jit3A_901, %max3A_902 : i32
        %shift_right_arithmetic3A_904 = arith.constant 7 : i32
        %shift_right_arithmetic3A_905 = arith.shrsi %min3A_903, %shift_right_arithmetic3A_904 : i32
        %shift_right_arithmetic3A_906 = arith.constant 4 : i32
        %shift_right_arithmetic3A_907 = arith.shrsi %min3A_903, %shift_right_arithmetic3A_906 : i32
        %and3A_908 = arith.constant 7 : i32
        %and3A_909 = arith.andi %shift_right_arithmetic3A_907, %and3A_908 : i32
        %and3A_910 = arith.constant 15 : i32
        %and3A_911 = arith.andi %min3A_903, %and3A_910 : i32
        %jit3A_912 = arith.constant 1 : i32
        %jit3A_913 = arith.constant 0 : i32
        %select_n3A_914 = arith.select %and3A_899, %jit3A_912, %jit3A_913 : i32
        %mul3A_915 = arith.constant 16 : i32
        %mul3A_916 = arith.muli %and3A_909, %mul3A_915 : i32
        %get3A_917 = arith.index_cast %shift_right_arithmetic3A_905 : i32 to index
        %get3A_918 = arith.index_cast %mul3A_916 : i32 to index
        %get3A_919 = tpu.vector_load %arg7[%get3A_917, %get3A_918] {strides = array<i32>} : memref<128x128xi32, #tpu.memory_space<vmem>>, vector<1x16xi32>,
        %get3A_920 = vector.shape_cast %get3A_919 : vector<1x16xi32> to vector<16xi32>
        %ge3A_921 = vector.broadcast %and3A_911 : i32 to vector<16xi32>
        %ge3A_922 = arith.cmpi sge, %iota3A, %ge3A_921 : vector<16xi32>
        %select_n3A_923 = arith.select %ge3A_922, %broadcast_in_dim3A_7, %broadcast_in_dim3A_3 : vector<16xi1>, vector<16xi32>
        %mul3A_924 = vector.broadcast %select_n3A_914 : i32 to vector<16xi32>
        %mul3A_925 = arith.muli %select_n3A_923, %mul3A_924 : vector<16xi32>
        %add3A_926 = arith.addi %get3A_920, %mul3A_925 : vector<16xi32>
        %mul3A_927 = arith.constant 16 : i32
        %mul3A_928 = arith.muli %and3A_909, %mul3A_927 : i32
        %swap3A_929 = arith.index_cast %shift_right_arithmetic3A_905 : i32 to index
        %swap3A_930 = arith.index_cast %mul3A_928 : i32 to index
        %swap3A_931 = tpu.vector_load %arg7[%swap3A_929, %swap3A_930] {strides = array<i32>} : memref<128x128xi32, #tpu.memory_space<vmem>>, vector<1x16xi32>,
        %swap3A_932 = vector.shape_cast %swap3A_931 : vector<1x16xi32> to vector<16xi32>
        %swap3A_933 = vector.shape_cast %add3A_926 : vector<16xi32> to vector<1x16xi32>
        tpu.vector_store %arg7[%swap3A_929, %swap3A_930], %swap3A_933 {strides = array<i32>} : memref<128x128xi32, #tpu.memory_space<vmem>>, vector<1x16xi32>,
        %shift_right_arithmetic3A_934 = arith.constant 4 : i32
        %shift_right_arithmetic3A_935 = arith.shrsi %min3A_903, %shift_right_arithmetic3A_934 : i32
        %shift_right_arithmetic3A_936 = arith.constant 4 : i32
        %shift_right_arithmetic3A_937 = arith.shrsi %shift_right_arithmetic3A_935, %shift_right_arithmetic3A_936 : i32
        %mul3A_938 = arith.constant 16 : i32
        %mul3A_939 = arith.muli %shift_right_arithmetic3A_937, %mul3A_938 : i32
        %and3A_940 = arith.constant 15 : i32
        %and3A_941 = arith.andi %shift_right_arithmetic3A_935, %and3A_940 : i32
        %get3A_942 = arith.index_cast %mul3A_939 : i32 to index
        %get3A_943 = tpu.vector_load %arg9[%get3A_942] {strides = array<i32>} : memref<1024xi32, #tpu.memory_space<vmem>>, vector<16xi32>,
        %get3A_944 = vector.shape_cast %get3A_943 : vector<16xi32> to vector<16xi32>
        %eq3A_945 = vector.broadcast %and3A_941 : i32 to vector<16xi32>
        %eq3A_946 = arith.cmpi eq, %iota3A, %eq3A_945 : vector<16xi32>
        %select_n3A_947 = arith.select %eq3A_946, %broadcast_in_dim3A_7, %broadcast_in_dim3A_3 : vector<16xi1>, vector<16xi32>
        %mul3A_948 = vector.broadcast %select_n3A_914 : i32 to vector<16xi32>
        %mul3A_949 = arith.muli %select_n3A_947, %mul3A_948 : vector<16xi32>
        %add3A_950 = arith.addi %get3A_944, %mul3A_949 : vector<16xi32>
        %swap3A_951 = arith.index_cast %mul3A_939 : i32 to index
        %swap3A_952 = tpu.vector_load %arg9[%swap3A_951] {strides = array<i32>} : memref<1024xi32, #tpu.memory_space<vmem>>, vector<16xi32>,
        %swap3A_953 = vector.shape_cast %swap3A_952 : vector<16xi32> to vector<16xi32>
        %swap3A_954 = vector.shape_cast %add3A_950 : vector<16xi32> to vector<16xi32>
        tpu.vector_store %arg9[%swap3A_951], %swap3A_954 {strides = array<i32>} : memref<1024xi32, #tpu.memory_space<vmem>>, vector<16xi32>,
        %jit3A_955 = arith.constant 1 : i32
        %jit3A_956 = arith.constant 0 : i32
        %select_n3A_957 = arith.select %lt3A_894, %jit3A_955, %jit3A_956 : i32
        %add3A_958 = arith.addi %add3A_871, %select_n3A_957 : i32
        %mul3A_959 = arith.constant 16 : i32
        %mul3A_960 = arith.muli %scan3A_173, %mul3A_959 : i32
        %add3A_961 = arith.constant 9 : i32
        %add3A_962 = arith.addi %mul3A_960, %add3A_961 : i32
        %ge3A_963 = arith.constant 1 : i32
        %ge3A_964 = arith.cmpi sge, %add3A_962, %ge3A_963 : i32
        %le3A_965 = arith.constant 512 : i32
        %le3A_966 = arith.cmpi sle, %add3A_962, %le3A_965 : i32
        %and3A_967 = arith.andi %ge3A_964, %le3A_966 : i1
        %slice3A_968 = vector.extract_strided_slice %get3A_179 {offsets = [9], sizes = [1], strides = [1]} : vector<16xi32> to vector<1xi32>
        %squeeze3A_969 = vector.extract %slice3A_968[0] : i32 from vector<1xi32>
        %jit3A_970 = arith.constant 655360 : i32
        %select_n3A_971 = arith.select %and3A_967, %squeeze3A_969, %jit3A_970 : i32
        %eq3A_972 = arith.constant 512 : i32
        %eq3A_973 = arith.cmpi eq, %add3A_962, %eq3A_972 : i32
        %eq3A_974 = arith.constant 31 : i32
        %eq3A_975 = arith.cmpi eq, %add3A, %eq3A_974 : i32
        %and3A_976 = arith.andi %eq3A_973, %eq3A_975 : i1
        %jit3A_977 = arith.constant 327680 : i32
        %select_n3A_978 = arith.select %and3A_976, %jit3A_977, %select_n3A_971 : i32
        %sub3A_979 = arith.subi %select_n3A_978, %multiple_of3A : i32
        %lt3A_980 = arith.constant 0 : i32
        %lt3A_981 = arith.cmpi slt, %sub3A_979, %lt3A_980 : i32
        %ge3A_982 = arith.constant 0 : i32
        %ge3A_983 = arith.cmpi sge, %sub3A_979, %ge3A_982 : i32
        %lt3A_984 = arith.constant 16384 : i32
        %lt3A_985 = arith.cmpi slt, %sub3A_979, %lt3A_984 : i32
        %and3A_986 = arith.andi %ge3A_983, %lt3A_985 : i1
        %jit3A_987 = arith.constant 0 : i32
        %jit3A_988 = arith.constant 16383 : i32
        %max3A_989 = arith.maxsi %jit3A_987, %sub3A_979 : i32
        %min3A_990 = arith.minsi %jit3A_988, %max3A_989 : i32
        %shift_right_arithmetic3A_991 = arith.constant 7 : i32
        %shift_right_arithmetic3A_992 = arith.shrsi %min3A_990, %shift_right_arithmetic3A_991 : i32
        %shift_right_arithmetic3A_993 = arith.constant 4 : i32
        %shift_right_arithmetic3A_994 = arith.shrsi %min3A_990, %shift_right_arithmetic3A_993 : i32
        %and3A_995 = arith.constant 7 : i32
        %and3A_996 = arith.andi %shift_right_arithmetic3A_994, %and3A_995 : i32
        %and3A_997 = arith.constant 15 : i32
        %and3A_998 = arith.andi %min3A_990, %and3A_997 : i32
        %jit3A_999 = arith.constant 1 : i32
        %jit3A_1000 = arith.constant 0 : i32
        %select_n3A_1001 = arith.select %and3A_986, %jit3A_999, %jit3A_1000 : i32
        %mul3A_1002 = arith.constant 16 : i32
        %mul3A_1003 = arith.muli %and3A_996, %mul3A_1002 : i32
        %get3A_1004 = arith.index_cast %shift_right_arithmetic3A_992 : i32 to index
        %get3A_1005 = arith.index_cast %mul3A_1003 : i32 to index
        %get3A_1006 = tpu.vector_load %arg7[%get3A_1004, %get3A_1005] {strides = array<i32>} : memref<128x128xi32, #tpu.memory_space<vmem>>, vector<1x16xi32>,
        %get3A_1007 = vector.shape_cast %get3A_1006 : vector<1x16xi32> to vector<16xi32>
        %ge3A_1008 = vector.broadcast %and3A_998 : i32 to vector<16xi32>
        %ge3A_1009 = arith.cmpi sge, %iota3A, %ge3A_1008 : vector<16xi32>
        %select_n3A_1010 = arith.select %ge3A_1009, %broadcast_in_dim3A_7, %broadcast_in_dim3A_3 : vector<16xi1>, vector<16xi32>
        %mul3A_1011 = vector.broadcast %select_n3A_1001 : i32 to vector<16xi32>
        %mul3A_1012 = arith.muli %select_n3A_1010, %mul3A_1011 : vector<16xi32>
        %add3A_1013 = arith.addi %get3A_1007, %mul3A_1012 : vector<16xi32>
        %mul3A_1014 = arith.constant 16 : i32
        %mul3A_1015 = arith.muli %and3A_996, %mul3A_1014 : i32
        %swap3A_1016 = arith.index_cast %shift_right_arithmetic3A_992 : i32 to index
        %swap3A_1017 = arith.index_cast %mul3A_1015 : i32 to index
        %swap3A_1018 = tpu.vector_load %arg7[%swap3A_1016, %swap3A_1017] {strides = array<i32>} : memref<128x128xi32, #tpu.memory_space<vmem>>, vector<1x16xi32>,
        %swap3A_1019 = vector.shape_cast %swap3A_1018 : vector<1x16xi32> to vector<16xi32>
        %swap3A_1020 = vector.shape_cast %add3A_1013 : vector<16xi32> to vector<1x16xi32>
        tpu.vector_store %arg7[%swap3A_1016, %swap3A_1017], %swap3A_1020 {strides = array<i32>} : memref<128x128xi32, #tpu.memory_space<vmem>>, vector<1x16xi32>,
        %shift_right_arithmetic3A_1021 = arith.constant 4 : i32
        %shift_right_arithmetic3A_1022 = arith.shrsi %min3A_990, %shift_right_arithmetic3A_1021 : i32
        %shift_right_arithmetic3A_1023 = arith.constant 4 : i32
        %shift_right_arithmetic3A_1024 = arith.shrsi %shift_right_arithmetic3A_1022, %shift_right_arithmetic3A_1023 : i32
        %mul3A_1025 = arith.constant 16 : i32
        %mul3A_1026 = arith.muli %shift_right_arithmetic3A_1024, %mul3A_1025 : i32
        %and3A_1027 = arith.constant 15 : i32
        %and3A_1028 = arith.andi %shift_right_arithmetic3A_1022, %and3A_1027 : i32
        %get3A_1029 = arith.index_cast %mul3A_1026 : i32 to index
        %get3A_1030 = tpu.vector_load %arg9[%get3A_1029] {strides = array<i32>} : memref<1024xi32, #tpu.memory_space<vmem>>, vector<16xi32>,
        %get3A_1031 = vector.shape_cast %get3A_1030 : vector<16xi32> to vector<16xi32>
        %eq3A_1032 = vector.broadcast %and3A_1028 : i32 to vector<16xi32>
        %eq3A_1033 = arith.cmpi eq, %iota3A, %eq3A_1032 : vector<16xi32>
        %select_n3A_1034 = arith.select %eq3A_1033, %broadcast_in_dim3A_7, %broadcast_in_dim3A_3 : vector<16xi1>, vector<16xi32>
        %mul3A_1035 = vector.broadcast %select_n3A_1001 : i32 to vector<16xi32>
        %mul3A_1036 = arith.muli %select_n3A_1034, %mul3A_1035 : vector<16xi32>
        %add3A_1037 = arith.addi %get3A_1031, %mul3A_1036 : vector<16xi32>
        %swap3A_1038 = arith.index_cast %mul3A_1026 : i32 to index
        %swap3A_1039 = tpu.vector_load %arg9[%swap3A_1038] {strides = array<i32>} : memref<1024xi32, #tpu.memory_space<vmem>>, vector<16xi32>,
        %swap3A_1040 = vector.shape_cast %swap3A_1039 : vector<16xi32> to vector<16xi32>
        %swap3A_1041 = vector.shape_cast %add3A_1037 : vector<16xi32> to vector<16xi32>
        tpu.vector_store %arg9[%swap3A_1038], %swap3A_1041 {strides = array<i32>} : memref<1024xi32, #tpu.memory_space<vmem>>, vector<16xi32>,
        %jit3A_1042 = arith.constant 1 : i32
        %jit3A_1043 = arith.constant 0 : i32
        %select_n3A_1044 = arith.select %lt3A_981, %jit3A_1042, %jit3A_1043 : i32
        %add3A_1045 = arith.addi %add3A_958, %select_n3A_1044 : i32
        %mul3A_1046 = arith.constant 16 : i32
        %mul3A_1047 = arith.muli %scan3A_173, %mul3A_1046 : i32
        %add3A_1048 = arith.constant 10 : i32
        %add3A_1049 = arith.addi %mul3A_1047, %add3A_1048 : i32
        %ge3A_1050 = arith.constant 1 : i32
        %ge3A_1051 = arith.cmpi sge, %add3A_1049, %ge3A_1050 : i32
        %le3A_1052 = arith.constant 512 : i32
        %le3A_1053 = arith.cmpi sle, %add3A_1049, %le3A_1052 : i32
        %and3A_1054 = arith.andi %ge3A_1051, %le3A_1053 : i1
        %slice3A_1055 = vector.extract_strided_slice %get3A_179 {offsets = [10], sizes = [1], strides = [1]} : vector<16xi32> to vector<1xi32>
        %squeeze3A_1056 = vector.extract %slice3A_1055[0] : i32 from vector<1xi32>
        %jit3A_1057 = arith.constant 655360 : i32
        %select_n3A_1058 = arith.select %and3A_1054, %squeeze3A_1056, %jit3A_1057 : i32
        %eq3A_1059 = arith.constant 512 : i32
        %eq3A_1060 = arith.cmpi eq, %add3A_1049, %eq3A_1059 : i32
        %eq3A_1061 = arith.constant 31 : i32
        %eq3A_1062 = arith.cmpi eq, %add3A, %eq3A_1061 : i32
        %and3A_1063 = arith.andi %eq3A_1060, %eq3A_1062 : i1
        %jit3A_1064 = arith.constant 327680 : i32
        %select_n3A_1065 = arith.select %and3A_1063, %jit3A_1064, %select_n3A_1058 : i32
        %sub3A_1066 = arith.subi %select_n3A_1065, %multiple_of3A : i32
        %lt3A_1067 = arith.constant 0 : i32
        %lt3A_1068 = arith.cmpi slt, %sub3A_1066, %lt3A_1067 : i32
        %ge3A_1069 = arith.constant 0 : i32
        %ge3A_1070 = arith.cmpi sge, %sub3A_1066, %ge3A_1069 : i32
        %lt3A_1071 = arith.constant 16384 : i32
        %lt3A_1072 = arith.cmpi slt, %sub3A_1066, %lt3A_1071 : i32
        %and3A_1073 = arith.andi %ge3A_1070, %lt3A_1072 : i1
        %jit3A_1074 = arith.constant 0 : i32
        %jit3A_1075 = arith.constant 16383 : i32
        %max3A_1076 = arith.maxsi %jit3A_1074, %sub3A_1066 : i32
        %min3A_1077 = arith.minsi %jit3A_1075, %max3A_1076 : i32
        %shift_right_arithmetic3A_1078 = arith.constant 7 : i32
        %shift_right_arithmetic3A_1079 = arith.shrsi %min3A_1077, %shift_right_arithmetic3A_1078 : i32
        %shift_right_arithmetic3A_1080 = arith.constant 4 : i32
        %shift_right_arithmetic3A_1081 = arith.shrsi %min3A_1077, %shift_right_arithmetic3A_1080 : i32
        %and3A_1082 = arith.constant 7 : i32
        %and3A_1083 = arith.andi %shift_right_arithmetic3A_1081, %and3A_1082 : i32
        %and3A_1084 = arith.constant 15 : i32
        %and3A_1085 = arith.andi %min3A_1077, %and3A_1084 : i32
        %jit3A_1086 = arith.constant 1 : i32
        %jit3A_1087 = arith.constant 0 : i32
        %select_n3A_1088 = arith.select %and3A_1073, %jit3A_1086, %jit3A_1087 : i32
        %mul3A_1089 = arith.constant 16 : i32
        %mul3A_1090 = arith.muli %and3A_1083, %mul3A_1089 : i32
        %get3A_1091 = arith.index_cast %shift_right_arithmetic3A_1079 : i32 to index
        %get3A_1092 = arith.index_cast %mul3A_1090 : i32 to index
        %get3A_1093 = tpu.vector_load %arg7[%get3A_1091, %get3A_1092] {strides = array<i32>} : memref<128x128xi32, #tpu.memory_space<vmem>>, vector<1x16xi32>,
        %get3A_1094 = vector.shape_cast %get3A_1093 : vector<1x16xi32> to vector<16xi32>
        %ge3A_1095 = vector.broadcast %and3A_1085 : i32 to vector<16xi32>
        %ge3A_1096 = arith.cmpi sge, %iota3A, %ge3A_1095 : vector<16xi32>
        %select_n3A_1097 = arith.select %ge3A_1096, %broadcast_in_dim3A_7, %broadcast_in_dim3A_3 : vector<16xi1>, vector<16xi32>
        %mul3A_1098 = vector.broadcast %select_n3A_1088 : i32 to vector<16xi32>
        %mul3A_1099 = arith.muli %select_n3A_1097, %mul3A_1098 : vector<16xi32>
        %add3A_1100 = arith.addi %get3A_1094, %mul3A_1099 : vector<16xi32>
        %mul3A_1101 = arith.constant 16 : i32
        %mul3A_1102 = arith.muli %and3A_1083, %mul3A_1101 : i32
        %swap3A_1103 = arith.index_cast %shift_right_arithmetic3A_1079 : i32 to index
        %swap3A_1104 = arith.index_cast %mul3A_1102 : i32 to index
        %swap3A_1105 = tpu.vector_load %arg7[%swap3A_1103, %swap3A_1104] {strides = array<i32>} : memref<128x128xi32, #tpu.memory_space<vmem>>, vector<1x16xi32>,
        %swap3A_1106 = vector.shape_cast %swap3A_1105 : vector<1x16xi32> to vector<16xi32>
        %swap3A_1107 = vector.shape_cast %add3A_1100 : vector<16xi32> to vector<1x16xi32>
        tpu.vector_store %arg7[%swap3A_1103, %swap3A_1104], %swap3A_1107 {strides = array<i32>} : memref<128x128xi32, #tpu.memory_space<vmem>>, vector<1x16xi32>,
        %shift_right_arithmetic3A_1108 = arith.constant 4 : i32
        %shift_right_arithmetic3A_1109 = arith.shrsi %min3A_1077, %shift_right_arithmetic3A_1108 : i32
        %shift_right_arithmetic3A_1110 = arith.constant 4 : i32
        %shift_right_arithmetic3A_1111 = arith.shrsi %shift_right_arithmetic3A_1109, %shift_right_arithmetic3A_1110 : i32
        %mul3A_1112 = arith.constant 16 : i32
        %mul3A_1113 = arith.muli %shift_right_arithmetic3A_1111, %mul3A_1112 : i32
        %and3A_1114 = arith.constant 15 : i32
        %and3A_1115 = arith.andi %shift_right_arithmetic3A_1109, %and3A_1114 : i32
        %get3A_1116 = arith.index_cast %mul3A_1113 : i32 to index
        %get3A_1117 = tpu.vector_load %arg9[%get3A_1116] {strides = array<i32>} : memref<1024xi32, #tpu.memory_space<vmem>>, vector<16xi32>,
        %get3A_1118 = vector.shape_cast %get3A_1117 : vector<16xi32> to vector<16xi32>
        %eq3A_1119 = vector.broadcast %and3A_1115 : i32 to vector<16xi32>
        %eq3A_1120 = arith.cmpi eq, %iota3A, %eq3A_1119 : vector<16xi32>
        %select_n3A_1121 = arith.select %eq3A_1120, %broadcast_in_dim3A_7, %broadcast_in_dim3A_3 : vector<16xi1>, vector<16xi32>
        %mul3A_1122 = vector.broadcast %select_n3A_1088 : i32 to vector<16xi32>
        %mul3A_1123 = arith.muli %select_n3A_1121, %mul3A_1122 : vector<16xi32>
        %add3A_1124 = arith.addi %get3A_1118, %mul3A_1123 : vector<16xi32>
        %swap3A_1125 = arith.index_cast %mul3A_1113 : i32 to index
        %swap3A_1126 = tpu.vector_load %arg9[%swap3A_1125] {strides = array<i32>} : memref<1024xi32, #tpu.memory_space<vmem>>, vector<16xi32>,
        %swap3A_1127 = vector.shape_cast %swap3A_1126 : vector<16xi32> to vector<16xi32>
        %swap3A_1128 = vector.shape_cast %add3A_1124 : vector<16xi32> to vector<16xi32>
        tpu.vector_store %arg9[%swap3A_1125], %swap3A_1128 {strides = array<i32>} : memref<1024xi32, #tpu.memory_space<vmem>>, vector<16xi32>,
        %jit3A_1129 = arith.constant 1 : i32
        %jit3A_1130 = arith.constant 0 : i32
        %select_n3A_1131 = arith.select %lt3A_1068, %jit3A_1129, %jit3A_1130 : i32
        %add3A_1132 = arith.addi %add3A_1045, %select_n3A_1131 : i32
        %mul3A_1133 = arith.constant 16 : i32
        %mul3A_1134 = arith.muli %scan3A_173, %mul3A_1133 : i32
        %add3A_1135 = arith.constant 11 : i32
        %add3A_1136 = arith.addi %mul3A_1134, %add3A_1135 : i32
        %ge3A_1137 = arith.constant 1 : i32
        %ge3A_1138 = arith.cmpi sge, %add3A_1136, %ge3A_1137 : i32
        %le3A_1139 = arith.constant 512 : i32
        %le3A_1140 = arith.cmpi sle, %add3A_1136, %le3A_1139 : i32
        %and3A_1141 = arith.andi %ge3A_1138, %le3A_1140 : i1
        %slice3A_1142 = vector.extract_strided_slice %get3A_179 {offsets = [11], sizes = [1], strides = [1]} : vector<16xi32> to vector<1xi32>
        %squeeze3A_1143 = vector.extract %slice3A_1142[0] : i32 from vector<1xi32>
        %jit3A_1144 = arith.constant 655360 : i32
        %select_n3A_1145 = arith.select %and3A_1141, %squeeze3A_1143, %jit3A_1144 : i32
        %eq3A_1146 = arith.constant 512 : i32
        %eq3A_1147 = arith.cmpi eq, %add3A_1136, %eq3A_1146 : i32
        %eq3A_1148 = arith.constant 31 : i32
        %eq3A_1149 = arith.cmpi eq, %add3A, %eq3A_1148 : i32
        %and3A_1150 = arith.andi %eq3A_1147, %eq3A_1149 : i1
        %jit3A_1151 = arith.constant 327680 : i32
        %select_n3A_1152 = arith.select %and3A_1150, %jit3A_1151, %select_n3A_1145 : i32
        %sub3A_1153 = arith.subi %select_n3A_1152, %multiple_of3A : i32
        %lt3A_1154 = arith.constant 0 : i32
        %lt3A_1155 = arith.cmpi slt, %sub3A_1153, %lt3A_1154 : i32
        %ge3A_1156 = arith.constant 0 : i32
        %ge3A_1157 = arith.cmpi sge, %sub3A_1153, %ge3A_1156 : i32
        %lt3A_1158 = arith.constant 16384 : i32
        %lt3A_1159 = arith.cmpi slt, %sub3A_1153, %lt3A_1158 : i32
        %and3A_1160 = arith.andi %ge3A_1157, %lt3A_1159 : i1
        %jit3A_1161 = arith.constant 0 : i32
        %jit3A_1162 = arith.constant 16383 : i32
        %max3A_1163 = arith.maxsi %jit3A_1161, %sub3A_1153 : i32
        %min3A_1164 = arith.minsi %jit3A_1162, %max3A_1163 : i32
        %shift_right_arithmetic3A_1165 = arith.constant 7 : i32
        %shift_right_arithmetic3A_1166 = arith.shrsi %min3A_1164, %shift_right_arithmetic3A_1165 : i32
        %shift_right_arithmetic3A_1167 = arith.constant 4 : i32
        %shift_right_arithmetic3A_1168 = arith.shrsi %min3A_1164, %shift_right_arithmetic3A_1167 : i32
        %and3A_1169 = arith.constant 7 : i32
        %and3A_1170 = arith.andi %shift_right_arithmetic3A_1168, %and3A_1169 : i32
        %and3A_1171 = arith.constant 15 : i32
        %and3A_1172 = arith.andi %min3A_1164, %and3A_1171 : i32
        %jit3A_1173 = arith.constant 1 : i32
        %jit3A_1174 = arith.constant 0 : i32
        %select_n3A_1175 = arith.select %and3A_1160, %jit3A_1173, %jit3A_1174 : i32
        %mul3A_1176 = arith.constant 16 : i32
        %mul3A_1177 = arith.muli %and3A_1170, %mul3A_1176 : i32
        %get3A_1178 = arith.index_cast %shift_right_arithmetic3A_1166 : i32 to index
        %get3A_1179 = arith.index_cast %mul3A_1177 : i32 to index
        %get3A_1180 = tpu.vector_load %arg7[%get3A_1178, %get3A_1179] {strides = array<i32>} : memref<128x128xi32, #tpu.memory_space<vmem>>, vector<1x16xi32>,
        %get3A_1181 = vector.shape_cast %get3A_1180 : vector<1x16xi32> to vector<16xi32>
        %ge3A_1182 = vector.broadcast %and3A_1172 : i32 to vector<16xi32>
        %ge3A_1183 = arith.cmpi sge, %iota3A, %ge3A_1182 : vector<16xi32>
        %select_n3A_1184 = arith.select %ge3A_1183, %broadcast_in_dim3A_7, %broadcast_in_dim3A_3 : vector<16xi1>, vector<16xi32>
        %mul3A_1185 = vector.broadcast %select_n3A_1175 : i32 to vector<16xi32>
        %mul3A_1186 = arith.muli %select_n3A_1184, %mul3A_1185 : vector<16xi32>
        %add3A_1187 = arith.addi %get3A_1181, %mul3A_1186 : vector<16xi32>
        %mul3A_1188 = arith.constant 16 : i32
        %mul3A_1189 = arith.muli %and3A_1170, %mul3A_1188 : i32
        %swap3A_1190 = arith.index_cast %shift_right_arithmetic3A_1166 : i32 to index
        %swap3A_1191 = arith.index_cast %mul3A_1189 : i32 to index
        %swap3A_1192 = tpu.vector_load %arg7[%swap3A_1190, %swap3A_1191] {strides = array<i32>} : memref<128x128xi32, #tpu.memory_space<vmem>>, vector<1x16xi32>,
        %swap3A_1193 = vector.shape_cast %swap3A_1192 : vector<1x16xi32> to vector<16xi32>
        %swap3A_1194 = vector.shape_cast %add3A_1187 : vector<16xi32> to vector<1x16xi32>
        tpu.vector_store %arg7[%swap3A_1190, %swap3A_1191], %swap3A_1194 {strides = array<i32>} : memref<128x128xi32, #tpu.memory_space<vmem>>, vector<1x16xi32>,
        %shift_right_arithmetic3A_1195 = arith.constant 4 : i32
        %shift_right_arithmetic3A_1196 = arith.shrsi %min3A_1164, %shift_right_arithmetic3A_1195 : i32
        %shift_right_arithmetic3A_1197 = arith.constant 4 : i32
        %shift_right_arithmetic3A_1198 = arith.shrsi %shift_right_arithmetic3A_1196, %shift_right_arithmetic3A_1197 : i32
        %mul3A_1199 = arith.constant 16 : i32
        %mul3A_1200 = arith.muli %shift_right_arithmetic3A_1198, %mul3A_1199 : i32
        %and3A_1201 = arith.constant 15 : i32
        %and3A_1202 = arith.andi %shift_right_arithmetic3A_1196, %and3A_1201 : i32
        %get3A_1203 = arith.index_cast %mul3A_1200 : i32 to index
        %get3A_1204 = tpu.vector_load %arg9[%get3A_1203] {strides = array<i32>} : memref<1024xi32, #tpu.memory_space<vmem>>, vector<16xi32>,
        %get3A_1205 = vector.shape_cast %get3A_1204 : vector<16xi32> to vector<16xi32>
        %eq3A_1206 = vector.broadcast %and3A_1202 : i32 to vector<16xi32>
        %eq3A_1207 = arith.cmpi eq, %iota3A, %eq3A_1206 : vector<16xi32>
        %select_n3A_1208 = arith.select %eq3A_1207, %broadcast_in_dim3A_7, %broadcast_in_dim3A_3 : vector<16xi1>, vector<16xi32>
        %mul3A_1209 = vector.broadcast %select_n3A_1175 : i32 to vector<16xi32>
        %mul3A_1210 = arith.muli %select_n3A_1208, %mul3A_1209 : vector<16xi32>
        %add3A_1211 = arith.addi %get3A_1205, %mul3A_1210 : vector<16xi32>
        %swap3A_1212 = arith.index_cast %mul3A_1200 : i32 to index
        %swap3A_1213 = tpu.vector_load %arg9[%swap3A_1212] {strides = array<i32>} : memref<1024xi32, #tpu.memory_space<vmem>>, vector<16xi32>,
        %swap3A_1214 = vector.shape_cast %swap3A_1213 : vector<16xi32> to vector<16xi32>
        %swap3A_1215 = vector.shape_cast %add3A_1211 : vector<16xi32> to vector<16xi32>
        tpu.vector_store %arg9[%swap3A_1212], %swap3A_1215 {strides = array<i32>} : memref<1024xi32, #tpu.memory_space<vmem>>, vector<16xi32>,
        %jit3A_1216 = arith.constant 1 : i32
        %jit3A_1217 = arith.constant 0 : i32
        %select_n3A_1218 = arith.select %lt3A_1155, %jit3A_1216, %jit3A_1217 : i32
        %add3A_1219 = arith.addi %add3A_1132, %select_n3A_1218 : i32
        %mul3A_1220 = arith.constant 16 : i32
        %mul3A_1221 = arith.muli %scan3A_173, %mul3A_1220 : i32
        %add3A_1222 = arith.constant 12 : i32
        %add3A_1223 = arith.addi %mul3A_1221, %add3A_1222 : i32
        %ge3A_1224 = arith.constant 1 : i32
        %ge3A_1225 = arith.cmpi sge, %add3A_1223, %ge3A_1224 : i32
        %le3A_1226 = arith.constant 512 : i32
        %le3A_1227 = arith.cmpi sle, %add3A_1223, %le3A_1226 : i32
        %and3A_1228 = arith.andi %ge3A_1225, %le3A_1227 : i1
        %slice3A_1229 = vector.extract_strided_slice %get3A_179 {offsets = [12], sizes = [1], strides = [1]} : vector<16xi32> to vector<1xi32>
        %squeeze3A_1230 = vector.extract %slice3A_1229[0] : i32 from vector<1xi32>
        %jit3A_1231 = arith.constant 655360 : i32
        %select_n3A_1232 = arith.select %and3A_1228, %squeeze3A_1230, %jit3A_1231 : i32
        %eq3A_1233 = arith.constant 512 : i32
        %eq3A_1234 = arith.cmpi eq, %add3A_1223, %eq3A_1233 : i32
        %eq3A_1235 = arith.constant 31 : i32
        %eq3A_1236 = arith.cmpi eq, %add3A, %eq3A_1235 : i32
        %and3A_1237 = arith.andi %eq3A_1234, %eq3A_1236 : i1
        %jit3A_1238 = arith.constant 327680 : i32
        %select_n3A_1239 = arith.select %and3A_1237, %jit3A_1238, %select_n3A_1232 : i32
        %sub3A_1240 = arith.subi %select_n3A_1239, %multiple_of3A : i32
        %lt3A_1241 = arith.constant 0 : i32
        %lt3A_1242 = arith.cmpi slt, %sub3A_1240, %lt3A_1241 : i32
        %ge3A_1243 = arith.constant 0 : i32
        %ge3A_1244 = arith.cmpi sge, %sub3A_1240, %ge3A_1243 : i32
        %lt3A_1245 = arith.constant 16384 : i32
        %lt3A_1246 = arith.cmpi slt, %sub3A_1240, %lt3A_1245 : i32
        %and3A_1247 = arith.andi %ge3A_1244, %lt3A_1246 : i1
        %jit3A_1248 = arith.constant 0 : i32
        %jit3A_1249 = arith.constant 16383 : i32
        %max3A_1250 = arith.maxsi %jit3A_1248, %sub3A_1240 : i32
        %min3A_1251 = arith.minsi %jit3A_1249, %max3A_1250 : i32
        %shift_right_arithmetic3A_1252 = arith.constant 7 : i32
        %shift_right_arithmetic3A_1253 = arith.shrsi %min3A_1251, %shift_right_arithmetic3A_1252 : i32
        %shift_right_arithmetic3A_1254 = arith.constant 4 : i32
        %shift_right_arithmetic3A_1255 = arith.shrsi %min3A_1251, %shift_right_arithmetic3A_1254 : i32
        %and3A_1256 = arith.constant 7 : i32
        %and3A_1257 = arith.andi %shift_right_arithmetic3A_1255, %and3A_1256 : i32
        %and3A_1258 = arith.constant 15 : i32
        %and3A_1259 = arith.andi %min3A_1251, %and3A_1258 : i32
        %jit3A_1260 = arith.constant 1 : i32
        %jit3A_1261 = arith.constant 0 : i32
        %select_n3A_1262 = arith.select %and3A_1247, %jit3A_1260, %jit3A_1261 : i32
        %mul3A_1263 = arith.constant 16 : i32
        %mul3A_1264 = arith.muli %and3A_1257, %mul3A_1263 : i32
        %get3A_1265 = arith.index_cast %shift_right_arithmetic3A_1253 : i32 to index
        %get3A_1266 = arith.index_cast %mul3A_1264 : i32 to index
        %get3A_1267 = tpu.vector_load %arg7[%get3A_1265, %get3A_1266] {strides = array<i32>} : memref<128x128xi32, #tpu.memory_space<vmem>>, vector<1x16xi32>,
        %get3A_1268 = vector.shape_cast %get3A_1267 : vector<1x16xi32> to vector<16xi32>
        %ge3A_1269 = vector.broadcast %and3A_1259 : i32 to vector<16xi32>
        %ge3A_1270 = arith.cmpi sge, %iota3A, %ge3A_1269 : vector<16xi32>
        %select_n3A_1271 = arith.select %ge3A_1270, %broadcast_in_dim3A_7, %broadcast_in_dim3A_3 : vector<16xi1>, vector<16xi32>
        %mul3A_1272 = vector.broadcast %select_n3A_1262 : i32 to vector<16xi32>
        %mul3A_1273 = arith.muli %select_n3A_1271, %mul3A_1272 : vector<16xi32>
        %add3A_1274 = arith.addi %get3A_1268, %mul3A_1273 : vector<16xi32>
        %mul3A_1275 = arith.constant 16 : i32
        %mul3A_1276 = arith.muli %and3A_1257, %mul3A_1275 : i32
        %swap3A_1277 = arith.index_cast %shift_right_arithmetic3A_1253 : i32 to index
        %swap3A_1278 = arith.index_cast %mul3A_1276 : i32 to index
        %swap3A_1279 = tpu.vector_load %arg7[%swap3A_1277, %swap3A_1278] {strides = array<i32>} : memref<128x128xi32, #tpu.memory_space<vmem>>, vector<1x16xi32>,
        %swap3A_1280 = vector.shape_cast %swap3A_1279 : vector<1x16xi32> to vector<16xi32>
        %swap3A_1281 = vector.shape_cast %add3A_1274 : vector<16xi32> to vector<1x16xi32>
        tpu.vector_store %arg7[%swap3A_1277, %swap3A_1278], %swap3A_1281 {strides = array<i32>} : memref<128x128xi32, #tpu.memory_space<vmem>>, vector<1x16xi32>,
        %shift_right_arithmetic3A_1282 = arith.constant 4 : i32
        %shift_right_arithmetic3A_1283 = arith.shrsi %min3A_1251, %shift_right_arithmetic3A_1282 : i32
        %shift_right_arithmetic3A_1284 = arith.constant 4 : i32
        %shift_right_arithmetic3A_1285 = arith.shrsi %shift_right_arithmetic3A_1283, %shift_right_arithmetic3A_1284 : i32
        %mul3A_1286 = arith.constant 16 : i32
        %mul3A_1287 = arith.muli %shift_right_arithmetic3A_1285, %mul3A_1286 : i32
        %and3A_1288 = arith.constant 15 : i32
        %and3A_1289 = arith.andi %shift_right_arithmetic3A_1283, %and3A_1288 : i32
        %get3A_1290 = arith.index_cast %mul3A_1287 : i32 to index
        %get3A_1291 = tpu.vector_load %arg9[%get3A_1290] {strides = array<i32>} : memref<1024xi32, #tpu.memory_space<vmem>>, vector<16xi32>,
        %get3A_1292 = vector.shape_cast %get3A_1291 : vector<16xi32> to vector<16xi32>
        %eq3A_1293 = vector.broadcast %and3A_1289 : i32 to vector<16xi32>
        %eq3A_1294 = arith.cmpi eq, %iota3A, %eq3A_1293 : vector<16xi32>
        %select_n3A_1295 = arith.select %eq3A_1294, %broadcast_in_dim3A_7, %broadcast_in_dim3A_3 : vector<16xi1>, vector<16xi32>
        %mul3A_1296 = vector.broadcast %select_n3A_1262 : i32 to vector<16xi32>
        %mul3A_1297 = arith.muli %select_n3A_1295, %mul3A_1296 : vector<16xi32>
        %add3A_1298 = arith.addi %get3A_1292, %mul3A_1297 : vector<16xi32>
        %swap3A_1299 = arith.index_cast %mul3A_1287 : i32 to index
        %swap3A_1300 = tpu.vector_load %arg9[%swap3A_1299] {strides = array<i32>} : memref<1024xi32, #tpu.memory_space<vmem>>, vector<16xi32>,
        %swap3A_1301 = vector.shape_cast %swap3A_1300 : vector<16xi32> to vector<16xi32>
        %swap3A_1302 = vector.shape_cast %add3A_1298 : vector<16xi32> to vector<16xi32>
        tpu.vector_store %arg9[%swap3A_1299], %swap3A_1302 {strides = array<i32>} : memref<1024xi32, #tpu.memory_space<vmem>>, vector<16xi32>,
        %jit3A_1303 = arith.constant 1 : i32
        %jit3A_1304 = arith.constant 0 : i32
        %select_n3A_1305 = arith.select %lt3A_1242, %jit3A_1303, %jit3A_1304 : i32
        %add3A_1306 = arith.addi %add3A_1219, %select_n3A_1305 : i32
        %mul3A_1307 = arith.constant 16 : i32
        %mul3A_1308 = arith.muli %scan3A_173, %mul3A_1307 : i32
        %add3A_1309 = arith.constant 13 : i32
        %add3A_1310 = arith.addi %mul3A_1308, %add3A_1309 : i32
        %ge3A_1311 = arith.constant 1 : i32
        %ge3A_1312 = arith.cmpi sge, %add3A_1310, %ge3A_1311 : i32
        %le3A_1313 = arith.constant 512 : i32
        %le3A_1314 = arith.cmpi sle, %add3A_1310, %le3A_1313 : i32
        %and3A_1315 = arith.andi %ge3A_1312, %le3A_1314 : i1
        %slice3A_1316 = vector.extract_strided_slice %get3A_179 {offsets = [13], sizes = [1], strides = [1]} : vector<16xi32> to vector<1xi32>
        %squeeze3A_1317 = vector.extract %slice3A_1316[0] : i32 from vector<1xi32>
        %jit3A_1318 = arith.constant 655360 : i32
        %select_n3A_1319 = arith.select %and3A_1315, %squeeze3A_1317, %jit3A_1318 : i32
        %eq3A_1320 = arith.constant 512 : i32
        %eq3A_1321 = arith.cmpi eq, %add3A_1310, %eq3A_1320 : i32
        %eq3A_1322 = arith.constant 31 : i32
        %eq3A_1323 = arith.cmpi eq, %add3A, %eq3A_1322 : i32
        %and3A_1324 = arith.andi %eq3A_1321, %eq3A_1323 : i1
        %jit3A_1325 = arith.constant 327680 : i32
        %select_n3A_1326 = arith.select %and3A_1324, %jit3A_1325, %select_n3A_1319 : i32
        %sub3A_1327 = arith.subi %select_n3A_1326, %multiple_of3A : i32
        %lt3A_1328 = arith.constant 0 : i32
        %lt3A_1329 = arith.cmpi slt, %sub3A_1327, %lt3A_1328 : i32
        %ge3A_1330 = arith.constant 0 : i32
        %ge3A_1331 = arith.cmpi sge, %sub3A_1327, %ge3A_1330 : i32
        %lt3A_1332 = arith.constant 16384 : i32
        %lt3A_1333 = arith.cmpi slt, %sub3A_1327, %lt3A_1332 : i32
        %and3A_1334 = arith.andi %ge3A_1331, %lt3A_1333 : i1
        %jit3A_1335 = arith.constant 0 : i32
        %jit3A_1336 = arith.constant 16383 : i32
        %max3A_1337 = arith.maxsi %jit3A_1335, %sub3A_1327 : i32
        %min3A_1338 = arith.minsi %jit3A_1336, %max3A_1337 : i32
        %shift_right_arithmetic3A_1339 = arith.constant 7 : i32
        %shift_right_arithmetic3A_1340 = arith.shrsi %min3A_1338, %shift_right_arithmetic3A_1339 : i32
        %shift_right_arithmetic3A_1341 = arith.constant 4 : i32
        %shift_right_arithmetic3A_1342 = arith.shrsi %min3A_1338, %shift_right_arithmetic3A_1341 : i32
        %and3A_1343 = arith.constant 7 : i32
        %and3A_1344 = arith.andi %shift_right_arithmetic3A_1342, %and3A_1343 : i32
        %and3A_1345 = arith.constant 15 : i32
        %and3A_1346 = arith.andi %min3A_1338, %and3A_1345 : i32
        %jit3A_1347 = arith.constant 1 : i32
        %jit3A_1348 = arith.constant 0 : i32
        %select_n3A_1349 = arith.select %and3A_1334, %jit3A_1347, %jit3A_1348 : i32
        %mul3A_1350 = arith.constant 16 : i32
        %mul3A_1351 = arith.muli %and3A_1344, %mul3A_1350 : i32
        %get3A_1352 = arith.index_cast %shift_right_arithmetic3A_1340 : i32 to index
        %get3A_1353 = arith.index_cast %mul3A_1351 : i32 to index
        %get3A_1354 = tpu.vector_load %arg7[%get3A_1352, %get3A_1353] {strides = array<i32>} : memref<128x128xi32, #tpu.memory_space<vmem>>, vector<1x16xi32>,
        %get3A_1355 = vector.shape_cast %get3A_1354 : vector<1x16xi32> to vector<16xi32>
        %ge3A_1356 = vector.broadcast %and3A_1346 : i32 to vector<16xi32>
        %ge3A_1357 = arith.cmpi sge, %iota3A, %ge3A_1356 : vector<16xi32>
        %select_n3A_1358 = arith.select %ge3A_1357, %broadcast_in_dim3A_7, %broadcast_in_dim3A_3 : vector<16xi1>, vector<16xi32>
        %mul3A_1359 = vector.broadcast %select_n3A_1349 : i32 to vector<16xi32>
        %mul3A_1360 = arith.muli %select_n3A_1358, %mul3A_1359 : vector<16xi32>
        %add3A_1361 = arith.addi %get3A_1355, %mul3A_1360 : vector<16xi32>
        %mul3A_1362 = arith.constant 16 : i32
        %mul3A_1363 = arith.muli %and3A_1344, %mul3A_1362 : i32
        %swap3A_1364 = arith.index_cast %shift_right_arithmetic3A_1340 : i32 to index
        %swap3A_1365 = arith.index_cast %mul3A_1363 : i32 to index
        %swap3A_1366 = tpu.vector_load %arg7[%swap3A_1364, %swap3A_1365] {strides = array<i32>} : memref<128x128xi32, #tpu.memory_space<vmem>>, vector<1x16xi32>,
        %swap3A_1367 = vector.shape_cast %swap3A_1366 : vector<1x16xi32> to vector<16xi32>
        %swap3A_1368 = vector.shape_cast %add3A_1361 : vector<16xi32> to vector<1x16xi32>
        tpu.vector_store %arg7[%swap3A_1364, %swap3A_1365], %swap3A_1368 {strides = array<i32>} : memref<128x128xi32, #tpu.memory_space<vmem>>, vector<1x16xi32>,
        %shift_right_arithmetic3A_1369 = arith.constant 4 : i32
        %shift_right_arithmetic3A_1370 = arith.shrsi %min3A_1338, %shift_right_arithmetic3A_1369 : i32
        %shift_right_arithmetic3A_1371 = arith.constant 4 : i32
        %shift_right_arithmetic3A_1372 = arith.shrsi %shift_right_arithmetic3A_1370, %shift_right_arithmetic3A_1371 : i32
        %mul3A_1373 = arith.constant 16 : i32
        %mul3A_1374 = arith.muli %shift_right_arithmetic3A_1372, %mul3A_1373 : i32
        %and3A_1375 = arith.constant 15 : i32
        %and3A_1376 = arith.andi %shift_right_arithmetic3A_1370, %and3A_1375 : i32
        %get3A_1377 = arith.index_cast %mul3A_1374 : i32 to index
        %get3A_1378 = tpu.vector_load %arg9[%get3A_1377] {strides = array<i32>} : memref<1024xi32, #tpu.memory_space<vmem>>, vector<16xi32>,
        %get3A_1379 = vector.shape_cast %get3A_1378 : vector<16xi32> to vector<16xi32>
        %eq3A_1380 = vector.broadcast %and3A_1376 : i32 to vector<16xi32>
        %eq3A_1381 = arith.cmpi eq, %iota3A, %eq3A_1380 : vector<16xi32>
        %select_n3A_1382 = arith.select %eq3A_1381, %broadcast_in_dim3A_7, %broadcast_in_dim3A_3 : vector<16xi1>, vector<16xi32>
        %mul3A_1383 = vector.broadcast %select_n3A_1349 : i32 to vector<16xi32>
        %mul3A_1384 = arith.muli %select_n3A_1382, %mul3A_1383 : vector<16xi32>
        %add3A_1385 = arith.addi %get3A_1379, %mul3A_1384 : vector<16xi32>
        %swap3A_1386 = arith.index_cast %mul3A_1374 : i32 to index
        %swap3A_1387 = tpu.vector_load %arg9[%swap3A_1386] {strides = array<i32>} : memref<1024xi32, #tpu.memory_space<vmem>>, vector<16xi32>,
        %swap3A_1388 = vector.shape_cast %swap3A_1387 : vector<16xi32> to vector<16xi32>
        %swap3A_1389 = vector.shape_cast %add3A_1385 : vector<16xi32> to vector<16xi32>
        tpu.vector_store %arg9[%swap3A_1386], %swap3A_1389 {strides = array<i32>} : memref<1024xi32, #tpu.memory_space<vmem>>, vector<16xi32>,
        %jit3A_1390 = arith.constant 1 : i32
        %jit3A_1391 = arith.constant 0 : i32
        %select_n3A_1392 = arith.select %lt3A_1329, %jit3A_1390, %jit3A_1391 : i32
        %add3A_1393 = arith.addi %add3A_1306, %select_n3A_1392 : i32
        %mul3A_1394 = arith.constant 16 : i32
        %mul3A_1395 = arith.muli %scan3A_173, %mul3A_1394 : i32
        %add3A_1396 = arith.constant 14 : i32
        %add3A_1397 = arith.addi %mul3A_1395, %add3A_1396 : i32
        %ge3A_1398 = arith.constant 1 : i32
        %ge3A_1399 = arith.cmpi sge, %add3A_1397, %ge3A_1398 : i32
        %le3A_1400 = arith.constant 512 : i32
        %le3A_1401 = arith.cmpi sle, %add3A_1397, %le3A_1400 : i32
        %and3A_1402 = arith.andi %ge3A_1399, %le3A_1401 : i1
        %slice3A_1403 = vector.extract_strided_slice %get3A_179 {offsets = [14], sizes = [1], strides = [1]} : vector<16xi32> to vector<1xi32>
        %squeeze3A_1404 = vector.extract %slice3A_1403[0] : i32 from vector<1xi32>
        %jit3A_1405 = arith.constant 655360 : i32
        %select_n3A_1406 = arith.select %and3A_1402, %squeeze3A_1404, %jit3A_1405 : i32
        %eq3A_1407 = arith.constant 512 : i32
        %eq3A_1408 = arith.cmpi eq, %add3A_1397, %eq3A_1407 : i32
        %eq3A_1409 = arith.constant 31 : i32
        %eq3A_1410 = arith.cmpi eq, %add3A, %eq3A_1409 : i32
        %and3A_1411 = arith.andi %eq3A_1408, %eq3A_1410 : i1
        %jit3A_1412 = arith.constant 327680 : i32
        %select_n3A_1413 = arith.select %and3A_1411, %jit3A_1412, %select_n3A_1406 : i32
        %sub3A_1414 = arith.subi %select_n3A_1413, %multiple_of3A : i32
        %lt3A_1415 = arith.constant 0 : i32
        %lt3A_1416 = arith.cmpi slt, %sub3A_1414, %lt3A_1415 : i32
        %ge3A_1417 = arith.constant 0 : i32
        %ge3A_1418 = arith.cmpi sge, %sub3A_1414, %ge3A_1417 : i32
        %lt3A_1419 = arith.constant 16384 : i32
        %lt3A_1420 = arith.cmpi slt, %sub3A_1414, %lt3A_1419 : i32
        %and3A_1421 = arith.andi %ge3A_1418, %lt3A_1420 : i1
        %jit3A_1422 = arith.constant 0 : i32
        %jit3A_1423 = arith.constant 16383 : i32
        %max3A_1424 = arith.maxsi %jit3A_1422, %sub3A_1414 : i32
        %min3A_1425 = arith.minsi %jit3A_1423, %max3A_1424 : i32
        %shift_right_arithmetic3A_1426 = arith.constant 7 : i32
        %shift_right_arithmetic3A_1427 = arith.shrsi %min3A_1425, %shift_right_arithmetic3A_1426 : i32
        %shift_right_arithmetic3A_1428 = arith.constant 4 : i32
        %shift_right_arithmetic3A_1429 = arith.shrsi %min3A_1425, %shift_right_arithmetic3A_1428 : i32
        %and3A_1430 = arith.constant 7 : i32
        %and3A_1431 = arith.andi %shift_right_arithmetic3A_1429, %and3A_1430 : i32
        %and3A_1432 = arith.constant 15 : i32
        %and3A_1433 = arith.andi %min3A_1425, %and3A_1432 : i32
        %jit3A_1434 = arith.constant 1 : i32
        %jit3A_1435 = arith.constant 0 : i32
        %select_n3A_1436 = arith.select %and3A_1421, %jit3A_1434, %jit3A_1435 : i32
        %mul3A_1437 = arith.constant 16 : i32
        %mul3A_1438 = arith.muli %and3A_1431, %mul3A_1437 : i32
        %get3A_1439 = arith.index_cast %shift_right_arithmetic3A_1427 : i32 to index
        %get3A_1440 = arith.index_cast %mul3A_1438 : i32 to index
        %get3A_1441 = tpu.vector_load %arg7[%get3A_1439, %get3A_1440] {strides = array<i32>} : memref<128x128xi32, #tpu.memory_space<vmem>>, vector<1x16xi32>,
        %get3A_1442 = vector.shape_cast %get3A_1441 : vector<1x16xi32> to vector<16xi32>
        %ge3A_1443 = vector.broadcast %and3A_1433 : i32 to vector<16xi32>
        %ge3A_1444 = arith.cmpi sge, %iota3A, %ge3A_1443 : vector<16xi32>
        %select_n3A_1445 = arith.select %ge3A_1444, %broadcast_in_dim3A_7, %broadcast_in_dim3A_3 : vector<16xi1>, vector<16xi32>
        %mul3A_1446 = vector.broadcast %select_n3A_1436 : i32 to vector<16xi32>
        %mul3A_1447 = arith.muli %select_n3A_1445, %mul3A_1446 : vector<16xi32>
        %add3A_1448 = arith.addi %get3A_1442, %mul3A_1447 : vector<16xi32>
        %mul3A_1449 = arith.constant 16 : i32
        %mul3A_1450 = arith.muli %and3A_1431, %mul3A_1449 : i32
        %swap3A_1451 = arith.index_cast %shift_right_arithmetic3A_1427 : i32 to index
        %swap3A_1452 = arith.index_cast %mul3A_1450 : i32 to index
        %swap3A_1453 = tpu.vector_load %arg7[%swap3A_1451, %swap3A_1452] {strides = array<i32>} : memref<128x128xi32, #tpu.memory_space<vmem>>, vector<1x16xi32>,
        %swap3A_1454 = vector.shape_cast %swap3A_1453 : vector<1x16xi32> to vector<16xi32>
        %swap3A_1455 = vector.shape_cast %add3A_1448 : vector<16xi32> to vector<1x16xi32>
        tpu.vector_store %arg7[%swap3A_1451, %swap3A_1452], %swap3A_1455 {strides = array<i32>} : memref<128x128xi32, #tpu.memory_space<vmem>>, vector<1x16xi32>,
        %shift_right_arithmetic3A_1456 = arith.constant 4 : i32
        %shift_right_arithmetic3A_1457 = arith.shrsi %min3A_1425, %shift_right_arithmetic3A_1456 : i32
        %shift_right_arithmetic3A_1458 = arith.constant 4 : i32
        %shift_right_arithmetic3A_1459 = arith.shrsi %shift_right_arithmetic3A_1457, %shift_right_arithmetic3A_1458 : i32
        %mul3A_1460 = arith.constant 16 : i32
        %mul3A_1461 = arith.muli %shift_right_arithmetic3A_1459, %mul3A_1460 : i32
        %and3A_1462 = arith.constant 15 : i32
        %and3A_1463 = arith.andi %shift_right_arithmetic3A_1457, %and3A_1462 : i32
        %get3A_1464 = arith.index_cast %mul3A_1461 : i32 to index
        %get3A_1465 = tpu.vector_load %arg9[%get3A_1464] {strides = array<i32>} : memref<1024xi32, #tpu.memory_space<vmem>>, vector<16xi32>,
        %get3A_1466 = vector.shape_cast %get3A_1465 : vector<16xi32> to vector<16xi32>
        %eq3A_1467 = vector.broadcast %and3A_1463 : i32 to vector<16xi32>
        %eq3A_1468 = arith.cmpi eq, %iota3A, %eq3A_1467 : vector<16xi32>
        %select_n3A_1469 = arith.select %eq3A_1468, %broadcast_in_dim3A_7, %broadcast_in_dim3A_3 : vector<16xi1>, vector<16xi32>
        %mul3A_1470 = vector.broadcast %select_n3A_1436 : i32 to vector<16xi32>
        %mul3A_1471 = arith.muli %select_n3A_1469, %mul3A_1470 : vector<16xi32>
        %add3A_1472 = arith.addi %get3A_1466, %mul3A_1471 : vector<16xi32>
        %swap3A_1473 = arith.index_cast %mul3A_1461 : i32 to index
        %swap3A_1474 = tpu.vector_load %arg9[%swap3A_1473] {strides = array<i32>} : memref<1024xi32, #tpu.memory_space<vmem>>, vector<16xi32>,
        %swap3A_1475 = vector.shape_cast %swap3A_1474 : vector<16xi32> to vector<16xi32>
        %swap3A_1476 = vector.shape_cast %add3A_1472 : vector<16xi32> to vector<16xi32>
        tpu.vector_store %arg9[%swap3A_1473], %swap3A_1476 {strides = array<i32>} : memref<1024xi32, #tpu.memory_space<vmem>>, vector<16xi32>,
        %jit3A_1477 = arith.constant 1 : i32
        %jit3A_1478 = arith.constant 0 : i32
        %select_n3A_1479 = arith.select %lt3A_1416, %jit3A_1477, %jit3A_1478 : i32
        %add3A_1480 = arith.addi %add3A_1393, %select_n3A_1479 : i32
        %mul3A_1481 = arith.constant 16 : i32
        %mul3A_1482 = arith.muli %scan3A_173, %mul3A_1481 : i32
        %add3A_1483 = arith.constant 15 : i32
        %add3A_1484 = arith.addi %mul3A_1482, %add3A_1483 : i32
        %ge3A_1485 = arith.constant 1 : i32
        %ge3A_1486 = arith.cmpi sge, %add3A_1484, %ge3A_1485 : i32
        %le3A_1487 = arith.constant 512 : i32
        %le3A_1488 = arith.cmpi sle, %add3A_1484, %le3A_1487 : i32
        %and3A_1489 = arith.andi %ge3A_1486, %le3A_1488 : i1
        %slice3A_1490 = vector.extract_strided_slice %get3A_179 {offsets = [15], sizes = [1], strides = [1]} : vector<16xi32> to vector<1xi32>
        %squeeze3A_1491 = vector.extract %slice3A_1490[0] : i32 from vector<1xi32>
        %jit3A_1492 = arith.constant 655360 : i32
        %select_n3A_1493 = arith.select %and3A_1489, %squeeze3A_1491, %jit3A_1492 : i32
        %eq3A_1494 = arith.constant 512 : i32
        %eq3A_1495 = arith.cmpi eq, %add3A_1484, %eq3A_1494 : i32
        %eq3A_1496 = arith.constant 31 : i32
        %eq3A_1497 = arith.cmpi eq, %add3A, %eq3A_1496 : i32
        %and3A_1498 = arith.andi %eq3A_1495, %eq3A_1497 : i1
        %jit3A_1499 = arith.constant 327680 : i32
        %select_n3A_1500 = arith.select %and3A_1498, %jit3A_1499, %select_n3A_1493 : i32
        %sub3A_1501 = arith.subi %select_n3A_1500, %multiple_of3A : i32
        %lt3A_1502 = arith.constant 0 : i32
        %lt3A_1503 = arith.cmpi slt, %sub3A_1501, %lt3A_1502 : i32
        %ge3A_1504 = arith.constant 0 : i32
        %ge3A_1505 = arith.cmpi sge, %sub3A_1501, %ge3A_1504 : i32
        %lt3A_1506 = arith.constant 16384 : i32
        %lt3A_1507 = arith.cmpi slt, %sub3A_1501, %lt3A_1506 : i32
        %and3A_1508 = arith.andi %ge3A_1505, %lt3A_1507 : i1
        %jit3A_1509 = arith.constant 0 : i32
        %jit3A_1510 = arith.constant 16383 : i32
        %max3A_1511 = arith.maxsi %jit3A_1509, %sub3A_1501 : i32
        %min3A_1512 = arith.minsi %jit3A_1510, %max3A_1511 : i32
        %shift_right_arithmetic3A_1513 = arith.constant 7 : i32
        %shift_right_arithmetic3A_1514 = arith.shrsi %min3A_1512, %shift_right_arithmetic3A_1513 : i32
        %shift_right_arithmetic3A_1515 = arith.constant 4 : i32
        %shift_right_arithmetic3A_1516 = arith.shrsi %min3A_1512, %shift_right_arithmetic3A_1515 : i32
        %and3A_1517 = arith.constant 7 : i32
        %and3A_1518 = arith.andi %shift_right_arithmetic3A_1516, %and3A_1517 : i32
        %and3A_1519 = arith.constant 15 : i32
        %and3A_1520 = arith.andi %min3A_1512, %and3A_1519 : i32
        %jit3A_1521 = arith.constant 1 : i32
        %jit3A_1522 = arith.constant 0 : i32
        %select_n3A_1523 = arith.select %and3A_1508, %jit3A_1521, %jit3A_1522 : i32
        %mul3A_1524 = arith.constant 16 : i32
        %mul3A_1525 = arith.muli %and3A_1518, %mul3A_1524 : i32
        %get3A_1526 = arith.index_cast %shift_right_arithmetic3A_1514 : i32 to index
        %get3A_1527 = arith.index_cast %mul3A_1525 : i32 to index
        %get3A_1528 = tpu.vector_load %arg7[%get3A_1526, %get3A_1527] {strides = array<i32>} : memref<128x128xi32, #tpu.memory_space<vmem>>, vector<1x16xi32>,
        %get3A_1529 = vector.shape_cast %get3A_1528 : vector<1x16xi32> to vector<16xi32>
        %ge3A_1530 = vector.broadcast %and3A_1520 : i32 to vector<16xi32>
        %ge3A_1531 = arith.cmpi sge, %iota3A, %ge3A_1530 : vector<16xi32>
        %select_n3A_1532 = arith.select %ge3A_1531, %broadcast_in_dim3A_7, %broadcast_in_dim3A_3 : vector<16xi1>, vector<16xi32>
        %mul3A_1533 = vector.broadcast %select_n3A_1523 : i32 to vector<16xi32>
        %mul3A_1534 = arith.muli %select_n3A_1532, %mul3A_1533 : vector<16xi32>
        %add3A_1535 = arith.addi %get3A_1529, %mul3A_1534 : vector<16xi32>
        %mul3A_1536 = arith.constant 16 : i32
        %mul3A_1537 = arith.muli %and3A_1518, %mul3A_1536 : i32
        %swap3A_1538 = arith.index_cast %shift_right_arithmetic3A_1514 : i32 to index
        %swap3A_1539 = arith.index_cast %mul3A_1537 : i32 to index
        %swap3A_1540 = tpu.vector_load %arg7[%swap3A_1538, %swap3A_1539] {strides = array<i32>} : memref<128x128xi32, #tpu.memory_space<vmem>>, vector<1x16xi32>,
        %swap3A_1541 = vector.shape_cast %swap3A_1540 : vector<1x16xi32> to vector<16xi32>
        %swap3A_1542 = vector.shape_cast %add3A_1535 : vector<16xi32> to vector<1x16xi32>
        tpu.vector_store %arg7[%swap3A_1538, %swap3A_1539], %swap3A_1542 {strides = array<i32>} : memref<128x128xi32, #tpu.memory_space<vmem>>, vector<1x16xi32>,
        %shift_right_arithmetic3A_1543 = arith.constant 4 : i32
        %shift_right_arithmetic3A_1544 = arith.shrsi %min3A_1512, %shift_right_arithmetic3A_1543 : i32
        %shift_right_arithmetic3A_1545 = arith.constant 4 : i32
        %shift_right_arithmetic3A_1546 = arith.shrsi %shift_right_arithmetic3A_1544, %shift_right_arithmetic3A_1545 : i32
        %mul3A_1547 = arith.constant 16 : i32
        %mul3A_1548 = arith.muli %shift_right_arithmetic3A_1546, %mul3A_1547 : i32
        %and3A_1549 = arith.constant 15 : i32
        %and3A_1550 = arith.andi %shift_right_arithmetic3A_1544, %and3A_1549 : i32
        %get3A_1551 = arith.index_cast %mul3A_1548 : i32 to index
        %get3A_1552 = tpu.vector_load %arg9[%get3A_1551] {strides = array<i32>} : memref<1024xi32, #tpu.memory_space<vmem>>, vector<16xi32>,
        %get3A_1553 = vector.shape_cast %get3A_1552 : vector<16xi32> to vector<16xi32>
        %eq3A_1554 = vector.broadcast %and3A_1550 : i32 to vector<16xi32>
        %eq3A_1555 = arith.cmpi eq, %iota3A, %eq3A_1554 : vector<16xi32>
        %select_n3A_1556 = arith.select %eq3A_1555, %broadcast_in_dim3A_7, %broadcast_in_dim3A_3 : vector<16xi1>, vector<16xi32>
        %mul3A_1557 = vector.broadcast %select_n3A_1523 : i32 to vector<16xi32>
        %mul3A_1558 = arith.muli %select_n3A_1556, %mul3A_1557 : vector<16xi32>
        %add3A_1559 = arith.addi %get3A_1553, %mul3A_1558 : vector<16xi32>
        %swap3A_1560 = arith.index_cast %mul3A_1548 : i32 to index
        %swap3A_1561 = tpu.vector_load %arg9[%swap3A_1560] {strides = array<i32>} : memref<1024xi32, #tpu.memory_space<vmem>>, vector<16xi32>,
        %swap3A_1562 = vector.shape_cast %swap3A_1561 : vector<16xi32> to vector<16xi32>
        %swap3A_1563 = vector.shape_cast %add3A_1559 : vector<16xi32> to vector<16xi32>
        tpu.vector_store %arg9[%swap3A_1560], %swap3A_1563 {strides = array<i32>} : memref<1024xi32, #tpu.memory_space<vmem>>, vector<16xi32>,
        %jit3A_1564 = arith.constant 1 : i32
        %jit3A_1565 = arith.constant 0 : i32
        %select_n3A_1566 = arith.select %lt3A_1503, %jit3A_1564, %jit3A_1565 : i32
        %add3A_1567 = arith.addi %add3A_1480, %select_n3A_1566 : i32
        scf.yield %add3A_1567 : i32
      }
      %scan3A_96 = arith.constant 33 : i32
      %scan3A_97 = arith.constant 0 : i32
      %scan3A_98 = arith.constant 64 : i32
      %scan3A_99 = arith.addi %scan3A_97, %scan3A_98 : i32
      %scan3A_100 = arith.constant 1 : i32
      %scan3A_101 = scf.for %scan3A_173 = %scan3A_97 to %scan3A_99 step %scan3A_100 iter_args(%scan3A_174 = %scan3A_95) -> (i32)  : i32 {
        %mul3A_175 = arith.constant 16 : i32
        %mul3A_176 = arith.muli %scan3A_173, %mul3A_175 : i32
        %get3A_177 = arith.index_cast %mul3A_176 : i32 to index
        %get3A_178 = tpu.vector_load %arg9[%get3A_177] {strides = array<i32>} : memref<1024xi32, #tpu.memory_space<vmem>>, vector<16xi32>,
        %get3A_179 = vector.shape_cast %get3A_178 : vector<16xi32> to vector<16xi32>
        %sub3A_180 = arith.constant 1 : i32
        %sub3A_181 = vector.broadcast %sub3A_180 : i32 to vector<16xi32>
        %sub3A_182 = arith.subi %iota3A, %sub3A_181 : vector<16xi32>
        %jit3A_183 = arith.constant 0 : i32
        %jit3A_184 = arith.constant 15 : i32
        %max3A_185 = vector.broadcast %jit3A_183 : i32 to vector<16xi32>
        %max3A_186 = arith.maxsi %max3A_185, %sub3A_182 : vector<16xi32>
        %min3A_187 = vector.broadcast %jit3A_184 : i32 to vector<16xi32>
        %min3A_188 = arith.minsi %min3A_187, %max3A_186 : vector<16xi32>
        %lt3A = arith.constant 0 : i32
        %lt3A_189 = vector.broadcast %lt3A : i32 to vector<16xi32>
        %lt3A_190 = arith.cmpi slt, %min3A_188, %lt3A_189 : vector<16xi32>
        %add3A_191 = arith.constant 16 : i32
        %add3A_192 = vector.broadcast %add3A_191 : i32 to vector<16xi32>
        %add3A_193 = arith.addi %min3A_188, %add3A_192 : vector<16xi32>
        %select_n3A_194 = arith.select %lt3A_190, %add3A_193, %min3A_188 : vector<16xi1>, vector<16xi32>
        %broadcast_in_dim3A_195 = vector.shape_cast %select_n3A_194 : vector<16xi32> to vector<16x1xi32>
        %gather3A = vector.shape_cast %broadcast_in_dim3A_195 : vector<16x1xi32> to vector<16xi32>
        %gather3A_196 = tpu.dynamic_gather %get3A_179[%gather3A] in [0] : vector<16xi32>, vector<16xi32> -> vector<16xi32>
        %ge3A = arith.constant 1 : i32
        %ge3A_197 = vector.broadcast %ge3A : i32 to vector<16xi32>
        %ge3A_198 = arith.cmpi sge, %iota3A, %ge3A_197 : vector<16xi32>
        %select_n3A_199 = arith.select %ge3A_198, %gather3A_196, %broadcast_in_dim3A_3 : vector<16xi1>, vector<16xi32>
        %add3A_200 = arith.addi %get3A_179, %select_n3A_199 : vector<16xi32>
        %sub3A_201 = arith.constant 2 : i32
        %sub3A_202 = vector.broadcast %sub3A_201 : i32 to vector<16xi32>
        %sub3A_203 = arith.subi %iota3A, %sub3A_202 : vector<16xi32>
        %jit3A_204 = arith.constant 0 : i32
        %jit3A_205 = arith.constant 15 : i32
        %max3A_206 = vector.broadcast %jit3A_204 : i32 to vector<16xi32>
        %max3A_207 = arith.maxsi %max3A_206, %sub3A_203 : vector<16xi32>
        %min3A_208 = vector.broadcast %jit3A_205 : i32 to vector<16xi32>
        %min3A_209 = arith.minsi %min3A_208, %max3A_207 : vector<16xi32>
        %lt3A_210 = arith.constant 0 : i32
        %lt3A_211 = vector.broadcast %lt3A_210 : i32 to vector<16xi32>
        %lt3A_212 = arith.cmpi slt, %min3A_209, %lt3A_211 : vector<16xi32>
        %add3A_213 = arith.constant 16 : i32
        %add3A_214 = vector.broadcast %add3A_213 : i32 to vector<16xi32>
        %add3A_215 = arith.addi %min3A_209, %add3A_214 : vector<16xi32>
        %select_n3A_216 = arith.select %lt3A_212, %add3A_215, %min3A_209 : vector<16xi1>, vector<16xi32>
        %broadcast_in_dim3A_217 = vector.shape_cast %select_n3A_216 : vector<16xi32> to vector<16x1xi32>
        %gather3A_218 = vector.shape_cast %broadcast_in_dim3A_217 : vector<16x1xi32> to vector<16xi32>
        %gather3A_219 = tpu.dynamic_gather %add3A_200[%gather3A_218] in [0] : vector<16xi32>, vector<16xi32> -> vector<16xi32>
        %ge3A_220 = arith.constant 2 : i32
        %ge3A_221 = vector.broadcast %ge3A_220 : i32 to vector<16xi32>
        %ge3A_222 = arith.cmpi sge, %iota3A, %ge3A_221 : vector<16xi32>
        %select_n3A_223 = arith.select %ge3A_222, %gather3A_219, %broadcast_in_dim3A_3 : vector<16xi1>, vector<16xi32>
        %add3A_224 = arith.addi %add3A_200, %select_n3A_223 : vector<16xi32>
        %sub3A_225 = arith.constant 4 : i32
        %sub3A_226 = vector.broadcast %sub3A_225 : i32 to vector<16xi32>
        %sub3A_227 = arith.subi %iota3A, %sub3A_226 : vector<16xi32>
        %jit3A_228 = arith.constant 0 : i32
        %jit3A_229 = arith.constant 15 : i32
        %max3A_230 = vector.broadcast %jit3A_228 : i32 to vector<16xi32>
        %max3A_231 = arith.maxsi %max3A_230, %sub3A_227 : vector<16xi32>
        %min3A_232 = vector.broadcast %jit3A_229 : i32 to vector<16xi32>
        %min3A_233 = arith.minsi %min3A_232, %max3A_231 : vector<16xi32>
        %lt3A_234 = arith.constant 0 : i32
        %lt3A_235 = vector.broadcast %lt3A_234 : i32 to vector<16xi32>
        %lt3A_236 = arith.cmpi slt, %min3A_233, %lt3A_235 : vector<16xi32>
        %add3A_237 = arith.constant 16 : i32
        %add3A_238 = vector.broadcast %add3A_237 : i32 to vector<16xi32>
        %add3A_239 = arith.addi %min3A_233, %add3A_238 : vector<16xi32>
        %select_n3A_240 = arith.select %lt3A_236, %add3A_239, %min3A_233 : vector<16xi1>, vector<16xi32>
        %broadcast_in_dim3A_241 = vector.shape_cast %select_n3A_240 : vector<16xi32> to vector<16x1xi32>
        %gather3A_242 = vector.shape_cast %broadcast_in_dim3A_241 : vector<16x1xi32> to vector<16xi32>
        %gather3A_243 = tpu.dynamic_gather %add3A_224[%gather3A_242] in [0] : vector<16xi32>, vector<16xi32> -> vector<16xi32>
        %ge3A_244 = arith.constant 4 : i32
        %ge3A_245 = vector.broadcast %ge3A_244 : i32 to vector<16xi32>
        %ge3A_246 = arith.cmpi sge, %iota3A, %ge3A_245 : vector<16xi32>
        %select_n3A_247 = arith.select %ge3A_246, %gather3A_243, %broadcast_in_dim3A_3 : vector<16xi1>, vector<16xi32>
        %add3A_248 = arith.addi %add3A_224, %select_n3A_247 : vector<16xi32>
        %sub3A_249 = arith.constant 8 : i32
        %sub3A_250 = vector.broadcast %sub3A_249 : i32 to vector<16xi32>
        %sub3A_251 = arith.subi %iota3A, %sub3A_250 : vector<16xi32>
        %jit3A_252 = arith.constant 0 : i32
        %jit3A_253 = arith.constant 15 : i32
        %max3A_254 = vector.broadcast %jit3A_252 : i32 to vector<16xi32>
        %max3A_255 = arith.maxsi %max3A_254, %sub3A_251 : vector<16xi32>
        %min3A_256 = vector.broadcast %jit3A_253 : i32 to vector<16xi32>
        %min3A_257 = arith.minsi %min3A_256, %max3A_255 : vector<16xi32>
        %lt3A_258 = arith.constant 0 : i32
        %lt3A_259 = vector.broadcast %lt3A_258 : i32 to vector<16xi32>
        %lt3A_260 = arith.cmpi slt, %min3A_257, %lt3A_259 : vector<16xi32>
        %add3A_261 = arith.constant 16 : i32
        %add3A_262 = vector.broadcast %add3A_261 : i32 to vector<16xi32>
        %add3A_263 = arith.addi %min3A_257, %add3A_262 : vector<16xi32>
        %select_n3A_264 = arith.select %lt3A_260, %add3A_263, %min3A_257 : vector<16xi1>, vector<16xi32>
        %broadcast_in_dim3A_265 = vector.shape_cast %select_n3A_264 : vector<16xi32> to vector<16x1xi32>
        %gather3A_266 = vector.shape_cast %broadcast_in_dim3A_265 : vector<16x1xi32> to vector<16xi32>
        %gather3A_267 = tpu.dynamic_gather %add3A_248[%gather3A_266] in [0] : vector<16xi32>, vector<16xi32> -> vector<16xi32>
        %ge3A_268 = arith.constant 8 : i32
        %ge3A_269 = vector.broadcast %ge3A_268 : i32 to vector<16xi32>
        %ge3A_270 = arith.cmpi sge, %iota3A, %ge3A_269 : vector<16xi32>
        %select_n3A_271 = arith.select %ge3A_270, %gather3A_267, %broadcast_in_dim3A_3 : vector<16xi1>, vector<16xi32>
        %add3A_272 = arith.addi %add3A_248, %select_n3A_271 : vector<16xi32>
        %sub3A_273 = arith.subi %add3A_272, %get3A_179 : vector<16xi32>
        %add3A_274 = vector.broadcast %scan3A_174 : i32 to vector<16xi32>
        %add3A_275 = arith.addi %sub3A_273, %add3A_274 : vector<16xi32>
        %mul3A_276 = arith.constant 16 : i32
        %mul3A_277 = arith.muli %scan3A_173, %mul3A_276 : i32
        %swap3A = arith.index_cast %mul3A_277 : i32 to index
        %swap3A_278 = tpu.vector_load %arg10[%swap3A] {strides = array<i32>} : memref<1024xi32, #tpu.memory_space<vmem>>, vector<16xi32>,
        %swap3A_279 = vector.shape_cast %swap3A_278 : vector<16xi32> to vector<16xi32>
        %swap3A_280 = vector.shape_cast %add3A_275 : vector<16xi32> to vector<16xi32>
        tpu.vector_store %arg10[%swap3A], %swap3A_280 {strides = array<i32>} : memref<1024xi32, #tpu.memory_space<vmem>>, vector<16xi32>,
        %slice3A_281 = vector.extract_strided_slice %add3A_272 {offsets = [15], sizes = [1], strides = [1]} : vector<16xi32> to vector<1xi32>
        %squeeze3A_282 = vector.extract %slice3A_281[0] : i32 from vector<1xi32>
        %add3A_283 = arith.addi %scan3A_174, %squeeze3A_282 : i32
        scf.yield %add3A_283 : i32
      }
      %scan3A_102 = arith.constant 64 : i32
      %scan3A_103 = arith.constant 0 : i32
      %scan3A_104 = arith.constant 0 : i32
      %scan3A_105 = arith.constant 64 : i32
      %scan3A_106 = arith.addi %scan3A_104, %scan3A_105 : i32
      %scan3A_107 = arith.constant 1 : i32
      %scan3A_108 = scf.for %scan3A_173 = %scan3A_104 to %scan3A_106 step %scan3A_107 iter_args(%scan3A_174 = %scan3A_103) -> (i32)  : i32 {
        %mul3A_175 = arith.constant 16 : i32
        %mul3A_176 = arith.muli %scan3A_173, %mul3A_175 : i32
        %get3A_177 = arith.index_cast %mul3A_176 : i32 to index
        %get3A_178 = tpu.vector_load %arg10[%get3A_177] {strides = array<i32>} : memref<1024xi32, #tpu.memory_space<vmem>>, vector<16xi32>,
        %get3A_179 = vector.shape_cast %get3A_178 : vector<16xi32> to vector<16xi32>
        %mul3A_180 = arith.constant 16 : i32
        %mul3A_181 = arith.muli %scan3A_173, %mul3A_180 : i32
        %add3A_182 = arith.constant 0 : i32
        %add3A_183 = arith.addi %mul3A_181, %add3A_182 : i32
        %shift_right_arithmetic3A_184 = arith.constant 3 : i32
        %shift_right_arithmetic3A_185 = arith.shrsi %add3A_183, %shift_right_arithmetic3A_184 : i32
        %and3A_186 = arith.constant 7 : i32
        %and3A_187 = arith.andi %add3A_183, %and3A_186 : i32
        %mul3A_188 = arith.constant 16 : i32
        %mul3A_189 = arith.muli %and3A_187, %mul3A_188 : i32
        %get3A_190 = arith.index_cast %shift_right_arithmetic3A_185 : i32 to index
        %get3A_191 = arith.index_cast %mul3A_189 : i32 to index
        %get3A_192 = tpu.vector_load %arg7[%get3A_190, %get3A_191] {strides = array<i32>} : memref<128x128xi32, #tpu.memory_space<vmem>>, vector<1x16xi32>,
        %get3A_193 = vector.shape_cast %get3A_192 : vector<1x16xi32> to vector<16xi32>
        %slice3A_194 = vector.extract_strided_slice %get3A_179 {offsets = [0], sizes = [1], strides = [1]} : vector<16xi32> to vector<1xi32>
        %squeeze3A_195 = vector.extract %slice3A_194[0] : i32 from vector<1xi32>
        %add3A_196 = vector.broadcast %squeeze3A_195 : i32 to vector<16xi32>
        %add3A_197 = arith.addi %get3A_193, %add3A_196 : vector<16xi32>
        %mul3A_198 = arith.constant 16 : i32
        %mul3A_199 = arith.muli %add3A_183, %mul3A_198 : i32
        %add3A_200 = arith.addi %multiple_of3A, %mul3A_199 : i32
        %add3A_201 = vector.broadcast %add3A_200 : i32 to vector<16xi32>
        %add3A_202 = arith.addi %add3A_201, %iota3A : vector<16xi32>
        %lt3A = vector.broadcast %select_n3A : i32 to vector<16xi32>
        %lt3A_203 = arith.cmpi slt, %add3A_202, %lt3A : vector<16xi32>
        %broadcast_in_dim3A_204 = arith.constant 512 : i32
        %broadcast_in_dim3A_205 = vector.broadcast %broadcast_in_dim3A_204 : i32 to vector<16xi32>
        %select_n3A_206 = arith.select %lt3A_203, %broadcast_in_dim3A_205, %add3A_197 : vector<16xi1>, vector<16xi32>
        %add3A_207 = vector.broadcast %mul3A_2 : i32 to vector<16xi32>
        %add3A_208 = arith.addi %select_n3A_206, %add3A_207 : vector<16xi32>
        %mul3A_209 = arith.constant 16 : i32
        %mul3A_210 = arith.muli %and3A_187, %mul3A_209 : i32
        %swap3A = arith.index_cast %shift_right_arithmetic3A_185 : i32 to index
        %swap3A_211 = arith.index_cast %mul3A_210 : i32 to index
        %swap3A_212 = tpu.vector_load %arg7[%swap3A, %swap3A_211] {strides = array<i32>} : memref<128x128xi32, #tpu.memory_space<vmem>>, vector<1x16xi32>,
        %swap3A_213 = vector.shape_cast %swap3A_212 : vector<1x16xi32> to vector<16xi32>
        %swap3A_214 = vector.shape_cast %add3A_208 : vector<16xi32> to vector<1x16xi32>
        tpu.vector_store %arg7[%swap3A, %swap3A_211], %swap3A_214 {strides = array<i32>} : memref<128x128xi32, #tpu.memory_space<vmem>>, vector<1x16xi32>,
        %mul3A_215 = arith.constant 16 : i32
        %mul3A_216 = arith.muli %scan3A_173, %mul3A_215 : i32
        %add3A_217 = arith.constant 1 : i32
        %add3A_218 = arith.addi %mul3A_216, %add3A_217 : i32
        %shift_right_arithmetic3A_219 = arith.constant 3 : i32
        %shift_right_arithmetic3A_220 = arith.shrsi %add3A_218, %shift_right_arithmetic3A_219 : i32
        %and3A_221 = arith.constant 7 : i32
        %and3A_222 = arith.andi %add3A_218, %and3A_221 : i32
        %mul3A_223 = arith.constant 16 : i32
        %mul3A_224 = arith.muli %and3A_222, %mul3A_223 : i32
        %get3A_225 = arith.index_cast %shift_right_arithmetic3A_220 : i32 to index
        %get3A_226 = arith.index_cast %mul3A_224 : i32 to index
        %get3A_227 = tpu.vector_load %arg7[%get3A_225, %get3A_226] {strides = array<i32>} : memref<128x128xi32, #tpu.memory_space<vmem>>, vector<1x16xi32>,
        %get3A_228 = vector.shape_cast %get3A_227 : vector<1x16xi32> to vector<16xi32>
        %slice3A_229 = vector.extract_strided_slice %get3A_179 {offsets = [1], sizes = [1], strides = [1]} : vector<16xi32> to vector<1xi32>
        %squeeze3A_230 = vector.extract %slice3A_229[0] : i32 from vector<1xi32>
        %add3A_231 = vector.broadcast %squeeze3A_230 : i32 to vector<16xi32>
        %add3A_232 = arith.addi %get3A_228, %add3A_231 : vector<16xi32>
        %mul3A_233 = arith.constant 16 : i32
        %mul3A_234 = arith.muli %add3A_218, %mul3A_233 : i32
        %add3A_235 = arith.addi %multiple_of3A, %mul3A_234 : i32
        %add3A_236 = vector.broadcast %add3A_235 : i32 to vector<16xi32>
        %add3A_237 = arith.addi %add3A_236, %iota3A : vector<16xi32>
        %lt3A_238 = vector.broadcast %select_n3A : i32 to vector<16xi32>
        %lt3A_239 = arith.cmpi slt, %add3A_237, %lt3A_238 : vector<16xi32>
        %broadcast_in_dim3A_240 = arith.constant 512 : i32
        %broadcast_in_dim3A_241 = vector.broadcast %broadcast_in_dim3A_240 : i32 to vector<16xi32>
        %select_n3A_242 = arith.select %lt3A_239, %broadcast_in_dim3A_241, %add3A_232 : vector<16xi1>, vector<16xi32>
        %add3A_243 = vector.broadcast %mul3A_2 : i32 to vector<16xi32>
        %add3A_244 = arith.addi %select_n3A_242, %add3A_243 : vector<16xi32>
        %mul3A_245 = arith.constant 16 : i32
        %mul3A_246 = arith.muli %and3A_222, %mul3A_245 : i32
        %swap3A_247 = arith.index_cast %shift_right_arithmetic3A_220 : i32 to index
        %swap3A_248 = arith.index_cast %mul3A_246 : i32 to index
        %swap3A_249 = tpu.vector_load %arg7[%swap3A_247, %swap3A_248] {strides = array<i32>} : memref<128x128xi32, #tpu.memory_space<vmem>>, vector<1x16xi32>,
        %swap3A_250 = vector.shape_cast %swap3A_249 : vector<1x16xi32> to vector<16xi32>
        %swap3A_251 = vector.shape_cast %add3A_244 : vector<16xi32> to vector<1x16xi32>
        tpu.vector_store %arg7[%swap3A_247, %swap3A_248], %swap3A_251 {strides = array<i32>} : memref<128x128xi32, #tpu.memory_space<vmem>>, vector<1x16xi32>,
        %mul3A_252 = arith.constant 16 : i32
        %mul3A_253 = arith.muli %scan3A_173, %mul3A_252 : i32
        %add3A_254 = arith.constant 2 : i32
        %add3A_255 = arith.addi %mul3A_253, %add3A_254 : i32
        %shift_right_arithmetic3A_256 = arith.constant 3 : i32
        %shift_right_arithmetic3A_257 = arith.shrsi %add3A_255, %shift_right_arithmetic3A_256 : i32
        %and3A_258 = arith.constant 7 : i32
        %and3A_259 = arith.andi %add3A_255, %and3A_258 : i32
        %mul3A_260 = arith.constant 16 : i32
        %mul3A_261 = arith.muli %and3A_259, %mul3A_260 : i32
        %get3A_262 = arith.index_cast %shift_right_arithmetic3A_257 : i32 to index
        %get3A_263 = arith.index_cast %mul3A_261 : i32 to index
        %get3A_264 = tpu.vector_load %arg7[%get3A_262, %get3A_263] {strides = array<i32>} : memref<128x128xi32, #tpu.memory_space<vmem>>, vector<1x16xi32>,
        %get3A_265 = vector.shape_cast %get3A_264 : vector<1x16xi32> to vector<16xi32>
        %slice3A_266 = vector.extract_strided_slice %get3A_179 {offsets = [2], sizes = [1], strides = [1]} : vector<16xi32> to vector<1xi32>
        %squeeze3A_267 = vector.extract %slice3A_266[0] : i32 from vector<1xi32>
        %add3A_268 = vector.broadcast %squeeze3A_267 : i32 to vector<16xi32>
        %add3A_269 = arith.addi %get3A_265, %add3A_268 : vector<16xi32>
        %mul3A_270 = arith.constant 16 : i32
        %mul3A_271 = arith.muli %add3A_255, %mul3A_270 : i32
        %add3A_272 = arith.addi %multiple_of3A, %mul3A_271 : i32
        %add3A_273 = vector.broadcast %add3A_272 : i32 to vector<16xi32>
        %add3A_274 = arith.addi %add3A_273, %iota3A : vector<16xi32>
        %lt3A_275 = vector.broadcast %select_n3A : i32 to vector<16xi32>
        %lt3A_276 = arith.cmpi slt, %add3A_274, %lt3A_275 : vector<16xi32>
        %broadcast_in_dim3A_277 = arith.constant 512 : i32
        %broadcast_in_dim3A_278 = vector.broadcast %broadcast_in_dim3A_277 : i32 to vector<16xi32>
        %select_n3A_279 = arith.select %lt3A_276, %broadcast_in_dim3A_278, %add3A_269 : vector<16xi1>, vector<16xi32>
        %add3A_280 = vector.broadcast %mul3A_2 : i32 to vector<16xi32>
        %add3A_281 = arith.addi %select_n3A_279, %add3A_280 : vector<16xi32>
        %mul3A_282 = arith.constant 16 : i32
        %mul3A_283 = arith.muli %and3A_259, %mul3A_282 : i32
        %swap3A_284 = arith.index_cast %shift_right_arithmetic3A_257 : i32 to index
        %swap3A_285 = arith.index_cast %mul3A_283 : i32 to index
        %swap3A_286 = tpu.vector_load %arg7[%swap3A_284, %swap3A_285] {strides = array<i32>} : memref<128x128xi32, #tpu.memory_space<vmem>>, vector<1x16xi32>,
        %swap3A_287 = vector.shape_cast %swap3A_286 : vector<1x16xi32> to vector<16xi32>
        %swap3A_288 = vector.shape_cast %add3A_281 : vector<16xi32> to vector<1x16xi32>
        tpu.vector_store %arg7[%swap3A_284, %swap3A_285], %swap3A_288 {strides = array<i32>} : memref<128x128xi32, #tpu.memory_space<vmem>>, vector<1x16xi32>,
        %mul3A_289 = arith.constant 16 : i32
        %mul3A_290 = arith.muli %scan3A_173, %mul3A_289 : i32
        %add3A_291 = arith.constant 3 : i32
        %add3A_292 = arith.addi %mul3A_290, %add3A_291 : i32
        %shift_right_arithmetic3A_293 = arith.constant 3 : i32
        %shift_right_arithmetic3A_294 = arith.shrsi %add3A_292, %shift_right_arithmetic3A_293 : i32
        %and3A_295 = arith.constant 7 : i32
        %and3A_296 = arith.andi %add3A_292, %and3A_295 : i32
        %mul3A_297 = arith.constant 16 : i32
        %mul3A_298 = arith.muli %and3A_296, %mul3A_297 : i32
        %get3A_299 = arith.index_cast %shift_right_arithmetic3A_294 : i32 to index
        %get3A_300 = arith.index_cast %mul3A_298 : i32 to index
        %get3A_301 = tpu.vector_load %arg7[%get3A_299, %get3A_300] {strides = array<i32>} : memref<128x128xi32, #tpu.memory_space<vmem>>, vector<1x16xi32>,
        %get3A_302 = vector.shape_cast %get3A_301 : vector<1x16xi32> to vector<16xi32>
        %slice3A_303 = vector.extract_strided_slice %get3A_179 {offsets = [3], sizes = [1], strides = [1]} : vector<16xi32> to vector<1xi32>
        %squeeze3A_304 = vector.extract %slice3A_303[0] : i32 from vector<1xi32>
        %add3A_305 = vector.broadcast %squeeze3A_304 : i32 to vector<16xi32>
        %add3A_306 = arith.addi %get3A_302, %add3A_305 : vector<16xi32>
        %mul3A_307 = arith.constant 16 : i32
        %mul3A_308 = arith.muli %add3A_292, %mul3A_307 : i32
        %add3A_309 = arith.addi %multiple_of3A, %mul3A_308 : i32
        %add3A_310 = vector.broadcast %add3A_309 : i32 to vector<16xi32>
        %add3A_311 = arith.addi %add3A_310, %iota3A : vector<16xi32>
        %lt3A_312 = vector.broadcast %select_n3A : i32 to vector<16xi32>
        %lt3A_313 = arith.cmpi slt, %add3A_311, %lt3A_312 : vector<16xi32>
        %broadcast_in_dim3A_314 = arith.constant 512 : i32
        %broadcast_in_dim3A_315 = vector.broadcast %broadcast_in_dim3A_314 : i32 to vector<16xi32>
        %select_n3A_316 = arith.select %lt3A_313, %broadcast_in_dim3A_315, %add3A_306 : vector<16xi1>, vector<16xi32>
        %add3A_317 = vector.broadcast %mul3A_2 : i32 to vector<16xi32>
        %add3A_318 = arith.addi %select_n3A_316, %add3A_317 : vector<16xi32>
        %mul3A_319 = arith.constant 16 : i32
        %mul3A_320 = arith.muli %and3A_296, %mul3A_319 : i32
        %swap3A_321 = arith.index_cast %shift_right_arithmetic3A_294 : i32 to index
        %swap3A_322 = arith.index_cast %mul3A_320 : i32 to index
        %swap3A_323 = tpu.vector_load %arg7[%swap3A_321, %swap3A_322] {strides = array<i32>} : memref<128x128xi32, #tpu.memory_space<vmem>>, vector<1x16xi32>,
        %swap3A_324 = vector.shape_cast %swap3A_323 : vector<1x16xi32> to vector<16xi32>
        %swap3A_325 = vector.shape_cast %add3A_318 : vector<16xi32> to vector<1x16xi32>
        tpu.vector_store %arg7[%swap3A_321, %swap3A_322], %swap3A_325 {strides = array<i32>} : memref<128x128xi32, #tpu.memory_space<vmem>>, vector<1x16xi32>,
        %mul3A_326 = arith.constant 16 : i32
        %mul3A_327 = arith.muli %scan3A_173, %mul3A_326 : i32
        %add3A_328 = arith.constant 4 : i32
        %add3A_329 = arith.addi %mul3A_327, %add3A_328 : i32
        %shift_right_arithmetic3A_330 = arith.constant 3 : i32
        %shift_right_arithmetic3A_331 = arith.shrsi %add3A_329, %shift_right_arithmetic3A_330 : i32
        %and3A_332 = arith.constant 7 : i32
        %and3A_333 = arith.andi %add3A_329, %and3A_332 : i32
        %mul3A_334 = arith.constant 16 : i32
        %mul3A_335 = arith.muli %and3A_333, %mul3A_334 : i32
        %get3A_336 = arith.index_cast %shift_right_arithmetic3A_331 : i32 to index
        %get3A_337 = arith.index_cast %mul3A_335 : i32 to index
        %get3A_338 = tpu.vector_load %arg7[%get3A_336, %get3A_337] {strides = array<i32>} : memref<128x128xi32, #tpu.memory_space<vmem>>, vector<1x16xi32>,
        %get3A_339 = vector.shape_cast %get3A_338 : vector<1x16xi32> to vector<16xi32>
        %slice3A_340 = vector.extract_strided_slice %get3A_179 {offsets = [4], sizes = [1], strides = [1]} : vector<16xi32> to vector<1xi32>
        %squeeze3A_341 = vector.extract %slice3A_340[0] : i32 from vector<1xi32>
        %add3A_342 = vector.broadcast %squeeze3A_341 : i32 to vector<16xi32>
        %add3A_343 = arith.addi %get3A_339, %add3A_342 : vector<16xi32>
        %mul3A_344 = arith.constant 16 : i32
        %mul3A_345 = arith.muli %add3A_329, %mul3A_344 : i32
        %add3A_346 = arith.addi %multiple_of3A, %mul3A_345 : i32
        %add3A_347 = vector.broadcast %add3A_346 : i32 to vector<16xi32>
        %add3A_348 = arith.addi %add3A_347, %iota3A : vector<16xi32>
        %lt3A_349 = vector.broadcast %select_n3A : i32 to vector<16xi32>
        %lt3A_350 = arith.cmpi slt, %add3A_348, %lt3A_349 : vector<16xi32>
        %broadcast_in_dim3A_351 = arith.constant 512 : i32
        %broadcast_in_dim3A_352 = vector.broadcast %broadcast_in_dim3A_351 : i32 to vector<16xi32>
        %select_n3A_353 = arith.select %lt3A_350, %broadcast_in_dim3A_352, %add3A_343 : vector<16xi1>, vector<16xi32>
        %add3A_354 = vector.broadcast %mul3A_2 : i32 to vector<16xi32>
        %add3A_355 = arith.addi %select_n3A_353, %add3A_354 : vector<16xi32>
        %mul3A_356 = arith.constant 16 : i32
        %mul3A_357 = arith.muli %and3A_333, %mul3A_356 : i32
        %swap3A_358 = arith.index_cast %shift_right_arithmetic3A_331 : i32 to index
        %swap3A_359 = arith.index_cast %mul3A_357 : i32 to index
        %swap3A_360 = tpu.vector_load %arg7[%swap3A_358, %swap3A_359] {strides = array<i32>} : memref<128x128xi32, #tpu.memory_space<vmem>>, vector<1x16xi32>,
        %swap3A_361 = vector.shape_cast %swap3A_360 : vector<1x16xi32> to vector<16xi32>
        %swap3A_362 = vector.shape_cast %add3A_355 : vector<16xi32> to vector<1x16xi32>
        tpu.vector_store %arg7[%swap3A_358, %swap3A_359], %swap3A_362 {strides = array<i32>} : memref<128x128xi32, #tpu.memory_space<vmem>>, vector<1x16xi32>,
        %mul3A_363 = arith.constant 16 : i32
        %mul3A_364 = arith.muli %scan3A_173, %mul3A_363 : i32
        %add3A_365 = arith.constant 5 : i32
        %add3A_366 = arith.addi %mul3A_364, %add3A_365 : i32
        %shift_right_arithmetic3A_367 = arith.constant 3 : i32
        %shift_right_arithmetic3A_368 = arith.shrsi %add3A_366, %shift_right_arithmetic3A_367 : i32
        %and3A_369 = arith.constant 7 : i32
        %and3A_370 = arith.andi %add3A_366, %and3A_369 : i32
        %mul3A_371 = arith.constant 16 : i32
        %mul3A_372 = arith.muli %and3A_370, %mul3A_371 : i32
        %get3A_373 = arith.index_cast %shift_right_arithmetic3A_368 : i32 to index
        %get3A_374 = arith.index_cast %mul3A_372 : i32 to index
        %get3A_375 = tpu.vector_load %arg7[%get3A_373, %get3A_374] {strides = array<i32>} : memref<128x128xi32, #tpu.memory_space<vmem>>, vector<1x16xi32>,
        %get3A_376 = vector.shape_cast %get3A_375 : vector<1x16xi32> to vector<16xi32>
        %slice3A_377 = vector.extract_strided_slice %get3A_179 {offsets = [5], sizes = [1], strides = [1]} : vector<16xi32> to vector<1xi32>
        %squeeze3A_378 = vector.extract %slice3A_377[0] : i32 from vector<1xi32>
        %add3A_379 = vector.broadcast %squeeze3A_378 : i32 to vector<16xi32>
        %add3A_380 = arith.addi %get3A_376, %add3A_379 : vector<16xi32>
        %mul3A_381 = arith.constant 16 : i32
        %mul3A_382 = arith.muli %add3A_366, %mul3A_381 : i32
        %add3A_383 = arith.addi %multiple_of3A, %mul3A_382 : i32
        %add3A_384 = vector.broadcast %add3A_383 : i32 to vector<16xi32>
        %add3A_385 = arith.addi %add3A_384, %iota3A : vector<16xi32>
        %lt3A_386 = vector.broadcast %select_n3A : i32 to vector<16xi32>
        %lt3A_387 = arith.cmpi slt, %add3A_385, %lt3A_386 : vector<16xi32>
        %broadcast_in_dim3A_388 = arith.constant 512 : i32
        %broadcast_in_dim3A_389 = vector.broadcast %broadcast_in_dim3A_388 : i32 to vector<16xi32>
        %select_n3A_390 = arith.select %lt3A_387, %broadcast_in_dim3A_389, %add3A_380 : vector<16xi1>, vector<16xi32>
        %add3A_391 = vector.broadcast %mul3A_2 : i32 to vector<16xi32>
        %add3A_392 = arith.addi %select_n3A_390, %add3A_391 : vector<16xi32>
        %mul3A_393 = arith.constant 16 : i32
        %mul3A_394 = arith.muli %and3A_370, %mul3A_393 : i32
        %swap3A_395 = arith.index_cast %shift_right_arithmetic3A_368 : i32 to index
        %swap3A_396 = arith.index_cast %mul3A_394 : i32 to index
        %swap3A_397 = tpu.vector_load %arg7[%swap3A_395, %swap3A_396] {strides = array<i32>} : memref<128x128xi32, #tpu.memory_space<vmem>>, vector<1x16xi32>,
        %swap3A_398 = vector.shape_cast %swap3A_397 : vector<1x16xi32> to vector<16xi32>
        %swap3A_399 = vector.shape_cast %add3A_392 : vector<16xi32> to vector<1x16xi32>
        tpu.vector_store %arg7[%swap3A_395, %swap3A_396], %swap3A_399 {strides = array<i32>} : memref<128x128xi32, #tpu.memory_space<vmem>>, vector<1x16xi32>,
        %mul3A_400 = arith.constant 16 : i32
        %mul3A_401 = arith.muli %scan3A_173, %mul3A_400 : i32
        %add3A_402 = arith.constant 6 : i32
        %add3A_403 = arith.addi %mul3A_401, %add3A_402 : i32
        %shift_right_arithmetic3A_404 = arith.constant 3 : i32
        %shift_right_arithmetic3A_405 = arith.shrsi %add3A_403, %shift_right_arithmetic3A_404 : i32
        %and3A_406 = arith.constant 7 : i32
        %and3A_407 = arith.andi %add3A_403, %and3A_406 : i32
        %mul3A_408 = arith.constant 16 : i32
        %mul3A_409 = arith.muli %and3A_407, %mul3A_408 : i32
        %get3A_410 = arith.index_cast %shift_right_arithmetic3A_405 : i32 to index
        %get3A_411 = arith.index_cast %mul3A_409 : i32 to index
        %get3A_412 = tpu.vector_load %arg7[%get3A_410, %get3A_411] {strides = array<i32>} : memref<128x128xi32, #tpu.memory_space<vmem>>, vector<1x16xi32>,
        %get3A_413 = vector.shape_cast %get3A_412 : vector<1x16xi32> to vector<16xi32>
        %slice3A_414 = vector.extract_strided_slice %get3A_179 {offsets = [6], sizes = [1], strides = [1]} : vector<16xi32> to vector<1xi32>
        %squeeze3A_415 = vector.extract %slice3A_414[0] : i32 from vector<1xi32>
        %add3A_416 = vector.broadcast %squeeze3A_415 : i32 to vector<16xi32>
        %add3A_417 = arith.addi %get3A_413, %add3A_416 : vector<16xi32>
        %mul3A_418 = arith.constant 16 : i32
        %mul3A_419 = arith.muli %add3A_403, %mul3A_418 : i32
        %add3A_420 = arith.addi %multiple_of3A, %mul3A_419 : i32
        %add3A_421 = vector.broadcast %add3A_420 : i32 to vector<16xi32>
        %add3A_422 = arith.addi %add3A_421, %iota3A : vector<16xi32>
        %lt3A_423 = vector.broadcast %select_n3A : i32 to vector<16xi32>
        %lt3A_424 = arith.cmpi slt, %add3A_422, %lt3A_423 : vector<16xi32>
        %broadcast_in_dim3A_425 = arith.constant 512 : i32
        %broadcast_in_dim3A_426 = vector.broadcast %broadcast_in_dim3A_425 : i32 to vector<16xi32>
        %select_n3A_427 = arith.select %lt3A_424, %broadcast_in_dim3A_426, %add3A_417 : vector<16xi1>, vector<16xi32>
        %add3A_428 = vector.broadcast %mul3A_2 : i32 to vector<16xi32>
        %add3A_429 = arith.addi %select_n3A_427, %add3A_428 : vector<16xi32>
        %mul3A_430 = arith.constant 16 : i32
        %mul3A_431 = arith.muli %and3A_407, %mul3A_430 : i32
        %swap3A_432 = arith.index_cast %shift_right_arithmetic3A_405 : i32 to index
        %swap3A_433 = arith.index_cast %mul3A_431 : i32 to index
        %swap3A_434 = tpu.vector_load %arg7[%swap3A_432, %swap3A_433] {strides = array<i32>} : memref<128x128xi32, #tpu.memory_space<vmem>>, vector<1x16xi32>,
        %swap3A_435 = vector.shape_cast %swap3A_434 : vector<1x16xi32> to vector<16xi32>
        %swap3A_436 = vector.shape_cast %add3A_429 : vector<16xi32> to vector<1x16xi32>
        tpu.vector_store %arg7[%swap3A_432, %swap3A_433], %swap3A_436 {strides = array<i32>} : memref<128x128xi32, #tpu.memory_space<vmem>>, vector<1x16xi32>,
        %mul3A_437 = arith.constant 16 : i32
        %mul3A_438 = arith.muli %scan3A_173, %mul3A_437 : i32
        %add3A_439 = arith.constant 7 : i32
        %add3A_440 = arith.addi %mul3A_438, %add3A_439 : i32
        %shift_right_arithmetic3A_441 = arith.constant 3 : i32
        %shift_right_arithmetic3A_442 = arith.shrsi %add3A_440, %shift_right_arithmetic3A_441 : i32
        %and3A_443 = arith.constant 7 : i32
        %and3A_444 = arith.andi %add3A_440, %and3A_443 : i32
        %mul3A_445 = arith.constant 16 : i32
        %mul3A_446 = arith.muli %and3A_444, %mul3A_445 : i32
        %get3A_447 = arith.index_cast %shift_right_arithmetic3A_442 : i32 to index
        %get3A_448 = arith.index_cast %mul3A_446 : i32 to index
        %get3A_449 = tpu.vector_load %arg7[%get3A_447, %get3A_448] {strides = array<i32>} : memref<128x128xi32, #tpu.memory_space<vmem>>, vector<1x16xi32>,
        %get3A_450 = vector.shape_cast %get3A_449 : vector<1x16xi32> to vector<16xi32>
        %slice3A_451 = vector.extract_strided_slice %get3A_179 {offsets = [7], sizes = [1], strides = [1]} : vector<16xi32> to vector<1xi32>
        %squeeze3A_452 = vector.extract %slice3A_451[0] : i32 from vector<1xi32>
        %add3A_453 = vector.broadcast %squeeze3A_452 : i32 to vector<16xi32>
        %add3A_454 = arith.addi %get3A_450, %add3A_453 : vector<16xi32>
        %mul3A_455 = arith.constant 16 : i32
        %mul3A_456 = arith.muli %add3A_440, %mul3A_455 : i32
        %add3A_457 = arith.addi %multiple_of3A, %mul3A_456 : i32
        %add3A_458 = vector.broadcast %add3A_457 : i32 to vector<16xi32>
        %add3A_459 = arith.addi %add3A_458, %iota3A : vector<16xi32>
        %lt3A_460 = vector.broadcast %select_n3A : i32 to vector<16xi32>
        %lt3A_461 = arith.cmpi slt, %add3A_459, %lt3A_460 : vector<16xi32>
        %broadcast_in_dim3A_462 = arith.constant 512 : i32
        %broadcast_in_dim3A_463 = vector.broadcast %broadcast_in_dim3A_462 : i32 to vector<16xi32>
        %select_n3A_464 = arith.select %lt3A_461, %broadcast_in_dim3A_463, %add3A_454 : vector<16xi1>, vector<16xi32>
        %add3A_465 = vector.broadcast %mul3A_2 : i32 to vector<16xi32>
        %add3A_466 = arith.addi %select_n3A_464, %add3A_465 : vector<16xi32>
        %mul3A_467 = arith.constant 16 : i32
        %mul3A_468 = arith.muli %and3A_444, %mul3A_467 : i32
        %swap3A_469 = arith.index_cast %shift_right_arithmetic3A_442 : i32 to index
        %swap3A_470 = arith.index_cast %mul3A_468 : i32 to index
        %swap3A_471 = tpu.vector_load %arg7[%swap3A_469, %swap3A_470] {strides = array<i32>} : memref<128x128xi32, #tpu.memory_space<vmem>>, vector<1x16xi32>,
        %swap3A_472 = vector.shape_cast %swap3A_471 : vector<1x16xi32> to vector<16xi32>
        %swap3A_473 = vector.shape_cast %add3A_466 : vector<16xi32> to vector<1x16xi32>
        tpu.vector_store %arg7[%swap3A_469, %swap3A_470], %swap3A_473 {strides = array<i32>} : memref<128x128xi32, #tpu.memory_space<vmem>>, vector<1x16xi32>,
        %mul3A_474 = arith.constant 16 : i32
        %mul3A_475 = arith.muli %scan3A_173, %mul3A_474 : i32
        %add3A_476 = arith.constant 8 : i32
        %add3A_477 = arith.addi %mul3A_475, %add3A_476 : i32
        %shift_right_arithmetic3A_478 = arith.constant 3 : i32
        %shift_right_arithmetic3A_479 = arith.shrsi %add3A_477, %shift_right_arithmetic3A_478 : i32
        %and3A_480 = arith.constant 7 : i32
        %and3A_481 = arith.andi %add3A_477, %and3A_480 : i32
        %mul3A_482 = arith.constant 16 : i32
        %mul3A_483 = arith.muli %and3A_481, %mul3A_482 : i32
        %get3A_484 = arith.index_cast %shift_right_arithmetic3A_479 : i32 to index
        %get3A_485 = arith.index_cast %mul3A_483 : i32 to index
        %get3A_486 = tpu.vector_load %arg7[%get3A_484, %get3A_485] {strides = array<i32>} : memref<128x128xi32, #tpu.memory_space<vmem>>, vector<1x16xi32>,
        %get3A_487 = vector.shape_cast %get3A_486 : vector<1x16xi32> to vector<16xi32>
        %slice3A_488 = vector.extract_strided_slice %get3A_179 {offsets = [8], sizes = [1], strides = [1]} : vector<16xi32> to vector<1xi32>
        %squeeze3A_489 = vector.extract %slice3A_488[0] : i32 from vector<1xi32>
        %add3A_490 = vector.broadcast %squeeze3A_489 : i32 to vector<16xi32>
        %add3A_491 = arith.addi %get3A_487, %add3A_490 : vector<16xi32>
        %mul3A_492 = arith.constant 16 : i32
        %mul3A_493 = arith.muli %add3A_477, %mul3A_492 : i32
        %add3A_494 = arith.addi %multiple_of3A, %mul3A_493 : i32
        %add3A_495 = vector.broadcast %add3A_494 : i32 to vector<16xi32>
        %add3A_496 = arith.addi %add3A_495, %iota3A : vector<16xi32>
        %lt3A_497 = vector.broadcast %select_n3A : i32 to vector<16xi32>
        %lt3A_498 = arith.cmpi slt, %add3A_496, %lt3A_497 : vector<16xi32>
        %broadcast_in_dim3A_499 = arith.constant 512 : i32
        %broadcast_in_dim3A_500 = vector.broadcast %broadcast_in_dim3A_499 : i32 to vector<16xi32>
        %select_n3A_501 = arith.select %lt3A_498, %broadcast_in_dim3A_500, %add3A_491 : vector<16xi1>, vector<16xi32>
        %add3A_502 = vector.broadcast %mul3A_2 : i32 to vector<16xi32>
        %add3A_503 = arith.addi %select_n3A_501, %add3A_502 : vector<16xi32>
        %mul3A_504 = arith.constant 16 : i32
        %mul3A_505 = arith.muli %and3A_481, %mul3A_504 : i32
        %swap3A_506 = arith.index_cast %shift_right_arithmetic3A_479 : i32 to index
        %swap3A_507 = arith.index_cast %mul3A_505 : i32 to index
        %swap3A_508 = tpu.vector_load %arg7[%swap3A_506, %swap3A_507] {strides = array<i32>} : memref<128x128xi32, #tpu.memory_space<vmem>>, vector<1x16xi32>,
        %swap3A_509 = vector.shape_cast %swap3A_508 : vector<1x16xi32> to vector<16xi32>
        %swap3A_510 = vector.shape_cast %add3A_503 : vector<16xi32> to vector<1x16xi32>
        tpu.vector_store %arg7[%swap3A_506, %swap3A_507], %swap3A_510 {strides = array<i32>} : memref<128x128xi32, #tpu.memory_space<vmem>>, vector<1x16xi32>,
        %mul3A_511 = arith.constant 16 : i32
        %mul3A_512 = arith.muli %scan3A_173, %mul3A_511 : i32
        %add3A_513 = arith.constant 9 : i32
        %add3A_514 = arith.addi %mul3A_512, %add3A_513 : i32
        %shift_right_arithmetic3A_515 = arith.constant 3 : i32
        %shift_right_arithmetic3A_516 = arith.shrsi %add3A_514, %shift_right_arithmetic3A_515 : i32
        %and3A_517 = arith.constant 7 : i32
        %and3A_518 = arith.andi %add3A_514, %and3A_517 : i32
        %mul3A_519 = arith.constant 16 : i32
        %mul3A_520 = arith.muli %and3A_518, %mul3A_519 : i32
        %get3A_521 = arith.index_cast %shift_right_arithmetic3A_516 : i32 to index
        %get3A_522 = arith.index_cast %mul3A_520 : i32 to index
        %get3A_523 = tpu.vector_load %arg7[%get3A_521, %get3A_522] {strides = array<i32>} : memref<128x128xi32, #tpu.memory_space<vmem>>, vector<1x16xi32>,
        %get3A_524 = vector.shape_cast %get3A_523 : vector<1x16xi32> to vector<16xi32>
        %slice3A_525 = vector.extract_strided_slice %get3A_179 {offsets = [9], sizes = [1], strides = [1]} : vector<16xi32> to vector<1xi32>
        %squeeze3A_526 = vector.extract %slice3A_525[0] : i32 from vector<1xi32>
        %add3A_527 = vector.broadcast %squeeze3A_526 : i32 to vector<16xi32>
        %add3A_528 = arith.addi %get3A_524, %add3A_527 : vector<16xi32>
        %mul3A_529 = arith.constant 16 : i32
        %mul3A_530 = arith.muli %add3A_514, %mul3A_529 : i32
        %add3A_531 = arith.addi %multiple_of3A, %mul3A_530 : i32
        %add3A_532 = vector.broadcast %add3A_531 : i32 to vector<16xi32>
        %add3A_533 = arith.addi %add3A_532, %iota3A : vector<16xi32>
        %lt3A_534 = vector.broadcast %select_n3A : i32 to vector<16xi32>
        %lt3A_535 = arith.cmpi slt, %add3A_533, %lt3A_534 : vector<16xi32>
        %broadcast_in_dim3A_536 = arith.constant 512 : i32
        %broadcast_in_dim3A_537 = vector.broadcast %broadcast_in_dim3A_536 : i32 to vector<16xi32>
        %select_n3A_538 = arith.select %lt3A_535, %broadcast_in_dim3A_537, %add3A_528 : vector<16xi1>, vector<16xi32>
        %add3A_539 = vector.broadcast %mul3A_2 : i32 to vector<16xi32>
        %add3A_540 = arith.addi %select_n3A_538, %add3A_539 : vector<16xi32>
        %mul3A_541 = arith.constant 16 : i32
        %mul3A_542 = arith.muli %and3A_518, %mul3A_541 : i32
        %swap3A_543 = arith.index_cast %shift_right_arithmetic3A_516 : i32 to index
        %swap3A_544 = arith.index_cast %mul3A_542 : i32 to index
        %swap3A_545 = tpu.vector_load %arg7[%swap3A_543, %swap3A_544] {strides = array<i32>} : memref<128x128xi32, #tpu.memory_space<vmem>>, vector<1x16xi32>,
        %swap3A_546 = vector.shape_cast %swap3A_545 : vector<1x16xi32> to vector<16xi32>
        %swap3A_547 = vector.shape_cast %add3A_540 : vector<16xi32> to vector<1x16xi32>
        tpu.vector_store %arg7[%swap3A_543, %swap3A_544], %swap3A_547 {strides = array<i32>} : memref<128x128xi32, #tpu.memory_space<vmem>>, vector<1x16xi32>,
        %mul3A_548 = arith.constant 16 : i32
        %mul3A_549 = arith.muli %scan3A_173, %mul3A_548 : i32
        %add3A_550 = arith.constant 10 : i32
        %add3A_551 = arith.addi %mul3A_549, %add3A_550 : i32
        %shift_right_arithmetic3A_552 = arith.constant 3 : i32
        %shift_right_arithmetic3A_553 = arith.shrsi %add3A_551, %shift_right_arithmetic3A_552 : i32
        %and3A_554 = arith.constant 7 : i32
        %and3A_555 = arith.andi %add3A_551, %and3A_554 : i32
        %mul3A_556 = arith.constant 16 : i32
        %mul3A_557 = arith.muli %and3A_555, %mul3A_556 : i32
        %get3A_558 = arith.index_cast %shift_right_arithmetic3A_553 : i32 to index
        %get3A_559 = arith.index_cast %mul3A_557 : i32 to index
        %get3A_560 = tpu.vector_load %arg7[%get3A_558, %get3A_559] {strides = array<i32>} : memref<128x128xi32, #tpu.memory_space<vmem>>, vector<1x16xi32>,
        %get3A_561 = vector.shape_cast %get3A_560 : vector<1x16xi32> to vector<16xi32>
        %slice3A_562 = vector.extract_strided_slice %get3A_179 {offsets = [10], sizes = [1], strides = [1]} : vector<16xi32> to vector<1xi32>
        %squeeze3A_563 = vector.extract %slice3A_562[0] : i32 from vector<1xi32>
        %add3A_564 = vector.broadcast %squeeze3A_563 : i32 to vector<16xi32>
        %add3A_565 = arith.addi %get3A_561, %add3A_564 : vector<16xi32>
        %mul3A_566 = arith.constant 16 : i32
        %mul3A_567 = arith.muli %add3A_551, %mul3A_566 : i32
        %add3A_568 = arith.addi %multiple_of3A, %mul3A_567 : i32
        %add3A_569 = vector.broadcast %add3A_568 : i32 to vector<16xi32>
        %add3A_570 = arith.addi %add3A_569, %iota3A : vector<16xi32>
        %lt3A_571 = vector.broadcast %select_n3A : i32 to vector<16xi32>
        %lt3A_572 = arith.cmpi slt, %add3A_570, %lt3A_571 : vector<16xi32>
        %broadcast_in_dim3A_573 = arith.constant 512 : i32
        %broadcast_in_dim3A_574 = vector.broadcast %broadcast_in_dim3A_573 : i32 to vector<16xi32>
        %select_n3A_575 = arith.select %lt3A_572, %broadcast_in_dim3A_574, %add3A_565 : vector<16xi1>, vector<16xi32>
        %add3A_576 = vector.broadcast %mul3A_2 : i32 to vector<16xi32>
        %add3A_577 = arith.addi %select_n3A_575, %add3A_576 : vector<16xi32>
        %mul3A_578 = arith.constant 16 : i32
        %mul3A_579 = arith.muli %and3A_555, %mul3A_578 : i32
        %swap3A_580 = arith.index_cast %shift_right_arithmetic3A_553 : i32 to index
        %swap3A_581 = arith.index_cast %mul3A_579 : i32 to index
        %swap3A_582 = tpu.vector_load %arg7[%swap3A_580, %swap3A_581] {strides = array<i32>} : memref<128x128xi32, #tpu.memory_space<vmem>>, vector<1x16xi32>,
        %swap3A_583 = vector.shape_cast %swap3A_582 : vector<1x16xi32> to vector<16xi32>
        %swap3A_584 = vector.shape_cast %add3A_577 : vector<16xi32> to vector<1x16xi32>
        tpu.vector_store %arg7[%swap3A_580, %swap3A_581], %swap3A_584 {strides = array<i32>} : memref<128x128xi32, #tpu.memory_space<vmem>>, vector<1x16xi32>,
        %mul3A_585 = arith.constant 16 : i32
        %mul3A_586 = arith.muli %scan3A_173, %mul3A_585 : i32
        %add3A_587 = arith.constant 11 : i32
        %add3A_588 = arith.addi %mul3A_586, %add3A_587 : i32
        %shift_right_arithmetic3A_589 = arith.constant 3 : i32
        %shift_right_arithmetic3A_590 = arith.shrsi %add3A_588, %shift_right_arithmetic3A_589 : i32
        %and3A_591 = arith.constant 7 : i32
        %and3A_592 = arith.andi %add3A_588, %and3A_591 : i32
        %mul3A_593 = arith.constant 16 : i32
        %mul3A_594 = arith.muli %and3A_592, %mul3A_593 : i32
        %get3A_595 = arith.index_cast %shift_right_arithmetic3A_590 : i32 to index
        %get3A_596 = arith.index_cast %mul3A_594 : i32 to index
        %get3A_597 = tpu.vector_load %arg7[%get3A_595, %get3A_596] {strides = array<i32>} : memref<128x128xi32, #tpu.memory_space<vmem>>, vector<1x16xi32>,
        %get3A_598 = vector.shape_cast %get3A_597 : vector<1x16xi32> to vector<16xi32>
        %slice3A_599 = vector.extract_strided_slice %get3A_179 {offsets = [11], sizes = [1], strides = [1]} : vector<16xi32> to vector<1xi32>
        %squeeze3A_600 = vector.extract %slice3A_599[0] : i32 from vector<1xi32>
        %add3A_601 = vector.broadcast %squeeze3A_600 : i32 to vector<16xi32>
        %add3A_602 = arith.addi %get3A_598, %add3A_601 : vector<16xi32>
        %mul3A_603 = arith.constant 16 : i32
        %mul3A_604 = arith.muli %add3A_588, %mul3A_603 : i32
        %add3A_605 = arith.addi %multiple_of3A, %mul3A_604 : i32
        %add3A_606 = vector.broadcast %add3A_605 : i32 to vector<16xi32>
        %add3A_607 = arith.addi %add3A_606, %iota3A : vector<16xi32>
        %lt3A_608 = vector.broadcast %select_n3A : i32 to vector<16xi32>
        %lt3A_609 = arith.cmpi slt, %add3A_607, %lt3A_608 : vector<16xi32>
        %broadcast_in_dim3A_610 = arith.constant 512 : i32
        %broadcast_in_dim3A_611 = vector.broadcast %broadcast_in_dim3A_610 : i32 to vector<16xi32>
        %select_n3A_612 = arith.select %lt3A_609, %broadcast_in_dim3A_611, %add3A_602 : vector<16xi1>, vector<16xi32>
        %add3A_613 = vector.broadcast %mul3A_2 : i32 to vector<16xi32>
        %add3A_614 = arith.addi %select_n3A_612, %add3A_613 : vector<16xi32>
        %mul3A_615 = arith.constant 16 : i32
        %mul3A_616 = arith.muli %and3A_592, %mul3A_615 : i32
        %swap3A_617 = arith.index_cast %shift_right_arithmetic3A_590 : i32 to index
        %swap3A_618 = arith.index_cast %mul3A_616 : i32 to index
        %swap3A_619 = tpu.vector_load %arg7[%swap3A_617, %swap3A_618] {strides = array<i32>} : memref<128x128xi32, #tpu.memory_space<vmem>>, vector<1x16xi32>,
        %swap3A_620 = vector.shape_cast %swap3A_619 : vector<1x16xi32> to vector<16xi32>
        %swap3A_621 = vector.shape_cast %add3A_614 : vector<16xi32> to vector<1x16xi32>
        tpu.vector_store %arg7[%swap3A_617, %swap3A_618], %swap3A_621 {strides = array<i32>} : memref<128x128xi32, #tpu.memory_space<vmem>>, vector<1x16xi32>,
        %mul3A_622 = arith.constant 16 : i32
        %mul3A_623 = arith.muli %scan3A_173, %mul3A_622 : i32
        %add3A_624 = arith.constant 12 : i32
        %add3A_625 = arith.addi %mul3A_623, %add3A_624 : i32
        %shift_right_arithmetic3A_626 = arith.constant 3 : i32
        %shift_right_arithmetic3A_627 = arith.shrsi %add3A_625, %shift_right_arithmetic3A_626 : i32
        %and3A_628 = arith.constant 7 : i32
        %and3A_629 = arith.andi %add3A_625, %and3A_628 : i32
        %mul3A_630 = arith.constant 16 : i32
        %mul3A_631 = arith.muli %and3A_629, %mul3A_630 : i32
        %get3A_632 = arith.index_cast %shift_right_arithmetic3A_627 : i32 to index
        %get3A_633 = arith.index_cast %mul3A_631 : i32 to index
        %get3A_634 = tpu.vector_load %arg7[%get3A_632, %get3A_633] {strides = array<i32>} : memref<128x128xi32, #tpu.memory_space<vmem>>, vector<1x16xi32>,
        %get3A_635 = vector.shape_cast %get3A_634 : vector<1x16xi32> to vector<16xi32>
        %slice3A_636 = vector.extract_strided_slice %get3A_179 {offsets = [12], sizes = [1], strides = [1]} : vector<16xi32> to vector<1xi32>
        %squeeze3A_637 = vector.extract %slice3A_636[0] : i32 from vector<1xi32>
        %add3A_638 = vector.broadcast %squeeze3A_637 : i32 to vector<16xi32>
        %add3A_639 = arith.addi %get3A_635, %add3A_638 : vector<16xi32>
        %mul3A_640 = arith.constant 16 : i32
        %mul3A_641 = arith.muli %add3A_625, %mul3A_640 : i32
        %add3A_642 = arith.addi %multiple_of3A, %mul3A_641 : i32
        %add3A_643 = vector.broadcast %add3A_642 : i32 to vector<16xi32>
        %add3A_644 = arith.addi %add3A_643, %iota3A : vector<16xi32>
        %lt3A_645 = vector.broadcast %select_n3A : i32 to vector<16xi32>
        %lt3A_646 = arith.cmpi slt, %add3A_644, %lt3A_645 : vector<16xi32>
        %broadcast_in_dim3A_647 = arith.constant 512 : i32
        %broadcast_in_dim3A_648 = vector.broadcast %broadcast_in_dim3A_647 : i32 to vector<16xi32>
        %select_n3A_649 = arith.select %lt3A_646, %broadcast_in_dim3A_648, %add3A_639 : vector<16xi1>, vector<16xi32>
        %add3A_650 = vector.broadcast %mul3A_2 : i32 to vector<16xi32>
        %add3A_651 = arith.addi %select_n3A_649, %add3A_650 : vector<16xi32>
        %mul3A_652 = arith.constant 16 : i32
        %mul3A_653 = arith.muli %and3A_629, %mul3A_652 : i32
        %swap3A_654 = arith.index_cast %shift_right_arithmetic3A_627 : i32 to index
        %swap3A_655 = arith.index_cast %mul3A_653 : i32 to index
        %swap3A_656 = tpu.vector_load %arg7[%swap3A_654, %swap3A_655] {strides = array<i32>} : memref<128x128xi32, #tpu.memory_space<vmem>>, vector<1x16xi32>,
        %swap3A_657 = vector.shape_cast %swap3A_656 : vector<1x16xi32> to vector<16xi32>
        %swap3A_658 = vector.shape_cast %add3A_651 : vector<16xi32> to vector<1x16xi32>
        tpu.vector_store %arg7[%swap3A_654, %swap3A_655], %swap3A_658 {strides = array<i32>} : memref<128x128xi32, #tpu.memory_space<vmem>>, vector<1x16xi32>,
        %mul3A_659 = arith.constant 16 : i32
        %mul3A_660 = arith.muli %scan3A_173, %mul3A_659 : i32
        %add3A_661 = arith.constant 13 : i32
        %add3A_662 = arith.addi %mul3A_660, %add3A_661 : i32
        %shift_right_arithmetic3A_663 = arith.constant 3 : i32
        %shift_right_arithmetic3A_664 = arith.shrsi %add3A_662, %shift_right_arithmetic3A_663 : i32
        %and3A_665 = arith.constant 7 : i32
        %and3A_666 = arith.andi %add3A_662, %and3A_665 : i32
        %mul3A_667 = arith.constant 16 : i32
        %mul3A_668 = arith.muli %and3A_666, %mul3A_667 : i32
        %get3A_669 = arith.index_cast %shift_right_arithmetic3A_664 : i32 to index
        %get3A_670 = arith.index_cast %mul3A_668 : i32 to index
        %get3A_671 = tpu.vector_load %arg7[%get3A_669, %get3A_670] {strides = array<i32>} : memref<128x128xi32, #tpu.memory_space<vmem>>, vector<1x16xi32>,
        %get3A_672 = vector.shape_cast %get3A_671 : vector<1x16xi32> to vector<16xi32>
        %slice3A_673 = vector.extract_strided_slice %get3A_179 {offsets = [13], sizes = [1], strides = [1]} : vector<16xi32> to vector<1xi32>
        %squeeze3A_674 = vector.extract %slice3A_673[0] : i32 from vector<1xi32>
        %add3A_675 = vector.broadcast %squeeze3A_674 : i32 to vector<16xi32>
        %add3A_676 = arith.addi %get3A_672, %add3A_675 : vector<16xi32>
        %mul3A_677 = arith.constant 16 : i32
        %mul3A_678 = arith.muli %add3A_662, %mul3A_677 : i32
        %add3A_679 = arith.addi %multiple_of3A, %mul3A_678 : i32
        %add3A_680 = vector.broadcast %add3A_679 : i32 to vector<16xi32>
        %add3A_681 = arith.addi %add3A_680, %iota3A : vector<16xi32>
        %lt3A_682 = vector.broadcast %select_n3A : i32 to vector<16xi32>
        %lt3A_683 = arith.cmpi slt, %add3A_681, %lt3A_682 : vector<16xi32>
        %broadcast_in_dim3A_684 = arith.constant 512 : i32
        %broadcast_in_dim3A_685 = vector.broadcast %broadcast_in_dim3A_684 : i32 to vector<16xi32>
        %select_n3A_686 = arith.select %lt3A_683, %broadcast_in_dim3A_685, %add3A_676 : vector<16xi1>, vector<16xi32>
        %add3A_687 = vector.broadcast %mul3A_2 : i32 to vector<16xi32>
        %add3A_688 = arith.addi %select_n3A_686, %add3A_687 : vector<16xi32>
        %mul3A_689 = arith.constant 16 : i32
        %mul3A_690 = arith.muli %and3A_666, %mul3A_689 : i32
        %swap3A_691 = arith.index_cast %shift_right_arithmetic3A_664 : i32 to index
        %swap3A_692 = arith.index_cast %mul3A_690 : i32 to index
        %swap3A_693 = tpu.vector_load %arg7[%swap3A_691, %swap3A_692] {strides = array<i32>} : memref<128x128xi32, #tpu.memory_space<vmem>>, vector<1x16xi32>,
        %swap3A_694 = vector.shape_cast %swap3A_693 : vector<1x16xi32> to vector<16xi32>
        %swap3A_695 = vector.shape_cast %add3A_688 : vector<16xi32> to vector<1x16xi32>
        tpu.vector_store %arg7[%swap3A_691, %swap3A_692], %swap3A_695 {strides = array<i32>} : memref<128x128xi32, #tpu.memory_space<vmem>>, vector<1x16xi32>,
        %mul3A_696 = arith.constant 16 : i32
        %mul3A_697 = arith.muli %scan3A_173, %mul3A_696 : i32
        %add3A_698 = arith.constant 14 : i32
        %add3A_699 = arith.addi %mul3A_697, %add3A_698 : i32
        %shift_right_arithmetic3A_700 = arith.constant 3 : i32
        %shift_right_arithmetic3A_701 = arith.shrsi %add3A_699, %shift_right_arithmetic3A_700 : i32
        %and3A_702 = arith.constant 7 : i32
        %and3A_703 = arith.andi %add3A_699, %and3A_702 : i32
        %mul3A_704 = arith.constant 16 : i32
        %mul3A_705 = arith.muli %and3A_703, %mul3A_704 : i32
        %get3A_706 = arith.index_cast %shift_right_arithmetic3A_701 : i32 to index
        %get3A_707 = arith.index_cast %mul3A_705 : i32 to index
        %get3A_708 = tpu.vector_load %arg7[%get3A_706, %get3A_707] {strides = array<i32>} : memref<128x128xi32, #tpu.memory_space<vmem>>, vector<1x16xi32>,
        %get3A_709 = vector.shape_cast %get3A_708 : vector<1x16xi32> to vector<16xi32>
        %slice3A_710 = vector.extract_strided_slice %get3A_179 {offsets = [14], sizes = [1], strides = [1]} : vector<16xi32> to vector<1xi32>
        %squeeze3A_711 = vector.extract %slice3A_710[0] : i32 from vector<1xi32>
        %add3A_712 = vector.broadcast %squeeze3A_711 : i32 to vector<16xi32>
        %add3A_713 = arith.addi %get3A_709, %add3A_712 : vector<16xi32>
        %mul3A_714 = arith.constant 16 : i32
        %mul3A_715 = arith.muli %add3A_699, %mul3A_714 : i32
        %add3A_716 = arith.addi %multiple_of3A, %mul3A_715 : i32
        %add3A_717 = vector.broadcast %add3A_716 : i32 to vector<16xi32>
        %add3A_718 = arith.addi %add3A_717, %iota3A : vector<16xi32>
        %lt3A_719 = vector.broadcast %select_n3A : i32 to vector<16xi32>
        %lt3A_720 = arith.cmpi slt, %add3A_718, %lt3A_719 : vector<16xi32>
        %broadcast_in_dim3A_721 = arith.constant 512 : i32
        %broadcast_in_dim3A_722 = vector.broadcast %broadcast_in_dim3A_721 : i32 to vector<16xi32>
        %select_n3A_723 = arith.select %lt3A_720, %broadcast_in_dim3A_722, %add3A_713 : vector<16xi1>, vector<16xi32>
        %add3A_724 = vector.broadcast %mul3A_2 : i32 to vector<16xi32>
        %add3A_725 = arith.addi %select_n3A_723, %add3A_724 : vector<16xi32>
        %mul3A_726 = arith.constant 16 : i32
        %mul3A_727 = arith.muli %and3A_703, %mul3A_726 : i32
        %swap3A_728 = arith.index_cast %shift_right_arithmetic3A_701 : i32 to index
        %swap3A_729 = arith.index_cast %mul3A_727 : i32 to index
        %swap3A_730 = tpu.vector_load %arg7[%swap3A_728, %swap3A_729] {strides = array<i32>} : memref<128x128xi32, #tpu.memory_space<vmem>>, vector<1x16xi32>,
        %swap3A_731 = vector.shape_cast %swap3A_730 : vector<1x16xi32> to vector<16xi32>
        %swap3A_732 = vector.shape_cast %add3A_725 : vector<16xi32> to vector<1x16xi32>
        tpu.vector_store %arg7[%swap3A_728, %swap3A_729], %swap3A_732 {strides = array<i32>} : memref<128x128xi32, #tpu.memory_space<vmem>>, vector<1x16xi32>,
        %mul3A_733 = arith.constant 16 : i32
        %mul3A_734 = arith.muli %scan3A_173, %mul3A_733 : i32
        %add3A_735 = arith.constant 15 : i32
        %add3A_736 = arith.addi %mul3A_734, %add3A_735 : i32
        %shift_right_arithmetic3A_737 = arith.constant 3 : i32
        %shift_right_arithmetic3A_738 = arith.shrsi %add3A_736, %shift_right_arithmetic3A_737 : i32
        %and3A_739 = arith.constant 7 : i32
        %and3A_740 = arith.andi %add3A_736, %and3A_739 : i32
        %mul3A_741 = arith.constant 16 : i32
        %mul3A_742 = arith.muli %and3A_740, %mul3A_741 : i32
        %get3A_743 = arith.index_cast %shift_right_arithmetic3A_738 : i32 to index
        %get3A_744 = arith.index_cast %mul3A_742 : i32 to index
        %get3A_745 = tpu.vector_load %arg7[%get3A_743, %get3A_744] {strides = array<i32>} : memref<128x128xi32, #tpu.memory_space<vmem>>, vector<1x16xi32>,
        %get3A_746 = vector.shape_cast %get3A_745 : vector<1x16xi32> to vector<16xi32>
        %slice3A_747 = vector.extract_strided_slice %get3A_179 {offsets = [15], sizes = [1], strides = [1]} : vector<16xi32> to vector<1xi32>
        %squeeze3A_748 = vector.extract %slice3A_747[0] : i32 from vector<1xi32>
        %add3A_749 = vector.broadcast %squeeze3A_748 : i32 to vector<16xi32>
        %add3A_750 = arith.addi %get3A_746, %add3A_749 : vector<16xi32>
        %mul3A_751 = arith.constant 16 : i32
        %mul3A_752 = arith.muli %add3A_736, %mul3A_751 : i32
        %add3A_753 = arith.addi %multiple_of3A, %mul3A_752 : i32
        %add3A_754 = vector.broadcast %add3A_753 : i32 to vector<16xi32>
        %add3A_755 = arith.addi %add3A_754, %iota3A : vector<16xi32>
        %lt3A_756 = vector.broadcast %select_n3A : i32 to vector<16xi32>
        %lt3A_757 = arith.cmpi slt, %add3A_755, %lt3A_756 : vector<16xi32>
        %broadcast_in_dim3A_758 = arith.constant 512 : i32
        %broadcast_in_dim3A_759 = vector.broadcast %broadcast_in_dim3A_758 : i32 to vector<16xi32>
        %select_n3A_760 = arith.select %lt3A_757, %broadcast_in_dim3A_759, %add3A_750 : vector<16xi1>, vector<16xi32>
        %add3A_761 = vector.broadcast %mul3A_2 : i32 to vector<16xi32>
        %add3A_762 = arith.addi %select_n3A_760, %add3A_761 : vector<16xi32>
        %mul3A_763 = arith.constant 16 : i32
        %mul3A_764 = arith.muli %and3A_740, %mul3A_763 : i32
        %swap3A_765 = arith.index_cast %shift_right_arithmetic3A_738 : i32 to index
        %swap3A_766 = arith.index_cast %mul3A_764 : i32 to index
        %swap3A_767 = tpu.vector_load %arg7[%swap3A_765, %swap3A_766] {strides = array<i32>} : memref<128x128xi32, #tpu.memory_space<vmem>>, vector<1x16xi32>,
        %swap3A_768 = vector.shape_cast %swap3A_767 : vector<1x16xi32> to vector<16xi32>
        %swap3A_769 = vector.shape_cast %add3A_762 : vector<16xi32> to vector<1x16xi32>
        tpu.vector_store %arg7[%swap3A_765, %swap3A_766], %swap3A_769 {strides = array<i32>} : memref<128x128xi32, #tpu.memory_space<vmem>>, vector<1x16xi32>,
        %scan3A_770 = arith.constant 0 : i32
        scf.yield %scan3A_770 : i32
      }
      %scan3A_109 = arith.constant 64 : i32
      %sub3A_110 = arith.subi %select_n3A_41, %multiple_of3A : i32
      %add3A_111 = arith.constant 127 : i32
      %add3A_112 = arith.addi %sub3A_110, %add3A_111 : i32
      %shift_right_arithmetic3A_113 = arith.constant 7 : i32
      %shift_right_arithmetic3A_114 = arith.shrsi %add3A_112, %shift_right_arithmetic3A_113 : i32
      %jit3A_115 = arith.constant 0 : i32
      %jit3A_116 = arith.constant 128 : i32
      %max3A_117 = arith.maxsi %jit3A_115, %shift_right_arithmetic3A_114 : i32
      %min3A = arith.minsi %jit3A_116, %max3A_117 : i32
      %shift_right_arithmetic3A_118 = arith.constant 1 : i32
      %shift_right_arithmetic3A_119 = arith.shrsi %min3A, %shift_right_arithmetic3A_118 : i32
      %dma_start3A = arith.constant 0 : i32
      %dma_start3A_120 = arith.constant 0 : i32
      %dma_start3A_121 = arith.constant 0 : i32
      %dma_start3A_122 = tpu.memref_slice %arg11[%dma_start3A, %dma_start3A_120, %dma_start3A_121] : memref<2x128x64xf32, #tpu.memory_space<vmem>> -> memref<1x128x64xf32, #tpu.memory_space<vmem>>
      %dma_start3A_123 = tpu.memref_squeeze %dma_start3A_122 : memref<1x128x64xf32, #tpu.memory_space<vmem>> -> memref<128x64xf32, #tpu.memory_space<vmem>>
      %dma_start3A_124 = arith.constant 0 : i32
      %dma_start3A_125 = tpu.memref_slice %arg6[%dma_start3A_124] : memref<16384xi32, #tpu.memory_space<vmem>> -> memref<128xi32, #tpu.memory_space<vmem>>
      %dma_start3A_126 = arith.constant 0 : i32
      %dma_start3A_127 = arith.constant 0 : i32
      %dma_start3A_128 = tpu.memref_slice %arg2[%dma_start3A_126, %dma_start3A_127] : memref<1015808x64xf32, #tpu.memory_space<hbm>> -> memref<1015808x64xf32, #tpu.memory_space<hbm>>
      tpu.enqueue_indirect_dma source(%dma_start3A_128 : memref<1015808x64xf32, #tpu.memory_space<hbm>>) target(%dma_start3A_123 : memref<128x64xf32, #tpu.memory_space<vmem>>) offsets(%dma_start3A_125 : memref<128xi32, #tpu.memory_space<vmem>>) semaphore(%arg13 : memref<!tpu.dma_semaphore, #tpu.memory_space<semaphore_mem>>)
      %while3A_129 = arith.constant 0 : i32
      %while3A_130 = arith.constant 0 : i32
      %while3A_131 = arith.subi %shift_right_arithmetic3A_119, %while3A_129 : i32
      %while3A_132 = arith.addi %while3A_129, %while3A_131 : i32
      %while3A_133 = arith.constant 1 : i32
      %while3A_134 = arith.divsi %while3A_131, %while3A_133 : i32
      %while3A_135 = arith.muli %while3A_134, %while3A_133 : i32
      %while3A_136 = arith.addi %while3A_129, %while3A_135 : i32
      %while3A_137 = arith.constant 1 : i32
      %while3A_138 = scf.for %while3A_173 = %while3A_129 to %while3A_136 step %while3A_137 iter_args(%while3A_174 = %while3A_130) -> (i32)  : i32 {
        %mul3A_175 = arith.constant 2 : i32
        %mul3A_176 = arith.muli %while3A_173, %mul3A_175 : i32
        %add3A_177 = arith.constant 1 : i32
        %add3A_178 = arith.addi %mul3A_176, %add3A_177 : i32
        %mul3A_179 = arith.constant 128 : i32
        %mul3A_180 = arith.muli %add3A_178, %mul3A_179 : i32
        %dma_start3A_181 = arith.constant 1 : i32
        %dma_start3A_182 = arith.constant 0 : i32
        %dma_start3A_183 = arith.constant 0 : i32
        %dma_start3A_184 = tpu.memref_slice %arg11[%dma_start3A_181, %dma_start3A_182, %dma_start3A_183] : memref<2x128x64xf32, #tpu.memory_space<vmem>> -> memref<1x128x64xf32, #tpu.memory_space<vmem>>
        %dma_start3A_185 = tpu.memref_squeeze %dma_start3A_184 : memref<1x128x64xf32, #tpu.memory_space<vmem>> -> memref<128x64xf32, #tpu.memory_space<vmem>>
        %dma_start3A_186 = tpu.memref_slice %arg6[%mul3A_180] : memref<16384xi32, #tpu.memory_space<vmem>> -> memref<128xi32, #tpu.memory_space<vmem>>
        %dma_start3A_187 = arith.constant 0 : i32
        %dma_start3A_188 = arith.constant 0 : i32
        %dma_start3A_189 = tpu.memref_slice %arg2[%dma_start3A_187, %dma_start3A_188] : memref<1015808x64xf32, #tpu.memory_space<hbm>> -> memref<1015808x64xf32, #tpu.memory_space<hbm>>
        tpu.enqueue_indirect_dma source(%dma_start3A_189 : memref<1015808x64xf32, #tpu.memory_space<hbm>>) target(%dma_start3A_185 : memref<128x64xf32, #tpu.memory_space<vmem>>) offsets(%dma_start3A_186 : memref<128xi32, #tpu.memory_space<vmem>>) semaphore(%arg14 : memref<!tpu.dma_semaphore, #tpu.memory_space<semaphore_mem>>)
        %dma_wait3A = arith.constant 0 : i32
        %dma_wait3A_190 = arith.constant 0 : i32
        %dma_wait3A_191 = arith.constant 0 : i32
        %dma_wait3A_192 = tpu.memref_slice %arg11[%dma_wait3A, %dma_wait3A_190, %dma_wait3A_191] : memref<2x128x64xf32, #tpu.memory_space<vmem>> -> memref<1x128x64xf32, #tpu.memory_space<vmem>>
        %dma_wait3A_193 = tpu.memref_squeeze %dma_wait3A_192 : memref<1x128x64xf32, #tpu.memory_space<vmem>> -> memref<128x64xf32, #tpu.memory_space<vmem>>
        %dma_wait3A_194 = arith.constant 0 : i32
        %dma_wait3A_195 = tpu.memref_slice %arg6[%dma_wait3A_194] : memref<16384xi32, #tpu.memory_space<vmem>> -> memref<128xi32, #tpu.memory_space<vmem>>
        %dma_wait3A_196 = arith.constant 0 : i32
        %dma_wait3A_197 = arith.constant 0 : i32
        %dma_wait3A_198 = tpu.memref_slice %arg2[%dma_wait3A_196, %dma_wait3A_197] : memref<1015808x64xf32, #tpu.memory_space<hbm>> -> memref<1015808x64xf32, #tpu.memory_space<hbm>>
        tpu.wait_indirect_dma semaphore(%arg13 : memref<!tpu.dma_semaphore, #tpu.memory_space<semaphore_mem>>) src(%dma_wait3A_198 : memref<1015808x64xf32, #tpu.memory_space<hbm>>) dst(%dma_wait3A_193 : memref<128x64xf32, #tpu.memory_space<vmem>>)
        %run_scoped3A_199 = arith.constant 0 : i32
        "tpu.region"() ({
          %run_scoped3A_230 = tpu.sem_alloc : memref<!tpu.dma_semaphore, #tpu.memory_space<semaphore_mem>>
          %dma_start3A_231 = arith.constant 0 : i32
          %dma_start3A_232 = arith.constant 0 : i32
          %dma_start3A_233 = tpu.memref_slice %arg11[%run_scoped3A_199, %dma_start3A_231, %dma_start3A_232] : memref<2x128x64xf32, #tpu.memory_space<vmem>> -> memref<1x128x64xf32, #tpu.memory_space<vmem>>
          %dma_start3A_234 = tpu.memref_squeeze %dma_start3A_233 : memref<1x128x64xf32, #tpu.memory_space<vmem>> -> memref<128x64xf32, #tpu.memory_space<vmem>>
          %dma_start3A_235 = arith.constant 0 : i32
          %dma_start3A_236 = tpu.memref_slice %arg7[%mul3A_176, %dma_start3A_235] : memref<128x128xi32, #tpu.memory_space<vmem>> -> memref<1x128xi32, #tpu.memory_space<vmem>>
          %dma_start3A_237 = tpu.memref_squeeze %dma_start3A_236 : memref<1x128xi32, #tpu.memory_space<vmem>> -> memref<128xi32, #tpu.memory_space<vmem>>
          %dma_start3A_238 = arith.constant 0 : i32
          %dma_start3A_239 = arith.constant 0 : i32
          %dma_start3A_240 = tpu.memref_slice %arg12[%dma_start3A_238, %dma_start3A_239] : memref<8320x64xf32, #tpu.memory_space<vmem_shared>> -> memref<8320x64xf32, #tpu.memory_space<vmem_shared>>
          tpu.enqueue_indirect_dma source(%dma_start3A_234 : memref<128x64xf32, #tpu.memory_space<vmem>>) target(%dma_start3A_240 : memref<8320x64xf32, #tpu.memory_space<vmem_shared>>) offsets(%dma_start3A_237 : memref<128xi32, #tpu.memory_space<vmem>>) semaphore(%run_scoped3A_230 : memref<!tpu.dma_semaphore, #tpu.memory_space<semaphore_mem>>) {add = true}
          %dma_wait3A_241 = arith.constant 0 : i32
          %dma_wait3A_242 = arith.constant 0 : i32
          %dma_wait3A_243 = tpu.memref_slice %arg11[%run_scoped3A_199, %dma_wait3A_241, %dma_wait3A_242] : memref<2x128x64xf32, #tpu.memory_space<vmem>> -> memref<1x128x64xf32, #tpu.memory_space<vmem>>
          %dma_wait3A_244 = tpu.memref_squeeze %dma_wait3A_243 : memref<1x128x64xf32, #tpu.memory_space<vmem>> -> memref<128x64xf32, #tpu.memory_space<vmem>>
          %dma_wait3A_245 = arith.constant 0 : i32
          %dma_wait3A_246 = tpu.memref_slice %arg7[%mul3A_176, %dma_wait3A_245] : memref<128x128xi32, #tpu.memory_space<vmem>> -> memref<1x128xi32, #tpu.memory_space<vmem>>
          %dma_wait3A_247 = tpu.memref_squeeze %dma_wait3A_246 : memref<1x128xi32, #tpu.memory_space<vmem>> -> memref<128xi32, #tpu.memory_space<vmem>>
          %dma_wait3A_248 = arith.constant 0 : i32
          %dma_wait3A_249 = arith.constant 0 : i32
          %dma_wait3A_250 = tpu.memref_slice %arg12[%dma_wait3A_248, %dma_wait3A_249] : memref<8320x64xf32, #tpu.memory_space<vmem_shared>> -> memref<8320x64xf32, #tpu.memory_space<vmem_shared>>
          tpu.wait_indirect_dma semaphore(%run_scoped3A_230 : memref<!tpu.dma_semaphore, #tpu.memory_space<semaphore_mem>>) src(%dma_wait3A_244 : memref<128x64xf32, #tpu.memory_space<vmem>>) dst(%dma_wait3A_250 : memref<8320x64xf32, #tpu.memory_space<vmem_shared>>)
          tpu.yield
        }) : () -> ()
        %add3A_200 = arith.constant 2 : i32
        %add3A_201 = arith.addi %mul3A_176, %add3A_200 : i32
        %sub3A_202 = arith.constant 1 : i32
        %sub3A_203 = arith.subi %min3A, %sub3A_202 : i32
        %min3A_204 = arith.minsi %add3A_201, %sub3A_203 : i32
        %mul3A_205 = arith.constant 128 : i32
        %mul3A_206 = arith.muli %min3A_204, %mul3A_205 : i32
        %dma_start3A_207 = arith.constant 0 : i32
        %dma_start3A_208 = arith.constant 0 : i32
        %dma_start3A_209 = arith.constant 0 : i32
        %dma_start3A_210 = tpu.memref_slice %arg11[%dma_start3A_207, %dma_start3A_208, %dma_start3A_209] : memref<2x128x64xf32, #tpu.memory_space<vmem>> -> memref<1x128x64xf32, #tpu.memory_space<vmem>>
        %dma_start3A_211 = tpu.memref_squeeze %dma_start3A_210 : memref<1x128x64xf32, #tpu.memory_space<vmem>> -> memref<128x64xf32, #tpu.memory_space<vmem>>
        %dma_start3A_212 = tpu.memref_slice %arg6[%mul3A_206] : memref<16384xi32, #tpu.memory_space<vmem>> -> memref<128xi32, #tpu.memory_space<vmem>>
        %dma_start3A_213 = arith.constant 0 : i32
        %dma_start3A_214 = arith.constant 0 : i32
        %dma_start3A_215 = tpu.memref_slice %arg2[%dma_start3A_213, %dma_start3A_214] : memref<1015808x64xf32, #tpu.memory_space<hbm>> -> memref<1015808x64xf32, #tpu.memory_space<hbm>>
        tpu.enqueue_indirect_dma source(%dma_start3A_215 : memref<1015808x64xf32, #tpu.memory_space<hbm>>) target(%dma_start3A_211 : memref<128x64xf32, #tpu.memory_space<vmem>>) offsets(%dma_start3A_212 : memref<128xi32, #tpu.memory_space<vmem>>) semaphore(%arg13 : memref<!tpu.dma_semaphore, #tpu.memory_space<semaphore_mem>>)
        %dma_wait3A_216 = arith.constant 1 : i32
        %dma_wait3A_217 = arith.constant 0 : i32
        %dma_wait3A_218 = arith.constant 0 : i32
        %dma_wait3A_219 = tpu.memref_slice %arg11[%dma_wait3A_216, %dma_wait3A_217, %dma_wait3A_218] : memref<2x128x64xf32, #tpu.memory_space<vmem>> -> memref<1x128x64xf32, #tpu.memory_space<vmem>>
        %dma_wait3A_220 = tpu.memref_squeeze %dma_wait3A_219 : memref<1x128x64xf32, #tpu.memory_space<vmem>> -> memref<128x64xf32, #tpu.memory_space<vmem>>
        %dma_wait3A_221 = arith.constant 0 : i32
        %dma_wait3A_222 = tpu.memref_slice %arg6[%dma_wait3A_221] : memref<16384xi32, #tpu.memory_space<vmem>> -> memref<128xi32, #tpu.memory_space<vmem>>
        %dma_wait3A_223 = arith.constant 0 : i32
        %dma_wait3A_224 = arith.constant 0 : i32
        %dma_wait3A_225 = tpu.memref_slice %arg2[%dma_wait3A_223, %dma_wait3A_224] : memref<1015808x64xf32, #tpu.memory_space<hbm>> -> memref<1015808x64xf32, #tpu.memory_space<hbm>>
        tpu.wait_indirect_dma semaphore(%arg14 : memref<!tpu.dma_semaphore, #tpu.memory_space<semaphore_mem>>) src(%dma_wait3A_225 : memref<1015808x64xf32, #tpu.memory_space<hbm>>) dst(%dma_wait3A_220 : memref<128x64xf32, #tpu.memory_space<vmem>>)
        %add3A_226 = arith.constant 1 : i32
        %add3A_227 = arith.addi %mul3A_176, %add3A_226 : i32
        %run_scoped3A_228 = arith.constant 1 : i32
        "tpu.region"() ({
          %run_scoped3A_230 = tpu.sem_alloc : memref<!tpu.dma_semaphore, #tpu.memory_space<semaphore_mem>>
          %dma_start3A_231 = arith.constant 0 : i32
          %dma_start3A_232 = arith.constant 0 : i32
          %dma_start3A_233 = tpu.memref_slice %arg11[%run_scoped3A_228, %dma_start3A_231, %dma_start3A_232] : memref<2x128x64xf32, #tpu.memory_space<vmem>> -> memref<1x128x64xf32, #tpu.memory_space<vmem>>
          %dma_start3A_234 = tpu.memref_squeeze %dma_start3A_233 : memref<1x128x64xf32, #tpu.memory_space<vmem>> -> memref<128x64xf32, #tpu.memory_space<vmem>>
          %dma_start3A_235 = arith.constant 0 : i32
          %dma_start3A_236 = tpu.memref_slice %arg7[%add3A_227, %dma_start3A_235] : memref<128x128xi32, #tpu.memory_space<vmem>> -> memref<1x128xi32, #tpu.memory_space<vmem>>
          %dma_start3A_237 = tpu.memref_squeeze %dma_start3A_236 : memref<1x128xi32, #tpu.memory_space<vmem>> -> memref<128xi32, #tpu.memory_space<vmem>>
          %dma_start3A_238 = arith.constant 0 : i32
          %dma_start3A_239 = arith.constant 0 : i32
          %dma_start3A_240 = tpu.memref_slice %arg12[%dma_start3A_238, %dma_start3A_239] : memref<8320x64xf32, #tpu.memory_space<vmem_shared>> -> memref<8320x64xf32, #tpu.memory_space<vmem_shared>>
          tpu.enqueue_indirect_dma source(%dma_start3A_234 : memref<128x64xf32, #tpu.memory_space<vmem>>) target(%dma_start3A_240 : memref<8320x64xf32, #tpu.memory_space<vmem_shared>>) offsets(%dma_start3A_237 : memref<128xi32, #tpu.memory_space<vmem>>) semaphore(%run_scoped3A_230 : memref<!tpu.dma_semaphore, #tpu.memory_space<semaphore_mem>>) {add = true}
          %dma_wait3A_241 = arith.constant 0 : i32
          %dma_wait3A_242 = arith.constant 0 : i32
          %dma_wait3A_243 = tpu.memref_slice %arg11[%run_scoped3A_228, %dma_wait3A_241, %dma_wait3A_242] : memref<2x128x64xf32, #tpu.memory_space<vmem>> -> memref<1x128x64xf32, #tpu.memory_space<vmem>>
          %dma_wait3A_244 = tpu.memref_squeeze %dma_wait3A_243 : memref<1x128x64xf32, #tpu.memory_space<vmem>> -> memref<128x64xf32, #tpu.memory_space<vmem>>
          %dma_wait3A_245 = arith.constant 0 : i32
          %dma_wait3A_246 = tpu.memref_slice %arg7[%add3A_227, %dma_wait3A_245] : memref<128x128xi32, #tpu.memory_space<vmem>> -> memref<1x128xi32, #tpu.memory_space<vmem>>
          %dma_wait3A_247 = tpu.memref_squeeze %dma_wait3A_246 : memref<1x128xi32, #tpu.memory_space<vmem>> -> memref<128xi32, #tpu.memory_space<vmem>>
          %dma_wait3A_248 = arith.constant 0 : i32
          %dma_wait3A_249 = arith.constant 0 : i32
          %dma_wait3A_250 = tpu.memref_slice %arg12[%dma_wait3A_248, %dma_wait3A_249] : memref<8320x64xf32, #tpu.memory_space<vmem_shared>> -> memref<8320x64xf32, #tpu.memory_space<vmem_shared>>
          tpu.wait_indirect_dma semaphore(%run_scoped3A_230 : memref<!tpu.dma_semaphore, #tpu.memory_space<semaphore_mem>>) src(%dma_wait3A_244 : memref<128x64xf32, #tpu.memory_space<vmem>>) dst(%dma_wait3A_250 : memref<8320x64xf32, #tpu.memory_space<vmem_shared>>)
          tpu.yield
        }) : () -> ()
        %while3A_229 = arith.constant 0 : i32
        scf.yield %while3A_229 : i32
      }
      %while3A_139 = arith.constant 1 : i32
      %while3A_140 = scf.for %while3A_173 = %while3A_136 to %while3A_132 step %while3A_139 iter_args(%while3A_174 = %while3A_138) -> (i32)  : i32 {
        %mul3A_175 = arith.constant 2 : i32
        %mul3A_176 = arith.muli %while3A_173, %mul3A_175 : i32
        %add3A_177 = arith.constant 1 : i32
        %add3A_178 = arith.addi %mul3A_176, %add3A_177 : i32
        %mul3A_179 = arith.constant 128 : i32
        %mul3A_180 = arith.muli %add3A_178, %mul3A_179 : i32
        %dma_start3A_181 = arith.constant 1 : i32
        %dma_start3A_182 = arith.constant 0 : i32
        %dma_start3A_183 = arith.constant 0 : i32
        %dma_start3A_184 = tpu.memref_slice %arg11[%dma_start3A_181, %dma_start3A_182, %dma_start3A_183] : memref<2x128x64xf32, #tpu.memory_space<vmem>> -> memref<1x128x64xf32, #tpu.memory_space<vmem>>
        %dma_start3A_185 = tpu.memref_squeeze %dma_start3A_184 : memref<1x128x64xf32, #tpu.memory_space<vmem>> -> memref<128x64xf32, #tpu.memory_space<vmem>>
        %dma_start3A_186 = tpu.memref_slice %arg6[%mul3A_180] : memref<16384xi32, #tpu.memory_space<vmem>> -> memref<128xi32, #tpu.memory_space<vmem>>
        %dma_start3A_187 = arith.constant 0 : i32
        %dma_start3A_188 = arith.constant 0 : i32
        %dma_start3A_189 = tpu.memref_slice %arg2[%dma_start3A_187, %dma_start3A_188] : memref<1015808x64xf32, #tpu.memory_space<hbm>> -> memref<1015808x64xf32, #tpu.memory_space<hbm>>
        tpu.enqueue_indirect_dma source(%dma_start3A_189 : memref<1015808x64xf32, #tpu.memory_space<hbm>>) target(%dma_start3A_185 : memref<128x64xf32, #tpu.memory_space<vmem>>) offsets(%dma_start3A_186 : memref<128xi32, #tpu.memory_space<vmem>>) semaphore(%arg14 : memref<!tpu.dma_semaphore, #tpu.memory_space<semaphore_mem>>)
        %dma_wait3A = arith.constant 0 : i32
        %dma_wait3A_190 = arith.constant 0 : i32
        %dma_wait3A_191 = arith.constant 0 : i32
        %dma_wait3A_192 = tpu.memref_slice %arg11[%dma_wait3A, %dma_wait3A_190, %dma_wait3A_191] : memref<2x128x64xf32, #tpu.memory_space<vmem>> -> memref<1x128x64xf32, #tpu.memory_space<vmem>>
        %dma_wait3A_193 = tpu.memref_squeeze %dma_wait3A_192 : memref<1x128x64xf32, #tpu.memory_space<vmem>> -> memref<128x64xf32, #tpu.memory_space<vmem>>
        %dma_wait3A_194 = arith.constant 0 : i32
        %dma_wait3A_195 = tpu.memref_slice %arg6[%dma_wait3A_194] : memref<16384xi32, #tpu.memory_space<vmem>> -> memref<128xi32, #tpu.memory_space<vmem>>
        %dma_wait3A_196 = arith.constant 0 : i32
        %dma_wait3A_197 = arith.constant 0 : i32
        %dma_wait3A_198 = tpu.memref_slice %arg2[%dma_wait3A_196, %dma_wait3A_197] : memref<1015808x64xf32, #tpu.memory_space<hbm>> -> memref<1015808x64xf32, #tpu.memory_space<hbm>>
        tpu.wait_indirect_dma semaphore(%arg13 : memref<!tpu.dma_semaphore, #tpu.memory_space<semaphore_mem>>) src(%dma_wait3A_198 : memref<1015808x64xf32, #tpu.memory_space<hbm>>) dst(%dma_wait3A_193 : memref<128x64xf32, #tpu.memory_space<vmem>>)
        %run_scoped3A_199 = arith.constant 0 : i32
        "tpu.region"() ({
          %run_scoped3A_230 = tpu.sem_alloc : memref<!tpu.dma_semaphore, #tpu.memory_space<semaphore_mem>>
          %dma_start3A_231 = arith.constant 0 : i32
          %dma_start3A_232 = arith.constant 0 : i32
          %dma_start3A_233 = tpu.memref_slice %arg11[%run_scoped3A_199, %dma_start3A_231, %dma_start3A_232] : memref<2x128x64xf32, #tpu.memory_space<vmem>> -> memref<1x128x64xf32, #tpu.memory_space<vmem>>
          %dma_start3A_234 = tpu.memref_squeeze %dma_start3A_233 : memref<1x128x64xf32, #tpu.memory_space<vmem>> -> memref<128x64xf32, #tpu.memory_space<vmem>>
          %dma_start3A_235 = arith.constant 0 : i32
          %dma_start3A_236 = tpu.memref_slice %arg7[%mul3A_176, %dma_start3A_235] : memref<128x128xi32, #tpu.memory_space<vmem>> -> memref<1x128xi32, #tpu.memory_space<vmem>>
          %dma_start3A_237 = tpu.memref_squeeze %dma_start3A_236 : memref<1x128xi32, #tpu.memory_space<vmem>> -> memref<128xi32, #tpu.memory_space<vmem>>
          %dma_start3A_238 = arith.constant 0 : i32
          %dma_start3A_239 = arith.constant 0 : i32
          %dma_start3A_240 = tpu.memref_slice %arg12[%dma_start3A_238, %dma_start3A_239] : memref<8320x64xf32, #tpu.memory_space<vmem_shared>> -> memref<8320x64xf32, #tpu.memory_space<vmem_shared>>
          tpu.enqueue_indirect_dma source(%dma_start3A_234 : memref<128x64xf32, #tpu.memory_space<vmem>>) target(%dma_start3A_240 : memref<8320x64xf32, #tpu.memory_space<vmem_shared>>) offsets(%dma_start3A_237 : memref<128xi32, #tpu.memory_space<vmem>>) semaphore(%run_scoped3A_230 : memref<!tpu.dma_semaphore, #tpu.memory_space<semaphore_mem>>) {add = true}
          %dma_wait3A_241 = arith.constant 0 : i32
          %dma_wait3A_242 = arith.constant 0 : i32
          %dma_wait3A_243 = tpu.memref_slice %arg11[%run_scoped3A_199, %dma_wait3A_241, %dma_wait3A_242] : memref<2x128x64xf32, #tpu.memory_space<vmem>> -> memref<1x128x64xf32, #tpu.memory_space<vmem>>
          %dma_wait3A_244 = tpu.memref_squeeze %dma_wait3A_243 : memref<1x128x64xf32, #tpu.memory_space<vmem>> -> memref<128x64xf32, #tpu.memory_space<vmem>>
          %dma_wait3A_245 = arith.constant 0 : i32
          %dma_wait3A_246 = tpu.memref_slice %arg7[%mul3A_176, %dma_wait3A_245] : memref<128x128xi32, #tpu.memory_space<vmem>> -> memref<1x128xi32, #tpu.memory_space<vmem>>
          %dma_wait3A_247 = tpu.memref_squeeze %dma_wait3A_246 : memref<1x128xi32, #tpu.memory_space<vmem>> -> memref<128xi32, #tpu.memory_space<vmem>>
          %dma_wait3A_248 = arith.constant 0 : i32
          %dma_wait3A_249 = arith.constant 0 : i32
          %dma_wait3A_250 = tpu.memref_slice %arg12[%dma_wait3A_248, %dma_wait3A_249] : memref<8320x64xf32, #tpu.memory_space<vmem_shared>> -> memref<8320x64xf32, #tpu.memory_space<vmem_shared>>
          tpu.wait_indirect_dma semaphore(%run_scoped3A_230 : memref<!tpu.dma_semaphore, #tpu.memory_space<semaphore_mem>>) src(%dma_wait3A_244 : memref<128x64xf32, #tpu.memory_space<vmem>>) dst(%dma_wait3A_250 : memref<8320x64xf32, #tpu.memory_space<vmem_shared>>)
          tpu.yield
        }) : () -> ()
        %add3A_200 = arith.constant 2 : i32
        %add3A_201 = arith.addi %mul3A_176, %add3A_200 : i32
        %sub3A_202 = arith.constant 1 : i32
        %sub3A_203 = arith.subi %min3A, %sub3A_202 : i32
        %min3A_204 = arith.minsi %add3A_201, %sub3A_203 : i32
        %mul3A_205 = arith.constant 128 : i32
        %mul3A_206 = arith.muli %min3A_204, %mul3A_205 : i32
        %dma_start3A_207 = arith.constant 0 : i32
        %dma_start3A_208 = arith.constant 0 : i32
        %dma_start3A_209 = arith.constant 0 : i32
        %dma_start3A_210 = tpu.memref_slice %arg11[%dma_start3A_207, %dma_start3A_208, %dma_start3A_209] : memref<2x128x64xf32, #tpu.memory_space<vmem>> -> memref<1x128x64xf32, #tpu.memory_space<vmem>>
        %dma_start3A_211 = tpu.memref_squeeze %dma_start3A_210 : memref<1x128x64xf32, #tpu.memory_space<vmem>> -> memref<128x64xf32, #tpu.memory_space<vmem>>
        %dma_start3A_212 = tpu.memref_slice %arg6[%mul3A_206] : memref<16384xi32, #tpu.memory_space<vmem>> -> memref<128xi32, #tpu.memory_space<vmem>>
        %dma_start3A_213 = arith.constant 0 : i32
        %dma_start3A_214 = arith.constant 0 : i32
        %dma_start3A_215 = tpu.memref_slice %arg2[%dma_start3A_213, %dma_start3A_214] : memref<1015808x64xf32, #tpu.memory_space<hbm>> -> memref<1015808x64xf32, #tpu.memory_space<hbm>>
        tpu.enqueue_indirect_dma source(%dma_start3A_215 : memref<1015808x64xf32, #tpu.memory_space<hbm>>) target(%dma_start3A_211 : memref<128x64xf32, #tpu.memory_space<vmem>>) offsets(%dma_start3A_212 : memref<128xi32, #tpu.memory_space<vmem>>) semaphore(%arg13 : memref<!tpu.dma_semaphore, #tpu.memory_space<semaphore_mem>>)
        %dma_wait3A_216 = arith.constant 1 : i32
        %dma_wait3A_217 = arith.constant 0 : i32
        %dma_wait3A_218 = arith.constant 0 : i32
        %dma_wait3A_219 = tpu.memref_slice %arg11[%dma_wait3A_216, %dma_wait3A_217, %dma_wait3A_218] : memref<2x128x64xf32, #tpu.memory_space<vmem>> -> memref<1x128x64xf32, #tpu.memory_space<vmem>>
        %dma_wait3A_220 = tpu.memref_squeeze %dma_wait3A_219 : memref<1x128x64xf32, #tpu.memory_space<vmem>> -> memref<128x64xf32, #tpu.memory_space<vmem>>
        %dma_wait3A_221 = arith.constant 0 : i32
        %dma_wait3A_222 = tpu.memref_slice %arg6[%dma_wait3A_221] : memref<16384xi32, #tpu.memory_space<vmem>> -> memref<128xi32, #tpu.memory_space<vmem>>
        %dma_wait3A_223 = arith.constant 0 : i32
        %dma_wait3A_224 = arith.constant 0 : i32
        %dma_wait3A_225 = tpu.memref_slice %arg2[%dma_wait3A_223, %dma_wait3A_224] : memref<1015808x64xf32, #tpu.memory_space<hbm>> -> memref<1015808x64xf32, #tpu.memory_space<hbm>>
        tpu.wait_indirect_dma semaphore(%arg14 : memref<!tpu.dma_semaphore, #tpu.memory_space<semaphore_mem>>) src(%dma_wait3A_225 : memref<1015808x64xf32, #tpu.memory_space<hbm>>) dst(%dma_wait3A_220 : memref<128x64xf32, #tpu.memory_space<vmem>>)
        %add3A_226 = arith.constant 1 : i32
        %add3A_227 = arith.addi %mul3A_176, %add3A_226 : i32
        %run_scoped3A_228 = arith.constant 1 : i32
        "tpu.region"() ({
          %run_scoped3A_230 = tpu.sem_alloc : memref<!tpu.dma_semaphore, #tpu.memory_space<semaphore_mem>>
          %dma_start3A_231 = arith.constant 0 : i32
          %dma_start3A_232 = arith.constant 0 : i32
          %dma_start3A_233 = tpu.memref_slice %arg11[%run_scoped3A_228, %dma_start3A_231, %dma_start3A_232] : memref<2x128x64xf32, #tpu.memory_space<vmem>> -> memref<1x128x64xf32, #tpu.memory_space<vmem>>
          %dma_start3A_234 = tpu.memref_squeeze %dma_start3A_233 : memref<1x128x64xf32, #tpu.memory_space<vmem>> -> memref<128x64xf32, #tpu.memory_space<vmem>>
          %dma_start3A_235 = arith.constant 0 : i32
          %dma_start3A_236 = tpu.memref_slice %arg7[%add3A_227, %dma_start3A_235] : memref<128x128xi32, #tpu.memory_space<vmem>> -> memref<1x128xi32, #tpu.memory_space<vmem>>
          %dma_start3A_237 = tpu.memref_squeeze %dma_start3A_236 : memref<1x128xi32, #tpu.memory_space<vmem>> -> memref<128xi32, #tpu.memory_space<vmem>>
          %dma_start3A_238 = arith.constant 0 : i32
          %dma_start3A_239 = arith.constant 0 : i32
          %dma_start3A_240 = tpu.memref_slice %arg12[%dma_start3A_238, %dma_start3A_239] : memref<8320x64xf32, #tpu.memory_space<vmem_shared>> -> memref<8320x64xf32, #tpu.memory_space<vmem_shared>>
          tpu.enqueue_indirect_dma source(%dma_start3A_234 : memref<128x64xf32, #tpu.memory_space<vmem>>) target(%dma_start3A_240 : memref<8320x64xf32, #tpu.memory_space<vmem_shared>>) offsets(%dma_start3A_237 : memref<128xi32, #tpu.memory_space<vmem>>) semaphore(%run_scoped3A_230 : memref<!tpu.dma_semaphore, #tpu.memory_space<semaphore_mem>>) {add = true}
          %dma_wait3A_241 = arith.constant 0 : i32
          %dma_wait3A_242 = arith.constant 0 : i32
          %dma_wait3A_243 = tpu.memref_slice %arg11[%run_scoped3A_228, %dma_wait3A_241, %dma_wait3A_242] : memref<2x128x64xf32, #tpu.memory_space<vmem>> -> memref<1x128x64xf32, #tpu.memory_space<vmem>>
          %dma_wait3A_244 = tpu.memref_squeeze %dma_wait3A_243 : memref<1x128x64xf32, #tpu.memory_space<vmem>> -> memref<128x64xf32, #tpu.memory_space<vmem>>
          %dma_wait3A_245 = arith.constant 0 : i32
          %dma_wait3A_246 = tpu.memref_slice %arg7[%add3A_227, %dma_wait3A_245] : memref<128x128xi32, #tpu.memory_space<vmem>> -> memref<1x128xi32, #tpu.memory_space<vmem>>
          %dma_wait3A_247 = tpu.memref_squeeze %dma_wait3A_246 : memref<1x128xi32, #tpu.memory_space<vmem>> -> memref<128xi32, #tpu.memory_space<vmem>>
          %dma_wait3A_248 = arith.constant 0 : i32
          %dma_wait3A_249 = arith.constant 0 : i32
          %dma_wait3A_250 = tpu.memref_slice %arg12[%dma_wait3A_248, %dma_wait3A_249] : memref<8320x64xf32, #tpu.memory_space<vmem_shared>> -> memref<8320x64xf32, #tpu.memory_space<vmem_shared>>
          tpu.wait_indirect_dma semaphore(%run_scoped3A_230 : memref<!tpu.dma_semaphore, #tpu.memory_space<semaphore_mem>>) src(%dma_wait3A_244 : memref<128x64xf32, #tpu.memory_space<vmem>>) dst(%dma_wait3A_250 : memref<8320x64xf32, #tpu.memory_space<vmem_shared>>)
          tpu.yield
        }) : () -> ()
        %while3A_229 = arith.constant 0 : i32
        scf.yield %while3A_229 : i32
      }
      %and3A = arith.constant 1 : i32
      %and3A_141 = arith.andi %min3A, %and3A : i32
      %while3A_142 = arith.constant 0 : i32
      %while3A_143 = arith.constant 0 : i32
      %while3A_144 = arith.subi %and3A_141, %while3A_142 : i32
      %while3A_145 = arith.addi %while3A_142, %while3A_144 : i32
      %while3A_146 = arith.constant 1 : i32
      %while3A_147 = arith.divsi %while3A_144, %while3A_146 : i32
      %while3A_148 = arith.muli %while3A_147, %while3A_146 : i32
      %while3A_149 = arith.addi %while3A_142, %while3A_148 : i32
      %while3A_150 = arith.constant 1 : i32
      %while3A_151 = scf.for %while3A_173 = %while3A_142 to %while3A_149 step %while3A_150 iter_args(%while3A_174 = %while3A_143) -> (i32)  : i32 {
        %dma_wait3A = arith.constant 0 : i32
        %dma_wait3A_175 = arith.constant 0 : i32
        %dma_wait3A_176 = arith.constant 0 : i32
        %dma_wait3A_177 = tpu.memref_slice %arg11[%dma_wait3A, %dma_wait3A_175, %dma_wait3A_176] : memref<2x128x64xf32, #tpu.memory_space<vmem>> -> memref<1x128x64xf32, #tpu.memory_space<vmem>>
        %dma_wait3A_178 = tpu.memref_squeeze %dma_wait3A_177 : memref<1x128x64xf32, #tpu.memory_space<vmem>> -> memref<128x64xf32, #tpu.memory_space<vmem>>
        %dma_wait3A_179 = arith.constant 0 : i32
        %dma_wait3A_180 = tpu.memref_slice %arg6[%dma_wait3A_179] : memref<16384xi32, #tpu.memory_space<vmem>> -> memref<128xi32, #tpu.memory_space<vmem>>
        %dma_wait3A_181 = arith.constant 0 : i32
        %dma_wait3A_182 = arith.constant 0 : i32
        %dma_wait3A_183 = tpu.memref_slice %arg2[%dma_wait3A_181, %dma_wait3A_182] : memref<1015808x64xf32, #tpu.memory_space<hbm>> -> memref<1015808x64xf32, #tpu.memory_space<hbm>>
        tpu.wait_indirect_dma semaphore(%arg13 : memref<!tpu.dma_semaphore, #tpu.memory_space<semaphore_mem>>) src(%dma_wait3A_183 : memref<1015808x64xf32, #tpu.memory_space<hbm>>) dst(%dma_wait3A_178 : memref<128x64xf32, #tpu.memory_space<vmem>>)
        %sub3A_184 = arith.constant 1 : i32
        %sub3A_185 = arith.subi %min3A, %sub3A_184 : i32
        %run_scoped3A_186 = arith.constant 0 : i32
        "tpu.region"() ({
          %run_scoped3A_188 = tpu.sem_alloc : memref<!tpu.dma_semaphore, #tpu.memory_space<semaphore_mem>>
          %dma_start3A_189 = arith.constant 0 : i32
          %dma_start3A_190 = arith.constant 0 : i32
          %dma_start3A_191 = tpu.memref_slice %arg11[%run_scoped3A_186, %dma_start3A_189, %dma_start3A_190] : memref<2x128x64xf32, #tpu.memory_space<vmem>> -> memref<1x128x64xf32, #tpu.memory_space<vmem>>
          %dma_start3A_192 = tpu.memref_squeeze %dma_start3A_191 : memref<1x128x64xf32, #tpu.memory_space<vmem>> -> memref<128x64xf32, #tpu.memory_space<vmem>>
          %dma_start3A_193 = arith.constant 0 : i32
          %dma_start3A_194 = tpu.memref_slice %arg7[%sub3A_185, %dma_start3A_193] : memref<128x128xi32, #tpu.memory_space<vmem>> -> memref<1x128xi32, #tpu.memory_space<vmem>>
          %dma_start3A_195 = tpu.memref_squeeze %dma_start3A_194 : memref<1x128xi32, #tpu.memory_space<vmem>> -> memref<128xi32, #tpu.memory_space<vmem>>
          %dma_start3A_196 = arith.constant 0 : i32
          %dma_start3A_197 = arith.constant 0 : i32
          %dma_start3A_198 = tpu.memref_slice %arg12[%dma_start3A_196, %dma_start3A_197] : memref<8320x64xf32, #tpu.memory_space<vmem_shared>> -> memref<8320x64xf32, #tpu.memory_space<vmem_shared>>
          tpu.enqueue_indirect_dma source(%dma_start3A_192 : memref<128x64xf32, #tpu.memory_space<vmem>>) target(%dma_start3A_198 : memref<8320x64xf32, #tpu.memory_space<vmem_shared>>) offsets(%dma_start3A_195 : memref<128xi32, #tpu.memory_space<vmem>>) semaphore(%run_scoped3A_188 : memref<!tpu.dma_semaphore, #tpu.memory_space<semaphore_mem>>) {add = true}
          %dma_wait3A_199 = arith.constant 0 : i32
          %dma_wait3A_200 = arith.constant 0 : i32
          %dma_wait3A_201 = tpu.memref_slice %arg11[%run_scoped3A_186, %dma_wait3A_199, %dma_wait3A_200] : memref<2x128x64xf32, #tpu.memory_space<vmem>> -> memref<1x128x64xf32, #tpu.memory_space<vmem>>
          %dma_wait3A_202 = tpu.memref_squeeze %dma_wait3A_201 : memref<1x128x64xf32, #tpu.memory_space<vmem>> -> memref<128x64xf32, #tpu.memory_space<vmem>>
          %dma_wait3A_203 = arith.constant 0 : i32
          %dma_wait3A_204 = tpu.memref_slice %arg7[%sub3A_185, %dma_wait3A_203] : memref<128x128xi32, #tpu.memory_space<vmem>> -> memref<1x128xi32, #tpu.memory_space<vmem>>
          %dma_wait3A_205 = tpu.memref_squeeze %dma_wait3A_204 : memref<1x128xi32, #tpu.memory_space<vmem>> -> memref<128xi32, #tpu.memory_space<vmem>>
          %dma_wait3A_206 = arith.constant 0 : i32
          %dma_wait3A_207 = arith.constant 0 : i32
          %dma_wait3A_208 = tpu.memref_slice %arg12[%dma_wait3A_206, %dma_wait3A_207] : memref<8320x64xf32, #tpu.memory_space<vmem_shared>> -> memref<8320x64xf32, #tpu.memory_space<vmem_shared>>
          tpu.wait_indirect_dma semaphore(%run_scoped3A_188 : memref<!tpu.dma_semaphore, #tpu.memory_space<semaphore_mem>>) src(%dma_wait3A_202 : memref<128x64xf32, #tpu.memory_space<vmem>>) dst(%dma_wait3A_208 : memref<8320x64xf32, #tpu.memory_space<vmem_shared>>)
          tpu.yield
        }) : () -> ()
        %while3A_187 = arith.constant 0 : i32
        scf.yield %while3A_187 : i32
      }
      %while3A_152 = arith.constant 1 : i32
      %while3A_153 = scf.for %while3A_173 = %while3A_149 to %while3A_145 step %while3A_152 iter_args(%while3A_174 = %while3A_151) -> (i32)  : i32 {
        %dma_wait3A = arith.constant 0 : i32
        %dma_wait3A_175 = arith.constant 0 : i32
        %dma_wait3A_176 = arith.constant 0 : i32
        %dma_wait3A_177 = tpu.memref_slice %arg11[%dma_wait3A, %dma_wait3A_175, %dma_wait3A_176] : memref<2x128x64xf32, #tpu.memory_space<vmem>> -> memref<1x128x64xf32, #tpu.memory_space<vmem>>
        %dma_wait3A_178 = tpu.memref_squeeze %dma_wait3A_177 : memref<1x128x64xf32, #tpu.memory_space<vmem>> -> memref<128x64xf32, #tpu.memory_space<vmem>>
        %dma_wait3A_179 = arith.constant 0 : i32
        %dma_wait3A_180 = tpu.memref_slice %arg6[%dma_wait3A_179] : memref<16384xi32, #tpu.memory_space<vmem>> -> memref<128xi32, #tpu.memory_space<vmem>>
        %dma_wait3A_181 = arith.constant 0 : i32
        %dma_wait3A_182 = arith.constant 0 : i32
        %dma_wait3A_183 = tpu.memref_slice %arg2[%dma_wait3A_181, %dma_wait3A_182] : memref<1015808x64xf32, #tpu.memory_space<hbm>> -> memref<1015808x64xf32, #tpu.memory_space<hbm>>
        tpu.wait_indirect_dma semaphore(%arg13 : memref<!tpu.dma_semaphore, #tpu.memory_space<semaphore_mem>>) src(%dma_wait3A_183 : memref<1015808x64xf32, #tpu.memory_space<hbm>>) dst(%dma_wait3A_178 : memref<128x64xf32, #tpu.memory_space<vmem>>)
        %sub3A_184 = arith.constant 1 : i32
        %sub3A_185 = arith.subi %min3A, %sub3A_184 : i32
        %run_scoped3A_186 = arith.constant 0 : i32
        "tpu.region"() ({
          %run_scoped3A_188 = tpu.sem_alloc : memref<!tpu.dma_semaphore, #tpu.memory_space<semaphore_mem>>
          %dma_start3A_189 = arith.constant 0 : i32
          %dma_start3A_190 = arith.constant 0 : i32
          %dma_start3A_191 = tpu.memref_slice %arg11[%run_scoped3A_186, %dma_start3A_189, %dma_start3A_190] : memref<2x128x64xf32, #tpu.memory_space<vmem>> -> memref<1x128x64xf32, #tpu.memory_space<vmem>>
          %dma_start3A_192 = tpu.memref_squeeze %dma_start3A_191 : memref<1x128x64xf32, #tpu.memory_space<vmem>> -> memref<128x64xf32, #tpu.memory_space<vmem>>
          %dma_start3A_193 = arith.constant 0 : i32
          %dma_start3A_194 = tpu.memref_slice %arg7[%sub3A_185, %dma_start3A_193] : memref<128x128xi32, #tpu.memory_space<vmem>> -> memref<1x128xi32, #tpu.memory_space<vmem>>
          %dma_start3A_195 = tpu.memref_squeeze %dma_start3A_194 : memref<1x128xi32, #tpu.memory_space<vmem>> -> memref<128xi32, #tpu.memory_space<vmem>>
          %dma_start3A_196 = arith.constant 0 : i32
          %dma_start3A_197 = arith.constant 0 : i32
          %dma_start3A_198 = tpu.memref_slice %arg12[%dma_start3A_196, %dma_start3A_197] : memref<8320x64xf32, #tpu.memory_space<vmem_shared>> -> memref<8320x64xf32, #tpu.memory_space<vmem_shared>>
          tpu.enqueue_indirect_dma source(%dma_start3A_192 : memref<128x64xf32, #tpu.memory_space<vmem>>) target(%dma_start3A_198 : memref<8320x64xf32, #tpu.memory_space<vmem_shared>>) offsets(%dma_start3A_195 : memref<128xi32, #tpu.memory_space<vmem>>) semaphore(%run_scoped3A_188 : memref<!tpu.dma_semaphore, #tpu.memory_space<semaphore_mem>>) {add = true}
          %dma_wait3A_199 = arith.constant 0 : i32
          %dma_wait3A_200 = arith.constant 0 : i32
          %dma_wait3A_201 = tpu.memref_slice %arg11[%run_scoped3A_186, %dma_wait3A_199, %dma_wait3A_200] : memref<2x128x64xf32, #tpu.memory_space<vmem>> -> memref<1x128x64xf32, #tpu.memory_space<vmem>>
          %dma_wait3A_202 = tpu.memref_squeeze %dma_wait3A_201 : memref<1x128x64xf32, #tpu.memory_space<vmem>> -> memref<128x64xf32, #tpu.memory_space<vmem>>
          %dma_wait3A_203 = arith.constant 0 : i32
          %dma_wait3A_204 = tpu.memref_slice %arg7[%sub3A_185, %dma_wait3A_203] : memref<128x128xi32, #tpu.memory_space<vmem>> -> memref<1x128xi32, #tpu.memory_space<vmem>>
          %dma_wait3A_205 = tpu.memref_squeeze %dma_wait3A_204 : memref<1x128xi32, #tpu.memory_space<vmem>> -> memref<128xi32, #tpu.memory_space<vmem>>
          %dma_wait3A_206 = arith.constant 0 : i32
          %dma_wait3A_207 = arith.constant 0 : i32
          %dma_wait3A_208 = tpu.memref_slice %arg12[%dma_wait3A_206, %dma_wait3A_207] : memref<8320x64xf32, #tpu.memory_space<vmem_shared>> -> memref<8320x64xf32, #tpu.memory_space<vmem_shared>>
          tpu.wait_indirect_dma semaphore(%run_scoped3A_188 : memref<!tpu.dma_semaphore, #tpu.memory_space<semaphore_mem>>) src(%dma_wait3A_202 : memref<128x64xf32, #tpu.memory_space<vmem>>) dst(%dma_wait3A_208 : memref<8320x64xf32, #tpu.memory_space<vmem_shared>>)
          tpu.yield
        }) : () -> ()
        %while3A_187 = arith.constant 0 : i32
        scf.yield %while3A_187 : i32
      }
      %and3A_154 = arith.constant 1 : i32
      %and3A_155 = arith.andi %min3A, %and3A_154 : i32
      %xor3A = arith.constant 1 : i32
      %xor3A_156 = arith.xori %and3A_155, %xor3A : i32
      %min3A_157 = arith.constant 1 : i32
      %min3A_158 = arith.minsi %shift_right_arithmetic3A_119, %min3A_157 : i32
      %mul3A_159 = arith.muli %xor3A_156, %min3A_158 : i32
      %while3A_160 = arith.constant 0 : i32
      %while3A_161 = arith.constant 0 : i32
      %while3A_162 = arith.subi %mul3A_159, %while3A_160 : i32
      %while3A_163 = arith.addi %while3A_160, %while3A_162 : i32
      %while3A_164 = arith.constant 1 : i32
      %while3A_165 = arith.divsi %while3A_162, %while3A_164 : i32
      %while3A_166 = arith.muli %while3A_165, %while3A_164 : i32
      %while3A_167 = arith.addi %while3A_160, %while3A_166 : i32
      %while3A_168 = arith.constant 1 : i32
      %while3A_169 = scf.for %while3A_173 = %while3A_160 to %while3A_167 step %while3A_168 iter_args(%while3A_174 = %while3A_161) -> (i32)  : i32 {
        %dma_wait3A = arith.constant 0 : i32
        %dma_wait3A_175 = arith.constant 0 : i32
        %dma_wait3A_176 = arith.constant 0 : i32
        %dma_wait3A_177 = tpu.memref_slice %arg11[%dma_wait3A, %dma_wait3A_175, %dma_wait3A_176] : memref<2x128x64xf32, #tpu.memory_space<vmem>> -> memref<1x128x64xf32, #tpu.memory_space<vmem>>
        %dma_wait3A_178 = tpu.memref_squeeze %dma_wait3A_177 : memref<1x128x64xf32, #tpu.memory_space<vmem>> -> memref<128x64xf32, #tpu.memory_space<vmem>>
        %dma_wait3A_179 = arith.constant 0 : i32
        %dma_wait3A_180 = tpu.memref_slice %arg6[%dma_wait3A_179] : memref<16384xi32, #tpu.memory_space<vmem>> -> memref<128xi32, #tpu.memory_space<vmem>>
        %dma_wait3A_181 = arith.constant 0 : i32
        %dma_wait3A_182 = arith.constant 0 : i32
        %dma_wait3A_183 = tpu.memref_slice %arg2[%dma_wait3A_181, %dma_wait3A_182] : memref<1015808x64xf32, #tpu.memory_space<hbm>> -> memref<1015808x64xf32, #tpu.memory_space<hbm>>
        tpu.wait_indirect_dma semaphore(%arg13 : memref<!tpu.dma_semaphore, #tpu.memory_space<semaphore_mem>>) src(%dma_wait3A_183 : memref<1015808x64xf32, #tpu.memory_space<hbm>>) dst(%dma_wait3A_178 : memref<128x64xf32, #tpu.memory_space<vmem>>)
        %while3A_184 = arith.constant 0 : i32
        scf.yield %while3A_184 : i32
      }
      %while3A_170 = arith.constant 1 : i32
      %while3A_171 = scf.for %while3A_173 = %while3A_167 to %while3A_163 step %while3A_170 iter_args(%while3A_174 = %while3A_169) -> (i32)  : i32 {
        %dma_wait3A = arith.constant 0 : i32
        %dma_wait3A_175 = arith.constant 0 : i32
        %dma_wait3A_176 = arith.constant 0 : i32
        %dma_wait3A_177 = tpu.memref_slice %arg11[%dma_wait3A, %dma_wait3A_175, %dma_wait3A_176] : memref<2x128x64xf32, #tpu.memory_space<vmem>> -> memref<1x128x64xf32, #tpu.memory_space<vmem>>
        %dma_wait3A_178 = tpu.memref_squeeze %dma_wait3A_177 : memref<1x128x64xf32, #tpu.memory_space<vmem>> -> memref<128x64xf32, #tpu.memory_space<vmem>>
        %dma_wait3A_179 = arith.constant 0 : i32
        %dma_wait3A_180 = tpu.memref_slice %arg6[%dma_wait3A_179] : memref<16384xi32, #tpu.memory_space<vmem>> -> memref<128xi32, #tpu.memory_space<vmem>>
        %dma_wait3A_181 = arith.constant 0 : i32
        %dma_wait3A_182 = arith.constant 0 : i32
        %dma_wait3A_183 = tpu.memref_slice %arg2[%dma_wait3A_181, %dma_wait3A_182] : memref<1015808x64xf32, #tpu.memory_space<hbm>> -> memref<1015808x64xf32, #tpu.memory_space<hbm>>
        tpu.wait_indirect_dma semaphore(%arg13 : memref<!tpu.dma_semaphore, #tpu.memory_space<semaphore_mem>>) src(%dma_wait3A_183 : memref<1015808x64xf32, #tpu.memory_space<hbm>>) dst(%dma_wait3A_178 : memref<128x64xf32, #tpu.memory_space<vmem>>)
        %while3A_184 = arith.constant 0 : i32
        scf.yield %while3A_184 : i32
      }
      %while3A_172 = arith.constant 0 : i32
      scf.yield %while3A_172 : i32
    }
    %while3A_60 = arith.constant 1 : i32
    %while3A_61 = scf.for %while3A_64 = %while3A_57 to %while3A_53 step %while3A_60 iter_args(%while3A_65 = %while3A_59) -> (i32)  : i32 {
      %mul3A_66 = arith.constant 16384 : i32
      %mul3A_67 = arith.muli %while3A_64, %mul3A_66 : i32
      %add3A_68 = arith.addi %shift_left3A_43, %mul3A_67 : i32
      %multiple_of3A = tpu.assume_multiple %add3A_68, 128 : i32
      %scan3A_69 = arith.constant 0 : i32
      %scan3A_70 = arith.constant 0 : i32
      %scan3A_71 = arith.constant 1024 : i32
      %scan3A_72 = arith.addi %scan3A_70, %scan3A_71 : i32
      %scan3A_73 = arith.constant 1 : i32
      %scan3A_74 = scf.for %scan3A_173 = %scan3A_70 to %scan3A_72 step %scan3A_73 iter_args(%scan3A_174 = %scan3A_69) -> (i32)  : i32 {
        %shift_right_arithmetic3A_175 = arith.constant 3 : i32
        %shift_right_arithmetic3A_176 = arith.shrsi %scan3A_173, %shift_right_arithmetic3A_175 : i32
        %and3A_177 = arith.constant 7 : i32
        %and3A_178 = arith.andi %scan3A_173, %and3A_177 : i32
        %mul3A_179 = arith.constant 16 : i32
        %mul3A_180 = arith.muli %and3A_178, %mul3A_179 : i32
        %swap3A = arith.index_cast %shift_right_arithmetic3A_176 : i32 to index
        %swap3A_181 = arith.index_cast %mul3A_180 : i32 to index
        %swap3A_182 = tpu.vector_load %arg7[%swap3A, %swap3A_181] {strides = array<i32>} : memref<128x128xi32, #tpu.memory_space<vmem>>, vector<1x16xi32>,
        %swap3A_183 = vector.shape_cast %swap3A_182 : vector<1x16xi32> to vector<16xi32>
        %swap3A_184 = vector.shape_cast %broadcast_in_dim3A_3 : vector<16xi32> to vector<1x16xi32>
        tpu.vector_store %arg7[%swap3A, %swap3A_181], %swap3A_184 {strides = array<i32>} : memref<128x128xi32, #tpu.memory_space<vmem>>, vector<1x16xi32>,
        %scan3A_185 = arith.constant 0 : i32
        scf.yield %scan3A_185 : i32
      }
      %scan3A_75 = arith.constant 1024 : i32
      %scan3A_76 = arith.constant 0 : i32
      %scan3A_77 = arith.constant 0 : i32
      %scan3A_78 = arith.constant 64 : i32
      %scan3A_79 = arith.addi %scan3A_77, %scan3A_78 : i32
      %scan3A_80 = arith.constant 1 : i32
      %scan3A_81 = scf.for %scan3A_173 = %scan3A_77 to %scan3A_79 step %scan3A_80 iter_args(%scan3A_174 = %scan3A_76) -> (i32)  : i32 {
        %mul3A_175 = arith.constant 16 : i32
        %mul3A_176 = arith.muli %scan3A_173, %mul3A_175 : i32
        %swap3A = arith.index_cast %mul3A_176 : i32 to index
        %swap3A_177 = tpu.vector_load %arg9[%swap3A] {strides = array<i32>} : memref<1024xi32, #tpu.memory_space<vmem>>, vector<16xi32>,
        %swap3A_178 = vector.shape_cast %swap3A_177 : vector<16xi32> to vector<16xi32>
        %swap3A_179 = vector.shape_cast %broadcast_in_dim3A_3 : vector<16xi32> to vector<16xi32>
        tpu.vector_store %arg9[%swap3A], %swap3A_179 {strides = array<i32>} : memref<1024xi32, #tpu.memory_space<vmem>>, vector<16xi32>,
        %scan3A_180 = arith.constant 0 : i32
        scf.yield %scan3A_180 : i32
      }
      %scan3A_82 = arith.constant 64 : i32
      "tpu.region"() ({
        %run_scoped3A_173 = tpu.sem_alloc : memref<!tpu.dma_semaphore, #tpu.memory_space<semaphore_mem>>
        %dma_start3A_174 = tpu.memref_slice %arg3[%multiple_of3A] : memref<344064xi32, #tpu.memory_space<hbm>> -> memref<16384xi32, #tpu.memory_space<hbm>>
        %dma_start3A_175 = tpu.memref_slice %arg3[%multiple_of3A] : memref<344064xi32, #tpu.memory_space<hbm>> -> memref<16384xi32, #tpu.memory_space<hbm>>
        tpu.enqueue_dma source(%dma_start3A_175 : memref<16384xi32, #tpu.memory_space<hbm>>) target(%arg6 : memref<16384xi32, #tpu.memory_space<vmem>>) target_semaphore(%run_scoped3A_173 : memref<!tpu.dma_semaphore, #tpu.memory_space<semaphore_mem>>)
        %dma_wait3A = tpu.memref_slice %arg3[%multiple_of3A] : memref<344064xi32, #tpu.memory_space<hbm>> -> memref<16384xi32, #tpu.memory_space<hbm>>
        %dma_wait3A_176 = tpu.memref_slice %arg3[%multiple_of3A] : memref<344064xi32, #tpu.memory_space<hbm>> -> memref<16384xi32, #tpu.memory_space<hbm>>
        tpu.wait_dma2 semaphore(%run_scoped3A_173 : memref<!tpu.dma_semaphore, #tpu.memory_space<semaphore_mem>>) src(%dma_wait3A_176 : memref<16384xi32, #tpu.memory_space<hbm>>) dst(%arg6 : memref<16384xi32, #tpu.memory_space<vmem>>)
        tpu.yield
      }) : () -> ()
      %scan3A_83 = arith.constant 0 : i32
      %scan3A_84 = arith.constant 0 : i32
      %scan3A_85 = arith.constant 1024 : i32
      %scan3A_86 = arith.addi %scan3A_84, %scan3A_85 : i32
      %scan3A_87 = arith.constant 1 : i32
      %scan3A_88 = scf.for %scan3A_173 = %scan3A_84 to %scan3A_86 step %scan3A_87 iter_args(%scan3A_174 = %scan3A_83) -> (i32)  : i32 {
        %mul3A_175 = arith.constant 16 : i32
        %mul3A_176 = arith.muli %scan3A_173, %mul3A_175 : i32
        %get3A_177 = arith.index_cast %mul3A_176 : i32 to index
        %get3A_178 = tpu.vector_load %arg6[%get3A_177] {strides = array<i32>} : memref<16384xi32, #tpu.memory_space<vmem>>, vector<16xi32>,
        %get3A_179 = vector.shape_cast %get3A_178 : vector<16xi32> to vector<16xi32>
        %and3A_180 = arith.constant 4095 : i32
        %and3A_181 = vector.broadcast %and3A_180 : i32 to vector<16xi32>
        %and3A_182 = arith.andi %get3A_179, %and3A_181 : vector<16xi32>
        %ge3A = arith.constant 2048 : i32
        %ge3A_183 = vector.broadcast %ge3A : i32 to vector<16xi32>
        %ge3A_184 = arith.cmpi sge, %and3A_182, %ge3A_183 : vector<16xi32>
        %select_n3A_185 = arith.select %ge3A_184, %broadcast_in_dim3A_7, %broadcast_in_dim3A_3 : vector<16xi1>, vector<16xi32>
        %sub3A_186 = arith.subi %get3A_179, %and3A_182 : vector<16xi32>
        %and3A_187 = arith.constant 2047 : i32
        %and3A_188 = vector.broadcast %and3A_187 : i32 to vector<16xi32>
        %and3A_189 = arith.andi %and3A_182, %and3A_188 : vector<16xi32>
        %shift_left3A_190 = arith.constant 1 : i32
        %shift_left3A_191 = vector.broadcast %shift_left3A_190 : i32 to vector<16xi32>
        %shift_left3A_192 = arith.shli %and3A_189, %shift_left3A_191 : vector<16xi32>
        %add3A_193 = arith.addi %sub3A_186, %shift_left3A_192 : vector<16xi32>
        %add3A_194 = arith.addi %add3A_193, %select_n3A_185 : vector<16xi32>
        %mul3A_195 = arith.constant 16 : i32
        %mul3A_196 = arith.muli %scan3A_173, %mul3A_195 : i32
        %swap3A = arith.index_cast %mul3A_196 : i32 to index
        %swap3A_197 = tpu.vector_load %arg6[%swap3A] {strides = array<i32>} : memref<16384xi32, #tpu.memory_space<vmem>>, vector<16xi32>,
        %swap3A_198 = vector.shape_cast %swap3A_197 : vector<16xi32> to vector<16xi32>
        %swap3A_199 = vector.shape_cast %add3A_194 : vector<16xi32> to vector<16xi32>
        tpu.vector_store %arg6[%swap3A], %swap3A_199 {strides = array<i32>} : memref<16384xi32, #tpu.memory_space<vmem>>, vector<16xi32>,
        %scan3A_200 = arith.constant 0 : i32
        scf.yield %scan3A_200 : i32
      }
      %scan3A_89 = arith.constant 1024 : i32
      %scan3A_90 = arith.constant 0 : i32
      %scan3A_91 = arith.constant 0 : i32
      %scan3A_92 = arith.constant 33 : i32
      %scan3A_93 = arith.addi %scan3A_91, %scan3A_92 : i32
      %scan3A_94 = arith.constant 1 : i32
      %scan3A_95 = scf.for %scan3A_173 = %scan3A_91 to %scan3A_93 step %scan3A_94 iter_args(%scan3A_174 = %scan3A_90) -> (i32)  : i32 {
        %mul3A_175 = arith.constant 16 : i32
        %mul3A_176 = arith.muli %scan3A_173, %mul3A_175 : i32
        %get3A_177 = arith.index_cast %mul3A_176 : i32 to index
        %get3A_178 = tpu.vector_load %arg8[%get3A_177] {strides = array<i32>} : memref<528xi32, #tpu.memory_space<vmem>>, vector<16xi32>,
        %get3A_179 = vector.shape_cast %get3A_178 : vector<16xi32> to vector<16xi32>
        %mul3A_180 = arith.constant 16 : i32
        %mul3A_181 = arith.muli %scan3A_173, %mul3A_180 : i32
        %add3A_182 = arith.constant 0 : i32
        %add3A_183 = arith.addi %mul3A_181, %add3A_182 : i32
        %ge3A = arith.constant 1 : i32
        %ge3A_184 = arith.cmpi sge, %add3A_183, %ge3A : i32
        %le3A = arith.constant 512 : i32
        %le3A_185 = arith.cmpi sle, %add3A_183, %le3A : i32
        %and3A_186 = arith.andi %ge3A_184, %le3A_185 : i1
        %slice3A_187 = vector.extract_strided_slice %get3A_179 {offsets = [0], sizes = [1], strides = [1]} : vector<16xi32> to vector<1xi32>
        %squeeze3A_188 = vector.extract %slice3A_187[0] : i32 from vector<1xi32>
        %jit3A_189 = arith.constant 655360 : i32
        %select_n3A_190 = arith.select %and3A_186, %squeeze3A_188, %jit3A_189 : i32
        %eq3A_191 = arith.constant 512 : i32
        %eq3A_192 = arith.cmpi eq, %add3A_183, %eq3A_191 : i32
        %eq3A_193 = arith.constant 31 : i32
        %eq3A_194 = arith.cmpi eq, %add3A, %eq3A_193 : i32
        %and3A_195 = arith.andi %eq3A_192, %eq3A_194 : i1
        %jit3A_196 = arith.constant 327680 : i32
        %select_n3A_197 = arith.select %and3A_195, %jit3A_196, %select_n3A_190 : i32
        %sub3A_198 = arith.subi %select_n3A_197, %multiple_of3A : i32
        %lt3A = arith.constant 0 : i32
        %lt3A_199 = arith.cmpi slt, %sub3A_198, %lt3A : i32
        %ge3A_200 = arith.constant 0 : i32
        %ge3A_201 = arith.cmpi sge, %sub3A_198, %ge3A_200 : i32
        %lt3A_202 = arith.constant 16384 : i32
        %lt3A_203 = arith.cmpi slt, %sub3A_198, %lt3A_202 : i32
        %and3A_204 = arith.andi %ge3A_201, %lt3A_203 : i1
        %jit3A_205 = arith.constant 0 : i32
        %jit3A_206 = arith.constant 16383 : i32
        %max3A_207 = arith.maxsi %jit3A_205, %sub3A_198 : i32
        %min3A_208 = arith.minsi %jit3A_206, %max3A_207 : i32
        %shift_right_arithmetic3A_209 = arith.constant 7 : i32
        %shift_right_arithmetic3A_210 = arith.shrsi %min3A_208, %shift_right_arithmetic3A_209 : i32
        %shift_right_arithmetic3A_211 = arith.constant 4 : i32
        %shift_right_arithmetic3A_212 = arith.shrsi %min3A_208, %shift_right_arithmetic3A_211 : i32
        %and3A_213 = arith.constant 7 : i32
        %and3A_214 = arith.andi %shift_right_arithmetic3A_212, %and3A_213 : i32
        %and3A_215 = arith.constant 15 : i32
        %and3A_216 = arith.andi %min3A_208, %and3A_215 : i32
        %jit3A_217 = arith.constant 1 : i32
        %jit3A_218 = arith.constant 0 : i32
        %select_n3A_219 = arith.select %and3A_204, %jit3A_217, %jit3A_218 : i32
        %mul3A_220 = arith.constant 16 : i32
        %mul3A_221 = arith.muli %and3A_214, %mul3A_220 : i32
        %get3A_222 = arith.index_cast %shift_right_arithmetic3A_210 : i32 to index
        %get3A_223 = arith.index_cast %mul3A_221 : i32 to index
        %get3A_224 = tpu.vector_load %arg7[%get3A_222, %get3A_223] {strides = array<i32>} : memref<128x128xi32, #tpu.memory_space<vmem>>, vector<1x16xi32>,
        %get3A_225 = vector.shape_cast %get3A_224 : vector<1x16xi32> to vector<16xi32>
        %ge3A_226 = vector.broadcast %and3A_216 : i32 to vector<16xi32>
        %ge3A_227 = arith.cmpi sge, %iota3A, %ge3A_226 : vector<16xi32>
        %select_n3A_228 = arith.select %ge3A_227, %broadcast_in_dim3A_7, %broadcast_in_dim3A_3 : vector<16xi1>, vector<16xi32>
        %mul3A_229 = vector.broadcast %select_n3A_219 : i32 to vector<16xi32>
        %mul3A_230 = arith.muli %select_n3A_228, %mul3A_229 : vector<16xi32>
        %add3A_231 = arith.addi %get3A_225, %mul3A_230 : vector<16xi32>
        %mul3A_232 = arith.constant 16 : i32
        %mul3A_233 = arith.muli %and3A_214, %mul3A_232 : i32
        %swap3A = arith.index_cast %shift_right_arithmetic3A_210 : i32 to index
        %swap3A_234 = arith.index_cast %mul3A_233 : i32 to index
        %swap3A_235 = tpu.vector_load %arg7[%swap3A, %swap3A_234] {strides = array<i32>} : memref<128x128xi32, #tpu.memory_space<vmem>>, vector<1x16xi32>,
        %swap3A_236 = vector.shape_cast %swap3A_235 : vector<1x16xi32> to vector<16xi32>
        %swap3A_237 = vector.shape_cast %add3A_231 : vector<16xi32> to vector<1x16xi32>
        tpu.vector_store %arg7[%swap3A, %swap3A_234], %swap3A_237 {strides = array<i32>} : memref<128x128xi32, #tpu.memory_space<vmem>>, vector<1x16xi32>,
        %shift_right_arithmetic3A_238 = arith.constant 4 : i32
        %shift_right_arithmetic3A_239 = arith.shrsi %min3A_208, %shift_right_arithmetic3A_238 : i32
        %shift_right_arithmetic3A_240 = arith.constant 4 : i32
        %shift_right_arithmetic3A_241 = arith.shrsi %shift_right_arithmetic3A_239, %shift_right_arithmetic3A_240 : i32
        %mul3A_242 = arith.constant 16 : i32
        %mul3A_243 = arith.muli %shift_right_arithmetic3A_241, %mul3A_242 : i32
        %and3A_244 = arith.constant 15 : i32
        %and3A_245 = arith.andi %shift_right_arithmetic3A_239, %and3A_244 : i32
        %get3A_246 = arith.index_cast %mul3A_243 : i32 to index
        %get3A_247 = tpu.vector_load %arg9[%get3A_246] {strides = array<i32>} : memref<1024xi32, #tpu.memory_space<vmem>>, vector<16xi32>,
        %get3A_248 = vector.shape_cast %get3A_247 : vector<16xi32> to vector<16xi32>
        %eq3A_249 = vector.broadcast %and3A_245 : i32 to vector<16xi32>
        %eq3A_250 = arith.cmpi eq, %iota3A, %eq3A_249 : vector<16xi32>
        %select_n3A_251 = arith.select %eq3A_250, %broadcast_in_dim3A_7, %broadcast_in_dim3A_3 : vector<16xi1>, vector<16xi32>
        %mul3A_252 = vector.broadcast %select_n3A_219 : i32 to vector<16xi32>
        %mul3A_253 = arith.muli %select_n3A_251, %mul3A_252 : vector<16xi32>
        %add3A_254 = arith.addi %get3A_248, %mul3A_253 : vector<16xi32>
        %swap3A_255 = arith.index_cast %mul3A_243 : i32 to index
        %swap3A_256 = tpu.vector_load %arg9[%swap3A_255] {strides = array<i32>} : memref<1024xi32, #tpu.memory_space<vmem>>, vector<16xi32>,
        %swap3A_257 = vector.shape_cast %swap3A_256 : vector<16xi32> to vector<16xi32>
        %swap3A_258 = vector.shape_cast %add3A_254 : vector<16xi32> to vector<16xi32>
        tpu.vector_store %arg9[%swap3A_255], %swap3A_258 {strides = array<i32>} : memref<1024xi32, #tpu.memory_space<vmem>>, vector<16xi32>,
        %jit3A_259 = arith.constant 1 : i32
        %jit3A_260 = arith.constant 0 : i32
        %select_n3A_261 = arith.select %lt3A_199, %jit3A_259, %jit3A_260 : i32
        %add3A_262 = arith.addi %scan3A_174, %select_n3A_261 : i32
        %mul3A_263 = arith.constant 16 : i32
        %mul3A_264 = arith.muli %scan3A_173, %mul3A_263 : i32
        %add3A_265 = arith.constant 1 : i32
        %add3A_266 = arith.addi %mul3A_264, %add3A_265 : i32
        %ge3A_267 = arith.constant 1 : i32
        %ge3A_268 = arith.cmpi sge, %add3A_266, %ge3A_267 : i32
        %le3A_269 = arith.constant 512 : i32
        %le3A_270 = arith.cmpi sle, %add3A_266, %le3A_269 : i32
        %and3A_271 = arith.andi %ge3A_268, %le3A_270 : i1
        %slice3A_272 = vector.extract_strided_slice %get3A_179 {offsets = [1], sizes = [1], strides = [1]} : vector<16xi32> to vector<1xi32>
        %squeeze3A_273 = vector.extract %slice3A_272[0] : i32 from vector<1xi32>
        %jit3A_274 = arith.constant 655360 : i32
        %select_n3A_275 = arith.select %and3A_271, %squeeze3A_273, %jit3A_274 : i32
        %eq3A_276 = arith.constant 512 : i32
        %eq3A_277 = arith.cmpi eq, %add3A_266, %eq3A_276 : i32
        %eq3A_278 = arith.constant 31 : i32
        %eq3A_279 = arith.cmpi eq, %add3A, %eq3A_278 : i32
        %and3A_280 = arith.andi %eq3A_277, %eq3A_279 : i1
        %jit3A_281 = arith.constant 327680 : i32
        %select_n3A_282 = arith.select %and3A_280, %jit3A_281, %select_n3A_275 : i32
        %sub3A_283 = arith.subi %select_n3A_282, %multiple_of3A : i32
        %lt3A_284 = arith.constant 0 : i32
        %lt3A_285 = arith.cmpi slt, %sub3A_283, %lt3A_284 : i32
        %ge3A_286 = arith.constant 0 : i32
        %ge3A_287 = arith.cmpi sge, %sub3A_283, %ge3A_286 : i32
        %lt3A_288 = arith.constant 16384 : i32
        %lt3A_289 = arith.cmpi slt, %sub3A_283, %lt3A_288 : i32
        %and3A_290 = arith.andi %ge3A_287, %lt3A_289 : i1
        %jit3A_291 = arith.constant 0 : i32
        %jit3A_292 = arith.constant 16383 : i32
        %max3A_293 = arith.maxsi %jit3A_291, %sub3A_283 : i32
        %min3A_294 = arith.minsi %jit3A_292, %max3A_293 : i32
        %shift_right_arithmetic3A_295 = arith.constant 7 : i32
        %shift_right_arithmetic3A_296 = arith.shrsi %min3A_294, %shift_right_arithmetic3A_295 : i32
        %shift_right_arithmetic3A_297 = arith.constant 4 : i32
        %shift_right_arithmetic3A_298 = arith.shrsi %min3A_294, %shift_right_arithmetic3A_297 : i32
        %and3A_299 = arith.constant 7 : i32
        %and3A_300 = arith.andi %shift_right_arithmetic3A_298, %and3A_299 : i32
        %and3A_301 = arith.constant 15 : i32
        %and3A_302 = arith.andi %min3A_294, %and3A_301 : i32
        %jit3A_303 = arith.constant 1 : i32
        %jit3A_304 = arith.constant 0 : i32
        %select_n3A_305 = arith.select %and3A_290, %jit3A_303, %jit3A_304 : i32
        %mul3A_306 = arith.constant 16 : i32
        %mul3A_307 = arith.muli %and3A_300, %mul3A_306 : i32
        %get3A_308 = arith.index_cast %shift_right_arithmetic3A_296 : i32 to index
        %get3A_309 = arith.index_cast %mul3A_307 : i32 to index
        %get3A_310 = tpu.vector_load %arg7[%get3A_308, %get3A_309] {strides = array<i32>} : memref<128x128xi32, #tpu.memory_space<vmem>>, vector<1x16xi32>,
        %get3A_311 = vector.shape_cast %get3A_310 : vector<1x16xi32> to vector<16xi32>
        %ge3A_312 = vector.broadcast %and3A_302 : i32 to vector<16xi32>
        %ge3A_313 = arith.cmpi sge, %iota3A, %ge3A_312 : vector<16xi32>
        %select_n3A_314 = arith.select %ge3A_313, %broadcast_in_dim3A_7, %broadcast_in_dim3A_3 : vector<16xi1>, vector<16xi32>
        %mul3A_315 = vector.broadcast %select_n3A_305 : i32 to vector<16xi32>
        %mul3A_316 = arith.muli %select_n3A_314, %mul3A_315 : vector<16xi32>
        %add3A_317 = arith.addi %get3A_311, %mul3A_316 : vector<16xi32>
        %mul3A_318 = arith.constant 16 : i32
        %mul3A_319 = arith.muli %and3A_300, %mul3A_318 : i32
        %swap3A_320 = arith.index_cast %shift_right_arithmetic3A_296 : i32 to index
        %swap3A_321 = arith.index_cast %mul3A_319 : i32 to index
        %swap3A_322 = tpu.vector_load %arg7[%swap3A_320, %swap3A_321] {strides = array<i32>} : memref<128x128xi32, #tpu.memory_space<vmem>>, vector<1x16xi32>,
        %swap3A_323 = vector.shape_cast %swap3A_322 : vector<1x16xi32> to vector<16xi32>
        %swap3A_324 = vector.shape_cast %add3A_317 : vector<16xi32> to vector<1x16xi32>
        tpu.vector_store %arg7[%swap3A_320, %swap3A_321], %swap3A_324 {strides = array<i32>} : memref<128x128xi32, #tpu.memory_space<vmem>>, vector<1x16xi32>,
        %shift_right_arithmetic3A_325 = arith.constant 4 : i32
        %shift_right_arithmetic3A_326 = arith.shrsi %min3A_294, %shift_right_arithmetic3A_325 : i32
        %shift_right_arithmetic3A_327 = arith.constant 4 : i32
        %shift_right_arithmetic3A_328 = arith.shrsi %shift_right_arithmetic3A_326, %shift_right_arithmetic3A_327 : i32
        %mul3A_329 = arith.constant 16 : i32
        %mul3A_330 = arith.muli %shift_right_arithmetic3A_328, %mul3A_329 : i32
        %and3A_331 = arith.constant 15 : i32
        %and3A_332 = arith.andi %shift_right_arithmetic3A_326, %and3A_331 : i32
        %get3A_333 = arith.index_cast %mul3A_330 : i32 to index
        %get3A_334 = tpu.vector_load %arg9[%get3A_333] {strides = array<i32>} : memref<1024xi32, #tpu.memory_space<vmem>>, vector<16xi32>,
        %get3A_335 = vector.shape_cast %get3A_334 : vector<16xi32> to vector<16xi32>
        %eq3A_336 = vector.broadcast %and3A_332 : i32 to vector<16xi32>
        %eq3A_337 = arith.cmpi eq, %iota3A, %eq3A_336 : vector<16xi32>
        %select_n3A_338 = arith.select %eq3A_337, %broadcast_in_dim3A_7, %broadcast_in_dim3A_3 : vector<16xi1>, vector<16xi32>
        %mul3A_339 = vector.broadcast %select_n3A_305 : i32 to vector<16xi32>
        %mul3A_340 = arith.muli %select_n3A_338, %mul3A_339 : vector<16xi32>
        %add3A_341 = arith.addi %get3A_335, %mul3A_340 : vector<16xi32>
        %swap3A_342 = arith.index_cast %mul3A_330 : i32 to index
        %swap3A_343 = tpu.vector_load %arg9[%swap3A_342] {strides = array<i32>} : memref<1024xi32, #tpu.memory_space<vmem>>, vector<16xi32>,
        %swap3A_344 = vector.shape_cast %swap3A_343 : vector<16xi32> to vector<16xi32>
        %swap3A_345 = vector.shape_cast %add3A_341 : vector<16xi32> to vector<16xi32>
        tpu.vector_store %arg9[%swap3A_342], %swap3A_345 {strides = array<i32>} : memref<1024xi32, #tpu.memory_space<vmem>>, vector<16xi32>,
        %jit3A_346 = arith.constant 1 : i32
        %jit3A_347 = arith.constant 0 : i32
        %select_n3A_348 = arith.select %lt3A_285, %jit3A_346, %jit3A_347 : i32
        %add3A_349 = arith.addi %add3A_262, %select_n3A_348 : i32
        %mul3A_350 = arith.constant 16 : i32
        %mul3A_351 = arith.muli %scan3A_173, %mul3A_350 : i32
        %add3A_352 = arith.constant 2 : i32
        %add3A_353 = arith.addi %mul3A_351, %add3A_352 : i32
        %ge3A_354 = arith.constant 1 : i32
        %ge3A_355 = arith.cmpi sge, %add3A_353, %ge3A_354 : i32
        %le3A_356 = arith.constant 512 : i32
        %le3A_357 = arith.cmpi sle, %add3A_353, %le3A_356 : i32
        %and3A_358 = arith.andi %ge3A_355, %le3A_357 : i1
        %slice3A_359 = vector.extract_strided_slice %get3A_179 {offsets = [2], sizes = [1], strides = [1]} : vector<16xi32> to vector<1xi32>
        %squeeze3A_360 = vector.extract %slice3A_359[0] : i32 from vector<1xi32>
        %jit3A_361 = arith.constant 655360 : i32
        %select_n3A_362 = arith.select %and3A_358, %squeeze3A_360, %jit3A_361 : i32
        %eq3A_363 = arith.constant 512 : i32
        %eq3A_364 = arith.cmpi eq, %add3A_353, %eq3A_363 : i32
        %eq3A_365 = arith.constant 31 : i32
        %eq3A_366 = arith.cmpi eq, %add3A, %eq3A_365 : i32
        %and3A_367 = arith.andi %eq3A_364, %eq3A_366 : i1
        %jit3A_368 = arith.constant 327680 : i32
        %select_n3A_369 = arith.select %and3A_367, %jit3A_368, %select_n3A_362 : i32
        %sub3A_370 = arith.subi %select_n3A_369, %multiple_of3A : i32
        %lt3A_371 = arith.constant 0 : i32
        %lt3A_372 = arith.cmpi slt, %sub3A_370, %lt3A_371 : i32
        %ge3A_373 = arith.constant 0 : i32
        %ge3A_374 = arith.cmpi sge, %sub3A_370, %ge3A_373 : i32
        %lt3A_375 = arith.constant 16384 : i32
        %lt3A_376 = arith.cmpi slt, %sub3A_370, %lt3A_375 : i32
        %and3A_377 = arith.andi %ge3A_374, %lt3A_376 : i1
        %jit3A_378 = arith.constant 0 : i32
        %jit3A_379 = arith.constant 16383 : i32
        %max3A_380 = arith.maxsi %jit3A_378, %sub3A_370 : i32
        %min3A_381 = arith.minsi %jit3A_379, %max3A_380 : i32
        %shift_right_arithmetic3A_382 = arith.constant 7 : i32
        %shift_right_arithmetic3A_383 = arith.shrsi %min3A_381, %shift_right_arithmetic3A_382 : i32
        %shift_right_arithmetic3A_384 = arith.constant 4 : i32
        %shift_right_arithmetic3A_385 = arith.shrsi %min3A_381, %shift_right_arithmetic3A_384 : i32
        %and3A_386 = arith.constant 7 : i32
        %and3A_387 = arith.andi %shift_right_arithmetic3A_385, %and3A_386 : i32
        %and3A_388 = arith.constant 15 : i32
        %and3A_389 = arith.andi %min3A_381, %and3A_388 : i32
        %jit3A_390 = arith.constant 1 : i32
        %jit3A_391 = arith.constant 0 : i32
        %select_n3A_392 = arith.select %and3A_377, %jit3A_390, %jit3A_391 : i32
        %mul3A_393 = arith.constant 16 : i32
        %mul3A_394 = arith.muli %and3A_387, %mul3A_393 : i32
        %get3A_395 = arith.index_cast %shift_right_arithmetic3A_383 : i32 to index
        %get3A_396 = arith.index_cast %mul3A_394 : i32 to index
        %get3A_397 = tpu.vector_load %arg7[%get3A_395, %get3A_396] {strides = array<i32>} : memref<128x128xi32, #tpu.memory_space<vmem>>, vector<1x16xi32>,
        %get3A_398 = vector.shape_cast %get3A_397 : vector<1x16xi32> to vector<16xi32>
        %ge3A_399 = vector.broadcast %and3A_389 : i32 to vector<16xi32>
        %ge3A_400 = arith.cmpi sge, %iota3A, %ge3A_399 : vector<16xi32>
        %select_n3A_401 = arith.select %ge3A_400, %broadcast_in_dim3A_7, %broadcast_in_dim3A_3 : vector<16xi1>, vector<16xi32>
        %mul3A_402 = vector.broadcast %select_n3A_392 : i32 to vector<16xi32>
        %mul3A_403 = arith.muli %select_n3A_401, %mul3A_402 : vector<16xi32>
        %add3A_404 = arith.addi %get3A_398, %mul3A_403 : vector<16xi32>
        %mul3A_405 = arith.constant 16 : i32
        %mul3A_406 = arith.muli %and3A_387, %mul3A_405 : i32
        %swap3A_407 = arith.index_cast %shift_right_arithmetic3A_383 : i32 to index
        %swap3A_408 = arith.index_cast %mul3A_406 : i32 to index
        %swap3A_409 = tpu.vector_load %arg7[%swap3A_407, %swap3A_408] {strides = array<i32>} : memref<128x128xi32, #tpu.memory_space<vmem>>, vector<1x16xi32>,
        %swap3A_410 = vector.shape_cast %swap3A_409 : vector<1x16xi32> to vector<16xi32>
        %swap3A_411 = vector.shape_cast %add3A_404 : vector<16xi32> to vector<1x16xi32>
        tpu.vector_store %arg7[%swap3A_407, %swap3A_408], %swap3A_411 {strides = array<i32>} : memref<128x128xi32, #tpu.memory_space<vmem>>, vector<1x16xi32>,
        %shift_right_arithmetic3A_412 = arith.constant 4 : i32
        %shift_right_arithmetic3A_413 = arith.shrsi %min3A_381, %shift_right_arithmetic3A_412 : i32
        %shift_right_arithmetic3A_414 = arith.constant 4 : i32
        %shift_right_arithmetic3A_415 = arith.shrsi %shift_right_arithmetic3A_413, %shift_right_arithmetic3A_414 : i32
        %mul3A_416 = arith.constant 16 : i32
        %mul3A_417 = arith.muli %shift_right_arithmetic3A_415, %mul3A_416 : i32
        %and3A_418 = arith.constant 15 : i32
        %and3A_419 = arith.andi %shift_right_arithmetic3A_413, %and3A_418 : i32
        %get3A_420 = arith.index_cast %mul3A_417 : i32 to index
        %get3A_421 = tpu.vector_load %arg9[%get3A_420] {strides = array<i32>} : memref<1024xi32, #tpu.memory_space<vmem>>, vector<16xi32>,
        %get3A_422 = vector.shape_cast %get3A_421 : vector<16xi32> to vector<16xi32>
        %eq3A_423 = vector.broadcast %and3A_419 : i32 to vector<16xi32>
        %eq3A_424 = arith.cmpi eq, %iota3A, %eq3A_423 : vector<16xi32>
        %select_n3A_425 = arith.select %eq3A_424, %broadcast_in_dim3A_7, %broadcast_in_dim3A_3 : vector<16xi1>, vector<16xi32>
        %mul3A_426 = vector.broadcast %select_n3A_392 : i32 to vector<16xi32>
        %mul3A_427 = arith.muli %select_n3A_425, %mul3A_426 : vector<16xi32>
        %add3A_428 = arith.addi %get3A_422, %mul3A_427 : vector<16xi32>
        %swap3A_429 = arith.index_cast %mul3A_417 : i32 to index
        %swap3A_430 = tpu.vector_load %arg9[%swap3A_429] {strides = array<i32>} : memref<1024xi32, #tpu.memory_space<vmem>>, vector<16xi32>,
        %swap3A_431 = vector.shape_cast %swap3A_430 : vector<16xi32> to vector<16xi32>
        %swap3A_432 = vector.shape_cast %add3A_428 : vector<16xi32> to vector<16xi32>
        tpu.vector_store %arg9[%swap3A_429], %swap3A_432 {strides = array<i32>} : memref<1024xi32, #tpu.memory_space<vmem>>, vector<16xi32>,
        %jit3A_433 = arith.constant 1 : i32
        %jit3A_434 = arith.constant 0 : i32
        %select_n3A_435 = arith.select %lt3A_372, %jit3A_433, %jit3A_434 : i32
        %add3A_436 = arith.addi %add3A_349, %select_n3A_435 : i32
        %mul3A_437 = arith.constant 16 : i32
        %mul3A_438 = arith.muli %scan3A_173, %mul3A_437 : i32
        %add3A_439 = arith.constant 3 : i32
        %add3A_440 = arith.addi %mul3A_438, %add3A_439 : i32
        %ge3A_441 = arith.constant 1 : i32
        %ge3A_442 = arith.cmpi sge, %add3A_440, %ge3A_441 : i32
        %le3A_443 = arith.constant 512 : i32
        %le3A_444 = arith.cmpi sle, %add3A_440, %le3A_443 : i32
        %and3A_445 = arith.andi %ge3A_442, %le3A_444 : i1
        %slice3A_446 = vector.extract_strided_slice %get3A_179 {offsets = [3], sizes = [1], strides = [1]} : vector<16xi32> to vector<1xi32>
        %squeeze3A_447 = vector.extract %slice3A_446[0] : i32 from vector<1xi32>
        %jit3A_448 = arith.constant 655360 : i32
        %select_n3A_449 = arith.select %and3A_445, %squeeze3A_447, %jit3A_448 : i32
        %eq3A_450 = arith.constant 512 : i32
        %eq3A_451 = arith.cmpi eq, %add3A_440, %eq3A_450 : i32
        %eq3A_452 = arith.constant 31 : i32
        %eq3A_453 = arith.cmpi eq, %add3A, %eq3A_452 : i32
        %and3A_454 = arith.andi %eq3A_451, %eq3A_453 : i1
        %jit3A_455 = arith.constant 327680 : i32
        %select_n3A_456 = arith.select %and3A_454, %jit3A_455, %select_n3A_449 : i32
        %sub3A_457 = arith.subi %select_n3A_456, %multiple_of3A : i32
        %lt3A_458 = arith.constant 0 : i32
        %lt3A_459 = arith.cmpi slt, %sub3A_457, %lt3A_458 : i32
        %ge3A_460 = arith.constant 0 : i32
        %ge3A_461 = arith.cmpi sge, %sub3A_457, %ge3A_460 : i32
        %lt3A_462 = arith.constant 16384 : i32
        %lt3A_463 = arith.cmpi slt, %sub3A_457, %lt3A_462 : i32
        %and3A_464 = arith.andi %ge3A_461, %lt3A_463 : i1
        %jit3A_465 = arith.constant 0 : i32
        %jit3A_466 = arith.constant 16383 : i32
        %max3A_467 = arith.maxsi %jit3A_465, %sub3A_457 : i32
        %min3A_468 = arith.minsi %jit3A_466, %max3A_467 : i32
        %shift_right_arithmetic3A_469 = arith.constant 7 : i32
        %shift_right_arithmetic3A_470 = arith.shrsi %min3A_468, %shift_right_arithmetic3A_469 : i32
        %shift_right_arithmetic3A_471 = arith.constant 4 : i32
        %shift_right_arithmetic3A_472 = arith.shrsi %min3A_468, %shift_right_arithmetic3A_471 : i32
        %and3A_473 = arith.constant 7 : i32
        %and3A_474 = arith.andi %shift_right_arithmetic3A_472, %and3A_473 : i32
        %and3A_475 = arith.constant 15 : i32
        %and3A_476 = arith.andi %min3A_468, %and3A_475 : i32
        %jit3A_477 = arith.constant 1 : i32
        %jit3A_478 = arith.constant 0 : i32
        %select_n3A_479 = arith.select %and3A_464, %jit3A_477, %jit3A_478 : i32
        %mul3A_480 = arith.constant 16 : i32
        %mul3A_481 = arith.muli %and3A_474, %mul3A_480 : i32
        %get3A_482 = arith.index_cast %shift_right_arithmetic3A_470 : i32 to index
        %get3A_483 = arith.index_cast %mul3A_481 : i32 to index
        %get3A_484 = tpu.vector_load %arg7[%get3A_482, %get3A_483] {strides = array<i32>} : memref<128x128xi32, #tpu.memory_space<vmem>>, vector<1x16xi32>,
        %get3A_485 = vector.shape_cast %get3A_484 : vector<1x16xi32> to vector<16xi32>
        %ge3A_486 = vector.broadcast %and3A_476 : i32 to vector<16xi32>
        %ge3A_487 = arith.cmpi sge, %iota3A, %ge3A_486 : vector<16xi32>
        %select_n3A_488 = arith.select %ge3A_487, %broadcast_in_dim3A_7, %broadcast_in_dim3A_3 : vector<16xi1>, vector<16xi32>
        %mul3A_489 = vector.broadcast %select_n3A_479 : i32 to vector<16xi32>
        %mul3A_490 = arith.muli %select_n3A_488, %mul3A_489 : vector<16xi32>
        %add3A_491 = arith.addi %get3A_485, %mul3A_490 : vector<16xi32>
        %mul3A_492 = arith.constant 16 : i32
        %mul3A_493 = arith.muli %and3A_474, %mul3A_492 : i32
        %swap3A_494 = arith.index_cast %shift_right_arithmetic3A_470 : i32 to index
        %swap3A_495 = arith.index_cast %mul3A_493 : i32 to index
        %swap3A_496 = tpu.vector_load %arg7[%swap3A_494, %swap3A_495] {strides = array<i32>} : memref<128x128xi32, #tpu.memory_space<vmem>>, vector<1x16xi32>,
        %swap3A_497 = vector.shape_cast %swap3A_496 : vector<1x16xi32> to vector<16xi32>
        %swap3A_498 = vector.shape_cast %add3A_491 : vector<16xi32> to vector<1x16xi32>
        tpu.vector_store %arg7[%swap3A_494, %swap3A_495], %swap3A_498 {strides = array<i32>} : memref<128x128xi32, #tpu.memory_space<vmem>>, vector<1x16xi32>,
        %shift_right_arithmetic3A_499 = arith.constant 4 : i32
        %shift_right_arithmetic3A_500 = arith.shrsi %min3A_468, %shift_right_arithmetic3A_499 : i32
        %shift_right_arithmetic3A_501 = arith.constant 4 : i32
        %shift_right_arithmetic3A_502 = arith.shrsi %shift_right_arithmetic3A_500, %shift_right_arithmetic3A_501 : i32
        %mul3A_503 = arith.constant 16 : i32
        %mul3A_504 = arith.muli %shift_right_arithmetic3A_502, %mul3A_503 : i32
        %and3A_505 = arith.constant 15 : i32
        %and3A_506 = arith.andi %shift_right_arithmetic3A_500, %and3A_505 : i32
        %get3A_507 = arith.index_cast %mul3A_504 : i32 to index
        %get3A_508 = tpu.vector_load %arg9[%get3A_507] {strides = array<i32>} : memref<1024xi32, #tpu.memory_space<vmem>>, vector<16xi32>,
        %get3A_509 = vector.shape_cast %get3A_508 : vector<16xi32> to vector<16xi32>
        %eq3A_510 = vector.broadcast %and3A_506 : i32 to vector<16xi32>
        %eq3A_511 = arith.cmpi eq, %iota3A, %eq3A_510 : vector<16xi32>
        %select_n3A_512 = arith.select %eq3A_511, %broadcast_in_dim3A_7, %broadcast_in_dim3A_3 : vector<16xi1>, vector<16xi32>
        %mul3A_513 = vector.broadcast %select_n3A_479 : i32 to vector<16xi32>
        %mul3A_514 = arith.muli %select_n3A_512, %mul3A_513 : vector<16xi32>
        %add3A_515 = arith.addi %get3A_509, %mul3A_514 : vector<16xi32>
        %swap3A_516 = arith.index_cast %mul3A_504 : i32 to index
        %swap3A_517 = tpu.vector_load %arg9[%swap3A_516] {strides = array<i32>} : memref<1024xi32, #tpu.memory_space<vmem>>, vector<16xi32>,
        %swap3A_518 = vector.shape_cast %swap3A_517 : vector<16xi32> to vector<16xi32>
        %swap3A_519 = vector.shape_cast %add3A_515 : vector<16xi32> to vector<16xi32>
        tpu.vector_store %arg9[%swap3A_516], %swap3A_519 {strides = array<i32>} : memref<1024xi32, #tpu.memory_space<vmem>>, vector<16xi32>,
        %jit3A_520 = arith.constant 1 : i32
        %jit3A_521 = arith.constant 0 : i32
        %select_n3A_522 = arith.select %lt3A_459, %jit3A_520, %jit3A_521 : i32
        %add3A_523 = arith.addi %add3A_436, %select_n3A_522 : i32
        %mul3A_524 = arith.constant 16 : i32
        %mul3A_525 = arith.muli %scan3A_173, %mul3A_524 : i32
        %add3A_526 = arith.constant 4 : i32
        %add3A_527 = arith.addi %mul3A_525, %add3A_526 : i32
        %ge3A_528 = arith.constant 1 : i32
        %ge3A_529 = arith.cmpi sge, %add3A_527, %ge3A_528 : i32
        %le3A_530 = arith.constant 512 : i32
        %le3A_531 = arith.cmpi sle, %add3A_527, %le3A_530 : i32
        %and3A_532 = arith.andi %ge3A_529, %le3A_531 : i1
        %slice3A_533 = vector.extract_strided_slice %get3A_179 {offsets = [4], sizes = [1], strides = [1]} : vector<16xi32> to vector<1xi32>
        %squeeze3A_534 = vector.extract %slice3A_533[0] : i32 from vector<1xi32>
        %jit3A_535 = arith.constant 655360 : i32
        %select_n3A_536 = arith.select %and3A_532, %squeeze3A_534, %jit3A_535 : i32
        %eq3A_537 = arith.constant 512 : i32
        %eq3A_538 = arith.cmpi eq, %add3A_527, %eq3A_537 : i32
        %eq3A_539 = arith.constant 31 : i32
        %eq3A_540 = arith.cmpi eq, %add3A, %eq3A_539 : i32
        %and3A_541 = arith.andi %eq3A_538, %eq3A_540 : i1
        %jit3A_542 = arith.constant 327680 : i32
        %select_n3A_543 = arith.select %and3A_541, %jit3A_542, %select_n3A_536 : i32
        %sub3A_544 = arith.subi %select_n3A_543, %multiple_of3A : i32
        %lt3A_545 = arith.constant 0 : i32
        %lt3A_546 = arith.cmpi slt, %sub3A_544, %lt3A_545 : i32
        %ge3A_547 = arith.constant 0 : i32
        %ge3A_548 = arith.cmpi sge, %sub3A_544, %ge3A_547 : i32
        %lt3A_549 = arith.constant 16384 : i32
        %lt3A_550 = arith.cmpi slt, %sub3A_544, %lt3A_549 : i32
        %and3A_551 = arith.andi %ge3A_548, %lt3A_550 : i1
        %jit3A_552 = arith.constant 0 : i32
        %jit3A_553 = arith.constant 16383 : i32
        %max3A_554 = arith.maxsi %jit3A_552, %sub3A_544 : i32
        %min3A_555 = arith.minsi %jit3A_553, %max3A_554 : i32
        %shift_right_arithmetic3A_556 = arith.constant 7 : i32
        %shift_right_arithmetic3A_557 = arith.shrsi %min3A_555, %shift_right_arithmetic3A_556 : i32
        %shift_right_arithmetic3A_558 = arith.constant 4 : i32
        %shift_right_arithmetic3A_559 = arith.shrsi %min3A_555, %shift_right_arithmetic3A_558 : i32
        %and3A_560 = arith.constant 7 : i32
        %and3A_561 = arith.andi %shift_right_arithmetic3A_559, %and3A_560 : i32
        %and3A_562 = arith.constant 15 : i32
        %and3A_563 = arith.andi %min3A_555, %and3A_562 : i32
        %jit3A_564 = arith.constant 1 : i32
        %jit3A_565 = arith.constant 0 : i32
        %select_n3A_566 = arith.select %and3A_551, %jit3A_564, %jit3A_565 : i32
        %mul3A_567 = arith.constant 16 : i32
        %mul3A_568 = arith.muli %and3A_561, %mul3A_567 : i32
        %get3A_569 = arith.index_cast %shift_right_arithmetic3A_557 : i32 to index
        %get3A_570 = arith.index_cast %mul3A_568 : i32 to index
        %get3A_571 = tpu.vector_load %arg7[%get3A_569, %get3A_570] {strides = array<i32>} : memref<128x128xi32, #tpu.memory_space<vmem>>, vector<1x16xi32>,
        %get3A_572 = vector.shape_cast %get3A_571 : vector<1x16xi32> to vector<16xi32>
        %ge3A_573 = vector.broadcast %and3A_563 : i32 to vector<16xi32>
        %ge3A_574 = arith.cmpi sge, %iota3A, %ge3A_573 : vector<16xi32>
        %select_n3A_575 = arith.select %ge3A_574, %broadcast_in_dim3A_7, %broadcast_in_dim3A_3 : vector<16xi1>, vector<16xi32>
        %mul3A_576 = vector.broadcast %select_n3A_566 : i32 to vector<16xi32>
        %mul3A_577 = arith.muli %select_n3A_575, %mul3A_576 : vector<16xi32>
        %add3A_578 = arith.addi %get3A_572, %mul3A_577 : vector<16xi32>
        %mul3A_579 = arith.constant 16 : i32
        %mul3A_580 = arith.muli %and3A_561, %mul3A_579 : i32
        %swap3A_581 = arith.index_cast %shift_right_arithmetic3A_557 : i32 to index
        %swap3A_582 = arith.index_cast %mul3A_580 : i32 to index
        %swap3A_583 = tpu.vector_load %arg7[%swap3A_581, %swap3A_582] {strides = array<i32>} : memref<128x128xi32, #tpu.memory_space<vmem>>, vector<1x16xi32>,
        %swap3A_584 = vector.shape_cast %swap3A_583 : vector<1x16xi32> to vector<16xi32>
        %swap3A_585 = vector.shape_cast %add3A_578 : vector<16xi32> to vector<1x16xi32>
        tpu.vector_store %arg7[%swap3A_581, %swap3A_582], %swap3A_585 {strides = array<i32>} : memref<128x128xi32, #tpu.memory_space<vmem>>, vector<1x16xi32>,
        %shift_right_arithmetic3A_586 = arith.constant 4 : i32
        %shift_right_arithmetic3A_587 = arith.shrsi %min3A_555, %shift_right_arithmetic3A_586 : i32
        %shift_right_arithmetic3A_588 = arith.constant 4 : i32
        %shift_right_arithmetic3A_589 = arith.shrsi %shift_right_arithmetic3A_587, %shift_right_arithmetic3A_588 : i32
        %mul3A_590 = arith.constant 16 : i32
        %mul3A_591 = arith.muli %shift_right_arithmetic3A_589, %mul3A_590 : i32
        %and3A_592 = arith.constant 15 : i32
        %and3A_593 = arith.andi %shift_right_arithmetic3A_587, %and3A_592 : i32
        %get3A_594 = arith.index_cast %mul3A_591 : i32 to index
        %get3A_595 = tpu.vector_load %arg9[%get3A_594] {strides = array<i32>} : memref<1024xi32, #tpu.memory_space<vmem>>, vector<16xi32>,
        %get3A_596 = vector.shape_cast %get3A_595 : vector<16xi32> to vector<16xi32>
        %eq3A_597 = vector.broadcast %and3A_593 : i32 to vector<16xi32>
        %eq3A_598 = arith.cmpi eq, %iota3A, %eq3A_597 : vector<16xi32>
        %select_n3A_599 = arith.select %eq3A_598, %broadcast_in_dim3A_7, %broadcast_in_dim3A_3 : vector<16xi1>, vector<16xi32>
        %mul3A_600 = vector.broadcast %select_n3A_566 : i32 to vector<16xi32>
        %mul3A_601 = arith.muli %select_n3A_599, %mul3A_600 : vector<16xi32>
        %add3A_602 = arith.addi %get3A_596, %mul3A_601 : vector<16xi32>
        %swap3A_603 = arith.index_cast %mul3A_591 : i32 to index
        %swap3A_604 = tpu.vector_load %arg9[%swap3A_603] {strides = array<i32>} : memref<1024xi32, #tpu.memory_space<vmem>>, vector<16xi32>,
        %swap3A_605 = vector.shape_cast %swap3A_604 : vector<16xi32> to vector<16xi32>
        %swap3A_606 = vector.shape_cast %add3A_602 : vector<16xi32> to vector<16xi32>
        tpu.vector_store %arg9[%swap3A_603], %swap3A_606 {strides = array<i32>} : memref<1024xi32, #tpu.memory_space<vmem>>, vector<16xi32>,
        %jit3A_607 = arith.constant 1 : i32
        %jit3A_608 = arith.constant 0 : i32
        %select_n3A_609 = arith.select %lt3A_546, %jit3A_607, %jit3A_608 : i32
        %add3A_610 = arith.addi %add3A_523, %select_n3A_609 : i32
        %mul3A_611 = arith.constant 16 : i32
        %mul3A_612 = arith.muli %scan3A_173, %mul3A_611 : i32
        %add3A_613 = arith.constant 5 : i32
        %add3A_614 = arith.addi %mul3A_612, %add3A_613 : i32
        %ge3A_615 = arith.constant 1 : i32
        %ge3A_616 = arith.cmpi sge, %add3A_614, %ge3A_615 : i32
        %le3A_617 = arith.constant 512 : i32
        %le3A_618 = arith.cmpi sle, %add3A_614, %le3A_617 : i32
        %and3A_619 = arith.andi %ge3A_616, %le3A_618 : i1
        %slice3A_620 = vector.extract_strided_slice %get3A_179 {offsets = [5], sizes = [1], strides = [1]} : vector<16xi32> to vector<1xi32>
        %squeeze3A_621 = vector.extract %slice3A_620[0] : i32 from vector<1xi32>
        %jit3A_622 = arith.constant 655360 : i32
        %select_n3A_623 = arith.select %and3A_619, %squeeze3A_621, %jit3A_622 : i32
        %eq3A_624 = arith.constant 512 : i32
        %eq3A_625 = arith.cmpi eq, %add3A_614, %eq3A_624 : i32
        %eq3A_626 = arith.constant 31 : i32
        %eq3A_627 = arith.cmpi eq, %add3A, %eq3A_626 : i32
        %and3A_628 = arith.andi %eq3A_625, %eq3A_627 : i1
        %jit3A_629 = arith.constant 327680 : i32
        %select_n3A_630 = arith.select %and3A_628, %jit3A_629, %select_n3A_623 : i32
        %sub3A_631 = arith.subi %select_n3A_630, %multiple_of3A : i32
        %lt3A_632 = arith.constant 0 : i32
        %lt3A_633 = arith.cmpi slt, %sub3A_631, %lt3A_632 : i32
        %ge3A_634 = arith.constant 0 : i32
        %ge3A_635 = arith.cmpi sge, %sub3A_631, %ge3A_634 : i32
        %lt3A_636 = arith.constant 16384 : i32
        %lt3A_637 = arith.cmpi slt, %sub3A_631, %lt3A_636 : i32
        %and3A_638 = arith.andi %ge3A_635, %lt3A_637 : i1
        %jit3A_639 = arith.constant 0 : i32
        %jit3A_640 = arith.constant 16383 : i32
        %max3A_641 = arith.maxsi %jit3A_639, %sub3A_631 : i32
        %min3A_642 = arith.minsi %jit3A_640, %max3A_641 : i32
        %shift_right_arithmetic3A_643 = arith.constant 7 : i32
        %shift_right_arithmetic3A_644 = arith.shrsi %min3A_642, %shift_right_arithmetic3A_643 : i32
        %shift_right_arithmetic3A_645 = arith.constant 4 : i32
        %shift_right_arithmetic3A_646 = arith.shrsi %min3A_642, %shift_right_arithmetic3A_645 : i32
        %and3A_647 = arith.constant 7 : i32
        %and3A_648 = arith.andi %shift_right_arithmetic3A_646, %and3A_647 : i32
        %and3A_649 = arith.constant 15 : i32
        %and3A_650 = arith.andi %min3A_642, %and3A_649 : i32
        %jit3A_651 = arith.constant 1 : i32
        %jit3A_652 = arith.constant 0 : i32
        %select_n3A_653 = arith.select %and3A_638, %jit3A_651, %jit3A_652 : i32
        %mul3A_654 = arith.constant 16 : i32
        %mul3A_655 = arith.muli %and3A_648, %mul3A_654 : i32
        %get3A_656 = arith.index_cast %shift_right_arithmetic3A_644 : i32 to index
        %get3A_657 = arith.index_cast %mul3A_655 : i32 to index
        %get3A_658 = tpu.vector_load %arg7[%get3A_656, %get3A_657] {strides = array<i32>} : memref<128x128xi32, #tpu.memory_space<vmem>>, vector<1x16xi32>,
        %get3A_659 = vector.shape_cast %get3A_658 : vector<1x16xi32> to vector<16xi32>
        %ge3A_660 = vector.broadcast %and3A_650 : i32 to vector<16xi32>
        %ge3A_661 = arith.cmpi sge, %iota3A, %ge3A_660 : vector<16xi32>
        %select_n3A_662 = arith.select %ge3A_661, %broadcast_in_dim3A_7, %broadcast_in_dim3A_3 : vector<16xi1>, vector<16xi32>
        %mul3A_663 = vector.broadcast %select_n3A_653 : i32 to vector<16xi32>
        %mul3A_664 = arith.muli %select_n3A_662, %mul3A_663 : vector<16xi32>
        %add3A_665 = arith.addi %get3A_659, %mul3A_664 : vector<16xi32>
        %mul3A_666 = arith.constant 16 : i32
        %mul3A_667 = arith.muli %and3A_648, %mul3A_666 : i32
        %swap3A_668 = arith.index_cast %shift_right_arithmetic3A_644 : i32 to index
        %swap3A_669 = arith.index_cast %mul3A_667 : i32 to index
        %swap3A_670 = tpu.vector_load %arg7[%swap3A_668, %swap3A_669] {strides = array<i32>} : memref<128x128xi32, #tpu.memory_space<vmem>>, vector<1x16xi32>,
        %swap3A_671 = vector.shape_cast %swap3A_670 : vector<1x16xi32> to vector<16xi32>
        %swap3A_672 = vector.shape_cast %add3A_665 : vector<16xi32> to vector<1x16xi32>
        tpu.vector_store %arg7[%swap3A_668, %swap3A_669], %swap3A_672 {strides = array<i32>} : memref<128x128xi32, #tpu.memory_space<vmem>>, vector<1x16xi32>,
        %shift_right_arithmetic3A_673 = arith.constant 4 : i32
        %shift_right_arithmetic3A_674 = arith.shrsi %min3A_642, %shift_right_arithmetic3A_673 : i32
        %shift_right_arithmetic3A_675 = arith.constant 4 : i32
        %shift_right_arithmetic3A_676 = arith.shrsi %shift_right_arithmetic3A_674, %shift_right_arithmetic3A_675 : i32
        %mul3A_677 = arith.constant 16 : i32
        %mul3A_678 = arith.muli %shift_right_arithmetic3A_676, %mul3A_677 : i32
        %and3A_679 = arith.constant 15 : i32
        %and3A_680 = arith.andi %shift_right_arithmetic3A_674, %and3A_679 : i32
        %get3A_681 = arith.index_cast %mul3A_678 : i32 to index
        %get3A_682 = tpu.vector_load %arg9[%get3A_681] {strides = array<i32>} : memref<1024xi32, #tpu.memory_space<vmem>>, vector<16xi32>,
        %get3A_683 = vector.shape_cast %get3A_682 : vector<16xi32> to vector<16xi32>
        %eq3A_684 = vector.broadcast %and3A_680 : i32 to vector<16xi32>
        %eq3A_685 = arith.cmpi eq, %iota3A, %eq3A_684 : vector<16xi32>
        %select_n3A_686 = arith.select %eq3A_685, %broadcast_in_dim3A_7, %broadcast_in_dim3A_3 : vector<16xi1>, vector<16xi32>
        %mul3A_687 = vector.broadcast %select_n3A_653 : i32 to vector<16xi32>
        %mul3A_688 = arith.muli %select_n3A_686, %mul3A_687 : vector<16xi32>
        %add3A_689 = arith.addi %get3A_683, %mul3A_688 : vector<16xi32>
        %swap3A_690 = arith.index_cast %mul3A_678 : i32 to index
        %swap3A_691 = tpu.vector_load %arg9[%swap3A_690] {strides = array<i32>} : memref<1024xi32, #tpu.memory_space<vmem>>, vector<16xi32>,
        %swap3A_692 = vector.shape_cast %swap3A_691 : vector<16xi32> to vector<16xi32>
        %swap3A_693 = vector.shape_cast %add3A_689 : vector<16xi32> to vector<16xi32>
        tpu.vector_store %arg9[%swap3A_690], %swap3A_693 {strides = array<i32>} : memref<1024xi32, #tpu.memory_space<vmem>>, vector<16xi32>,
        %jit3A_694 = arith.constant 1 : i32
        %jit3A_695 = arith.constant 0 : i32
        %select_n3A_696 = arith.select %lt3A_633, %jit3A_694, %jit3A_695 : i32
        %add3A_697 = arith.addi %add3A_610, %select_n3A_696 : i32
        %mul3A_698 = arith.constant 16 : i32
        %mul3A_699 = arith.muli %scan3A_173, %mul3A_698 : i32
        %add3A_700 = arith.constant 6 : i32
        %add3A_701 = arith.addi %mul3A_699, %add3A_700 : i32
        %ge3A_702 = arith.constant 1 : i32
        %ge3A_703 = arith.cmpi sge, %add3A_701, %ge3A_702 : i32
        %le3A_704 = arith.constant 512 : i32
        %le3A_705 = arith.cmpi sle, %add3A_701, %le3A_704 : i32
        %and3A_706 = arith.andi %ge3A_703, %le3A_705 : i1
        %slice3A_707 = vector.extract_strided_slice %get3A_179 {offsets = [6], sizes = [1], strides = [1]} : vector<16xi32> to vector<1xi32>
        %squeeze3A_708 = vector.extract %slice3A_707[0] : i32 from vector<1xi32>
        %jit3A_709 = arith.constant 655360 : i32
        %select_n3A_710 = arith.select %and3A_706, %squeeze3A_708, %jit3A_709 : i32
        %eq3A_711 = arith.constant 512 : i32
        %eq3A_712 = arith.cmpi eq, %add3A_701, %eq3A_711 : i32
        %eq3A_713 = arith.constant 31 : i32
        %eq3A_714 = arith.cmpi eq, %add3A, %eq3A_713 : i32
        %and3A_715 = arith.andi %eq3A_712, %eq3A_714 : i1
        %jit3A_716 = arith.constant 327680 : i32
        %select_n3A_717 = arith.select %and3A_715, %jit3A_716, %select_n3A_710 : i32
        %sub3A_718 = arith.subi %select_n3A_717, %multiple_of3A : i32
        %lt3A_719 = arith.constant 0 : i32
        %lt3A_720 = arith.cmpi slt, %sub3A_718, %lt3A_719 : i32
        %ge3A_721 = arith.constant 0 : i32
        %ge3A_722 = arith.cmpi sge, %sub3A_718, %ge3A_721 : i32
        %lt3A_723 = arith.constant 16384 : i32
        %lt3A_724 = arith.cmpi slt, %sub3A_718, %lt3A_723 : i32
        %and3A_725 = arith.andi %ge3A_722, %lt3A_724 : i1
        %jit3A_726 = arith.constant 0 : i32
        %jit3A_727 = arith.constant 16383 : i32
        %max3A_728 = arith.maxsi %jit3A_726, %sub3A_718 : i32
        %min3A_729 = arith.minsi %jit3A_727, %max3A_728 : i32
        %shift_right_arithmetic3A_730 = arith.constant 7 : i32
        %shift_right_arithmetic3A_731 = arith.shrsi %min3A_729, %shift_right_arithmetic3A_730 : i32
        %shift_right_arithmetic3A_732 = arith.constant 4 : i32
        %shift_right_arithmetic3A_733 = arith.shrsi %min3A_729, %shift_right_arithmetic3A_732 : i32
        %and3A_734 = arith.constant 7 : i32
        %and3A_735 = arith.andi %shift_right_arithmetic3A_733, %and3A_734 : i32
        %and3A_736 = arith.constant 15 : i32
        %and3A_737 = arith.andi %min3A_729, %and3A_736 : i32
        %jit3A_738 = arith.constant 1 : i32
        %jit3A_739 = arith.constant 0 : i32
        %select_n3A_740 = arith.select %and3A_725, %jit3A_738, %jit3A_739 : i32
        %mul3A_741 = arith.constant 16 : i32
        %mul3A_742 = arith.muli %and3A_735, %mul3A_741 : i32
        %get3A_743 = arith.index_cast %shift_right_arithmetic3A_731 : i32 to index
        %get3A_744 = arith.index_cast %mul3A_742 : i32 to index
        %get3A_745 = tpu.vector_load %arg7[%get3A_743, %get3A_744] {strides = array<i32>} : memref<128x128xi32, #tpu.memory_space<vmem>>, vector<1x16xi32>,
        %get3A_746 = vector.shape_cast %get3A_745 : vector<1x16xi32> to vector<16xi32>
        %ge3A_747 = vector.broadcast %and3A_737 : i32 to vector<16xi32>
        %ge3A_748 = arith.cmpi sge, %iota3A, %ge3A_747 : vector<16xi32>
        %select_n3A_749 = arith.select %ge3A_748, %broadcast_in_dim3A_7, %broadcast_in_dim3A_3 : vector<16xi1>, vector<16xi32>
        %mul3A_750 = vector.broadcast %select_n3A_740 : i32 to vector<16xi32>
        %mul3A_751 = arith.muli %select_n3A_749, %mul3A_750 : vector<16xi32>
        %add3A_752 = arith.addi %get3A_746, %mul3A_751 : vector<16xi32>
        %mul3A_753 = arith.constant 16 : i32
        %mul3A_754 = arith.muli %and3A_735, %mul3A_753 : i32
        %swap3A_755 = arith.index_cast %shift_right_arithmetic3A_731 : i32 to index
        %swap3A_756 = arith.index_cast %mul3A_754 : i32 to index
        %swap3A_757 = tpu.vector_load %arg7[%swap3A_755, %swap3A_756] {strides = array<i32>} : memref<128x128xi32, #tpu.memory_space<vmem>>, vector<1x16xi32>,
        %swap3A_758 = vector.shape_cast %swap3A_757 : vector<1x16xi32> to vector<16xi32>
        %swap3A_759 = vector.shape_cast %add3A_752 : vector<16xi32> to vector<1x16xi32>
        tpu.vector_store %arg7[%swap3A_755, %swap3A_756], %swap3A_759 {strides = array<i32>} : memref<128x128xi32, #tpu.memory_space<vmem>>, vector<1x16xi32>,
        %shift_right_arithmetic3A_760 = arith.constant 4 : i32
        %shift_right_arithmetic3A_761 = arith.shrsi %min3A_729, %shift_right_arithmetic3A_760 : i32
        %shift_right_arithmetic3A_762 = arith.constant 4 : i32
        %shift_right_arithmetic3A_763 = arith.shrsi %shift_right_arithmetic3A_761, %shift_right_arithmetic3A_762 : i32
        %mul3A_764 = arith.constant 16 : i32
        %mul3A_765 = arith.muli %shift_right_arithmetic3A_763, %mul3A_764 : i32
        %and3A_766 = arith.constant 15 : i32
        %and3A_767 = arith.andi %shift_right_arithmetic3A_761, %and3A_766 : i32
        %get3A_768 = arith.index_cast %mul3A_765 : i32 to index
        %get3A_769 = tpu.vector_load %arg9[%get3A_768] {strides = array<i32>} : memref<1024xi32, #tpu.memory_space<vmem>>, vector<16xi32>,
        %get3A_770 = vector.shape_cast %get3A_769 : vector<16xi32> to vector<16xi32>
        %eq3A_771 = vector.broadcast %and3A_767 : i32 to vector<16xi32>
        %eq3A_772 = arith.cmpi eq, %iota3A, %eq3A_771 : vector<16xi32>
        %select_n3A_773 = arith.select %eq3A_772, %broadcast_in_dim3A_7, %broadcast_in_dim3A_3 : vector<16xi1>, vector<16xi32>
        %mul3A_774 = vector.broadcast %select_n3A_740 : i32 to vector<16xi32>
        %mul3A_775 = arith.muli %select_n3A_773, %mul3A_774 : vector<16xi32>
        %add3A_776 = arith.addi %get3A_770, %mul3A_775 : vector<16xi32>
        %swap3A_777 = arith.index_cast %mul3A_765 : i32 to index
        %swap3A_778 = tpu.vector_load %arg9[%swap3A_777] {strides = array<i32>} : memref<1024xi32, #tpu.memory_space<vmem>>, vector<16xi32>,
        %swap3A_779 = vector.shape_cast %swap3A_778 : vector<16xi32> to vector<16xi32>
        %swap3A_780 = vector.shape_cast %add3A_776 : vector<16xi32> to vector<16xi32>
        tpu.vector_store %arg9[%swap3A_777], %swap3A_780 {strides = array<i32>} : memref<1024xi32, #tpu.memory_space<vmem>>, vector<16xi32>,
        %jit3A_781 = arith.constant 1 : i32
        %jit3A_782 = arith.constant 0 : i32
        %select_n3A_783 = arith.select %lt3A_720, %jit3A_781, %jit3A_782 : i32
        %add3A_784 = arith.addi %add3A_697, %select_n3A_783 : i32
        %mul3A_785 = arith.constant 16 : i32
        %mul3A_786 = arith.muli %scan3A_173, %mul3A_785 : i32
        %add3A_787 = arith.constant 7 : i32
        %add3A_788 = arith.addi %mul3A_786, %add3A_787 : i32
        %ge3A_789 = arith.constant 1 : i32
        %ge3A_790 = arith.cmpi sge, %add3A_788, %ge3A_789 : i32
        %le3A_791 = arith.constant 512 : i32
        %le3A_792 = arith.cmpi sle, %add3A_788, %le3A_791 : i32
        %and3A_793 = arith.andi %ge3A_790, %le3A_792 : i1
        %slice3A_794 = vector.extract_strided_slice %get3A_179 {offsets = [7], sizes = [1], strides = [1]} : vector<16xi32> to vector<1xi32>
        %squeeze3A_795 = vector.extract %slice3A_794[0] : i32 from vector<1xi32>
        %jit3A_796 = arith.constant 655360 : i32
        %select_n3A_797 = arith.select %and3A_793, %squeeze3A_795, %jit3A_796 : i32
        %eq3A_798 = arith.constant 512 : i32
        %eq3A_799 = arith.cmpi eq, %add3A_788, %eq3A_798 : i32
        %eq3A_800 = arith.constant 31 : i32
        %eq3A_801 = arith.cmpi eq, %add3A, %eq3A_800 : i32
        %and3A_802 = arith.andi %eq3A_799, %eq3A_801 : i1
        %jit3A_803 = arith.constant 327680 : i32
        %select_n3A_804 = arith.select %and3A_802, %jit3A_803, %select_n3A_797 : i32
        %sub3A_805 = arith.subi %select_n3A_804, %multiple_of3A : i32
        %lt3A_806 = arith.constant 0 : i32
        %lt3A_807 = arith.cmpi slt, %sub3A_805, %lt3A_806 : i32
        %ge3A_808 = arith.constant 0 : i32
        %ge3A_809 = arith.cmpi sge, %sub3A_805, %ge3A_808 : i32
        %lt3A_810 = arith.constant 16384 : i32
        %lt3A_811 = arith.cmpi slt, %sub3A_805, %lt3A_810 : i32
        %and3A_812 = arith.andi %ge3A_809, %lt3A_811 : i1
        %jit3A_813 = arith.constant 0 : i32
        %jit3A_814 = arith.constant 16383 : i32
        %max3A_815 = arith.maxsi %jit3A_813, %sub3A_805 : i32
        %min3A_816 = arith.minsi %jit3A_814, %max3A_815 : i32
        %shift_right_arithmetic3A_817 = arith.constant 7 : i32
        %shift_right_arithmetic3A_818 = arith.shrsi %min3A_816, %shift_right_arithmetic3A_817 : i32
        %shift_right_arithmetic3A_819 = arith.constant 4 : i32
        %shift_right_arithmetic3A_820 = arith.shrsi %min3A_816, %shift_right_arithmetic3A_819 : i32
        %and3A_821 = arith.constant 7 : i32
        %and3A_822 = arith.andi %shift_right_arithmetic3A_820, %and3A_821 : i32
        %and3A_823 = arith.constant 15 : i32
        %and3A_824 = arith.andi %min3A_816, %and3A_823 : i32
        %jit3A_825 = arith.constant 1 : i32
        %jit3A_826 = arith.constant 0 : i32
        %select_n3A_827 = arith.select %and3A_812, %jit3A_825, %jit3A_826 : i32
        %mul3A_828 = arith.constant 16 : i32
        %mul3A_829 = arith.muli %and3A_822, %mul3A_828 : i32
        %get3A_830 = arith.index_cast %shift_right_arithmetic3A_818 : i32 to index
        %get3A_831 = arith.index_cast %mul3A_829 : i32 to index
        %get3A_832 = tpu.vector_load %arg7[%get3A_830, %get3A_831] {strides = array<i32>} : memref<128x128xi32, #tpu.memory_space<vmem>>, vector<1x16xi32>,
        %get3A_833 = vector.shape_cast %get3A_832 : vector<1x16xi32> to vector<16xi32>
        %ge3A_834 = vector.broadcast %and3A_824 : i32 to vector<16xi32>
        %ge3A_835 = arith.cmpi sge, %iota3A, %ge3A_834 : vector<16xi32>
        %select_n3A_836 = arith.select %ge3A_835, %broadcast_in_dim3A_7, %broadcast_in_dim3A_3 : vector<16xi1>, vector<16xi32>
        %mul3A_837 = vector.broadcast %select_n3A_827 : i32 to vector<16xi32>
        %mul3A_838 = arith.muli %select_n3A_836, %mul3A_837 : vector<16xi32>
        %add3A_839 = arith.addi %get3A_833, %mul3A_838 : vector<16xi32>
        %mul3A_840 = arith.constant 16 : i32
        %mul3A_841 = arith.muli %and3A_822, %mul3A_840 : i32
        %swap3A_842 = arith.index_cast %shift_right_arithmetic3A_818 : i32 to index
        %swap3A_843 = arith.index_cast %mul3A_841 : i32 to index
        %swap3A_844 = tpu.vector_load %arg7[%swap3A_842, %swap3A_843] {strides = array<i32>} : memref<128x128xi32, #tpu.memory_space<vmem>>, vector<1x16xi32>,
        %swap3A_845 = vector.shape_cast %swap3A_844 : vector<1x16xi32> to vector<16xi32>
        %swap3A_846 = vector.shape_cast %add3A_839 : vector<16xi32> to vector<1x16xi32>
        tpu.vector_store %arg7[%swap3A_842, %swap3A_843], %swap3A_846 {strides = array<i32>} : memref<128x128xi32, #tpu.memory_space<vmem>>, vector<1x16xi32>,
        %shift_right_arithmetic3A_847 = arith.constant 4 : i32
        %shift_right_arithmetic3A_848 = arith.shrsi %min3A_816, %shift_right_arithmetic3A_847 : i32
        %shift_right_arithmetic3A_849 = arith.constant 4 : i32
        %shift_right_arithmetic3A_850 = arith.shrsi %shift_right_arithmetic3A_848, %shift_right_arithmetic3A_849 : i32
        %mul3A_851 = arith.constant 16 : i32
        %mul3A_852 = arith.muli %shift_right_arithmetic3A_850, %mul3A_851 : i32
        %and3A_853 = arith.constant 15 : i32
        %and3A_854 = arith.andi %shift_right_arithmetic3A_848, %and3A_853 : i32
        %get3A_855 = arith.index_cast %mul3A_852 : i32 to index
        %get3A_856 = tpu.vector_load %arg9[%get3A_855] {strides = array<i32>} : memref<1024xi32, #tpu.memory_space<vmem>>, vector<16xi32>,
        %get3A_857 = vector.shape_cast %get3A_856 : vector<16xi32> to vector<16xi32>
        %eq3A_858 = vector.broadcast %and3A_854 : i32 to vector<16xi32>
        %eq3A_859 = arith.cmpi eq, %iota3A, %eq3A_858 : vector<16xi32>
        %select_n3A_860 = arith.select %eq3A_859, %broadcast_in_dim3A_7, %broadcast_in_dim3A_3 : vector<16xi1>, vector<16xi32>
        %mul3A_861 = vector.broadcast %select_n3A_827 : i32 to vector<16xi32>
        %mul3A_862 = arith.muli %select_n3A_860, %mul3A_861 : vector<16xi32>
        %add3A_863 = arith.addi %get3A_857, %mul3A_862 : vector<16xi32>
        %swap3A_864 = arith.index_cast %mul3A_852 : i32 to index
        %swap3A_865 = tpu.vector_load %arg9[%swap3A_864] {strides = array<i32>} : memref<1024xi32, #tpu.memory_space<vmem>>, vector<16xi32>,
        %swap3A_866 = vector.shape_cast %swap3A_865 : vector<16xi32> to vector<16xi32>
        %swap3A_867 = vector.shape_cast %add3A_863 : vector<16xi32> to vector<16xi32>
        tpu.vector_store %arg9[%swap3A_864], %swap3A_867 {strides = array<i32>} : memref<1024xi32, #tpu.memory_space<vmem>>, vector<16xi32>,
        %jit3A_868 = arith.constant 1 : i32
        %jit3A_869 = arith.constant 0 : i32
        %select_n3A_870 = arith.select %lt3A_807, %jit3A_868, %jit3A_869 : i32
        %add3A_871 = arith.addi %add3A_784, %select_n3A_870 : i32
        %mul3A_872 = arith.constant 16 : i32
        %mul3A_873 = arith.muli %scan3A_173, %mul3A_872 : i32
        %add3A_874 = arith.constant 8 : i32
        %add3A_875 = arith.addi %mul3A_873, %add3A_874 : i32
        %ge3A_876 = arith.constant 1 : i32
        %ge3A_877 = arith.cmpi sge, %add3A_875, %ge3A_876 : i32
        %le3A_878 = arith.constant 512 : i32
        %le3A_879 = arith.cmpi sle, %add3A_875, %le3A_878 : i32
        %and3A_880 = arith.andi %ge3A_877, %le3A_879 : i1
        %slice3A_881 = vector.extract_strided_slice %get3A_179 {offsets = [8], sizes = [1], strides = [1]} : vector<16xi32> to vector<1xi32>
        %squeeze3A_882 = vector.extract %slice3A_881[0] : i32 from vector<1xi32>
        %jit3A_883 = arith.constant 655360 : i32
        %select_n3A_884 = arith.select %and3A_880, %squeeze3A_882, %jit3A_883 : i32
        %eq3A_885 = arith.constant 512 : i32
        %eq3A_886 = arith.cmpi eq, %add3A_875, %eq3A_885 : i32
        %eq3A_887 = arith.constant 31 : i32
        %eq3A_888 = arith.cmpi eq, %add3A, %eq3A_887 : i32
        %and3A_889 = arith.andi %eq3A_886, %eq3A_888 : i1
        %jit3A_890 = arith.constant 327680 : i32
        %select_n3A_891 = arith.select %and3A_889, %jit3A_890, %select_n3A_884 : i32
        %sub3A_892 = arith.subi %select_n3A_891, %multiple_of3A : i32
        %lt3A_893 = arith.constant 0 : i32
        %lt3A_894 = arith.cmpi slt, %sub3A_892, %lt3A_893 : i32
        %ge3A_895 = arith.constant 0 : i32
        %ge3A_896 = arith.cmpi sge, %sub3A_892, %ge3A_895 : i32
        %lt3A_897 = arith.constant 16384 : i32
        %lt3A_898 = arith.cmpi slt, %sub3A_892, %lt3A_897 : i32
        %and3A_899 = arith.andi %ge3A_896, %lt3A_898 : i1
        %jit3A_900 = arith.constant 0 : i32
        %jit3A_901 = arith.constant 16383 : i32
        %max3A_902 = arith.maxsi %jit3A_900, %sub3A_892 : i32
        %min3A_903 = arith.minsi %jit3A_901, %max3A_902 : i32
        %shift_right_arithmetic3A_904 = arith.constant 7 : i32
        %shift_right_arithmetic3A_905 = arith.shrsi %min3A_903, %shift_right_arithmetic3A_904 : i32
        %shift_right_arithmetic3A_906 = arith.constant 4 : i32
        %shift_right_arithmetic3A_907 = arith.shrsi %min3A_903, %shift_right_arithmetic3A_906 : i32
        %and3A_908 = arith.constant 7 : i32
        %and3A_909 = arith.andi %shift_right_arithmetic3A_907, %and3A_908 : i32
        %and3A_910 = arith.constant 15 : i32
        %and3A_911 = arith.andi %min3A_903, %and3A_910 : i32
        %jit3A_912 = arith.constant 1 : i32
        %jit3A_913 = arith.constant 0 : i32
        %select_n3A_914 = arith.select %and3A_899, %jit3A_912, %jit3A_913 : i32
        %mul3A_915 = arith.constant 16 : i32
        %mul3A_916 = arith.muli %and3A_909, %mul3A_915 : i32
        %get3A_917 = arith.index_cast %shift_right_arithmetic3A_905 : i32 to index
        %get3A_918 = arith.index_cast %mul3A_916 : i32 to index
        %get3A_919 = tpu.vector_load %arg7[%get3A_917, %get3A_918] {strides = array<i32>} : memref<128x128xi32, #tpu.memory_space<vmem>>, vector<1x16xi32>,
        %get3A_920 = vector.shape_cast %get3A_919 : vector<1x16xi32> to vector<16xi32>
        %ge3A_921 = vector.broadcast %and3A_911 : i32 to vector<16xi32>
        %ge3A_922 = arith.cmpi sge, %iota3A, %ge3A_921 : vector<16xi32>
        %select_n3A_923 = arith.select %ge3A_922, %broadcast_in_dim3A_7, %broadcast_in_dim3A_3 : vector<16xi1>, vector<16xi32>
        %mul3A_924 = vector.broadcast %select_n3A_914 : i32 to vector<16xi32>
        %mul3A_925 = arith.muli %select_n3A_923, %mul3A_924 : vector<16xi32>
        %add3A_926 = arith.addi %get3A_920, %mul3A_925 : vector<16xi32>
        %mul3A_927 = arith.constant 16 : i32
        %mul3A_928 = arith.muli %and3A_909, %mul3A_927 : i32
        %swap3A_929 = arith.index_cast %shift_right_arithmetic3A_905 : i32 to index
        %swap3A_930 = arith.index_cast %mul3A_928 : i32 to index
        %swap3A_931 = tpu.vector_load %arg7[%swap3A_929, %swap3A_930] {strides = array<i32>} : memref<128x128xi32, #tpu.memory_space<vmem>>, vector<1x16xi32>,
        %swap3A_932 = vector.shape_cast %swap3A_931 : vector<1x16xi32> to vector<16xi32>
        %swap3A_933 = vector.shape_cast %add3A_926 : vector<16xi32> to vector<1x16xi32>
        tpu.vector_store %arg7[%swap3A_929, %swap3A_930], %swap3A_933 {strides = array<i32>} : memref<128x128xi32, #tpu.memory_space<vmem>>, vector<1x16xi32>,
        %shift_right_arithmetic3A_934 = arith.constant 4 : i32
        %shift_right_arithmetic3A_935 = arith.shrsi %min3A_903, %shift_right_arithmetic3A_934 : i32
        %shift_right_arithmetic3A_936 = arith.constant 4 : i32
        %shift_right_arithmetic3A_937 = arith.shrsi %shift_right_arithmetic3A_935, %shift_right_arithmetic3A_936 : i32
        %mul3A_938 = arith.constant 16 : i32
        %mul3A_939 = arith.muli %shift_right_arithmetic3A_937, %mul3A_938 : i32
        %and3A_940 = arith.constant 15 : i32
        %and3A_941 = arith.andi %shift_right_arithmetic3A_935, %and3A_940 : i32
        %get3A_942 = arith.index_cast %mul3A_939 : i32 to index
        %get3A_943 = tpu.vector_load %arg9[%get3A_942] {strides = array<i32>} : memref<1024xi32, #tpu.memory_space<vmem>>, vector<16xi32>,
        %get3A_944 = vector.shape_cast %get3A_943 : vector<16xi32> to vector<16xi32>
        %eq3A_945 = vector.broadcast %and3A_941 : i32 to vector<16xi32>
        %eq3A_946 = arith.cmpi eq, %iota3A, %eq3A_945 : vector<16xi32>
        %select_n3A_947 = arith.select %eq3A_946, %broadcast_in_dim3A_7, %broadcast_in_dim3A_3 : vector<16xi1>, vector<16xi32>
        %mul3A_948 = vector.broadcast %select_n3A_914 : i32 to vector<16xi32>
        %mul3A_949 = arith.muli %select_n3A_947, %mul3A_948 : vector<16xi32>
        %add3A_950 = arith.addi %get3A_944, %mul3A_949 : vector<16xi32>
        %swap3A_951 = arith.index_cast %mul3A_939 : i32 to index
        %swap3A_952 = tpu.vector_load %arg9[%swap3A_951] {strides = array<i32>} : memref<1024xi32, #tpu.memory_space<vmem>>, vector<16xi32>,
        %swap3A_953 = vector.shape_cast %swap3A_952 : vector<16xi32> to vector<16xi32>
        %swap3A_954 = vector.shape_cast %add3A_950 : vector<16xi32> to vector<16xi32>
        tpu.vector_store %arg9[%swap3A_951], %swap3A_954 {strides = array<i32>} : memref<1024xi32, #tpu.memory_space<vmem>>, vector<16xi32>,
        %jit3A_955 = arith.constant 1 : i32
        %jit3A_956 = arith.constant 0 : i32
        %select_n3A_957 = arith.select %lt3A_894, %jit3A_955, %jit3A_956 : i32
        %add3A_958 = arith.addi %add3A_871, %select_n3A_957 : i32
        %mul3A_959 = arith.constant 16 : i32
        %mul3A_960 = arith.muli %scan3A_173, %mul3A_959 : i32
        %add3A_961 = arith.constant 9 : i32
        %add3A_962 = arith.addi %mul3A_960, %add3A_961 : i32
        %ge3A_963 = arith.constant 1 : i32
        %ge3A_964 = arith.cmpi sge, %add3A_962, %ge3A_963 : i32
        %le3A_965 = arith.constant 512 : i32
        %le3A_966 = arith.cmpi sle, %add3A_962, %le3A_965 : i32
        %and3A_967 = arith.andi %ge3A_964, %le3A_966 : i1
        %slice3A_968 = vector.extract_strided_slice %get3A_179 {offsets = [9], sizes = [1], strides = [1]} : vector<16xi32> to vector<1xi32>
        %squeeze3A_969 = vector.extract %slice3A_968[0] : i32 from vector<1xi32>
        %jit3A_970 = arith.constant 655360 : i32
        %select_n3A_971 = arith.select %and3A_967, %squeeze3A_969, %jit3A_970 : i32
        %eq3A_972 = arith.constant 512 : i32
        %eq3A_973 = arith.cmpi eq, %add3A_962, %eq3A_972 : i32
        %eq3A_974 = arith.constant 31 : i32
        %eq3A_975 = arith.cmpi eq, %add3A, %eq3A_974 : i32
        %and3A_976 = arith.andi %eq3A_973, %eq3A_975 : i1
        %jit3A_977 = arith.constant 327680 : i32
        %select_n3A_978 = arith.select %and3A_976, %jit3A_977, %select_n3A_971 : i32
        %sub3A_979 = arith.subi %select_n3A_978, %multiple_of3A : i32
        %lt3A_980 = arith.constant 0 : i32
        %lt3A_981 = arith.cmpi slt, %sub3A_979, %lt3A_980 : i32
        %ge3A_982 = arith.constant 0 : i32
        %ge3A_983 = arith.cmpi sge, %sub3A_979, %ge3A_982 : i32
        %lt3A_984 = arith.constant 16384 : i32
        %lt3A_985 = arith.cmpi slt, %sub3A_979, %lt3A_984 : i32
        %and3A_986 = arith.andi %ge3A_983, %lt3A_985 : i1
        %jit3A_987 = arith.constant 0 : i32
        %jit3A_988 = arith.constant 16383 : i32
        %max3A_989 = arith.maxsi %jit3A_987, %sub3A_979 : i32
        %min3A_990 = arith.minsi %jit3A_988, %max3A_989 : i32
        %shift_right_arithmetic3A_991 = arith.constant 7 : i32
        %shift_right_arithmetic3A_992 = arith.shrsi %min3A_990, %shift_right_arithmetic3A_991 : i32
        %shift_right_arithmetic3A_993 = arith.constant 4 : i32
        %shift_right_arithmetic3A_994 = arith.shrsi %min3A_990, %shift_right_arithmetic3A_993 : i32
        %and3A_995 = arith.constant 7 : i32
        %and3A_996 = arith.andi %shift_right_arithmetic3A_994, %and3A_995 : i32
        %and3A_997 = arith.constant 15 : i32
        %and3A_998 = arith.andi %min3A_990, %and3A_997 : i32
        %jit3A_999 = arith.constant 1 : i32
        %jit3A_1000 = arith.constant 0 : i32
        %select_n3A_1001 = arith.select %and3A_986, %jit3A_999, %jit3A_1000 : i32
        %mul3A_1002 = arith.constant 16 : i32
        %mul3A_1003 = arith.muli %and3A_996, %mul3A_1002 : i32
        %get3A_1004 = arith.index_cast %shift_right_arithmetic3A_992 : i32 to index
        %get3A_1005 = arith.index_cast %mul3A_1003 : i32 to index
        %get3A_1006 = tpu.vector_load %arg7[%get3A_1004, %get3A_1005] {strides = array<i32>} : memref<128x128xi32, #tpu.memory_space<vmem>>, vector<1x16xi32>,
        %get3A_1007 = vector.shape_cast %get3A_1006 : vector<1x16xi32> to vector<16xi32>
        %ge3A_1008 = vector.broadcast %and3A_998 : i32 to vector<16xi32>
        %ge3A_1009 = arith.cmpi sge, %iota3A, %ge3A_1008 : vector<16xi32>
        %select_n3A_1010 = arith.select %ge3A_1009, %broadcast_in_dim3A_7, %broadcast_in_dim3A_3 : vector<16xi1>, vector<16xi32>
        %mul3A_1011 = vector.broadcast %select_n3A_1001 : i32 to vector<16xi32>
        %mul3A_1012 = arith.muli %select_n3A_1010, %mul3A_1011 : vector<16xi32>
        %add3A_1013 = arith.addi %get3A_1007, %mul3A_1012 : vector<16xi32>
        %mul3A_1014 = arith.constant 16 : i32
        %mul3A_1015 = arith.muli %and3A_996, %mul3A_1014 : i32
        %swap3A_1016 = arith.index_cast %shift_right_arithmetic3A_992 : i32 to index
        %swap3A_1017 = arith.index_cast %mul3A_1015 : i32 to index
        %swap3A_1018 = tpu.vector_load %arg7[%swap3A_1016, %swap3A_1017] {strides = array<i32>} : memref<128x128xi32, #tpu.memory_space<vmem>>, vector<1x16xi32>,
        %swap3A_1019 = vector.shape_cast %swap3A_1018 : vector<1x16xi32> to vector<16xi32>
        %swap3A_1020 = vector.shape_cast %add3A_1013 : vector<16xi32> to vector<1x16xi32>
        tpu.vector_store %arg7[%swap3A_1016, %swap3A_1017], %swap3A_1020 {strides = array<i32>} : memref<128x128xi32, #tpu.memory_space<vmem>>, vector<1x16xi32>,
        %shift_right_arithmetic3A_1021 = arith.constant 4 : i32
        %shift_right_arithmetic3A_1022 = arith.shrsi %min3A_990, %shift_right_arithmetic3A_1021 : i32
        %shift_right_arithmetic3A_1023 = arith.constant 4 : i32
        %shift_right_arithmetic3A_1024 = arith.shrsi %shift_right_arithmetic3A_1022, %shift_right_arithmetic3A_1023 : i32
        %mul3A_1025 = arith.constant 16 : i32
        %mul3A_1026 = arith.muli %shift_right_arithmetic3A_1024, %mul3A_1025 : i32
        %and3A_1027 = arith.constant 15 : i32
        %and3A_1028 = arith.andi %shift_right_arithmetic3A_1022, %and3A_1027 : i32
        %get3A_1029 = arith.index_cast %mul3A_1026 : i32 to index
        %get3A_1030 = tpu.vector_load %arg9[%get3A_1029] {strides = array<i32>} : memref<1024xi32, #tpu.memory_space<vmem>>, vector<16xi32>,
        %get3A_1031 = vector.shape_cast %get3A_1030 : vector<16xi32> to vector<16xi32>
        %eq3A_1032 = vector.broadcast %and3A_1028 : i32 to vector<16xi32>
        %eq3A_1033 = arith.cmpi eq, %iota3A, %eq3A_1032 : vector<16xi32>
        %select_n3A_1034 = arith.select %eq3A_1033, %broadcast_in_dim3A_7, %broadcast_in_dim3A_3 : vector<16xi1>, vector<16xi32>
        %mul3A_1035 = vector.broadcast %select_n3A_1001 : i32 to vector<16xi32>
        %mul3A_1036 = arith.muli %select_n3A_1034, %mul3A_1035 : vector<16xi32>
        %add3A_1037 = arith.addi %get3A_1031, %mul3A_1036 : vector<16xi32>
        %swap3A_1038 = arith.index_cast %mul3A_1026 : i32 to index
        %swap3A_1039 = tpu.vector_load %arg9[%swap3A_1038] {strides = array<i32>} : memref<1024xi32, #tpu.memory_space<vmem>>, vector<16xi32>,
        %swap3A_1040 = vector.shape_cast %swap3A_1039 : vector<16xi32> to vector<16xi32>
        %swap3A_1041 = vector.shape_cast %add3A_1037 : vector<16xi32> to vector<16xi32>
        tpu.vector_store %arg9[%swap3A_1038], %swap3A_1041 {strides = array<i32>} : memref<1024xi32, #tpu.memory_space<vmem>>, vector<16xi32>,
        %jit3A_1042 = arith.constant 1 : i32
        %jit3A_1043 = arith.constant 0 : i32
        %select_n3A_1044 = arith.select %lt3A_981, %jit3A_1042, %jit3A_1043 : i32
        %add3A_1045 = arith.addi %add3A_958, %select_n3A_1044 : i32
        %mul3A_1046 = arith.constant 16 : i32
        %mul3A_1047 = arith.muli %scan3A_173, %mul3A_1046 : i32
        %add3A_1048 = arith.constant 10 : i32
        %add3A_1049 = arith.addi %mul3A_1047, %add3A_1048 : i32
        %ge3A_1050 = arith.constant 1 : i32
        %ge3A_1051 = arith.cmpi sge, %add3A_1049, %ge3A_1050 : i32
        %le3A_1052 = arith.constant 512 : i32
        %le3A_1053 = arith.cmpi sle, %add3A_1049, %le3A_1052 : i32
        %and3A_1054 = arith.andi %ge3A_1051, %le3A_1053 : i1
        %slice3A_1055 = vector.extract_strided_slice %get3A_179 {offsets = [10], sizes = [1], strides = [1]} : vector<16xi32> to vector<1xi32>
        %squeeze3A_1056 = vector.extract %slice3A_1055[0] : i32 from vector<1xi32>
        %jit3A_1057 = arith.constant 655360 : i32
        %select_n3A_1058 = arith.select %and3A_1054, %squeeze3A_1056, %jit3A_1057 : i32
        %eq3A_1059 = arith.constant 512 : i32
        %eq3A_1060 = arith.cmpi eq, %add3A_1049, %eq3A_1059 : i32
        %eq3A_1061 = arith.constant 31 : i32
        %eq3A_1062 = arith.cmpi eq, %add3A, %eq3A_1061 : i32
        %and3A_1063 = arith.andi %eq3A_1060, %eq3A_1062 : i1
        %jit3A_1064 = arith.constant 327680 : i32
        %select_n3A_1065 = arith.select %and3A_1063, %jit3A_1064, %select_n3A_1058 : i32
        %sub3A_1066 = arith.subi %select_n3A_1065, %multiple_of3A : i32
        %lt3A_1067 = arith.constant 0 : i32
        %lt3A_1068 = arith.cmpi slt, %sub3A_1066, %lt3A_1067 : i32
        %ge3A_1069 = arith.constant 0 : i32
        %ge3A_1070 = arith.cmpi sge, %sub3A_1066, %ge3A_1069 : i32
        %lt3A_1071 = arith.constant 16384 : i32
        %lt3A_1072 = arith.cmpi slt, %sub3A_1066, %lt3A_1071 : i32
        %and3A_1073 = arith.andi %ge3A_1070, %lt3A_1072 : i1
        %jit3A_1074 = arith.constant 0 : i32
        %jit3A_1075 = arith.constant 16383 : i32
        %max3A_1076 = arith.maxsi %jit3A_1074, %sub3A_1066 : i32
        %min3A_1077 = arith.minsi %jit3A_1075, %max3A_1076 : i32
        %shift_right_arithmetic3A_1078 = arith.constant 7 : i32
        %shift_right_arithmetic3A_1079 = arith.shrsi %min3A_1077, %shift_right_arithmetic3A_1078 : i32
        %shift_right_arithmetic3A_1080 = arith.constant 4 : i32
        %shift_right_arithmetic3A_1081 = arith.shrsi %min3A_1077, %shift_right_arithmetic3A_1080 : i32
        %and3A_1082 = arith.constant 7 : i32
        %and3A_1083 = arith.andi %shift_right_arithmetic3A_1081, %and3A_1082 : i32
        %and3A_1084 = arith.constant 15 : i32
        %and3A_1085 = arith.andi %min3A_1077, %and3A_1084 : i32
        %jit3A_1086 = arith.constant 1 : i32
        %jit3A_1087 = arith.constant 0 : i32
        %select_n3A_1088 = arith.select %and3A_1073, %jit3A_1086, %jit3A_1087 : i32
        %mul3A_1089 = arith.constant 16 : i32
        %mul3A_1090 = arith.muli %and3A_1083, %mul3A_1089 : i32
        %get3A_1091 = arith.index_cast %shift_right_arithmetic3A_1079 : i32 to index
        %get3A_1092 = arith.index_cast %mul3A_1090 : i32 to index
        %get3A_1093 = tpu.vector_load %arg7[%get3A_1091, %get3A_1092] {strides = array<i32>} : memref<128x128xi32, #tpu.memory_space<vmem>>, vector<1x16xi32>,
        %get3A_1094 = vector.shape_cast %get3A_1093 : vector<1x16xi32> to vector<16xi32>
        %ge3A_1095 = vector.broadcast %and3A_1085 : i32 to vector<16xi32>
        %ge3A_1096 = arith.cmpi sge, %iota3A, %ge3A_1095 : vector<16xi32>
        %select_n3A_1097 = arith.select %ge3A_1096, %broadcast_in_dim3A_7, %broadcast_in_dim3A_3 : vector<16xi1>, vector<16xi32>
        %mul3A_1098 = vector.broadcast %select_n3A_1088 : i32 to vector<16xi32>
        %mul3A_1099 = arith.muli %select_n3A_1097, %mul3A_1098 : vector<16xi32>
        %add3A_1100 = arith.addi %get3A_1094, %mul3A_1099 : vector<16xi32>
        %mul3A_1101 = arith.constant 16 : i32
        %mul3A_1102 = arith.muli %and3A_1083, %mul3A_1101 : i32
        %swap3A_1103 = arith.index_cast %shift_right_arithmetic3A_1079 : i32 to index
        %swap3A_1104 = arith.index_cast %mul3A_1102 : i32 to index
        %swap3A_1105 = tpu.vector_load %arg7[%swap3A_1103, %swap3A_1104] {strides = array<i32>} : memref<128x128xi32, #tpu.memory_space<vmem>>, vector<1x16xi32>,
        %swap3A_1106 = vector.shape_cast %swap3A_1105 : vector<1x16xi32> to vector<16xi32>
        %swap3A_1107 = vector.shape_cast %add3A_1100 : vector<16xi32> to vector<1x16xi32>
        tpu.vector_store %arg7[%swap3A_1103, %swap3A_1104], %swap3A_1107 {strides = array<i32>} : memref<128x128xi32, #tpu.memory_space<vmem>>, vector<1x16xi32>,
        %shift_right_arithmetic3A_1108 = arith.constant 4 : i32
        %shift_right_arithmetic3A_1109 = arith.shrsi %min3A_1077, %shift_right_arithmetic3A_1108 : i32
        %shift_right_arithmetic3A_1110 = arith.constant 4 : i32
        %shift_right_arithmetic3A_1111 = arith.shrsi %shift_right_arithmetic3A_1109, %shift_right_arithmetic3A_1110 : i32
        %mul3A_1112 = arith.constant 16 : i32
        %mul3A_1113 = arith.muli %shift_right_arithmetic3A_1111, %mul3A_1112 : i32
        %and3A_1114 = arith.constant 15 : i32
        %and3A_1115 = arith.andi %shift_right_arithmetic3A_1109, %and3A_1114 : i32
        %get3A_1116 = arith.index_cast %mul3A_1113 : i32 to index
        %get3A_1117 = tpu.vector_load %arg9[%get3A_1116] {strides = array<i32>} : memref<1024xi32, #tpu.memory_space<vmem>>, vector<16xi32>,
        %get3A_1118 = vector.shape_cast %get3A_1117 : vector<16xi32> to vector<16xi32>
        %eq3A_1119 = vector.broadcast %and3A_1115 : i32 to vector<16xi32>
        %eq3A_1120 = arith.cmpi eq, %iota3A, %eq3A_1119 : vector<16xi32>
        %select_n3A_1121 = arith.select %eq3A_1120, %broadcast_in_dim3A_7, %broadcast_in_dim3A_3 : vector<16xi1>, vector<16xi32>
        %mul3A_1122 = vector.broadcast %select_n3A_1088 : i32 to vector<16xi32>
        %mul3A_1123 = arith.muli %select_n3A_1121, %mul3A_1122 : vector<16xi32>
        %add3A_1124 = arith.addi %get3A_1118, %mul3A_1123 : vector<16xi32>
        %swap3A_1125 = arith.index_cast %mul3A_1113 : i32 to index
        %swap3A_1126 = tpu.vector_load %arg9[%swap3A_1125] {strides = array<i32>} : memref<1024xi32, #tpu.memory_space<vmem>>, vector<16xi32>,
        %swap3A_1127 = vector.shape_cast %swap3A_1126 : vector<16xi32> to vector<16xi32>
        %swap3A_1128 = vector.shape_cast %add3A_1124 : vector<16xi32> to vector<16xi32>
        tpu.vector_store %arg9[%swap3A_1125], %swap3A_1128 {strides = array<i32>} : memref<1024xi32, #tpu.memory_space<vmem>>, vector<16xi32>,
        %jit3A_1129 = arith.constant 1 : i32
        %jit3A_1130 = arith.constant 0 : i32
        %select_n3A_1131 = arith.select %lt3A_1068, %jit3A_1129, %jit3A_1130 : i32
        %add3A_1132 = arith.addi %add3A_1045, %select_n3A_1131 : i32
        %mul3A_1133 = arith.constant 16 : i32
        %mul3A_1134 = arith.muli %scan3A_173, %mul3A_1133 : i32
        %add3A_1135 = arith.constant 11 : i32
        %add3A_1136 = arith.addi %mul3A_1134, %add3A_1135 : i32
        %ge3A_1137 = arith.constant 1 : i32
        %ge3A_1138 = arith.cmpi sge, %add3A_1136, %ge3A_1137 : i32
        %le3A_1139 = arith.constant 512 : i32
        %le3A_1140 = arith.cmpi sle, %add3A_1136, %le3A_1139 : i32
        %and3A_1141 = arith.andi %ge3A_1138, %le3A_1140 : i1
        %slice3A_1142 = vector.extract_strided_slice %get3A_179 {offsets = [11], sizes = [1], strides = [1]} : vector<16xi32> to vector<1xi32>
        %squeeze3A_1143 = vector.extract %slice3A_1142[0] : i32 from vector<1xi32>
        %jit3A_1144 = arith.constant 655360 : i32
        %select_n3A_1145 = arith.select %and3A_1141, %squeeze3A_1143, %jit3A_1144 : i32
        %eq3A_1146 = arith.constant 512 : i32
        %eq3A_1147 = arith.cmpi eq, %add3A_1136, %eq3A_1146 : i32
        %eq3A_1148 = arith.constant 31 : i32
        %eq3A_1149 = arith.cmpi eq, %add3A, %eq3A_1148 : i32
        %and3A_1150 = arith.andi %eq3A_1147, %eq3A_1149 : i1
        %jit3A_1151 = arith.constant 327680 : i32
        %select_n3A_1152 = arith.select %and3A_1150, %jit3A_1151, %select_n3A_1145 : i32
        %sub3A_1153 = arith.subi %select_n3A_1152, %multiple_of3A : i32
        %lt3A_1154 = arith.constant 0 : i32
        %lt3A_1155 = arith.cmpi slt, %sub3A_1153, %lt3A_1154 : i32
        %ge3A_1156 = arith.constant 0 : i32
        %ge3A_1157 = arith.cmpi sge, %sub3A_1153, %ge3A_1156 : i32
        %lt3A_1158 = arith.constant 16384 : i32
        %lt3A_1159 = arith.cmpi slt, %sub3A_1153, %lt3A_1158 : i32
        %and3A_1160 = arith.andi %ge3A_1157, %lt3A_1159 : i1
        %jit3A_1161 = arith.constant 0 : i32
        %jit3A_1162 = arith.constant 16383 : i32
        %max3A_1163 = arith.maxsi %jit3A_1161, %sub3A_1153 : i32
        %min3A_1164 = arith.minsi %jit3A_1162, %max3A_1163 : i32
        %shift_right_arithmetic3A_1165 = arith.constant 7 : i32
        %shift_right_arithmetic3A_1166 = arith.shrsi %min3A_1164, %shift_right_arithmetic3A_1165 : i32
        %shift_right_arithmetic3A_1167 = arith.constant 4 : i32
        %shift_right_arithmetic3A_1168 = arith.shrsi %min3A_1164, %shift_right_arithmetic3A_1167 : i32
        %and3A_1169 = arith.constant 7 : i32
        %and3A_1170 = arith.andi %shift_right_arithmetic3A_1168, %and3A_1169 : i32
        %and3A_1171 = arith.constant 15 : i32
        %and3A_1172 = arith.andi %min3A_1164, %and3A_1171 : i32
        %jit3A_1173 = arith.constant 1 : i32
        %jit3A_1174 = arith.constant 0 : i32
        %select_n3A_1175 = arith.select %and3A_1160, %jit3A_1173, %jit3A_1174 : i32
        %mul3A_1176 = arith.constant 16 : i32
        %mul3A_1177 = arith.muli %and3A_1170, %mul3A_1176 : i32
        %get3A_1178 = arith.index_cast %shift_right_arithmetic3A_1166 : i32 to index
        %get3A_1179 = arith.index_cast %mul3A_1177 : i32 to index
        %get3A_1180 = tpu.vector_load %arg7[%get3A_1178, %get3A_1179] {strides = array<i32>} : memref<128x128xi32, #tpu.memory_space<vmem>>, vector<1x16xi32>,
        %get3A_1181 = vector.shape_cast %get3A_1180 : vector<1x16xi32> to vector<16xi32>
        %ge3A_1182 = vector.broadcast %and3A_1172 : i32 to vector<16xi32>
        %ge3A_1183 = arith.cmpi sge, %iota3A, %ge3A_1182 : vector<16xi32>
        %select_n3A_1184 = arith.select %ge3A_1183, %broadcast_in_dim3A_7, %broadcast_in_dim3A_3 : vector<16xi1>, vector<16xi32>
        %mul3A_1185 = vector.broadcast %select_n3A_1175 : i32 to vector<16xi32>
        %mul3A_1186 = arith.muli %select_n3A_1184, %mul3A_1185 : vector<16xi32>
        %add3A_1187 = arith.addi %get3A_1181, %mul3A_1186 : vector<16xi32>
        %mul3A_1188 = arith.constant 16 : i32
        %mul3A_1189 = arith.muli %and3A_1170, %mul3A_1188 : i32
        %swap3A_1190 = arith.index_cast %shift_right_arithmetic3A_1166 : i32 to index
        %swap3A_1191 = arith.index_cast %mul3A_1189 : i32 to index
        %swap3A_1192 = tpu.vector_load %arg7[%swap3A_1190, %swap3A_1191] {strides = array<i32>} : memref<128x128xi32, #tpu.memory_space<vmem>>, vector<1x16xi32>,
        %swap3A_1193 = vector.shape_cast %swap3A_1192 : vector<1x16xi32> to vector<16xi32>
        %swap3A_1194 = vector.shape_cast %add3A_1187 : vector<16xi32> to vector<1x16xi32>
        tpu.vector_store %arg7[%swap3A_1190, %swap3A_1191], %swap3A_1194 {strides = array<i32>} : memref<128x128xi32, #tpu.memory_space<vmem>>, vector<1x16xi32>,
        %shift_right_arithmetic3A_1195 = arith.constant 4 : i32
        %shift_right_arithmetic3A_1196 = arith.shrsi %min3A_1164, %shift_right_arithmetic3A_1195 : i32
        %shift_right_arithmetic3A_1197 = arith.constant 4 : i32
        %shift_right_arithmetic3A_1198 = arith.shrsi %shift_right_arithmetic3A_1196, %shift_right_arithmetic3A_1197 : i32
        %mul3A_1199 = arith.constant 16 : i32
        %mul3A_1200 = arith.muli %shift_right_arithmetic3A_1198, %mul3A_1199 : i32
        %and3A_1201 = arith.constant 15 : i32
        %and3A_1202 = arith.andi %shift_right_arithmetic3A_1196, %and3A_1201 : i32
        %get3A_1203 = arith.index_cast %mul3A_1200 : i32 to index
        %get3A_1204 = tpu.vector_load %arg9[%get3A_1203] {strides = array<i32>} : memref<1024xi32, #tpu.memory_space<vmem>>, vector<16xi32>,
        %get3A_1205 = vector.shape_cast %get3A_1204 : vector<16xi32> to vector<16xi32>
        %eq3A_1206 = vector.broadcast %and3A_1202 : i32 to vector<16xi32>
        %eq3A_1207 = arith.cmpi eq, %iota3A, %eq3A_1206 : vector<16xi32>
        %select_n3A_1208 = arith.select %eq3A_1207, %broadcast_in_dim3A_7, %broadcast_in_dim3A_3 : vector<16xi1>, vector<16xi32>
        %mul3A_1209 = vector.broadcast %select_n3A_1175 : i32 to vector<16xi32>
        %mul3A_1210 = arith.muli %select_n3A_1208, %mul3A_1209 : vector<16xi32>
        %add3A_1211 = arith.addi %get3A_1205, %mul3A_1210 : vector<16xi32>
        %swap3A_1212 = arith.index_cast %mul3A_1200 : i32 to index
        %swap3A_1213 = tpu.vector_load %arg9[%swap3A_1212] {strides = array<i32>} : memref<1024xi32, #tpu.memory_space<vmem>>, vector<16xi32>,
        %swap3A_1214 = vector.shape_cast %swap3A_1213 : vector<16xi32> to vector<16xi32>
        %swap3A_1215 = vector.shape_cast %add3A_1211 : vector<16xi32> to vector<16xi32>
        tpu.vector_store %arg9[%swap3A_1212], %swap3A_1215 {strides = array<i32>} : memref<1024xi32, #tpu.memory_space<vmem>>, vector<16xi32>,
        %jit3A_1216 = arith.constant 1 : i32
        %jit3A_1217 = arith.constant 0 : i32
        %select_n3A_1218 = arith.select %lt3A_1155, %jit3A_1216, %jit3A_1217 : i32
        %add3A_1219 = arith.addi %add3A_1132, %select_n3A_1218 : i32
        %mul3A_1220 = arith.constant 16 : i32
        %mul3A_1221 = arith.muli %scan3A_173, %mul3A_1220 : i32
        %add3A_1222 = arith.constant 12 : i32
        %add3A_1223 = arith.addi %mul3A_1221, %add3A_1222 : i32
        %ge3A_1224 = arith.constant 1 : i32
        %ge3A_1225 = arith.cmpi sge, %add3A_1223, %ge3A_1224 : i32
        %le3A_1226 = arith.constant 512 : i32
        %le3A_1227 = arith.cmpi sle, %add3A_1223, %le3A_1226 : i32
        %and3A_1228 = arith.andi %ge3A_1225, %le3A_1227 : i1
        %slice3A_1229 = vector.extract_strided_slice %get3A_179 {offsets = [12], sizes = [1], strides = [1]} : vector<16xi32> to vector<1xi32>
        %squeeze3A_1230 = vector.extract %slice3A_1229[0] : i32 from vector<1xi32>
        %jit3A_1231 = arith.constant 655360 : i32
        %select_n3A_1232 = arith.select %and3A_1228, %squeeze3A_1230, %jit3A_1231 : i32
        %eq3A_1233 = arith.constant 512 : i32
        %eq3A_1234 = arith.cmpi eq, %add3A_1223, %eq3A_1233 : i32
        %eq3A_1235 = arith.constant 31 : i32
        %eq3A_1236 = arith.cmpi eq, %add3A, %eq3A_1235 : i32
        %and3A_1237 = arith.andi %eq3A_1234, %eq3A_1236 : i1
        %jit3A_1238 = arith.constant 327680 : i32
        %select_n3A_1239 = arith.select %and3A_1237, %jit3A_1238, %select_n3A_1232 : i32
        %sub3A_1240 = arith.subi %select_n3A_1239, %multiple_of3A : i32
        %lt3A_1241 = arith.constant 0 : i32
        %lt3A_1242 = arith.cmpi slt, %sub3A_1240, %lt3A_1241 : i32
        %ge3A_1243 = arith.constant 0 : i32
        %ge3A_1244 = arith.cmpi sge, %sub3A_1240, %ge3A_1243 : i32
        %lt3A_1245 = arith.constant 16384 : i32
        %lt3A_1246 = arith.cmpi slt, %sub3A_1240, %lt3A_1245 : i32
        %and3A_1247 = arith.andi %ge3A_1244, %lt3A_1246 : i1
        %jit3A_1248 = arith.constant 0 : i32
        %jit3A_1249 = arith.constant 16383 : i32
        %max3A_1250 = arith.maxsi %jit3A_1248, %sub3A_1240 : i32
        %min3A_1251 = arith.minsi %jit3A_1249, %max3A_1250 : i32
        %shift_right_arithmetic3A_1252 = arith.constant 7 : i32
        %shift_right_arithmetic3A_1253 = arith.shrsi %min3A_1251, %shift_right_arithmetic3A_1252 : i32
        %shift_right_arithmetic3A_1254 = arith.constant 4 : i32
        %shift_right_arithmetic3A_1255 = arith.shrsi %min3A_1251, %shift_right_arithmetic3A_1254 : i32
        %and3A_1256 = arith.constant 7 : i32
        %and3A_1257 = arith.andi %shift_right_arithmetic3A_1255, %and3A_1256 : i32
        %and3A_1258 = arith.constant 15 : i32
        %and3A_1259 = arith.andi %min3A_1251, %and3A_1258 : i32
        %jit3A_1260 = arith.constant 1 : i32
        %jit3A_1261 = arith.constant 0 : i32
        %select_n3A_1262 = arith.select %and3A_1247, %jit3A_1260, %jit3A_1261 : i32
        %mul3A_1263 = arith.constant 16 : i32
        %mul3A_1264 = arith.muli %and3A_1257, %mul3A_1263 : i32
        %get3A_1265 = arith.index_cast %shift_right_arithmetic3A_1253 : i32 to index
        %get3A_1266 = arith.index_cast %mul3A_1264 : i32 to index
        %get3A_1267 = tpu.vector_load %arg7[%get3A_1265, %get3A_1266] {strides = array<i32>} : memref<128x128xi32, #tpu.memory_space<vmem>>, vector<1x16xi32>,
        %get3A_1268 = vector.shape_cast %get3A_1267 : vector<1x16xi32> to vector<16xi32>
        %ge3A_1269 = vector.broadcast %and3A_1259 : i32 to vector<16xi32>
        %ge3A_1270 = arith.cmpi sge, %iota3A, %ge3A_1269 : vector<16xi32>
        %select_n3A_1271 = arith.select %ge3A_1270, %broadcast_in_dim3A_7, %broadcast_in_dim3A_3 : vector<16xi1>, vector<16xi32>
        %mul3A_1272 = vector.broadcast %select_n3A_1262 : i32 to vector<16xi32>
        %mul3A_1273 = arith.muli %select_n3A_1271, %mul3A_1272 : vector<16xi32>
        %add3A_1274 = arith.addi %get3A_1268, %mul3A_1273 : vector<16xi32>
        %mul3A_1275 = arith.constant 16 : i32
        %mul3A_1276 = arith.muli %and3A_1257, %mul3A_1275 : i32
        %swap3A_1277 = arith.index_cast %shift_right_arithmetic3A_1253 : i32 to index
        %swap3A_1278 = arith.index_cast %mul3A_1276 : i32 to index
        %swap3A_1279 = tpu.vector_load %arg7[%swap3A_1277, %swap3A_1278] {strides = array<i32>} : memref<128x128xi32, #tpu.memory_space<vmem>>, vector<1x16xi32>,
        %swap3A_1280 = vector.shape_cast %swap3A_1279 : vector<1x16xi32> to vector<16xi32>
        %swap3A_1281 = vector.shape_cast %add3A_1274 : vector<16xi32> to vector<1x16xi32>
        tpu.vector_store %arg7[%swap3A_1277, %swap3A_1278], %swap3A_1281 {strides = array<i32>} : memref<128x128xi32, #tpu.memory_space<vmem>>, vector<1x16xi32>,
        %shift_right_arithmetic3A_1282 = arith.constant 4 : i32
        %shift_right_arithmetic3A_1283 = arith.shrsi %min3A_1251, %shift_right_arithmetic3A_1282 : i32
        %shift_right_arithmetic3A_1284 = arith.constant 4 : i32
        %shift_right_arithmetic3A_1285 = arith.shrsi %shift_right_arithmetic3A_1283, %shift_right_arithmetic3A_1284 : i32
        %mul3A_1286 = arith.constant 16 : i32
        %mul3A_1287 = arith.muli %shift_right_arithmetic3A_1285, %mul3A_1286 : i32
        %and3A_1288 = arith.constant 15 : i32
        %and3A_1289 = arith.andi %shift_right_arithmetic3A_1283, %and3A_1288 : i32
        %get3A_1290 = arith.index_cast %mul3A_1287 : i32 to index
        %get3A_1291 = tpu.vector_load %arg9[%get3A_1290] {strides = array<i32>} : memref<1024xi32, #tpu.memory_space<vmem>>, vector<16xi32>,
        %get3A_1292 = vector.shape_cast %get3A_1291 : vector<16xi32> to vector<16xi32>
        %eq3A_1293 = vector.broadcast %and3A_1289 : i32 to vector<16xi32>
        %eq3A_1294 = arith.cmpi eq, %iota3A, %eq3A_1293 : vector<16xi32>
        %select_n3A_1295 = arith.select %eq3A_1294, %broadcast_in_dim3A_7, %broadcast_in_dim3A_3 : vector<16xi1>, vector<16xi32>
        %mul3A_1296 = vector.broadcast %select_n3A_1262 : i32 to vector<16xi32>
        %mul3A_1297 = arith.muli %select_n3A_1295, %mul3A_1296 : vector<16xi32>
        %add3A_1298 = arith.addi %get3A_1292, %mul3A_1297 : vector<16xi32>
        %swap3A_1299 = arith.index_cast %mul3A_1287 : i32 to index
        %swap3A_1300 = tpu.vector_load %arg9[%swap3A_1299] {strides = array<i32>} : memref<1024xi32, #tpu.memory_space<vmem>>, vector<16xi32>,
        %swap3A_1301 = vector.shape_cast %swap3A_1300 : vector<16xi32> to vector<16xi32>
        %swap3A_1302 = vector.shape_cast %add3A_1298 : vector<16xi32> to vector<16xi32>
        tpu.vector_store %arg9[%swap3A_1299], %swap3A_1302 {strides = array<i32>} : memref<1024xi32, #tpu.memory_space<vmem>>, vector<16xi32>,
        %jit3A_1303 = arith.constant 1 : i32
        %jit3A_1304 = arith.constant 0 : i32
        %select_n3A_1305 = arith.select %lt3A_1242, %jit3A_1303, %jit3A_1304 : i32
        %add3A_1306 = arith.addi %add3A_1219, %select_n3A_1305 : i32
        %mul3A_1307 = arith.constant 16 : i32
        %mul3A_1308 = arith.muli %scan3A_173, %mul3A_1307 : i32
        %add3A_1309 = arith.constant 13 : i32
        %add3A_1310 = arith.addi %mul3A_1308, %add3A_1309 : i32
        %ge3A_1311 = arith.constant 1 : i32
        %ge3A_1312 = arith.cmpi sge, %add3A_1310, %ge3A_1311 : i32
        %le3A_1313 = arith.constant 512 : i32
        %le3A_1314 = arith.cmpi sle, %add3A_1310, %le3A_1313 : i32
        %and3A_1315 = arith.andi %ge3A_1312, %le3A_1314 : i1
        %slice3A_1316 = vector.extract_strided_slice %get3A_179 {offsets = [13], sizes = [1], strides = [1]} : vector<16xi32> to vector<1xi32>
        %squeeze3A_1317 = vector.extract %slice3A_1316[0] : i32 from vector<1xi32>
        %jit3A_1318 = arith.constant 655360 : i32
        %select_n3A_1319 = arith.select %and3A_1315, %squeeze3A_1317, %jit3A_1318 : i32
        %eq3A_1320 = arith.constant 512 : i32
        %eq3A_1321 = arith.cmpi eq, %add3A_1310, %eq3A_1320 : i32
        %eq3A_1322 = arith.constant 31 : i32
        %eq3A_1323 = arith.cmpi eq, %add3A, %eq3A_1322 : i32
        %and3A_1324 = arith.andi %eq3A_1321, %eq3A_1323 : i1
        %jit3A_1325 = arith.constant 327680 : i32
        %select_n3A_1326 = arith.select %and3A_1324, %jit3A_1325, %select_n3A_1319 : i32
        %sub3A_1327 = arith.subi %select_n3A_1326, %multiple_of3A : i32
        %lt3A_1328 = arith.constant 0 : i32
        %lt3A_1329 = arith.cmpi slt, %sub3A_1327, %lt3A_1328 : i32
        %ge3A_1330 = arith.constant 0 : i32
        %ge3A_1331 = arith.cmpi sge, %sub3A_1327, %ge3A_1330 : i32
        %lt3A_1332 = arith.constant 16384 : i32
        %lt3A_1333 = arith.cmpi slt, %sub3A_1327, %lt3A_1332 : i32
        %and3A_1334 = arith.andi %ge3A_1331, %lt3A_1333 : i1
        %jit3A_1335 = arith.constant 0 : i32
        %jit3A_1336 = arith.constant 16383 : i32
        %max3A_1337 = arith.maxsi %jit3A_1335, %sub3A_1327 : i32
        %min3A_1338 = arith.minsi %jit3A_1336, %max3A_1337 : i32
        %shift_right_arithmetic3A_1339 = arith.constant 7 : i32
        %shift_right_arithmetic3A_1340 = arith.shrsi %min3A_1338, %shift_right_arithmetic3A_1339 : i32
        %shift_right_arithmetic3A_1341 = arith.constant 4 : i32
        %shift_right_arithmetic3A_1342 = arith.shrsi %min3A_1338, %shift_right_arithmetic3A_1341 : i32
        %and3A_1343 = arith.constant 7 : i32
        %and3A_1344 = arith.andi %shift_right_arithmetic3A_1342, %and3A_1343 : i32
        %and3A_1345 = arith.constant 15 : i32
        %and3A_1346 = arith.andi %min3A_1338, %and3A_1345 : i32
        %jit3A_1347 = arith.constant 1 : i32
        %jit3A_1348 = arith.constant 0 : i32
        %select_n3A_1349 = arith.select %and3A_1334, %jit3A_1347, %jit3A_1348 : i32
        %mul3A_1350 = arith.constant 16 : i32
        %mul3A_1351 = arith.muli %and3A_1344, %mul3A_1350 : i32
        %get3A_1352 = arith.index_cast %shift_right_arithmetic3A_1340 : i32 to index
        %get3A_1353 = arith.index_cast %mul3A_1351 : i32 to index
        %get3A_1354 = tpu.vector_load %arg7[%get3A_1352, %get3A_1353] {strides = array<i32>} : memref<128x128xi32, #tpu.memory_space<vmem>>, vector<1x16xi32>,
        %get3A_1355 = vector.shape_cast %get3A_1354 : vector<1x16xi32> to vector<16xi32>
        %ge3A_1356 = vector.broadcast %and3A_1346 : i32 to vector<16xi32>
        %ge3A_1357 = arith.cmpi sge, %iota3A, %ge3A_1356 : vector<16xi32>
        %select_n3A_1358 = arith.select %ge3A_1357, %broadcast_in_dim3A_7, %broadcast_in_dim3A_3 : vector<16xi1>, vector<16xi32>
        %mul3A_1359 = vector.broadcast %select_n3A_1349 : i32 to vector<16xi32>
        %mul3A_1360 = arith.muli %select_n3A_1358, %mul3A_1359 : vector<16xi32>
        %add3A_1361 = arith.addi %get3A_1355, %mul3A_1360 : vector<16xi32>
        %mul3A_1362 = arith.constant 16 : i32
        %mul3A_1363 = arith.muli %and3A_1344, %mul3A_1362 : i32
        %swap3A_1364 = arith.index_cast %shift_right_arithmetic3A_1340 : i32 to index
        %swap3A_1365 = arith.index_cast %mul3A_1363 : i32 to index
        %swap3A_1366 = tpu.vector_load %arg7[%swap3A_1364, %swap3A_1365] {strides = array<i32>} : memref<128x128xi32, #tpu.memory_space<vmem>>, vector<1x16xi32>,
        %swap3A_1367 = vector.shape_cast %swap3A_1366 : vector<1x16xi32> to vector<16xi32>
        %swap3A_1368 = vector.shape_cast %add3A_1361 : vector<16xi32> to vector<1x16xi32>
        tpu.vector_store %arg7[%swap3A_1364, %swap3A_1365], %swap3A_1368 {strides = array<i32>} : memref<128x128xi32, #tpu.memory_space<vmem>>, vector<1x16xi32>,
        %shift_right_arithmetic3A_1369 = arith.constant 4 : i32
        %shift_right_arithmetic3A_1370 = arith.shrsi %min3A_1338, %shift_right_arithmetic3A_1369 : i32
        %shift_right_arithmetic3A_1371 = arith.constant 4 : i32
        %shift_right_arithmetic3A_1372 = arith.shrsi %shift_right_arithmetic3A_1370, %shift_right_arithmetic3A_1371 : i32
        %mul3A_1373 = arith.constant 16 : i32
        %mul3A_1374 = arith.muli %shift_right_arithmetic3A_1372, %mul3A_1373 : i32
        %and3A_1375 = arith.constant 15 : i32
        %and3A_1376 = arith.andi %shift_right_arithmetic3A_1370, %and3A_1375 : i32
        %get3A_1377 = arith.index_cast %mul3A_1374 : i32 to index
        %get3A_1378 = tpu.vector_load %arg9[%get3A_1377] {strides = array<i32>} : memref<1024xi32, #tpu.memory_space<vmem>>, vector<16xi32>,
        %get3A_1379 = vector.shape_cast %get3A_1378 : vector<16xi32> to vector<16xi32>
        %eq3A_1380 = vector.broadcast %and3A_1376 : i32 to vector<16xi32>
        %eq3A_1381 = arith.cmpi eq, %iota3A, %eq3A_1380 : vector<16xi32>
        %select_n3A_1382 = arith.select %eq3A_1381, %broadcast_in_dim3A_7, %broadcast_in_dim3A_3 : vector<16xi1>, vector<16xi32>
        %mul3A_1383 = vector.broadcast %select_n3A_1349 : i32 to vector<16xi32>
        %mul3A_1384 = arith.muli %select_n3A_1382, %mul3A_1383 : vector<16xi32>
        %add3A_1385 = arith.addi %get3A_1379, %mul3A_1384 : vector<16xi32>
        %swap3A_1386 = arith.index_cast %mul3A_1374 : i32 to index
        %swap3A_1387 = tpu.vector_load %arg9[%swap3A_1386] {strides = array<i32>} : memref<1024xi32, #tpu.memory_space<vmem>>, vector<16xi32>,
        %swap3A_1388 = vector.shape_cast %swap3A_1387 : vector<16xi32> to vector<16xi32>
        %swap3A_1389 = vector.shape_cast %add3A_1385 : vector<16xi32> to vector<16xi32>
        tpu.vector_store %arg9[%swap3A_1386], %swap3A_1389 {strides = array<i32>} : memref<1024xi32, #tpu.memory_space<vmem>>, vector<16xi32>,
        %jit3A_1390 = arith.constant 1 : i32
        %jit3A_1391 = arith.constant 0 : i32
        %select_n3A_1392 = arith.select %lt3A_1329, %jit3A_1390, %jit3A_1391 : i32
        %add3A_1393 = arith.addi %add3A_1306, %select_n3A_1392 : i32
        %mul3A_1394 = arith.constant 16 : i32
        %mul3A_1395 = arith.muli %scan3A_173, %mul3A_1394 : i32
        %add3A_1396 = arith.constant 14 : i32
        %add3A_1397 = arith.addi %mul3A_1395, %add3A_1396 : i32
        %ge3A_1398 = arith.constant 1 : i32
        %ge3A_1399 = arith.cmpi sge, %add3A_1397, %ge3A_1398 : i32
        %le3A_1400 = arith.constant 512 : i32
        %le3A_1401 = arith.cmpi sle, %add3A_1397, %le3A_1400 : i32
        %and3A_1402 = arith.andi %ge3A_1399, %le3A_1401 : i1
        %slice3A_1403 = vector.extract_strided_slice %get3A_179 {offsets = [14], sizes = [1], strides = [1]} : vector<16xi32> to vector<1xi32>
        %squeeze3A_1404 = vector.extract %slice3A_1403[0] : i32 from vector<1xi32>
        %jit3A_1405 = arith.constant 655360 : i32
        %select_n3A_1406 = arith.select %and3A_1402, %squeeze3A_1404, %jit3A_1405 : i32
        %eq3A_1407 = arith.constant 512 : i32
        %eq3A_1408 = arith.cmpi eq, %add3A_1397, %eq3A_1407 : i32
        %eq3A_1409 = arith.constant 31 : i32
        %eq3A_1410 = arith.cmpi eq, %add3A, %eq3A_1409 : i32
        %and3A_1411 = arith.andi %eq3A_1408, %eq3A_1410 : i1
        %jit3A_1412 = arith.constant 327680 : i32
        %select_n3A_1413 = arith.select %and3A_1411, %jit3A_1412, %select_n3A_1406 : i32
        %sub3A_1414 = arith.subi %select_n3A_1413, %multiple_of3A : i32
        %lt3A_1415 = arith.constant 0 : i32
        %lt3A_1416 = arith.cmpi slt, %sub3A_1414, %lt3A_1415 : i32
        %ge3A_1417 = arith.constant 0 : i32
        %ge3A_1418 = arith.cmpi sge, %sub3A_1414, %ge3A_1417 : i32
        %lt3A_1419 = arith.constant 16384 : i32
        %lt3A_1420 = arith.cmpi slt, %sub3A_1414, %lt3A_1419 : i32
        %and3A_1421 = arith.andi %ge3A_1418, %lt3A_1420 : i1
        %jit3A_1422 = arith.constant 0 : i32
        %jit3A_1423 = arith.constant 16383 : i32
        %max3A_1424 = arith.maxsi %jit3A_1422, %sub3A_1414 : i32
        %min3A_1425 = arith.minsi %jit3A_1423, %max3A_1424 : i32
        %shift_right_arithmetic3A_1426 = arith.constant 7 : i32
        %shift_right_arithmetic3A_1427 = arith.shrsi %min3A_1425, %shift_right_arithmetic3A_1426 : i32
        %shift_right_arithmetic3A_1428 = arith.constant 4 : i32
        %shift_right_arithmetic3A_1429 = arith.shrsi %min3A_1425, %shift_right_arithmetic3A_1428 : i32
        %and3A_1430 = arith.constant 7 : i32
        %and3A_1431 = arith.andi %shift_right_arithmetic3A_1429, %and3A_1430 : i32
        %and3A_1432 = arith.constant 15 : i32
        %and3A_1433 = arith.andi %min3A_1425, %and3A_1432 : i32
        %jit3A_1434 = arith.constant 1 : i32
        %jit3A_1435 = arith.constant 0 : i32
        %select_n3A_1436 = arith.select %and3A_1421, %jit3A_1434, %jit3A_1435 : i32
        %mul3A_1437 = arith.constant 16 : i32
        %mul3A_1438 = arith.muli %and3A_1431, %mul3A_1437 : i32
        %get3A_1439 = arith.index_cast %shift_right_arithmetic3A_1427 : i32 to index
        %get3A_1440 = arith.index_cast %mul3A_1438 : i32 to index
        %get3A_1441 = tpu.vector_load %arg7[%get3A_1439, %get3A_1440] {strides = array<i32>} : memref<128x128xi32, #tpu.memory_space<vmem>>, vector<1x16xi32>,
        %get3A_1442 = vector.shape_cast %get3A_1441 : vector<1x16xi32> to vector<16xi32>
        %ge3A_1443 = vector.broadcast %and3A_1433 : i32 to vector<16xi32>
        %ge3A_1444 = arith.cmpi sge, %iota3A, %ge3A_1443 : vector<16xi32>
        %select_n3A_1445 = arith.select %ge3A_1444, %broadcast_in_dim3A_7, %broadcast_in_dim3A_3 : vector<16xi1>, vector<16xi32>
        %mul3A_1446 = vector.broadcast %select_n3A_1436 : i32 to vector<16xi32>
        %mul3A_1447 = arith.muli %select_n3A_1445, %mul3A_1446 : vector<16xi32>
        %add3A_1448 = arith.addi %get3A_1442, %mul3A_1447 : vector<16xi32>
        %mul3A_1449 = arith.constant 16 : i32
        %mul3A_1450 = arith.muli %and3A_1431, %mul3A_1449 : i32
        %swap3A_1451 = arith.index_cast %shift_right_arithmetic3A_1427 : i32 to index
        %swap3A_1452 = arith.index_cast %mul3A_1450 : i32 to index
        %swap3A_1453 = tpu.vector_load %arg7[%swap3A_1451, %swap3A_1452] {strides = array<i32>} : memref<128x128xi32, #tpu.memory_space<vmem>>, vector<1x16xi32>,
        %swap3A_1454 = vector.shape_cast %swap3A_1453 : vector<1x16xi32> to vector<16xi32>
        %swap3A_1455 = vector.shape_cast %add3A_1448 : vector<16xi32> to vector<1x16xi32>
        tpu.vector_store %arg7[%swap3A_1451, %swap3A_1452], %swap3A_1455 {strides = array<i32>} : memref<128x128xi32, #tpu.memory_space<vmem>>, vector<1x16xi32>,
        %shift_right_arithmetic3A_1456 = arith.constant 4 : i32
        %shift_right_arithmetic3A_1457 = arith.shrsi %min3A_1425, %shift_right_arithmetic3A_1456 : i32
        %shift_right_arithmetic3A_1458 = arith.constant 4 : i32
        %shift_right_arithmetic3A_1459 = arith.shrsi %shift_right_arithmetic3A_1457, %shift_right_arithmetic3A_1458 : i32
        %mul3A_1460 = arith.constant 16 : i32
        %mul3A_1461 = arith.muli %shift_right_arithmetic3A_1459, %mul3A_1460 : i32
        %and3A_1462 = arith.constant 15 : i32
        %and3A_1463 = arith.andi %shift_right_arithmetic3A_1457, %and3A_1462 : i32
        %get3A_1464 = arith.index_cast %mul3A_1461 : i32 to index
        %get3A_1465 = tpu.vector_load %arg9[%get3A_1464] {strides = array<i32>} : memref<1024xi32, #tpu.memory_space<vmem>>, vector<16xi32>,
        %get3A_1466 = vector.shape_cast %get3A_1465 : vector<16xi32> to vector<16xi32>
        %eq3A_1467 = vector.broadcast %and3A_1463 : i32 to vector<16xi32>
        %eq3A_1468 = arith.cmpi eq, %iota3A, %eq3A_1467 : vector<16xi32>
        %select_n3A_1469 = arith.select %eq3A_1468, %broadcast_in_dim3A_7, %broadcast_in_dim3A_3 : vector<16xi1>, vector<16xi32>
        %mul3A_1470 = vector.broadcast %select_n3A_1436 : i32 to vector<16xi32>
        %mul3A_1471 = arith.muli %select_n3A_1469, %mul3A_1470 : vector<16xi32>
        %add3A_1472 = arith.addi %get3A_1466, %mul3A_1471 : vector<16xi32>
        %swap3A_1473 = arith.index_cast %mul3A_1461 : i32 to index
        %swap3A_1474 = tpu.vector_load %arg9[%swap3A_1473] {strides = array<i32>} : memref<1024xi32, #tpu.memory_space<vmem>>, vector<16xi32>,
        %swap3A_1475 = vector.shape_cast %swap3A_1474 : vector<16xi32> to vector<16xi32>
        %swap3A_1476 = vector.shape_cast %add3A_1472 : vector<16xi32> to vector<16xi32>
        tpu.vector_store %arg9[%swap3A_1473], %swap3A_1476 {strides = array<i32>} : memref<1024xi32, #tpu.memory_space<vmem>>, vector<16xi32>,
        %jit3A_1477 = arith.constant 1 : i32
        %jit3A_1478 = arith.constant 0 : i32
        %select_n3A_1479 = arith.select %lt3A_1416, %jit3A_1477, %jit3A_1478 : i32
        %add3A_1480 = arith.addi %add3A_1393, %select_n3A_1479 : i32
        %mul3A_1481 = arith.constant 16 : i32
        %mul3A_1482 = arith.muli %scan3A_173, %mul3A_1481 : i32
        %add3A_1483 = arith.constant 15 : i32
        %add3A_1484 = arith.addi %mul3A_1482, %add3A_1483 : i32
        %ge3A_1485 = arith.constant 1 : i32
        %ge3A_1486 = arith.cmpi sge, %add3A_1484, %ge3A_1485 : i32
        %le3A_1487 = arith.constant 512 : i32
        %le3A_1488 = arith.cmpi sle, %add3A_1484, %le3A_1487 : i32
        %and3A_1489 = arith.andi %ge3A_1486, %le3A_1488 : i1
        %slice3A_1490 = vector.extract_strided_slice %get3A_179 {offsets = [15], sizes = [1], strides = [1]} : vector<16xi32> to vector<1xi32>
        %squeeze3A_1491 = vector.extract %slice3A_1490[0] : i32 from vector<1xi32>
        %jit3A_1492 = arith.constant 655360 : i32
        %select_n3A_1493 = arith.select %and3A_1489, %squeeze3A_1491, %jit3A_1492 : i32
        %eq3A_1494 = arith.constant 512 : i32
        %eq3A_1495 = arith.cmpi eq, %add3A_1484, %eq3A_1494 : i32
        %eq3A_1496 = arith.constant 31 : i32
        %eq3A_1497 = arith.cmpi eq, %add3A, %eq3A_1496 : i32
        %and3A_1498 = arith.andi %eq3A_1495, %eq3A_1497 : i1
        %jit3A_1499 = arith.constant 327680 : i32
        %select_n3A_1500 = arith.select %and3A_1498, %jit3A_1499, %select_n3A_1493 : i32
        %sub3A_1501 = arith.subi %select_n3A_1500, %multiple_of3A : i32
        %lt3A_1502 = arith.constant 0 : i32
        %lt3A_1503 = arith.cmpi slt, %sub3A_1501, %lt3A_1502 : i32
        %ge3A_1504 = arith.constant 0 : i32
        %ge3A_1505 = arith.cmpi sge, %sub3A_1501, %ge3A_1504 : i32
        %lt3A_1506 = arith.constant 16384 : i32
        %lt3A_1507 = arith.cmpi slt, %sub3A_1501, %lt3A_1506 : i32
        %and3A_1508 = arith.andi %ge3A_1505, %lt3A_1507 : i1
        %jit3A_1509 = arith.constant 0 : i32
        %jit3A_1510 = arith.constant 16383 : i32
        %max3A_1511 = arith.maxsi %jit3A_1509, %sub3A_1501 : i32
        %min3A_1512 = arith.minsi %jit3A_1510, %max3A_1511 : i32
        %shift_right_arithmetic3A_1513 = arith.constant 7 : i32
        %shift_right_arithmetic3A_1514 = arith.shrsi %min3A_1512, %shift_right_arithmetic3A_1513 : i32
        %shift_right_arithmetic3A_1515 = arith.constant 4 : i32
        %shift_right_arithmetic3A_1516 = arith.shrsi %min3A_1512, %shift_right_arithmetic3A_1515 : i32
        %and3A_1517 = arith.constant 7 : i32
        %and3A_1518 = arith.andi %shift_right_arithmetic3A_1516, %and3A_1517 : i32
        %and3A_1519 = arith.constant 15 : i32
        %and3A_1520 = arith.andi %min3A_1512, %and3A_1519 : i32
        %jit3A_1521 = arith.constant 1 : i32
        %jit3A_1522 = arith.constant 0 : i32
        %select_n3A_1523 = arith.select %and3A_1508, %jit3A_1521, %jit3A_1522 : i32
        %mul3A_1524 = arith.constant 16 : i32
        %mul3A_1525 = arith.muli %and3A_1518, %mul3A_1524 : i32
        %get3A_1526 = arith.index_cast %shift_right_arithmetic3A_1514 : i32 to index
        %get3A_1527 = arith.index_cast %mul3A_1525 : i32 to index
        %get3A_1528 = tpu.vector_load %arg7[%get3A_1526, %get3A_1527] {strides = array<i32>} : memref<128x128xi32, #tpu.memory_space<vmem>>, vector<1x16xi32>,
        %get3A_1529 = vector.shape_cast %get3A_1528 : vector<1x16xi32> to vector<16xi32>
        %ge3A_1530 = vector.broadcast %and3A_1520 : i32 to vector<16xi32>
        %ge3A_1531 = arith.cmpi sge, %iota3A, %ge3A_1530 : vector<16xi32>
        %select_n3A_1532 = arith.select %ge3A_1531, %broadcast_in_dim3A_7, %broadcast_in_dim3A_3 : vector<16xi1>, vector<16xi32>
        %mul3A_1533 = vector.broadcast %select_n3A_1523 : i32 to vector<16xi32>
        %mul3A_1534 = arith.muli %select_n3A_1532, %mul3A_1533 : vector<16xi32>
        %add3A_1535 = arith.addi %get3A_1529, %mul3A_1534 : vector<16xi32>
        %mul3A_1536 = arith.constant 16 : i32
        %mul3A_1537 = arith.muli %and3A_1518, %mul3A_1536 : i32
        %swap3A_1538 = arith.index_cast %shift_right_arithmetic3A_1514 : i32 to index
        %swap3A_1539 = arith.index_cast %mul3A_1537 : i32 to index
        %swap3A_1540 = tpu.vector_load %arg7[%swap3A_1538, %swap3A_1539] {strides = array<i32>} : memref<128x128xi32, #tpu.memory_space<vmem>>, vector<1x16xi32>,
        %swap3A_1541 = vector.shape_cast %swap3A_1540 : vector<1x16xi32> to vector<16xi32>
        %swap3A_1542 = vector.shape_cast %add3A_1535 : vector<16xi32> to vector<1x16xi32>
        tpu.vector_store %arg7[%swap3A_1538, %swap3A_1539], %swap3A_1542 {strides = array<i32>} : memref<128x128xi32, #tpu.memory_space<vmem>>, vector<1x16xi32>,
        %shift_right_arithmetic3A_1543 = arith.constant 4 : i32
        %shift_right_arithmetic3A_1544 = arith.shrsi %min3A_1512, %shift_right_arithmetic3A_1543 : i32
        %shift_right_arithmetic3A_1545 = arith.constant 4 : i32
        %shift_right_arithmetic3A_1546 = arith.shrsi %shift_right_arithmetic3A_1544, %shift_right_arithmetic3A_1545 : i32
        %mul3A_1547 = arith.constant 16 : i32
        %mul3A_1548 = arith.muli %shift_right_arithmetic3A_1546, %mul3A_1547 : i32
        %and3A_1549 = arith.constant 15 : i32
        %and3A_1550 = arith.andi %shift_right_arithmetic3A_1544, %and3A_1549 : i32
        %get3A_1551 = arith.index_cast %mul3A_1548 : i32 to index
        %get3A_1552 = tpu.vector_load %arg9[%get3A_1551] {strides = array<i32>} : memref<1024xi32, #tpu.memory_space<vmem>>, vector<16xi32>,
        %get3A_1553 = vector.shape_cast %get3A_1552 : vector<16xi32> to vector<16xi32>
        %eq3A_1554 = vector.broadcast %and3A_1550 : i32 to vector<16xi32>
        %eq3A_1555 = arith.cmpi eq, %iota3A, %eq3A_1554 : vector<16xi32>
        %select_n3A_1556 = arith.select %eq3A_1555, %broadcast_in_dim3A_7, %broadcast_in_dim3A_3 : vector<16xi1>, vector<16xi32>
        %mul3A_1557 = vector.broadcast %select_n3A_1523 : i32 to vector<16xi32>
        %mul3A_1558 = arith.muli %select_n3A_1556, %mul3A_1557 : vector<16xi32>
        %add3A_1559 = arith.addi %get3A_1553, %mul3A_1558 : vector<16xi32>
        %swap3A_1560 = arith.index_cast %mul3A_1548 : i32 to index
        %swap3A_1561 = tpu.vector_load %arg9[%swap3A_1560] {strides = array<i32>} : memref<1024xi32, #tpu.memory_space<vmem>>, vector<16xi32>,
        %swap3A_1562 = vector.shape_cast %swap3A_1561 : vector<16xi32> to vector<16xi32>
        %swap3A_1563 = vector.shape_cast %add3A_1559 : vector<16xi32> to vector<16xi32>
        tpu.vector_store %arg9[%swap3A_1560], %swap3A_1563 {strides = array<i32>} : memref<1024xi32, #tpu.memory_space<vmem>>, vector<16xi32>,
        %jit3A_1564 = arith.constant 1 : i32
        %jit3A_1565 = arith.constant 0 : i32
        %select_n3A_1566 = arith.select %lt3A_1503, %jit3A_1564, %jit3A_1565 : i32
        %add3A_1567 = arith.addi %add3A_1480, %select_n3A_1566 : i32
        scf.yield %add3A_1567 : i32
      }
      %scan3A_96 = arith.constant 33 : i32
      %scan3A_97 = arith.constant 0 : i32
      %scan3A_98 = arith.constant 64 : i32
      %scan3A_99 = arith.addi %scan3A_97, %scan3A_98 : i32
      %scan3A_100 = arith.constant 1 : i32
      %scan3A_101 = scf.for %scan3A_173 = %scan3A_97 to %scan3A_99 step %scan3A_100 iter_args(%scan3A_174 = %scan3A_95) -> (i32)  : i32 {
        %mul3A_175 = arith.constant 16 : i32
        %mul3A_176 = arith.muli %scan3A_173, %mul3A_175 : i32
        %get3A_177 = arith.index_cast %mul3A_176 : i32 to index
        %get3A_178 = tpu.vector_load %arg9[%get3A_177] {strides = array<i32>} : memref<1024xi32, #tpu.memory_space<vmem>>, vector<16xi32>,
        %get3A_179 = vector.shape_cast %get3A_178 : vector<16xi32> to vector<16xi32>
        %sub3A_180 = arith.constant 1 : i32
        %sub3A_181 = vector.broadcast %sub3A_180 : i32 to vector<16xi32>
        %sub3A_182 = arith.subi %iota3A, %sub3A_181 : vector<16xi32>
        %jit3A_183 = arith.constant 0 : i32
        %jit3A_184 = arith.constant 15 : i32
        %max3A_185 = vector.broadcast %jit3A_183 : i32 to vector<16xi32>
        %max3A_186 = arith.maxsi %max3A_185, %sub3A_182 : vector<16xi32>
        %min3A_187 = vector.broadcast %jit3A_184 : i32 to vector<16xi32>
        %min3A_188 = arith.minsi %min3A_187, %max3A_186 : vector<16xi32>
        %lt3A = arith.constant 0 : i32
        %lt3A_189 = vector.broadcast %lt3A : i32 to vector<16xi32>
        %lt3A_190 = arith.cmpi slt, %min3A_188, %lt3A_189 : vector<16xi32>
        %add3A_191 = arith.constant 16 : i32
        %add3A_192 = vector.broadcast %add3A_191 : i32 to vector<16xi32>
        %add3A_193 = arith.addi %min3A_188, %add3A_192 : vector<16xi32>
        %select_n3A_194 = arith.select %lt3A_190, %add3A_193, %min3A_188 : vector<16xi1>, vector<16xi32>
        %broadcast_in_dim3A_195 = vector.shape_cast %select_n3A_194 : vector<16xi32> to vector<16x1xi32>
        %gather3A = vector.shape_cast %broadcast_in_dim3A_195 : vector<16x1xi32> to vector<16xi32>
        %gather3A_196 = tpu.dynamic_gather %get3A_179[%gather3A] in [0] : vector<16xi32>, vector<16xi32> -> vector<16xi32>
        %ge3A = arith.constant 1 : i32
        %ge3A_197 = vector.broadcast %ge3A : i32 to vector<16xi32>
        %ge3A_198 = arith.cmpi sge, %iota3A, %ge3A_197 : vector<16xi32>
        %select_n3A_199 = arith.select %ge3A_198, %gather3A_196, %broadcast_in_dim3A_3 : vector<16xi1>, vector<16xi32>
        %add3A_200 = arith.addi %get3A_179, %select_n3A_199 : vector<16xi32>
        %sub3A_201 = arith.constant 2 : i32
        %sub3A_202 = vector.broadcast %sub3A_201 : i32 to vector<16xi32>
        %sub3A_203 = arith.subi %iota3A, %sub3A_202 : vector<16xi32>
        %jit3A_204 = arith.constant 0 : i32
        %jit3A_205 = arith.constant 15 : i32
        %max3A_206 = vector.broadcast %jit3A_204 : i32 to vector<16xi32>
        %max3A_207 = arith.maxsi %max3A_206, %sub3A_203 : vector<16xi32>
        %min3A_208 = vector.broadcast %jit3A_205 : i32 to vector<16xi32>
        %min3A_209 = arith.minsi %min3A_208, %max3A_207 : vector<16xi32>
        %lt3A_210 = arith.constant 0 : i32
        %lt3A_211 = vector.broadcast %lt3A_210 : i32 to vector<16xi32>
        %lt3A_212 = arith.cmpi slt, %min3A_209, %lt3A_211 : vector<16xi32>
        %add3A_213 = arith.constant 16 : i32
        %add3A_214 = vector.broadcast %add3A_213 : i32 to vector<16xi32>
        %add3A_215 = arith.addi %min3A_209, %add3A_214 : vector<16xi32>
        %select_n3A_216 = arith.select %lt3A_212, %add3A_215, %min3A_209 : vector<16xi1>, vector<16xi32>
        %broadcast_in_dim3A_217 = vector.shape_cast %select_n3A_216 : vector<16xi32> to vector<16x1xi32>
        %gather3A_218 = vector.shape_cast %broadcast_in_dim3A_217 : vector<16x1xi32> to vector<16xi32>
        %gather3A_219 = tpu.dynamic_gather %add3A_200[%gather3A_218] in [0] : vector<16xi32>, vector<16xi32> -> vector<16xi32>
        %ge3A_220 = arith.constant 2 : i32
        %ge3A_221 = vector.broadcast %ge3A_220 : i32 to vector<16xi32>
        %ge3A_222 = arith.cmpi sge, %iota3A, %ge3A_221 : vector<16xi32>
        %select_n3A_223 = arith.select %ge3A_222, %gather3A_219, %broadcast_in_dim3A_3 : vector<16xi1>, vector<16xi32>
        %add3A_224 = arith.addi %add3A_200, %select_n3A_223 : vector<16xi32>
        %sub3A_225 = arith.constant 4 : i32
        %sub3A_226 = vector.broadcast %sub3A_225 : i32 to vector<16xi32>
        %sub3A_227 = arith.subi %iota3A, %sub3A_226 : vector<16xi32>
        %jit3A_228 = arith.constant 0 : i32
        %jit3A_229 = arith.constant 15 : i32
        %max3A_230 = vector.broadcast %jit3A_228 : i32 to vector<16xi32>
        %max3A_231 = arith.maxsi %max3A_230, %sub3A_227 : vector<16xi32>
        %min3A_232 = vector.broadcast %jit3A_229 : i32 to vector<16xi32>
        %min3A_233 = arith.minsi %min3A_232, %max3A_231 : vector<16xi32>
        %lt3A_234 = arith.constant 0 : i32
        %lt3A_235 = vector.broadcast %lt3A_234 : i32 to vector<16xi32>
        %lt3A_236 = arith.cmpi slt, %min3A_233, %lt3A_235 : vector<16xi32>
        %add3A_237 = arith.constant 16 : i32
        %add3A_238 = vector.broadcast %add3A_237 : i32 to vector<16xi32>
        %add3A_239 = arith.addi %min3A_233, %add3A_238 : vector<16xi32>
        %select_n3A_240 = arith.select %lt3A_236, %add3A_239, %min3A_233 : vector<16xi1>, vector<16xi32>
        %broadcast_in_dim3A_241 = vector.shape_cast %select_n3A_240 : vector<16xi32> to vector<16x1xi32>
        %gather3A_242 = vector.shape_cast %broadcast_in_dim3A_241 : vector<16x1xi32> to vector<16xi32>
        %gather3A_243 = tpu.dynamic_gather %add3A_224[%gather3A_242] in [0] : vector<16xi32>, vector<16xi32> -> vector<16xi32>
        %ge3A_244 = arith.constant 4 : i32
        %ge3A_245 = vector.broadcast %ge3A_244 : i32 to vector<16xi32>
        %ge3A_246 = arith.cmpi sge, %iota3A, %ge3A_245 : vector<16xi32>
        %select_n3A_247 = arith.select %ge3A_246, %gather3A_243, %broadcast_in_dim3A_3 : vector<16xi1>, vector<16xi32>
        %add3A_248 = arith.addi %add3A_224, %select_n3A_247 : vector<16xi32>
        %sub3A_249 = arith.constant 8 : i32
        %sub3A_250 = vector.broadcast %sub3A_249 : i32 to vector<16xi32>
        %sub3A_251 = arith.subi %iota3A, %sub3A_250 : vector<16xi32>
        %jit3A_252 = arith.constant 0 : i32
        %jit3A_253 = arith.constant 15 : i32
        %max3A_254 = vector.broadcast %jit3A_252 : i32 to vector<16xi32>
        %max3A_255 = arith.maxsi %max3A_254, %sub3A_251 : vector<16xi32>
        %min3A_256 = vector.broadcast %jit3A_253 : i32 to vector<16xi32>
        %min3A_257 = arith.minsi %min3A_256, %max3A_255 : vector<16xi32>
        %lt3A_258 = arith.constant 0 : i32
        %lt3A_259 = vector.broadcast %lt3A_258 : i32 to vector<16xi32>
        %lt3A_260 = arith.cmpi slt, %min3A_257, %lt3A_259 : vector<16xi32>
        %add3A_261 = arith.constant 16 : i32
        %add3A_262 = vector.broadcast %add3A_261 : i32 to vector<16xi32>
        %add3A_263 = arith.addi %min3A_257, %add3A_262 : vector<16xi32>
        %select_n3A_264 = arith.select %lt3A_260, %add3A_263, %min3A_257 : vector<16xi1>, vector<16xi32>
        %broadcast_in_dim3A_265 = vector.shape_cast %select_n3A_264 : vector<16xi32> to vector<16x1xi32>
        %gather3A_266 = vector.shape_cast %broadcast_in_dim3A_265 : vector<16x1xi32> to vector<16xi32>
        %gather3A_267 = tpu.dynamic_gather %add3A_248[%gather3A_266] in [0] : vector<16xi32>, vector<16xi32> -> vector<16xi32>
        %ge3A_268 = arith.constant 8 : i32
        %ge3A_269 = vector.broadcast %ge3A_268 : i32 to vector<16xi32>
        %ge3A_270 = arith.cmpi sge, %iota3A, %ge3A_269 : vector<16xi32>
        %select_n3A_271 = arith.select %ge3A_270, %gather3A_267, %broadcast_in_dim3A_3 : vector<16xi1>, vector<16xi32>
        %add3A_272 = arith.addi %add3A_248, %select_n3A_271 : vector<16xi32>
        %sub3A_273 = arith.subi %add3A_272, %get3A_179 : vector<16xi32>
        %add3A_274 = vector.broadcast %scan3A_174 : i32 to vector<16xi32>
        %add3A_275 = arith.addi %sub3A_273, %add3A_274 : vector<16xi32>
        %mul3A_276 = arith.constant 16 : i32
        %mul3A_277 = arith.muli %scan3A_173, %mul3A_276 : i32
        %swap3A = arith.index_cast %mul3A_277 : i32 to index
        %swap3A_278 = tpu.vector_load %arg10[%swap3A] {strides = array<i32>} : memref<1024xi32, #tpu.memory_space<vmem>>, vector<16xi32>,
        %swap3A_279 = vector.shape_cast %swap3A_278 : vector<16xi32> to vector<16xi32>
        %swap3A_280 = vector.shape_cast %add3A_275 : vector<16xi32> to vector<16xi32>
        tpu.vector_store %arg10[%swap3A], %swap3A_280 {strides = array<i32>} : memref<1024xi32, #tpu.memory_space<vmem>>, vector<16xi32>,
        %slice3A_281 = vector.extract_strided_slice %add3A_272 {offsets = [15], sizes = [1], strides = [1]} : vector<16xi32> to vector<1xi32>
        %squeeze3A_282 = vector.extract %slice3A_281[0] : i32 from vector<1xi32>
        %add3A_283 = arith.addi %scan3A_174, %squeeze3A_282 : i32
        scf.yield %add3A_283 : i32
      }
      %scan3A_102 = arith.constant 64 : i32
      %scan3A_103 = arith.constant 0 : i32
      %scan3A_104 = arith.constant 0 : i32
      %scan3A_105 = arith.constant 64 : i32
      %scan3A_106 = arith.addi %scan3A_104, %scan3A_105 : i32
      %scan3A_107 = arith.constant 1 : i32
      %scan3A_108 = scf.for %scan3A_173 = %scan3A_104 to %scan3A_106 step %scan3A_107 iter_args(%scan3A_174 = %scan3A_103) -> (i32)  : i32 {
        %mul3A_175 = arith.constant 16 : i32
        %mul3A_176 = arith.muli %scan3A_173, %mul3A_175 : i32
        %get3A_177 = arith.index_cast %mul3A_176 : i32 to index
        %get3A_178 = tpu.vector_load %arg10[%get3A_177] {strides = array<i32>} : memref<1024xi32, #tpu.memory_space<vmem>>, vector<16xi32>,
        %get3A_179 = vector.shape_cast %get3A_178 : vector<16xi32> to vector<16xi32>
        %mul3A_180 = arith.constant 16 : i32
        %mul3A_181 = arith.muli %scan3A_173, %mul3A_180 : i32
        %add3A_182 = arith.constant 0 : i32
        %add3A_183 = arith.addi %mul3A_181, %add3A_182 : i32
        %shift_right_arithmetic3A_184 = arith.constant 3 : i32
        %shift_right_arithmetic3A_185 = arith.shrsi %add3A_183, %shift_right_arithmetic3A_184 : i32
        %and3A_186 = arith.constant 7 : i32
        %and3A_187 = arith.andi %add3A_183, %and3A_186 : i32
        %mul3A_188 = arith.constant 16 : i32
        %mul3A_189 = arith.muli %and3A_187, %mul3A_188 : i32
        %get3A_190 = arith.index_cast %shift_right_arithmetic3A_185 : i32 to index
        %get3A_191 = arith.index_cast %mul3A_189 : i32 to index
        %get3A_192 = tpu.vector_load %arg7[%get3A_190, %get3A_191] {strides = array<i32>} : memref<128x128xi32, #tpu.memory_space<vmem>>, vector<1x16xi32>,
        %get3A_193 = vector.shape_cast %get3A_192 : vector<1x16xi32> to vector<16xi32>
        %slice3A_194 = vector.extract_strided_slice %get3A_179 {offsets = [0], sizes = [1], strides = [1]} : vector<16xi32> to vector<1xi32>
        %squeeze3A_195 = vector.extract %slice3A_194[0] : i32 from vector<1xi32>
        %add3A_196 = vector.broadcast %squeeze3A_195 : i32 to vector<16xi32>
        %add3A_197 = arith.addi %get3A_193, %add3A_196 : vector<16xi32>
        %mul3A_198 = arith.constant 16 : i32
        %mul3A_199 = arith.muli %add3A_183, %mul3A_198 : i32
        %add3A_200 = arith.addi %multiple_of3A, %mul3A_199 : i32
        %add3A_201 = vector.broadcast %add3A_200 : i32 to vector<16xi32>
        %add3A_202 = arith.addi %add3A_201, %iota3A : vector<16xi32>
        %lt3A = vector.broadcast %select_n3A : i32 to vector<16xi32>
        %lt3A_203 = arith.cmpi slt, %add3A_202, %lt3A : vector<16xi32>
        %broadcast_in_dim3A_204 = arith.constant 512 : i32
        %broadcast_in_dim3A_205 = vector.broadcast %broadcast_in_dim3A_204 : i32 to vector<16xi32>
        %select_n3A_206 = arith.select %lt3A_203, %broadcast_in_dim3A_205, %add3A_197 : vector<16xi1>, vector<16xi32>
        %add3A_207 = vector.broadcast %mul3A_2 : i32 to vector<16xi32>
        %add3A_208 = arith.addi %select_n3A_206, %add3A_207 : vector<16xi32>
        %mul3A_209 = arith.constant 16 : i32
        %mul3A_210 = arith.muli %and3A_187, %mul3A_209 : i32
        %swap3A = arith.index_cast %shift_right_arithmetic3A_185 : i32 to index
        %swap3A_211 = arith.index_cast %mul3A_210 : i32 to index
        %swap3A_212 = tpu.vector_load %arg7[%swap3A, %swap3A_211] {strides = array<i32>} : memref<128x128xi32, #tpu.memory_space<vmem>>, vector<1x16xi32>,
        %swap3A_213 = vector.shape_cast %swap3A_212 : vector<1x16xi32> to vector<16xi32>
        %swap3A_214 = vector.shape_cast %add3A_208 : vector<16xi32> to vector<1x16xi32>
        tpu.vector_store %arg7[%swap3A, %swap3A_211], %swap3A_214 {strides = array<i32>} : memref<128x128xi32, #tpu.memory_space<vmem>>, vector<1x16xi32>,
        %mul3A_215 = arith.constant 16 : i32
        %mul3A_216 = arith.muli %scan3A_173, %mul3A_215 : i32
        %add3A_217 = arith.constant 1 : i32
        %add3A_218 = arith.addi %mul3A_216, %add3A_217 : i32
        %shift_right_arithmetic3A_219 = arith.constant 3 : i32
        %shift_right_arithmetic3A_220 = arith.shrsi %add3A_218, %shift_right_arithmetic3A_219 : i32
        %and3A_221 = arith.constant 7 : i32
        %and3A_222 = arith.andi %add3A_218, %and3A_221 : i32
        %mul3A_223 = arith.constant 16 : i32
        %mul3A_224 = arith.muli %and3A_222, %mul3A_223 : i32
        %get3A_225 = arith.index_cast %shift_right_arithmetic3A_220 : i32 to index
        %get3A_226 = arith.index_cast %mul3A_224 : i32 to index
        %get3A_227 = tpu.vector_load %arg7[%get3A_225, %get3A_226] {strides = array<i32>} : memref<128x128xi32, #tpu.memory_space<vmem>>, vector<1x16xi32>,
        %get3A_228 = vector.shape_cast %get3A_227 : vector<1x16xi32> to vector<16xi32>
        %slice3A_229 = vector.extract_strided_slice %get3A_179 {offsets = [1], sizes = [1], strides = [1]} : vector<16xi32> to vector<1xi32>
        %squeeze3A_230 = vector.extract %slice3A_229[0] : i32 from vector<1xi32>
        %add3A_231 = vector.broadcast %squeeze3A_230 : i32 to vector<16xi32>
        %add3A_232 = arith.addi %get3A_228, %add3A_231 : vector<16xi32>
        %mul3A_233 = arith.constant 16 : i32
        %mul3A_234 = arith.muli %add3A_218, %mul3A_233 : i32
        %add3A_235 = arith.addi %multiple_of3A, %mul3A_234 : i32
        %add3A_236 = vector.broadcast %add3A_235 : i32 to vector<16xi32>
        %add3A_237 = arith.addi %add3A_236, %iota3A : vector<16xi32>
        %lt3A_238 = vector.broadcast %select_n3A : i32 to vector<16xi32>
        %lt3A_239 = arith.cmpi slt, %add3A_237, %lt3A_238 : vector<16xi32>
        %broadcast_in_dim3A_240 = arith.constant 512 : i32
        %broadcast_in_dim3A_241 = vector.broadcast %broadcast_in_dim3A_240 : i32 to vector<16xi32>
        %select_n3A_242 = arith.select %lt3A_239, %broadcast_in_dim3A_241, %add3A_232 : vector<16xi1>, vector<16xi32>
        %add3A_243 = vector.broadcast %mul3A_2 : i32 to vector<16xi32>
        %add3A_244 = arith.addi %select_n3A_242, %add3A_243 : vector<16xi32>
        %mul3A_245 = arith.constant 16 : i32
        %mul3A_246 = arith.muli %and3A_222, %mul3A_245 : i32
        %swap3A_247 = arith.index_cast %shift_right_arithmetic3A_220 : i32 to index
        %swap3A_248 = arith.index_cast %mul3A_246 : i32 to index
        %swap3A_249 = tpu.vector_load %arg7[%swap3A_247, %swap3A_248] {strides = array<i32>} : memref<128x128xi32, #tpu.memory_space<vmem>>, vector<1x16xi32>,
        %swap3A_250 = vector.shape_cast %swap3A_249 : vector<1x16xi32> to vector<16xi32>
        %swap3A_251 = vector.shape_cast %add3A_244 : vector<16xi32> to vector<1x16xi32>
        tpu.vector_store %arg7[%swap3A_247, %swap3A_248], %swap3A_251 {strides = array<i32>} : memref<128x128xi32, #tpu.memory_space<vmem>>, vector<1x16xi32>,
        %mul3A_252 = arith.constant 16 : i32
        %mul3A_253 = arith.muli %scan3A_173, %mul3A_252 : i32
        %add3A_254 = arith.constant 2 : i32
        %add3A_255 = arith.addi %mul3A_253, %add3A_254 : i32
        %shift_right_arithmetic3A_256 = arith.constant 3 : i32
        %shift_right_arithmetic3A_257 = arith.shrsi %add3A_255, %shift_right_arithmetic3A_256 : i32
        %and3A_258 = arith.constant 7 : i32
        %and3A_259 = arith.andi %add3A_255, %and3A_258 : i32
        %mul3A_260 = arith.constant 16 : i32
        %mul3A_261 = arith.muli %and3A_259, %mul3A_260 : i32
        %get3A_262 = arith.index_cast %shift_right_arithmetic3A_257 : i32 to index
        %get3A_263 = arith.index_cast %mul3A_261 : i32 to index
        %get3A_264 = tpu.vector_load %arg7[%get3A_262, %get3A_263] {strides = array<i32>} : memref<128x128xi32, #tpu.memory_space<vmem>>, vector<1x16xi32>,
        %get3A_265 = vector.shape_cast %get3A_264 : vector<1x16xi32> to vector<16xi32>
        %slice3A_266 = vector.extract_strided_slice %get3A_179 {offsets = [2], sizes = [1], strides = [1]} : vector<16xi32> to vector<1xi32>
        %squeeze3A_267 = vector.extract %slice3A_266[0] : i32 from vector<1xi32>
        %add3A_268 = vector.broadcast %squeeze3A_267 : i32 to vector<16xi32>
        %add3A_269 = arith.addi %get3A_265, %add3A_268 : vector<16xi32>
        %mul3A_270 = arith.constant 16 : i32
        %mul3A_271 = arith.muli %add3A_255, %mul3A_270 : i32
        %add3A_272 = arith.addi %multiple_of3A, %mul3A_271 : i32
        %add3A_273 = vector.broadcast %add3A_272 : i32 to vector<16xi32>
        %add3A_274 = arith.addi %add3A_273, %iota3A : vector<16xi32>
        %lt3A_275 = vector.broadcast %select_n3A : i32 to vector<16xi32>
        %lt3A_276 = arith.cmpi slt, %add3A_274, %lt3A_275 : vector<16xi32>
        %broadcast_in_dim3A_277 = arith.constant 512 : i32
        %broadcast_in_dim3A_278 = vector.broadcast %broadcast_in_dim3A_277 : i32 to vector<16xi32>
        %select_n3A_279 = arith.select %lt3A_276, %broadcast_in_dim3A_278, %add3A_269 : vector<16xi1>, vector<16xi32>
        %add3A_280 = vector.broadcast %mul3A_2 : i32 to vector<16xi32>
        %add3A_281 = arith.addi %select_n3A_279, %add3A_280 : vector<16xi32>
        %mul3A_282 = arith.constant 16 : i32
        %mul3A_283 = arith.muli %and3A_259, %mul3A_282 : i32
        %swap3A_284 = arith.index_cast %shift_right_arithmetic3A_257 : i32 to index
        %swap3A_285 = arith.index_cast %mul3A_283 : i32 to index
        %swap3A_286 = tpu.vector_load %arg7[%swap3A_284, %swap3A_285] {strides = array<i32>} : memref<128x128xi32, #tpu.memory_space<vmem>>, vector<1x16xi32>,
        %swap3A_287 = vector.shape_cast %swap3A_286 : vector<1x16xi32> to vector<16xi32>
        %swap3A_288 = vector.shape_cast %add3A_281 : vector<16xi32> to vector<1x16xi32>
        tpu.vector_store %arg7[%swap3A_284, %swap3A_285], %swap3A_288 {strides = array<i32>} : memref<128x128xi32, #tpu.memory_space<vmem>>, vector<1x16xi32>,
        %mul3A_289 = arith.constant 16 : i32
        %mul3A_290 = arith.muli %scan3A_173, %mul3A_289 : i32
        %add3A_291 = arith.constant 3 : i32
        %add3A_292 = arith.addi %mul3A_290, %add3A_291 : i32
        %shift_right_arithmetic3A_293 = arith.constant 3 : i32
        %shift_right_arithmetic3A_294 = arith.shrsi %add3A_292, %shift_right_arithmetic3A_293 : i32
        %and3A_295 = arith.constant 7 : i32
        %and3A_296 = arith.andi %add3A_292, %and3A_295 : i32
        %mul3A_297 = arith.constant 16 : i32
        %mul3A_298 = arith.muli %and3A_296, %mul3A_297 : i32
        %get3A_299 = arith.index_cast %shift_right_arithmetic3A_294 : i32 to index
        %get3A_300 = arith.index_cast %mul3A_298 : i32 to index
        %get3A_301 = tpu.vector_load %arg7[%get3A_299, %get3A_300] {strides = array<i32>} : memref<128x128xi32, #tpu.memory_space<vmem>>, vector<1x16xi32>,
        %get3A_302 = vector.shape_cast %get3A_301 : vector<1x16xi32> to vector<16xi32>
        %slice3A_303 = vector.extract_strided_slice %get3A_179 {offsets = [3], sizes = [1], strides = [1]} : vector<16xi32> to vector<1xi32>
        %squeeze3A_304 = vector.extract %slice3A_303[0] : i32 from vector<1xi32>
        %add3A_305 = vector.broadcast %squeeze3A_304 : i32 to vector<16xi32>
        %add3A_306 = arith.addi %get3A_302, %add3A_305 : vector<16xi32>
        %mul3A_307 = arith.constant 16 : i32
        %mul3A_308 = arith.muli %add3A_292, %mul3A_307 : i32
        %add3A_309 = arith.addi %multiple_of3A, %mul3A_308 : i32
        %add3A_310 = vector.broadcast %add3A_309 : i32 to vector<16xi32>
        %add3A_311 = arith.addi %add3A_310, %iota3A : vector<16xi32>
        %lt3A_312 = vector.broadcast %select_n3A : i32 to vector<16xi32>
        %lt3A_313 = arith.cmpi slt, %add3A_311, %lt3A_312 : vector<16xi32>
        %broadcast_in_dim3A_314 = arith.constant 512 : i32
        %broadcast_in_dim3A_315 = vector.broadcast %broadcast_in_dim3A_314 : i32 to vector<16xi32>
        %select_n3A_316 = arith.select %lt3A_313, %broadcast_in_dim3A_315, %add3A_306 : vector<16xi1>, vector<16xi32>
        %add3A_317 = vector.broadcast %mul3A_2 : i32 to vector<16xi32>
        %add3A_318 = arith.addi %select_n3A_316, %add3A_317 : vector<16xi32>
        %mul3A_319 = arith.constant 16 : i32
        %mul3A_320 = arith.muli %and3A_296, %mul3A_319 : i32
        %swap3A_321 = arith.index_cast %shift_right_arithmetic3A_294 : i32 to index
        %swap3A_322 = arith.index_cast %mul3A_320 : i32 to index
        %swap3A_323 = tpu.vector_load %arg7[%swap3A_321, %swap3A_322] {strides = array<i32>} : memref<128x128xi32, #tpu.memory_space<vmem>>, vector<1x16xi32>,
        %swap3A_324 = vector.shape_cast %swap3A_323 : vector<1x16xi32> to vector<16xi32>
        %swap3A_325 = vector.shape_cast %add3A_318 : vector<16xi32> to vector<1x16xi32>
        tpu.vector_store %arg7[%swap3A_321, %swap3A_322], %swap3A_325 {strides = array<i32>} : memref<128x128xi32, #tpu.memory_space<vmem>>, vector<1x16xi32>,
        %mul3A_326 = arith.constant 16 : i32
        %mul3A_327 = arith.muli %scan3A_173, %mul3A_326 : i32
        %add3A_328 = arith.constant 4 : i32
        %add3A_329 = arith.addi %mul3A_327, %add3A_328 : i32
        %shift_right_arithmetic3A_330 = arith.constant 3 : i32
        %shift_right_arithmetic3A_331 = arith.shrsi %add3A_329, %shift_right_arithmetic3A_330 : i32
        %and3A_332 = arith.constant 7 : i32
        %and3A_333 = arith.andi %add3A_329, %and3A_332 : i32
        %mul3A_334 = arith.constant 16 : i32
        %mul3A_335 = arith.muli %and3A_333, %mul3A_334 : i32
        %get3A_336 = arith.index_cast %shift_right_arithmetic3A_331 : i32 to index
        %get3A_337 = arith.index_cast %mul3A_335 : i32 to index
        %get3A_338 = tpu.vector_load %arg7[%get3A_336, %get3A_337] {strides = array<i32>} : memref<128x128xi32, #tpu.memory_space<vmem>>, vector<1x16xi32>,
        %get3A_339 = vector.shape_cast %get3A_338 : vector<1x16xi32> to vector<16xi32>
        %slice3A_340 = vector.extract_strided_slice %get3A_179 {offsets = [4], sizes = [1], strides = [1]} : vector<16xi32> to vector<1xi32>
        %squeeze3A_341 = vector.extract %slice3A_340[0] : i32 from vector<1xi32>
        %add3A_342 = vector.broadcast %squeeze3A_341 : i32 to vector<16xi32>
        %add3A_343 = arith.addi %get3A_339, %add3A_342 : vector<16xi32>
        %mul3A_344 = arith.constant 16 : i32
        %mul3A_345 = arith.muli %add3A_329, %mul3A_344 : i32
        %add3A_346 = arith.addi %multiple_of3A, %mul3A_345 : i32
        %add3A_347 = vector.broadcast %add3A_346 : i32 to vector<16xi32>
        %add3A_348 = arith.addi %add3A_347, %iota3A : vector<16xi32>
        %lt3A_349 = vector.broadcast %select_n3A : i32 to vector<16xi32>
        %lt3A_350 = arith.cmpi slt, %add3A_348, %lt3A_349 : vector<16xi32>
        %broadcast_in_dim3A_351 = arith.constant 512 : i32
        %broadcast_in_dim3A_352 = vector.broadcast %broadcast_in_dim3A_351 : i32 to vector<16xi32>
        %select_n3A_353 = arith.select %lt3A_350, %broadcast_in_dim3A_352, %add3A_343 : vector<16xi1>, vector<16xi32>
        %add3A_354 = vector.broadcast %mul3A_2 : i32 to vector<16xi32>
        %add3A_355 = arith.addi %select_n3A_353, %add3A_354 : vector<16xi32>
        %mul3A_356 = arith.constant 16 : i32
        %mul3A_357 = arith.muli %and3A_333, %mul3A_356 : i32
        %swap3A_358 = arith.index_cast %shift_right_arithmetic3A_331 : i32 to index
        %swap3A_359 = arith.index_cast %mul3A_357 : i32 to index
        %swap3A_360 = tpu.vector_load %arg7[%swap3A_358, %swap3A_359] {strides = array<i32>} : memref<128x128xi32, #tpu.memory_space<vmem>>, vector<1x16xi32>,
        %swap3A_361 = vector.shape_cast %swap3A_360 : vector<1x16xi32> to vector<16xi32>
        %swap3A_362 = vector.shape_cast %add3A_355 : vector<16xi32> to vector<1x16xi32>
        tpu.vector_store %arg7[%swap3A_358, %swap3A_359], %swap3A_362 {strides = array<i32>} : memref<128x128xi32, #tpu.memory_space<vmem>>, vector<1x16xi32>,
        %mul3A_363 = arith.constant 16 : i32
        %mul3A_364 = arith.muli %scan3A_173, %mul3A_363 : i32
        %add3A_365 = arith.constant 5 : i32
        %add3A_366 = arith.addi %mul3A_364, %add3A_365 : i32
        %shift_right_arithmetic3A_367 = arith.constant 3 : i32
        %shift_right_arithmetic3A_368 = arith.shrsi %add3A_366, %shift_right_arithmetic3A_367 : i32
        %and3A_369 = arith.constant 7 : i32
        %and3A_370 = arith.andi %add3A_366, %and3A_369 : i32
        %mul3A_371 = arith.constant 16 : i32
        %mul3A_372 = arith.muli %and3A_370, %mul3A_371 : i32
        %get3A_373 = arith.index_cast %shift_right_arithmetic3A_368 : i32 to index
        %get3A_374 = arith.index_cast %mul3A_372 : i32 to index
        %get3A_375 = tpu.vector_load %arg7[%get3A_373, %get3A_374] {strides = array<i32>} : memref<128x128xi32, #tpu.memory_space<vmem>>, vector<1x16xi32>,
        %get3A_376 = vector.shape_cast %get3A_375 : vector<1x16xi32> to vector<16xi32>
        %slice3A_377 = vector.extract_strided_slice %get3A_179 {offsets = [5], sizes = [1], strides = [1]} : vector<16xi32> to vector<1xi32>
        %squeeze3A_378 = vector.extract %slice3A_377[0] : i32 from vector<1xi32>
        %add3A_379 = vector.broadcast %squeeze3A_378 : i32 to vector<16xi32>
        %add3A_380 = arith.addi %get3A_376, %add3A_379 : vector<16xi32>
        %mul3A_381 = arith.constant 16 : i32
        %mul3A_382 = arith.muli %add3A_366, %mul3A_381 : i32
        %add3A_383 = arith.addi %multiple_of3A, %mul3A_382 : i32
        %add3A_384 = vector.broadcast %add3A_383 : i32 to vector<16xi32>
        %add3A_385 = arith.addi %add3A_384, %iota3A : vector<16xi32>
        %lt3A_386 = vector.broadcast %select_n3A : i32 to vector<16xi32>
        %lt3A_387 = arith.cmpi slt, %add3A_385, %lt3A_386 : vector<16xi32>
        %broadcast_in_dim3A_388 = arith.constant 512 : i32
        %broadcast_in_dim3A_389 = vector.broadcast %broadcast_in_dim3A_388 : i32 to vector<16xi32>
        %select_n3A_390 = arith.select %lt3A_387, %broadcast_in_dim3A_389, %add3A_380 : vector<16xi1>, vector<16xi32>
        %add3A_391 = vector.broadcast %mul3A_2 : i32 to vector<16xi32>
        %add3A_392 = arith.addi %select_n3A_390, %add3A_391 : vector<16xi32>
        %mul3A_393 = arith.constant 16 : i32
        %mul3A_394 = arith.muli %and3A_370, %mul3A_393 : i32
        %swap3A_395 = arith.index_cast %shift_right_arithmetic3A_368 : i32 to index
        %swap3A_396 = arith.index_cast %mul3A_394 : i32 to index
        %swap3A_397 = tpu.vector_load %arg7[%swap3A_395, %swap3A_396] {strides = array<i32>} : memref<128x128xi32, #tpu.memory_space<vmem>>, vector<1x16xi32>,
        %swap3A_398 = vector.shape_cast %swap3A_397 : vector<1x16xi32> to vector<16xi32>
        %swap3A_399 = vector.shape_cast %add3A_392 : vector<16xi32> to vector<1x16xi32>
        tpu.vector_store %arg7[%swap3A_395, %swap3A_396], %swap3A_399 {strides = array<i32>} : memref<128x128xi32, #tpu.memory_space<vmem>>, vector<1x16xi32>,
        %mul3A_400 = arith.constant 16 : i32
        %mul3A_401 = arith.muli %scan3A_173, %mul3A_400 : i32
        %add3A_402 = arith.constant 6 : i32
        %add3A_403 = arith.addi %mul3A_401, %add3A_402 : i32
        %shift_right_arithmetic3A_404 = arith.constant 3 : i32
        %shift_right_arithmetic3A_405 = arith.shrsi %add3A_403, %shift_right_arithmetic3A_404 : i32
        %and3A_406 = arith.constant 7 : i32
        %and3A_407 = arith.andi %add3A_403, %and3A_406 : i32
        %mul3A_408 = arith.constant 16 : i32
        %mul3A_409 = arith.muli %and3A_407, %mul3A_408 : i32
        %get3A_410 = arith.index_cast %shift_right_arithmetic3A_405 : i32 to index
        %get3A_411 = arith.index_cast %mul3A_409 : i32 to index
        %get3A_412 = tpu.vector_load %arg7[%get3A_410, %get3A_411] {strides = array<i32>} : memref<128x128xi32, #tpu.memory_space<vmem>>, vector<1x16xi32>,
        %get3A_413 = vector.shape_cast %get3A_412 : vector<1x16xi32> to vector<16xi32>
        %slice3A_414 = vector.extract_strided_slice %get3A_179 {offsets = [6], sizes = [1], strides = [1]} : vector<16xi32> to vector<1xi32>
        %squeeze3A_415 = vector.extract %slice3A_414[0] : i32 from vector<1xi32>
        %add3A_416 = vector.broadcast %squeeze3A_415 : i32 to vector<16xi32>
        %add3A_417 = arith.addi %get3A_413, %add3A_416 : vector<16xi32>
        %mul3A_418 = arith.constant 16 : i32
        %mul3A_419 = arith.muli %add3A_403, %mul3A_418 : i32
        %add3A_420 = arith.addi %multiple_of3A, %mul3A_419 : i32
        %add3A_421 = vector.broadcast %add3A_420 : i32 to vector<16xi32>
        %add3A_422 = arith.addi %add3A_421, %iota3A : vector<16xi32>
        %lt3A_423 = vector.broadcast %select_n3A : i32 to vector<16xi32>
        %lt3A_424 = arith.cmpi slt, %add3A_422, %lt3A_423 : vector<16xi32>
        %broadcast_in_dim3A_425 = arith.constant 512 : i32
        %broadcast_in_dim3A_426 = vector.broadcast %broadcast_in_dim3A_425 : i32 to vector<16xi32>
        %select_n3A_427 = arith.select %lt3A_424, %broadcast_in_dim3A_426, %add3A_417 : vector<16xi1>, vector<16xi32>
        %add3A_428 = vector.broadcast %mul3A_2 : i32 to vector<16xi32>
        %add3A_429 = arith.addi %select_n3A_427, %add3A_428 : vector<16xi32>
        %mul3A_430 = arith.constant 16 : i32
        %mul3A_431 = arith.muli %and3A_407, %mul3A_430 : i32
        %swap3A_432 = arith.index_cast %shift_right_arithmetic3A_405 : i32 to index
        %swap3A_433 = arith.index_cast %mul3A_431 : i32 to index
        %swap3A_434 = tpu.vector_load %arg7[%swap3A_432, %swap3A_433] {strides = array<i32>} : memref<128x128xi32, #tpu.memory_space<vmem>>, vector<1x16xi32>,
        %swap3A_435 = vector.shape_cast %swap3A_434 : vector<1x16xi32> to vector<16xi32>
        %swap3A_436 = vector.shape_cast %add3A_429 : vector<16xi32> to vector<1x16xi32>
        tpu.vector_store %arg7[%swap3A_432, %swap3A_433], %swap3A_436 {strides = array<i32>} : memref<128x128xi32, #tpu.memory_space<vmem>>, vector<1x16xi32>,
        %mul3A_437 = arith.constant 16 : i32
        %mul3A_438 = arith.muli %scan3A_173, %mul3A_437 : i32
        %add3A_439 = arith.constant 7 : i32
        %add3A_440 = arith.addi %mul3A_438, %add3A_439 : i32
        %shift_right_arithmetic3A_441 = arith.constant 3 : i32
        %shift_right_arithmetic3A_442 = arith.shrsi %add3A_440, %shift_right_arithmetic3A_441 : i32
        %and3A_443 = arith.constant 7 : i32
        %and3A_444 = arith.andi %add3A_440, %and3A_443 : i32
        %mul3A_445 = arith.constant 16 : i32
        %mul3A_446 = arith.muli %and3A_444, %mul3A_445 : i32
        %get3A_447 = arith.index_cast %shift_right_arithmetic3A_442 : i32 to index
        %get3A_448 = arith.index_cast %mul3A_446 : i32 to index
        %get3A_449 = tpu.vector_load %arg7[%get3A_447, %get3A_448] {strides = array<i32>} : memref<128x128xi32, #tpu.memory_space<vmem>>, vector<1x16xi32>,
        %get3A_450 = vector.shape_cast %get3A_449 : vector<1x16xi32> to vector<16xi32>
        %slice3A_451 = vector.extract_strided_slice %get3A_179 {offsets = [7], sizes = [1], strides = [1]} : vector<16xi32> to vector<1xi32>
        %squeeze3A_452 = vector.extract %slice3A_451[0] : i32 from vector<1xi32>
        %add3A_453 = vector.broadcast %squeeze3A_452 : i32 to vector<16xi32>
        %add3A_454 = arith.addi %get3A_450, %add3A_453 : vector<16xi32>
        %mul3A_455 = arith.constant 16 : i32
        %mul3A_456 = arith.muli %add3A_440, %mul3A_455 : i32
        %add3A_457 = arith.addi %multiple_of3A, %mul3A_456 : i32
        %add3A_458 = vector.broadcast %add3A_457 : i32 to vector<16xi32>
        %add3A_459 = arith.addi %add3A_458, %iota3A : vector<16xi32>
        %lt3A_460 = vector.broadcast %select_n3A : i32 to vector<16xi32>
        %lt3A_461 = arith.cmpi slt, %add3A_459, %lt3A_460 : vector<16xi32>
        %broadcast_in_dim3A_462 = arith.constant 512 : i32
        %broadcast_in_dim3A_463 = vector.broadcast %broadcast_in_dim3A_462 : i32 to vector<16xi32>
        %select_n3A_464 = arith.select %lt3A_461, %broadcast_in_dim3A_463, %add3A_454 : vector<16xi1>, vector<16xi32>
        %add3A_465 = vector.broadcast %mul3A_2 : i32 to vector<16xi32>
        %add3A_466 = arith.addi %select_n3A_464, %add3A_465 : vector<16xi32>
        %mul3A_467 = arith.constant 16 : i32
        %mul3A_468 = arith.muli %and3A_444, %mul3A_467 : i32
        %swap3A_469 = arith.index_cast %shift_right_arithmetic3A_442 : i32 to index
        %swap3A_470 = arith.index_cast %mul3A_468 : i32 to index
        %swap3A_471 = tpu.vector_load %arg7[%swap3A_469, %swap3A_470] {strides = array<i32>} : memref<128x128xi32, #tpu.memory_space<vmem>>, vector<1x16xi32>,
        %swap3A_472 = vector.shape_cast %swap3A_471 : vector<1x16xi32> to vector<16xi32>
        %swap3A_473 = vector.shape_cast %add3A_466 : vector<16xi32> to vector<1x16xi32>
        tpu.vector_store %arg7[%swap3A_469, %swap3A_470], %swap3A_473 {strides = array<i32>} : memref<128x128xi32, #tpu.memory_space<vmem>>, vector<1x16xi32>,
        %mul3A_474 = arith.constant 16 : i32
        %mul3A_475 = arith.muli %scan3A_173, %mul3A_474 : i32
        %add3A_476 = arith.constant 8 : i32
        %add3A_477 = arith.addi %mul3A_475, %add3A_476 : i32
        %shift_right_arithmetic3A_478 = arith.constant 3 : i32
        %shift_right_arithmetic3A_479 = arith.shrsi %add3A_477, %shift_right_arithmetic3A_478 : i32
        %and3A_480 = arith.constant 7 : i32
        %and3A_481 = arith.andi %add3A_477, %and3A_480 : i32
        %mul3A_482 = arith.constant 16 : i32
        %mul3A_483 = arith.muli %and3A_481, %mul3A_482 : i32
        %get3A_484 = arith.index_cast %shift_right_arithmetic3A_479 : i32 to index
        %get3A_485 = arith.index_cast %mul3A_483 : i32 to index
        %get3A_486 = tpu.vector_load %arg7[%get3A_484, %get3A_485] {strides = array<i32>} : memref<128x128xi32, #tpu.memory_space<vmem>>, vector<1x16xi32>,
        %get3A_487 = vector.shape_cast %get3A_486 : vector<1x16xi32> to vector<16xi32>
        %slice3A_488 = vector.extract_strided_slice %get3A_179 {offsets = [8], sizes = [1], strides = [1]} : vector<16xi32> to vector<1xi32>
        %squeeze3A_489 = vector.extract %slice3A_488[0] : i32 from vector<1xi32>
        %add3A_490 = vector.broadcast %squeeze3A_489 : i32 to vector<16xi32>
        %add3A_491 = arith.addi %get3A_487, %add3A_490 : vector<16xi32>
        %mul3A_492 = arith.constant 16 : i32
        %mul3A_493 = arith.muli %add3A_477, %mul3A_492 : i32
        %add3A_494 = arith.addi %multiple_of3A, %mul3A_493 : i32
        %add3A_495 = vector.broadcast %add3A_494 : i32 to vector<16xi32>
        %add3A_496 = arith.addi %add3A_495, %iota3A : vector<16xi32>
        %lt3A_497 = vector.broadcast %select_n3A : i32 to vector<16xi32>
        %lt3A_498 = arith.cmpi slt, %add3A_496, %lt3A_497 : vector<16xi32>
        %broadcast_in_dim3A_499 = arith.constant 512 : i32
        %broadcast_in_dim3A_500 = vector.broadcast %broadcast_in_dim3A_499 : i32 to vector<16xi32>
        %select_n3A_501 = arith.select %lt3A_498, %broadcast_in_dim3A_500, %add3A_491 : vector<16xi1>, vector<16xi32>
        %add3A_502 = vector.broadcast %mul3A_2 : i32 to vector<16xi32>
        %add3A_503 = arith.addi %select_n3A_501, %add3A_502 : vector<16xi32>
        %mul3A_504 = arith.constant 16 : i32
        %mul3A_505 = arith.muli %and3A_481, %mul3A_504 : i32
        %swap3A_506 = arith.index_cast %shift_right_arithmetic3A_479 : i32 to index
        %swap3A_507 = arith.index_cast %mul3A_505 : i32 to index
        %swap3A_508 = tpu.vector_load %arg7[%swap3A_506, %swap3A_507] {strides = array<i32>} : memref<128x128xi32, #tpu.memory_space<vmem>>, vector<1x16xi32>,
        %swap3A_509 = vector.shape_cast %swap3A_508 : vector<1x16xi32> to vector<16xi32>
        %swap3A_510 = vector.shape_cast %add3A_503 : vector<16xi32> to vector<1x16xi32>
        tpu.vector_store %arg7[%swap3A_506, %swap3A_507], %swap3A_510 {strides = array<i32>} : memref<128x128xi32, #tpu.memory_space<vmem>>, vector<1x16xi32>,
        %mul3A_511 = arith.constant 16 : i32
        %mul3A_512 = arith.muli %scan3A_173, %mul3A_511 : i32
        %add3A_513 = arith.constant 9 : i32
        %add3A_514 = arith.addi %mul3A_512, %add3A_513 : i32
        %shift_right_arithmetic3A_515 = arith.constant 3 : i32
        %shift_right_arithmetic3A_516 = arith.shrsi %add3A_514, %shift_right_arithmetic3A_515 : i32
        %and3A_517 = arith.constant 7 : i32
        %and3A_518 = arith.andi %add3A_514, %and3A_517 : i32
        %mul3A_519 = arith.constant 16 : i32
        %mul3A_520 = arith.muli %and3A_518, %mul3A_519 : i32
        %get3A_521 = arith.index_cast %shift_right_arithmetic3A_516 : i32 to index
        %get3A_522 = arith.index_cast %mul3A_520 : i32 to index
        %get3A_523 = tpu.vector_load %arg7[%get3A_521, %get3A_522] {strides = array<i32>} : memref<128x128xi32, #tpu.memory_space<vmem>>, vector<1x16xi32>,
        %get3A_524 = vector.shape_cast %get3A_523 : vector<1x16xi32> to vector<16xi32>
        %slice3A_525 = vector.extract_strided_slice %get3A_179 {offsets = [9], sizes = [1], strides = [1]} : vector<16xi32> to vector<1xi32>
        %squeeze3A_526 = vector.extract %slice3A_525[0] : i32 from vector<1xi32>
        %add3A_527 = vector.broadcast %squeeze3A_526 : i32 to vector<16xi32>
        %add3A_528 = arith.addi %get3A_524, %add3A_527 : vector<16xi32>
        %mul3A_529 = arith.constant 16 : i32
        %mul3A_530 = arith.muli %add3A_514, %mul3A_529 : i32
        %add3A_531 = arith.addi %multiple_of3A, %mul3A_530 : i32
        %add3A_532 = vector.broadcast %add3A_531 : i32 to vector<16xi32>
        %add3A_533 = arith.addi %add3A_532, %iota3A : vector<16xi32>
        %lt3A_534 = vector.broadcast %select_n3A : i32 to vector<16xi32>
        %lt3A_535 = arith.cmpi slt, %add3A_533, %lt3A_534 : vector<16xi32>
        %broadcast_in_dim3A_536 = arith.constant 512 : i32
        %broadcast_in_dim3A_537 = vector.broadcast %broadcast_in_dim3A_536 : i32 to vector<16xi32>
        %select_n3A_538 = arith.select %lt3A_535, %broadcast_in_dim3A_537, %add3A_528 : vector<16xi1>, vector<16xi32>
        %add3A_539 = vector.broadcast %mul3A_2 : i32 to vector<16xi32>
        %add3A_540 = arith.addi %select_n3A_538, %add3A_539 : vector<16xi32>
        %mul3A_541 = arith.constant 16 : i32
        %mul3A_542 = arith.muli %and3A_518, %mul3A_541 : i32
        %swap3A_543 = arith.index_cast %shift_right_arithmetic3A_516 : i32 to index
        %swap3A_544 = arith.index_cast %mul3A_542 : i32 to index
        %swap3A_545 = tpu.vector_load %arg7[%swap3A_543, %swap3A_544] {strides = array<i32>} : memref<128x128xi32, #tpu.memory_space<vmem>>, vector<1x16xi32>,
        %swap3A_546 = vector.shape_cast %swap3A_545 : vector<1x16xi32> to vector<16xi32>
        %swap3A_547 = vector.shape_cast %add3A_540 : vector<16xi32> to vector<1x16xi32>
        tpu.vector_store %arg7[%swap3A_543, %swap3A_544], %swap3A_547 {strides = array<i32>} : memref<128x128xi32, #tpu.memory_space<vmem>>, vector<1x16xi32>,
        %mul3A_548 = arith.constant 16 : i32
        %mul3A_549 = arith.muli %scan3A_173, %mul3A_548 : i32
        %add3A_550 = arith.constant 10 : i32
        %add3A_551 = arith.addi %mul3A_549, %add3A_550 : i32
        %shift_right_arithmetic3A_552 = arith.constant 3 : i32
        %shift_right_arithmetic3A_553 = arith.shrsi %add3A_551, %shift_right_arithmetic3A_552 : i32
        %and3A_554 = arith.constant 7 : i32
        %and3A_555 = arith.andi %add3A_551, %and3A_554 : i32
        %mul3A_556 = arith.constant 16 : i32
        %mul3A_557 = arith.muli %and3A_555, %mul3A_556 : i32
        %get3A_558 = arith.index_cast %shift_right_arithmetic3A_553 : i32 to index
        %get3A_559 = arith.index_cast %mul3A_557 : i32 to index
        %get3A_560 = tpu.vector_load %arg7[%get3A_558, %get3A_559] {strides = array<i32>} : memref<128x128xi32, #tpu.memory_space<vmem>>, vector<1x16xi32>,
        %get3A_561 = vector.shape_cast %get3A_560 : vector<1x16xi32> to vector<16xi32>
        %slice3A_562 = vector.extract_strided_slice %get3A_179 {offsets = [10], sizes = [1], strides = [1]} : vector<16xi32> to vector<1xi32>
        %squeeze3A_563 = vector.extract %slice3A_562[0] : i32 from vector<1xi32>
        %add3A_564 = vector.broadcast %squeeze3A_563 : i32 to vector<16xi32>
        %add3A_565 = arith.addi %get3A_561, %add3A_564 : vector<16xi32>
        %mul3A_566 = arith.constant 16 : i32
        %mul3A_567 = arith.muli %add3A_551, %mul3A_566 : i32
        %add3A_568 = arith.addi %multiple_of3A, %mul3A_567 : i32
        %add3A_569 = vector.broadcast %add3A_568 : i32 to vector<16xi32>
        %add3A_570 = arith.addi %add3A_569, %iota3A : vector<16xi32>
        %lt3A_571 = vector.broadcast %select_n3A : i32 to vector<16xi32>
        %lt3A_572 = arith.cmpi slt, %add3A_570, %lt3A_571 : vector<16xi32>
        %broadcast_in_dim3A_573 = arith.constant 512 : i32
        %broadcast_in_dim3A_574 = vector.broadcast %broadcast_in_dim3A_573 : i32 to vector<16xi32>
        %select_n3A_575 = arith.select %lt3A_572, %broadcast_in_dim3A_574, %add3A_565 : vector<16xi1>, vector<16xi32>
        %add3A_576 = vector.broadcast %mul3A_2 : i32 to vector<16xi32>
        %add3A_577 = arith.addi %select_n3A_575, %add3A_576 : vector<16xi32>
        %mul3A_578 = arith.constant 16 : i32
        %mul3A_579 = arith.muli %and3A_555, %mul3A_578 : i32
        %swap3A_580 = arith.index_cast %shift_right_arithmetic3A_553 : i32 to index
        %swap3A_581 = arith.index_cast %mul3A_579 : i32 to index
        %swap3A_582 = tpu.vector_load %arg7[%swap3A_580, %swap3A_581] {strides = array<i32>} : memref<128x128xi32, #tpu.memory_space<vmem>>, vector<1x16xi32>,
        %swap3A_583 = vector.shape_cast %swap3A_582 : vector<1x16xi32> to vector<16xi32>
        %swap3A_584 = vector.shape_cast %add3A_577 : vector<16xi32> to vector<1x16xi32>
        tpu.vector_store %arg7[%swap3A_580, %swap3A_581], %swap3A_584 {strides = array<i32>} : memref<128x128xi32, #tpu.memory_space<vmem>>, vector<1x16xi32>,
        %mul3A_585 = arith.constant 16 : i32
        %mul3A_586 = arith.muli %scan3A_173, %mul3A_585 : i32
        %add3A_587 = arith.constant 11 : i32
        %add3A_588 = arith.addi %mul3A_586, %add3A_587 : i32
        %shift_right_arithmetic3A_589 = arith.constant 3 : i32
        %shift_right_arithmetic3A_590 = arith.shrsi %add3A_588, %shift_right_arithmetic3A_589 : i32
        %and3A_591 = arith.constant 7 : i32
        %and3A_592 = arith.andi %add3A_588, %and3A_591 : i32
        %mul3A_593 = arith.constant 16 : i32
        %mul3A_594 = arith.muli %and3A_592, %mul3A_593 : i32
        %get3A_595 = arith.index_cast %shift_right_arithmetic3A_590 : i32 to index
        %get3A_596 = arith.index_cast %mul3A_594 : i32 to index
        %get3A_597 = tpu.vector_load %arg7[%get3A_595, %get3A_596] {strides = array<i32>} : memref<128x128xi32, #tpu.memory_space<vmem>>, vector<1x16xi32>,
        %get3A_598 = vector.shape_cast %get3A_597 : vector<1x16xi32> to vector<16xi32>
        %slice3A_599 = vector.extract_strided_slice %get3A_179 {offsets = [11], sizes = [1], strides = [1]} : vector<16xi32> to vector<1xi32>
        %squeeze3A_600 = vector.extract %slice3A_599[0] : i32 from vector<1xi32>
        %add3A_601 = vector.broadcast %squeeze3A_600 : i32 to vector<16xi32>
        %add3A_602 = arith.addi %get3A_598, %add3A_601 : vector<16xi32>
        %mul3A_603 = arith.constant 16 : i32
        %mul3A_604 = arith.muli %add3A_588, %mul3A_603 : i32
        %add3A_605 = arith.addi %multiple_of3A, %mul3A_604 : i32
        %add3A_606 = vector.broadcast %add3A_605 : i32 to vector<16xi32>
        %add3A_607 = arith.addi %add3A_606, %iota3A : vector<16xi32>
        %lt3A_608 = vector.broadcast %select_n3A : i32 to vector<16xi32>
        %lt3A_609 = arith.cmpi slt, %add3A_607, %lt3A_608 : vector<16xi32>
        %broadcast_in_dim3A_610 = arith.constant 512 : i32
        %broadcast_in_dim3A_611 = vector.broadcast %broadcast_in_dim3A_610 : i32 to vector<16xi32>
        %select_n3A_612 = arith.select %lt3A_609, %broadcast_in_dim3A_611, %add3A_602 : vector<16xi1>, vector<16xi32>
        %add3A_613 = vector.broadcast %mul3A_2 : i32 to vector<16xi32>
        %add3A_614 = arith.addi %select_n3A_612, %add3A_613 : vector<16xi32>
        %mul3A_615 = arith.constant 16 : i32
        %mul3A_616 = arith.muli %and3A_592, %mul3A_615 : i32
        %swap3A_617 = arith.index_cast %shift_right_arithmetic3A_590 : i32 to index
        %swap3A_618 = arith.index_cast %mul3A_616 : i32 to index
        %swap3A_619 = tpu.vector_load %arg7[%swap3A_617, %swap3A_618] {strides = array<i32>} : memref<128x128xi32, #tpu.memory_space<vmem>>, vector<1x16xi32>,
        %swap3A_620 = vector.shape_cast %swap3A_619 : vector<1x16xi32> to vector<16xi32>
        %swap3A_621 = vector.shape_cast %add3A_614 : vector<16xi32> to vector<1x16xi32>
        tpu.vector_store %arg7[%swap3A_617, %swap3A_618], %swap3A_621 {strides = array<i32>} : memref<128x128xi32, #tpu.memory_space<vmem>>, vector<1x16xi32>,
        %mul3A_622 = arith.constant 16 : i32
        %mul3A_623 = arith.muli %scan3A_173, %mul3A_622 : i32
        %add3A_624 = arith.constant 12 : i32
        %add3A_625 = arith.addi %mul3A_623, %add3A_624 : i32
        %shift_right_arithmetic3A_626 = arith.constant 3 : i32
        %shift_right_arithmetic3A_627 = arith.shrsi %add3A_625, %shift_right_arithmetic3A_626 : i32
        %and3A_628 = arith.constant 7 : i32
        %and3A_629 = arith.andi %add3A_625, %and3A_628 : i32
        %mul3A_630 = arith.constant 16 : i32
        %mul3A_631 = arith.muli %and3A_629, %mul3A_630 : i32
        %get3A_632 = arith.index_cast %shift_right_arithmetic3A_627 : i32 to index
        %get3A_633 = arith.index_cast %mul3A_631 : i32 to index
        %get3A_634 = tpu.vector_load %arg7[%get3A_632, %get3A_633] {strides = array<i32>} : memref<128x128xi32, #tpu.memory_space<vmem>>, vector<1x16xi32>,
        %get3A_635 = vector.shape_cast %get3A_634 : vector<1x16xi32> to vector<16xi32>
        %slice3A_636 = vector.extract_strided_slice %get3A_179 {offsets = [12], sizes = [1], strides = [1]} : vector<16xi32> to vector<1xi32>
        %squeeze3A_637 = vector.extract %slice3A_636[0] : i32 from vector<1xi32>
        %add3A_638 = vector.broadcast %squeeze3A_637 : i32 to vector<16xi32>
        %add3A_639 = arith.addi %get3A_635, %add3A_638 : vector<16xi32>
        %mul3A_640 = arith.constant 16 : i32
        %mul3A_641 = arith.muli %add3A_625, %mul3A_640 : i32
        %add3A_642 = arith.addi %multiple_of3A, %mul3A_641 : i32
        %add3A_643 = vector.broadcast %add3A_642 : i32 to vector<16xi32>
        %add3A_644 = arith.addi %add3A_643, %iota3A : vector<16xi32>
        %lt3A_645 = vector.broadcast %select_n3A : i32 to vector<16xi32>
        %lt3A_646 = arith.cmpi slt, %add3A_644, %lt3A_645 : vector<16xi32>
        %broadcast_in_dim3A_647 = arith.constant 512 : i32
        %broadcast_in_dim3A_648 = vector.broadcast %broadcast_in_dim3A_647 : i32 to vector<16xi32>
        %select_n3A_649 = arith.select %lt3A_646, %broadcast_in_dim3A_648, %add3A_639 : vector<16xi1>, vector<16xi32>
        %add3A_650 = vector.broadcast %mul3A_2 : i32 to vector<16xi32>
        %add3A_651 = arith.addi %select_n3A_649, %add3A_650 : vector<16xi32>
        %mul3A_652 = arith.constant 16 : i32
        %mul3A_653 = arith.muli %and3A_629, %mul3A_652 : i32
        %swap3A_654 = arith.index_cast %shift_right_arithmetic3A_627 : i32 to index
        %swap3A_655 = arith.index_cast %mul3A_653 : i32 to index
        %swap3A_656 = tpu.vector_load %arg7[%swap3A_654, %swap3A_655] {strides = array<i32>} : memref<128x128xi32, #tpu.memory_space<vmem>>, vector<1x16xi32>,
        %swap3A_657 = vector.shape_cast %swap3A_656 : vector<1x16xi32> to vector<16xi32>
        %swap3A_658 = vector.shape_cast %add3A_651 : vector<16xi32> to vector<1x16xi32>
        tpu.vector_store %arg7[%swap3A_654, %swap3A_655], %swap3A_658 {strides = array<i32>} : memref<128x128xi32, #tpu.memory_space<vmem>>, vector<1x16xi32>,
        %mul3A_659 = arith.constant 16 : i32
        %mul3A_660 = arith.muli %scan3A_173, %mul3A_659 : i32
        %add3A_661 = arith.constant 13 : i32
        %add3A_662 = arith.addi %mul3A_660, %add3A_661 : i32
        %shift_right_arithmetic3A_663 = arith.constant 3 : i32
        %shift_right_arithmetic3A_664 = arith.shrsi %add3A_662, %shift_right_arithmetic3A_663 : i32
        %and3A_665 = arith.constant 7 : i32
        %and3A_666 = arith.andi %add3A_662, %and3A_665 : i32
        %mul3A_667 = arith.constant 16 : i32
        %mul3A_668 = arith.muli %and3A_666, %mul3A_667 : i32
        %get3A_669 = arith.index_cast %shift_right_arithmetic3A_664 : i32 to index
        %get3A_670 = arith.index_cast %mul3A_668 : i32 to index
        %get3A_671 = tpu.vector_load %arg7[%get3A_669, %get3A_670] {strides = array<i32>} : memref<128x128xi32, #tpu.memory_space<vmem>>, vector<1x16xi32>,
        %get3A_672 = vector.shape_cast %get3A_671 : vector<1x16xi32> to vector<16xi32>
        %slice3A_673 = vector.extract_strided_slice %get3A_179 {offsets = [13], sizes = [1], strides = [1]} : vector<16xi32> to vector<1xi32>
        %squeeze3A_674 = vector.extract %slice3A_673[0] : i32 from vector<1xi32>
        %add3A_675 = vector.broadcast %squeeze3A_674 : i32 to vector<16xi32>
        %add3A_676 = arith.addi %get3A_672, %add3A_675 : vector<16xi32>
        %mul3A_677 = arith.constant 16 : i32
        %mul3A_678 = arith.muli %add3A_662, %mul3A_677 : i32
        %add3A_679 = arith.addi %multiple_of3A, %mul3A_678 : i32
        %add3A_680 = vector.broadcast %add3A_679 : i32 to vector<16xi32>
        %add3A_681 = arith.addi %add3A_680, %iota3A : vector<16xi32>
        %lt3A_682 = vector.broadcast %select_n3A : i32 to vector<16xi32>
        %lt3A_683 = arith.cmpi slt, %add3A_681, %lt3A_682 : vector<16xi32>
        %broadcast_in_dim3A_684 = arith.constant 512 : i32
        %broadcast_in_dim3A_685 = vector.broadcast %broadcast_in_dim3A_684 : i32 to vector<16xi32>
        %select_n3A_686 = arith.select %lt3A_683, %broadcast_in_dim3A_685, %add3A_676 : vector<16xi1>, vector<16xi32>
        %add3A_687 = vector.broadcast %mul3A_2 : i32 to vector<16xi32>
        %add3A_688 = arith.addi %select_n3A_686, %add3A_687 : vector<16xi32>
        %mul3A_689 = arith.constant 16 : i32
        %mul3A_690 = arith.muli %and3A_666, %mul3A_689 : i32
        %swap3A_691 = arith.index_cast %shift_right_arithmetic3A_664 : i32 to index
        %swap3A_692 = arith.index_cast %mul3A_690 : i32 to index
        %swap3A_693 = tpu.vector_load %arg7[%swap3A_691, %swap3A_692] {strides = array<i32>} : memref<128x128xi32, #tpu.memory_space<vmem>>, vector<1x16xi32>,
        %swap3A_694 = vector.shape_cast %swap3A_693 : vector<1x16xi32> to vector<16xi32>
        %swap3A_695 = vector.shape_cast %add3A_688 : vector<16xi32> to vector<1x16xi32>
        tpu.vector_store %arg7[%swap3A_691, %swap3A_692], %swap3A_695 {strides = array<i32>} : memref<128x128xi32, #tpu.memory_space<vmem>>, vector<1x16xi32>,
        %mul3A_696 = arith.constant 16 : i32
        %mul3A_697 = arith.muli %scan3A_173, %mul3A_696 : i32
        %add3A_698 = arith.constant 14 : i32
        %add3A_699 = arith.addi %mul3A_697, %add3A_698 : i32
        %shift_right_arithmetic3A_700 = arith.constant 3 : i32
        %shift_right_arithmetic3A_701 = arith.shrsi %add3A_699, %shift_right_arithmetic3A_700 : i32
        %and3A_702 = arith.constant 7 : i32
        %and3A_703 = arith.andi %add3A_699, %and3A_702 : i32
        %mul3A_704 = arith.constant 16 : i32
        %mul3A_705 = arith.muli %and3A_703, %mul3A_704 : i32
        %get3A_706 = arith.index_cast %shift_right_arithmetic3A_701 : i32 to index
        %get3A_707 = arith.index_cast %mul3A_705 : i32 to index
        %get3A_708 = tpu.vector_load %arg7[%get3A_706, %get3A_707] {strides = array<i32>} : memref<128x128xi32, #tpu.memory_space<vmem>>, vector<1x16xi32>,
        %get3A_709 = vector.shape_cast %get3A_708 : vector<1x16xi32> to vector<16xi32>
        %slice3A_710 = vector.extract_strided_slice %get3A_179 {offsets = [14], sizes = [1], strides = [1]} : vector<16xi32> to vector<1xi32>
        %squeeze3A_711 = vector.extract %slice3A_710[0] : i32 from vector<1xi32>
        %add3A_712 = vector.broadcast %squeeze3A_711 : i32 to vector<16xi32>
        %add3A_713 = arith.addi %get3A_709, %add3A_712 : vector<16xi32>
        %mul3A_714 = arith.constant 16 : i32
        %mul3A_715 = arith.muli %add3A_699, %mul3A_714 : i32
        %add3A_716 = arith.addi %multiple_of3A, %mul3A_715 : i32
        %add3A_717 = vector.broadcast %add3A_716 : i32 to vector<16xi32>
        %add3A_718 = arith.addi %add3A_717, %iota3A : vector<16xi32>
        %lt3A_719 = vector.broadcast %select_n3A : i32 to vector<16xi32>
        %lt3A_720 = arith.cmpi slt, %add3A_718, %lt3A_719 : vector<16xi32>
        %broadcast_in_dim3A_721 = arith.constant 512 : i32
        %broadcast_in_dim3A_722 = vector.broadcast %broadcast_in_dim3A_721 : i32 to vector<16xi32>
        %select_n3A_723 = arith.select %lt3A_720, %broadcast_in_dim3A_722, %add3A_713 : vector<16xi1>, vector<16xi32>
        %add3A_724 = vector.broadcast %mul3A_2 : i32 to vector<16xi32>
        %add3A_725 = arith.addi %select_n3A_723, %add3A_724 : vector<16xi32>
        %mul3A_726 = arith.constant 16 : i32
        %mul3A_727 = arith.muli %and3A_703, %mul3A_726 : i32
        %swap3A_728 = arith.index_cast %shift_right_arithmetic3A_701 : i32 to index
        %swap3A_729 = arith.index_cast %mul3A_727 : i32 to index
        %swap3A_730 = tpu.vector_load %arg7[%swap3A_728, %swap3A_729] {strides = array<i32>} : memref<128x128xi32, #tpu.memory_space<vmem>>, vector<1x16xi32>,
        %swap3A_731 = vector.shape_cast %swap3A_730 : vector<1x16xi32> to vector<16xi32>
        %swap3A_732 = vector.shape_cast %add3A_725 : vector<16xi32> to vector<1x16xi32>
        tpu.vector_store %arg7[%swap3A_728, %swap3A_729], %swap3A_732 {strides = array<i32>} : memref<128x128xi32, #tpu.memory_space<vmem>>, vector<1x16xi32>,
        %mul3A_733 = arith.constant 16 : i32
        %mul3A_734 = arith.muli %scan3A_173, %mul3A_733 : i32
        %add3A_735 = arith.constant 15 : i32
        %add3A_736 = arith.addi %mul3A_734, %add3A_735 : i32
        %shift_right_arithmetic3A_737 = arith.constant 3 : i32
        %shift_right_arithmetic3A_738 = arith.shrsi %add3A_736, %shift_right_arithmetic3A_737 : i32
        %and3A_739 = arith.constant 7 : i32
        %and3A_740 = arith.andi %add3A_736, %and3A_739 : i32
        %mul3A_741 = arith.constant 16 : i32
        %mul3A_742 = arith.muli %and3A_740, %mul3A_741 : i32
        %get3A_743 = arith.index_cast %shift_right_arithmetic3A_738 : i32 to index
        %get3A_744 = arith.index_cast %mul3A_742 : i32 to index
        %get3A_745 = tpu.vector_load %arg7[%get3A_743, %get3A_744] {strides = array<i32>} : memref<128x128xi32, #tpu.memory_space<vmem>>, vector<1x16xi32>,
        %get3A_746 = vector.shape_cast %get3A_745 : vector<1x16xi32> to vector<16xi32>
        %slice3A_747 = vector.extract_strided_slice %get3A_179 {offsets = [15], sizes = [1], strides = [1]} : vector<16xi32> to vector<1xi32>
        %squeeze3A_748 = vector.extract %slice3A_747[0] : i32 from vector<1xi32>
        %add3A_749 = vector.broadcast %squeeze3A_748 : i32 to vector<16xi32>
        %add3A_750 = arith.addi %get3A_746, %add3A_749 : vector<16xi32>
        %mul3A_751 = arith.constant 16 : i32
        %mul3A_752 = arith.muli %add3A_736, %mul3A_751 : i32
        %add3A_753 = arith.addi %multiple_of3A, %mul3A_752 : i32
        %add3A_754 = vector.broadcast %add3A_753 : i32 to vector<16xi32>
        %add3A_755 = arith.addi %add3A_754, %iota3A : vector<16xi32>
        %lt3A_756 = vector.broadcast %select_n3A : i32 to vector<16xi32>
        %lt3A_757 = arith.cmpi slt, %add3A_755, %lt3A_756 : vector<16xi32>
        %broadcast_in_dim3A_758 = arith.constant 512 : i32
        %broadcast_in_dim3A_759 = vector.broadcast %broadcast_in_dim3A_758 : i32 to vector<16xi32>
        %select_n3A_760 = arith.select %lt3A_757, %broadcast_in_dim3A_759, %add3A_750 : vector<16xi1>, vector<16xi32>
        %add3A_761 = vector.broadcast %mul3A_2 : i32 to vector<16xi32>
        %add3A_762 = arith.addi %select_n3A_760, %add3A_761 : vector<16xi32>
        %mul3A_763 = arith.constant 16 : i32
        %mul3A_764 = arith.muli %and3A_740, %mul3A_763 : i32
        %swap3A_765 = arith.index_cast %shift_right_arithmetic3A_738 : i32 to index
        %swap3A_766 = arith.index_cast %mul3A_764 : i32 to index
        %swap3A_767 = tpu.vector_load %arg7[%swap3A_765, %swap3A_766] {strides = array<i32>} : memref<128x128xi32, #tpu.memory_space<vmem>>, vector<1x16xi32>,
        %swap3A_768 = vector.shape_cast %swap3A_767 : vector<1x16xi32> to vector<16xi32>
        %swap3A_769 = vector.shape_cast %add3A_762 : vector<16xi32> to vector<1x16xi32>
        tpu.vector_store %arg7[%swap3A_765, %swap3A_766], %swap3A_769 {strides = array<i32>} : memref<128x128xi32, #tpu.memory_space<vmem>>, vector<1x16xi32>,
        %scan3A_770 = arith.constant 0 : i32
        scf.yield %scan3A_770 : i32
      }
      %scan3A_109 = arith.constant 64 : i32
      %sub3A_110 = arith.subi %select_n3A_41, %multiple_of3A : i32
      %add3A_111 = arith.constant 127 : i32
      %add3A_112 = arith.addi %sub3A_110, %add3A_111 : i32
      %shift_right_arithmetic3A_113 = arith.constant 7 : i32
      %shift_right_arithmetic3A_114 = arith.shrsi %add3A_112, %shift_right_arithmetic3A_113 : i32
      %jit3A_115 = arith.constant 0 : i32
      %jit3A_116 = arith.constant 128 : i32
      %max3A_117 = arith.maxsi %jit3A_115, %shift_right_arithmetic3A_114 : i32
      %min3A = arith.minsi %jit3A_116, %max3A_117 : i32
      %shift_right_arithmetic3A_118 = arith.constant 1 : i32
      %shift_right_arithmetic3A_119 = arith.shrsi %min3A, %shift_right_arithmetic3A_118 : i32
      %dma_start3A = arith.constant 0 : i32
      %dma_start3A_120 = arith.constant 0 : i32
      %dma_start3A_121 = arith.constant 0 : i32
      %dma_start3A_122 = tpu.memref_slice %arg11[%dma_start3A, %dma_start3A_120, %dma_start3A_121] : memref<2x128x64xf32, #tpu.memory_space<vmem>> -> memref<1x128x64xf32, #tpu.memory_space<vmem>>
      %dma_start3A_123 = tpu.memref_squeeze %dma_start3A_122 : memref<1x128x64xf32, #tpu.memory_space<vmem>> -> memref<128x64xf32, #tpu.memory_space<vmem>>
      %dma_start3A_124 = arith.constant 0 : i32
      %dma_start3A_125 = tpu.memref_slice %arg6[%dma_start3A_124] : memref<16384xi32, #tpu.memory_space<vmem>> -> memref<128xi32, #tpu.memory_space<vmem>>
      %dma_start3A_126 = arith.constant 0 : i32
      %dma_start3A_127 = arith.constant 0 : i32
      %dma_start3A_128 = tpu.memref_slice %arg2[%dma_start3A_126, %dma_start3A_127] : memref<1015808x64xf32, #tpu.memory_space<hbm>> -> memref<1015808x64xf32, #tpu.memory_space<hbm>>
      tpu.enqueue_indirect_dma source(%dma_start3A_128 : memref<1015808x64xf32, #tpu.memory_space<hbm>>) target(%dma_start3A_123 : memref<128x64xf32, #tpu.memory_space<vmem>>) offsets(%dma_start3A_125 : memref<128xi32, #tpu.memory_space<vmem>>) semaphore(%arg13 : memref<!tpu.dma_semaphore, #tpu.memory_space<semaphore_mem>>)
      %while3A_129 = arith.constant 0 : i32
      %while3A_130 = arith.constant 0 : i32
      %while3A_131 = arith.subi %shift_right_arithmetic3A_119, %while3A_129 : i32
      %while3A_132 = arith.addi %while3A_129, %while3A_131 : i32
      %while3A_133 = arith.constant 1 : i32
      %while3A_134 = arith.divsi %while3A_131, %while3A_133 : i32
      %while3A_135 = arith.muli %while3A_134, %while3A_133 : i32
      %while3A_136 = arith.addi %while3A_129, %while3A_135 : i32
      %while3A_137 = arith.constant 1 : i32
      %while3A_138 = scf.for %while3A_173 = %while3A_129 to %while3A_136 step %while3A_137 iter_args(%while3A_174 = %while3A_130) -> (i32)  : i32 {
        %mul3A_175 = arith.constant 2 : i32
        %mul3A_176 = arith.muli %while3A_173, %mul3A_175 : i32
        %add3A_177 = arith.constant 1 : i32
        %add3A_178 = arith.addi %mul3A_176, %add3A_177 : i32
        %mul3A_179 = arith.constant 128 : i32
        %mul3A_180 = arith.muli %add3A_178, %mul3A_179 : i32
        %dma_start3A_181 = arith.constant 1 : i32
        %dma_start3A_182 = arith.constant 0 : i32
        %dma_start3A_183 = arith.constant 0 : i32
        %dma_start3A_184 = tpu.memref_slice %arg11[%dma_start3A_181, %dma_start3A_182, %dma_start3A_183] : memref<2x128x64xf32, #tpu.memory_space<vmem>> -> memref<1x128x64xf32, #tpu.memory_space<vmem>>
        %dma_start3A_185 = tpu.memref_squeeze %dma_start3A_184 : memref<1x128x64xf32, #tpu.memory_space<vmem>> -> memref<128x64xf32, #tpu.memory_space<vmem>>
        %dma_start3A_186 = tpu.memref_slice %arg6[%mul3A_180] : memref<16384xi32, #tpu.memory_space<vmem>> -> memref<128xi32, #tpu.memory_space<vmem>>
        %dma_start3A_187 = arith.constant 0 : i32
        %dma_start3A_188 = arith.constant 0 : i32
        %dma_start3A_189 = tpu.memref_slice %arg2[%dma_start3A_187, %dma_start3A_188] : memref<1015808x64xf32, #tpu.memory_space<hbm>> -> memref<1015808x64xf32, #tpu.memory_space<hbm>>
        tpu.enqueue_indirect_dma source(%dma_start3A_189 : memref<1015808x64xf32, #tpu.memory_space<hbm>>) target(%dma_start3A_185 : memref<128x64xf32, #tpu.memory_space<vmem>>) offsets(%dma_start3A_186 : memref<128xi32, #tpu.memory_space<vmem>>) semaphore(%arg14 : memref<!tpu.dma_semaphore, #tpu.memory_space<semaphore_mem>>)
        %dma_wait3A = arith.constant 0 : i32
        %dma_wait3A_190 = arith.constant 0 : i32
        %dma_wait3A_191 = arith.constant 0 : i32
        %dma_wait3A_192 = tpu.memref_slice %arg11[%dma_wait3A, %dma_wait3A_190, %dma_wait3A_191] : memref<2x128x64xf32, #tpu.memory_space<vmem>> -> memref<1x128x64xf32, #tpu.memory_space<vmem>>
        %dma_wait3A_193 = tpu.memref_squeeze %dma_wait3A_192 : memref<1x128x64xf32, #tpu.memory_space<vmem>> -> memref<128x64xf32, #tpu.memory_space<vmem>>
        %dma_wait3A_194 = arith.constant 0 : i32
        %dma_wait3A_195 = tpu.memref_slice %arg6[%dma_wait3A_194] : memref<16384xi32, #tpu.memory_space<vmem>> -> memref<128xi32, #tpu.memory_space<vmem>>
        %dma_wait3A_196 = arith.constant 0 : i32
        %dma_wait3A_197 = arith.constant 0 : i32
        %dma_wait3A_198 = tpu.memref_slice %arg2[%dma_wait3A_196, %dma_wait3A_197] : memref<1015808x64xf32, #tpu.memory_space<hbm>> -> memref<1015808x64xf32, #tpu.memory_space<hbm>>
        tpu.wait_indirect_dma semaphore(%arg13 : memref<!tpu.dma_semaphore, #tpu.memory_space<semaphore_mem>>) src(%dma_wait3A_198 : memref<1015808x64xf32, #tpu.memory_space<hbm>>) dst(%dma_wait3A_193 : memref<128x64xf32, #tpu.memory_space<vmem>>)
        %run_scoped3A_199 = arith.constant 0 : i32
        "tpu.region"() ({
          %run_scoped3A_230 = tpu.sem_alloc : memref<!tpu.dma_semaphore, #tpu.memory_space<semaphore_mem>>
          %dma_start3A_231 = arith.constant 0 : i32
          %dma_start3A_232 = arith.constant 0 : i32
          %dma_start3A_233 = tpu.memref_slice %arg11[%run_scoped3A_199, %dma_start3A_231, %dma_start3A_232] : memref<2x128x64xf32, #tpu.memory_space<vmem>> -> memref<1x128x64xf32, #tpu.memory_space<vmem>>
          %dma_start3A_234 = tpu.memref_squeeze %dma_start3A_233 : memref<1x128x64xf32, #tpu.memory_space<vmem>> -> memref<128x64xf32, #tpu.memory_space<vmem>>
          %dma_start3A_235 = arith.constant 0 : i32
          %dma_start3A_236 = tpu.memref_slice %arg7[%mul3A_176, %dma_start3A_235] : memref<128x128xi32, #tpu.memory_space<vmem>> -> memref<1x128xi32, #tpu.memory_space<vmem>>
          %dma_start3A_237 = tpu.memref_squeeze %dma_start3A_236 : memref<1x128xi32, #tpu.memory_space<vmem>> -> memref<128xi32, #tpu.memory_space<vmem>>
          %dma_start3A_238 = arith.constant 0 : i32
          %dma_start3A_239 = arith.constant 0 : i32
          %dma_start3A_240 = tpu.memref_slice %arg12[%dma_start3A_238, %dma_start3A_239] : memref<8320x64xf32, #tpu.memory_space<vmem_shared>> -> memref<8320x64xf32, #tpu.memory_space<vmem_shared>>
          tpu.enqueue_indirect_dma source(%dma_start3A_234 : memref<128x64xf32, #tpu.memory_space<vmem>>) target(%dma_start3A_240 : memref<8320x64xf32, #tpu.memory_space<vmem_shared>>) offsets(%dma_start3A_237 : memref<128xi32, #tpu.memory_space<vmem>>) semaphore(%run_scoped3A_230 : memref<!tpu.dma_semaphore, #tpu.memory_space<semaphore_mem>>) {add = true}
          %dma_wait3A_241 = arith.constant 0 : i32
          %dma_wait3A_242 = arith.constant 0 : i32
          %dma_wait3A_243 = tpu.memref_slice %arg11[%run_scoped3A_199, %dma_wait3A_241, %dma_wait3A_242] : memref<2x128x64xf32, #tpu.memory_space<vmem>> -> memref<1x128x64xf32, #tpu.memory_space<vmem>>
          %dma_wait3A_244 = tpu.memref_squeeze %dma_wait3A_243 : memref<1x128x64xf32, #tpu.memory_space<vmem>> -> memref<128x64xf32, #tpu.memory_space<vmem>>
          %dma_wait3A_245 = arith.constant 0 : i32
          %dma_wait3A_246 = tpu.memref_slice %arg7[%mul3A_176, %dma_wait3A_245] : memref<128x128xi32, #tpu.memory_space<vmem>> -> memref<1x128xi32, #tpu.memory_space<vmem>>
          %dma_wait3A_247 = tpu.memref_squeeze %dma_wait3A_246 : memref<1x128xi32, #tpu.memory_space<vmem>> -> memref<128xi32, #tpu.memory_space<vmem>>
          %dma_wait3A_248 = arith.constant 0 : i32
          %dma_wait3A_249 = arith.constant 0 : i32
          %dma_wait3A_250 = tpu.memref_slice %arg12[%dma_wait3A_248, %dma_wait3A_249] : memref<8320x64xf32, #tpu.memory_space<vmem_shared>> -> memref<8320x64xf32, #tpu.memory_space<vmem_shared>>
          tpu.wait_indirect_dma semaphore(%run_scoped3A_230 : memref<!tpu.dma_semaphore, #tpu.memory_space<semaphore_mem>>) src(%dma_wait3A_244 : memref<128x64xf32, #tpu.memory_space<vmem>>) dst(%dma_wait3A_250 : memref<8320x64xf32, #tpu.memory_space<vmem_shared>>)
          tpu.yield
        }) : () -> ()
        %add3A_200 = arith.constant 2 : i32
        %add3A_201 = arith.addi %mul3A_176, %add3A_200 : i32
        %sub3A_202 = arith.constant 1 : i32
        %sub3A_203 = arith.subi %min3A, %sub3A_202 : i32
        %min3A_204 = arith.minsi %add3A_201, %sub3A_203 : i32
        %mul3A_205 = arith.constant 128 : i32
        %mul3A_206 = arith.muli %min3A_204, %mul3A_205 : i32
        %dma_start3A_207 = arith.constant 0 : i32
        %dma_start3A_208 = arith.constant 0 : i32
        %dma_start3A_209 = arith.constant 0 : i32
        %dma_start3A_210 = tpu.memref_slice %arg11[%dma_start3A_207, %dma_start3A_208, %dma_start3A_209] : memref<2x128x64xf32, #tpu.memory_space<vmem>> -> memref<1x128x64xf32, #tpu.memory_space<vmem>>
        %dma_start3A_211 = tpu.memref_squeeze %dma_start3A_210 : memref<1x128x64xf32, #tpu.memory_space<vmem>> -> memref<128x64xf32, #tpu.memory_space<vmem>>
        %dma_start3A_212 = tpu.memref_slice %arg6[%mul3A_206] : memref<16384xi32, #tpu.memory_space<vmem>> -> memref<128xi32, #tpu.memory_space<vmem>>
        %dma_start3A_213 = arith.constant 0 : i32
        %dma_start3A_214 = arith.constant 0 : i32
        %dma_start3A_215 = tpu.memref_slice %arg2[%dma_start3A_213, %dma_start3A_214] : memref<1015808x64xf32, #tpu.memory_space<hbm>> -> memref<1015808x64xf32, #tpu.memory_space<hbm>>
        tpu.enqueue_indirect_dma source(%dma_start3A_215 : memref<1015808x64xf32, #tpu.memory_space<hbm>>) target(%dma_start3A_211 : memref<128x64xf32, #tpu.memory_space<vmem>>) offsets(%dma_start3A_212 : memref<128xi32, #tpu.memory_space<vmem>>) semaphore(%arg13 : memref<!tpu.dma_semaphore, #tpu.memory_space<semaphore_mem>>)
        %dma_wait3A_216 = arith.constant 1 : i32
        %dma_wait3A_217 = arith.constant 0 : i32
        %dma_wait3A_218 = arith.constant 0 : i32
        %dma_wait3A_219 = tpu.memref_slice %arg11[%dma_wait3A_216, %dma_wait3A_217, %dma_wait3A_218] : memref<2x128x64xf32, #tpu.memory_space<vmem>> -> memref<1x128x64xf32, #tpu.memory_space<vmem>>
        %dma_wait3A_220 = tpu.memref_squeeze %dma_wait3A_219 : memref<1x128x64xf32, #tpu.memory_space<vmem>> -> memref<128x64xf32, #tpu.memory_space<vmem>>
        %dma_wait3A_221 = arith.constant 0 : i32
        %dma_wait3A_222 = tpu.memref_slice %arg6[%dma_wait3A_221] : memref<16384xi32, #tpu.memory_space<vmem>> -> memref<128xi32, #tpu.memory_space<vmem>>
        %dma_wait3A_223 = arith.constant 0 : i32
        %dma_wait3A_224 = arith.constant 0 : i32
        %dma_wait3A_225 = tpu.memref_slice %arg2[%dma_wait3A_223, %dma_wait3A_224] : memref<1015808x64xf32, #tpu.memory_space<hbm>> -> memref<1015808x64xf32, #tpu.memory_space<hbm>>
        tpu.wait_indirect_dma semaphore(%arg14 : memref<!tpu.dma_semaphore, #tpu.memory_space<semaphore_mem>>) src(%dma_wait3A_225 : memref<1015808x64xf32, #tpu.memory_space<hbm>>) dst(%dma_wait3A_220 : memref<128x64xf32, #tpu.memory_space<vmem>>)
        %add3A_226 = arith.constant 1 : i32
        %add3A_227 = arith.addi %mul3A_176, %add3A_226 : i32
        %run_scoped3A_228 = arith.constant 1 : i32
        "tpu.region"() ({
          %run_scoped3A_230 = tpu.sem_alloc : memref<!tpu.dma_semaphore, #tpu.memory_space<semaphore_mem>>
          %dma_start3A_231 = arith.constant 0 : i32
          %dma_start3A_232 = arith.constant 0 : i32
          %dma_start3A_233 = tpu.memref_slice %arg11[%run_scoped3A_228, %dma_start3A_231, %dma_start3A_232] : memref<2x128x64xf32, #tpu.memory_space<vmem>> -> memref<1x128x64xf32, #tpu.memory_space<vmem>>
          %dma_start3A_234 = tpu.memref_squeeze %dma_start3A_233 : memref<1x128x64xf32, #tpu.memory_space<vmem>> -> memref<128x64xf32, #tpu.memory_space<vmem>>
          %dma_start3A_235 = arith.constant 0 : i32
          %dma_start3A_236 = tpu.memref_slice %arg7[%add3A_227, %dma_start3A_235] : memref<128x128xi32, #tpu.memory_space<vmem>> -> memref<1x128xi32, #tpu.memory_space<vmem>>
          %dma_start3A_237 = tpu.memref_squeeze %dma_start3A_236 : memref<1x128xi32, #tpu.memory_space<vmem>> -> memref<128xi32, #tpu.memory_space<vmem>>
          %dma_start3A_238 = arith.constant 0 : i32
          %dma_start3A_239 = arith.constant 0 : i32
          %dma_start3A_240 = tpu.memref_slice %arg12[%dma_start3A_238, %dma_start3A_239] : memref<8320x64xf32, #tpu.memory_space<vmem_shared>> -> memref<8320x64xf32, #tpu.memory_space<vmem_shared>>
          tpu.enqueue_indirect_dma source(%dma_start3A_234 : memref<128x64xf32, #tpu.memory_space<vmem>>) target(%dma_start3A_240 : memref<8320x64xf32, #tpu.memory_space<vmem_shared>>) offsets(%dma_start3A_237 : memref<128xi32, #tpu.memory_space<vmem>>) semaphore(%run_scoped3A_230 : memref<!tpu.dma_semaphore, #tpu.memory_space<semaphore_mem>>) {add = true}
          %dma_wait3A_241 = arith.constant 0 : i32
          %dma_wait3A_242 = arith.constant 0 : i32
          %dma_wait3A_243 = tpu.memref_slice %arg11[%run_scoped3A_228, %dma_wait3A_241, %dma_wait3A_242] : memref<2x128x64xf32, #tpu.memory_space<vmem>> -> memref<1x128x64xf32, #tpu.memory_space<vmem>>
          %dma_wait3A_244 = tpu.memref_squeeze %dma_wait3A_243 : memref<1x128x64xf32, #tpu.memory_space<vmem>> -> memref<128x64xf32, #tpu.memory_space<vmem>>
          %dma_wait3A_245 = arith.constant 0 : i32
          %dma_wait3A_246 = tpu.memref_slice %arg7[%add3A_227, %dma_wait3A_245] : memref<128x128xi32, #tpu.memory_space<vmem>> -> memref<1x128xi32, #tpu.memory_space<vmem>>
          %dma_wait3A_247 = tpu.memref_squeeze %dma_wait3A_246 : memref<1x128xi32, #tpu.memory_space<vmem>> -> memref<128xi32, #tpu.memory_space<vmem>>
          %dma_wait3A_248 = arith.constant 0 : i32
          %dma_wait3A_249 = arith.constant 0 : i32
          %dma_wait3A_250 = tpu.memref_slice %arg12[%dma_wait3A_248, %dma_wait3A_249] : memref<8320x64xf32, #tpu.memory_space<vmem_shared>> -> memref<8320x64xf32, #tpu.memory_space<vmem_shared>>
          tpu.wait_indirect_dma semaphore(%run_scoped3A_230 : memref<!tpu.dma_semaphore, #tpu.memory_space<semaphore_mem>>) src(%dma_wait3A_244 : memref<128x64xf32, #tpu.memory_space<vmem>>) dst(%dma_wait3A_250 : memref<8320x64xf32, #tpu.memory_space<vmem_shared>>)
          tpu.yield
        }) : () -> ()
        %while3A_229 = arith.constant 0 : i32
        scf.yield %while3A_229 : i32
      }
      %while3A_139 = arith.constant 1 : i32
      %while3A_140 = scf.for %while3A_173 = %while3A_136 to %while3A_132 step %while3A_139 iter_args(%while3A_174 = %while3A_138) -> (i32)  : i32 {
        %mul3A_175 = arith.constant 2 : i32
        %mul3A_176 = arith.muli %while3A_173, %mul3A_175 : i32
        %add3A_177 = arith.constant 1 : i32
        %add3A_178 = arith.addi %mul3A_176, %add3A_177 : i32
        %mul3A_179 = arith.constant 128 : i32
        %mul3A_180 = arith.muli %add3A_178, %mul3A_179 : i32
        %dma_start3A_181 = arith.constant 1 : i32
        %dma_start3A_182 = arith.constant 0 : i32
        %dma_start3A_183 = arith.constant 0 : i32
        %dma_start3A_184 = tpu.memref_slice %arg11[%dma_start3A_181, %dma_start3A_182, %dma_start3A_183] : memref<2x128x64xf32, #tpu.memory_space<vmem>> -> memref<1x128x64xf32, #tpu.memory_space<vmem>>
        %dma_start3A_185 = tpu.memref_squeeze %dma_start3A_184 : memref<1x128x64xf32, #tpu.memory_space<vmem>> -> memref<128x64xf32, #tpu.memory_space<vmem>>
        %dma_start3A_186 = tpu.memref_slice %arg6[%mul3A_180] : memref<16384xi32, #tpu.memory_space<vmem>> -> memref<128xi32, #tpu.memory_space<vmem>>
        %dma_start3A_187 = arith.constant 0 : i32
        %dma_start3A_188 = arith.constant 0 : i32
        %dma_start3A_189 = tpu.memref_slice %arg2[%dma_start3A_187, %dma_start3A_188] : memref<1015808x64xf32, #tpu.memory_space<hbm>> -> memref<1015808x64xf32, #tpu.memory_space<hbm>>
        tpu.enqueue_indirect_dma source(%dma_start3A_189 : memref<1015808x64xf32, #tpu.memory_space<hbm>>) target(%dma_start3A_185 : memref<128x64xf32, #tpu.memory_space<vmem>>) offsets(%dma_start3A_186 : memref<128xi32, #tpu.memory_space<vmem>>) semaphore(%arg14 : memref<!tpu.dma_semaphore, #tpu.memory_space<semaphore_mem>>)
        %dma_wait3A = arith.constant 0 : i32
        %dma_wait3A_190 = arith.constant 0 : i32
        %dma_wait3A_191 = arith.constant 0 : i32
        %dma_wait3A_192 = tpu.memref_slice %arg11[%dma_wait3A, %dma_wait3A_190, %dma_wait3A_191] : memref<2x128x64xf32, #tpu.memory_space<vmem>> -> memref<1x128x64xf32, #tpu.memory_space<vmem>>
        %dma_wait3A_193 = tpu.memref_squeeze %dma_wait3A_192 : memref<1x128x64xf32, #tpu.memory_space<vmem>> -> memref<128x64xf32, #tpu.memory_space<vmem>>
        %dma_wait3A_194 = arith.constant 0 : i32
        %dma_wait3A_195 = tpu.memref_slice %arg6[%dma_wait3A_194] : memref<16384xi32, #tpu.memory_space<vmem>> -> memref<128xi32, #tpu.memory_space<vmem>>
        %dma_wait3A_196 = arith.constant 0 : i32
        %dma_wait3A_197 = arith.constant 0 : i32
        %dma_wait3A_198 = tpu.memref_slice %arg2[%dma_wait3A_196, %dma_wait3A_197] : memref<1015808x64xf32, #tpu.memory_space<hbm>> -> memref<1015808x64xf32, #tpu.memory_space<hbm>>
        tpu.wait_indirect_dma semaphore(%arg13 : memref<!tpu.dma_semaphore, #tpu.memory_space<semaphore_mem>>) src(%dma_wait3A_198 : memref<1015808x64xf32, #tpu.memory_space<hbm>>) dst(%dma_wait3A_193 : memref<128x64xf32, #tpu.memory_space<vmem>>)
        %run_scoped3A_199 = arith.constant 0 : i32
        "tpu.region"() ({
          %run_scoped3A_230 = tpu.sem_alloc : memref<!tpu.dma_semaphore, #tpu.memory_space<semaphore_mem>>
          %dma_start3A_231 = arith.constant 0 : i32
          %dma_start3A_232 = arith.constant 0 : i32
          %dma_start3A_233 = tpu.memref_slice %arg11[%run_scoped3A_199, %dma_start3A_231, %dma_start3A_232] : memref<2x128x64xf32, #tpu.memory_space<vmem>> -> memref<1x128x64xf32, #tpu.memory_space<vmem>>
          %dma_start3A_234 = tpu.memref_squeeze %dma_start3A_233 : memref<1x128x64xf32, #tpu.memory_space<vmem>> -> memref<128x64xf32, #tpu.memory_space<vmem>>
          %dma_start3A_235 = arith.constant 0 : i32
          %dma_start3A_236 = tpu.memref_slice %arg7[%mul3A_176, %dma_start3A_235] : memref<128x128xi32, #tpu.memory_space<vmem>> -> memref<1x128xi32, #tpu.memory_space<vmem>>
          %dma_start3A_237 = tpu.memref_squeeze %dma_start3A_236 : memref<1x128xi32, #tpu.memory_space<vmem>> -> memref<128xi32, #tpu.memory_space<vmem>>
          %dma_start3A_238 = arith.constant 0 : i32
          %dma_start3A_239 = arith.constant 0 : i32
          %dma_start3A_240 = tpu.memref_slice %arg12[%dma_start3A_238, %dma_start3A_239] : memref<8320x64xf32, #tpu.memory_space<vmem_shared>> -> memref<8320x64xf32, #tpu.memory_space<vmem_shared>>
          tpu.enqueue_indirect_dma source(%dma_start3A_234 : memref<128x64xf32, #tpu.memory_space<vmem>>) target(%dma_start3A_240 : memref<8320x64xf32, #tpu.memory_space<vmem_shared>>) offsets(%dma_start3A_237 : memref<128xi32, #tpu.memory_space<vmem>>) semaphore(%run_scoped3A_230 : memref<!tpu.dma_semaphore, #tpu.memory_space<semaphore_mem>>) {add = true}
          %dma_wait3A_241 = arith.constant 0 : i32
          %dma_wait3A_242 = arith.constant 0 : i32
          %dma_wait3A_243 = tpu.memref_slice %arg11[%run_scoped3A_199, %dma_wait3A_241, %dma_wait3A_242] : memref<2x128x64xf32, #tpu.memory_space<vmem>> -> memref<1x128x64xf32, #tpu.memory_space<vmem>>
          %dma_wait3A_244 = tpu.memref_squeeze %dma_wait3A_243 : memref<1x128x64xf32, #tpu.memory_space<vmem>> -> memref<128x64xf32, #tpu.memory_space<vmem>>
          %dma_wait3A_245 = arith.constant 0 : i32
          %dma_wait3A_246 = tpu.memref_slice %arg7[%mul3A_176, %dma_wait3A_245] : memref<128x128xi32, #tpu.memory_space<vmem>> -> memref<1x128xi32, #tpu.memory_space<vmem>>
          %dma_wait3A_247 = tpu.memref_squeeze %dma_wait3A_246 : memref<1x128xi32, #tpu.memory_space<vmem>> -> memref<128xi32, #tpu.memory_space<vmem>>
          %dma_wait3A_248 = arith.constant 0 : i32
          %dma_wait3A_249 = arith.constant 0 : i32
          %dma_wait3A_250 = tpu.memref_slice %arg12[%dma_wait3A_248, %dma_wait3A_249] : memref<8320x64xf32, #tpu.memory_space<vmem_shared>> -> memref<8320x64xf32, #tpu.memory_space<vmem_shared>>
          tpu.wait_indirect_dma semaphore(%run_scoped3A_230 : memref<!tpu.dma_semaphore, #tpu.memory_space<semaphore_mem>>) src(%dma_wait3A_244 : memref<128x64xf32, #tpu.memory_space<vmem>>) dst(%dma_wait3A_250 : memref<8320x64xf32, #tpu.memory_space<vmem_shared>>)
          tpu.yield
        }) : () -> ()
        %add3A_200 = arith.constant 2 : i32
        %add3A_201 = arith.addi %mul3A_176, %add3A_200 : i32
        %sub3A_202 = arith.constant 1 : i32
        %sub3A_203 = arith.subi %min3A, %sub3A_202 : i32
        %min3A_204 = arith.minsi %add3A_201, %sub3A_203 : i32
        %mul3A_205 = arith.constant 128 : i32
        %mul3A_206 = arith.muli %min3A_204, %mul3A_205 : i32
        %dma_start3A_207 = arith.constant 0 : i32
        %dma_start3A_208 = arith.constant 0 : i32
        %dma_start3A_209 = arith.constant 0 : i32
        %dma_start3A_210 = tpu.memref_slice %arg11[%dma_start3A_207, %dma_start3A_208, %dma_start3A_209] : memref<2x128x64xf32, #tpu.memory_space<vmem>> -> memref<1x128x64xf32, #tpu.memory_space<vmem>>
        %dma_start3A_211 = tpu.memref_squeeze %dma_start3A_210 : memref<1x128x64xf32, #tpu.memory_space<vmem>> -> memref<128x64xf32, #tpu.memory_space<vmem>>
        %dma_start3A_212 = tpu.memref_slice %arg6[%mul3A_206] : memref<16384xi32, #tpu.memory_space<vmem>> -> memref<128xi32, #tpu.memory_space<vmem>>
        %dma_start3A_213 = arith.constant 0 : i32
        %dma_start3A_214 = arith.constant 0 : i32
        %dma_start3A_215 = tpu.memref_slice %arg2[%dma_start3A_213, %dma_start3A_214] : memref<1015808x64xf32, #tpu.memory_space<hbm>> -> memref<1015808x64xf32, #tpu.memory_space<hbm>>
        tpu.enqueue_indirect_dma source(%dma_start3A_215 : memref<1015808x64xf32, #tpu.memory_space<hbm>>) target(%dma_start3A_211 : memref<128x64xf32, #tpu.memory_space<vmem>>) offsets(%dma_start3A_212 : memref<128xi32, #tpu.memory_space<vmem>>) semaphore(%arg13 : memref<!tpu.dma_semaphore, #tpu.memory_space<semaphore_mem>>)
        %dma_wait3A_216 = arith.constant 1 : i32
        %dma_wait3A_217 = arith.constant 0 : i32
        %dma_wait3A_218 = arith.constant 0 : i32
        %dma_wait3A_219 = tpu.memref_slice %arg11[%dma_wait3A_216, %dma_wait3A_217, %dma_wait3A_218] : memref<2x128x64xf32, #tpu.memory_space<vmem>> -> memref<1x128x64xf32, #tpu.memory_space<vmem>>
        %dma_wait3A_220 = tpu.memref_squeeze %dma_wait3A_219 : memref<1x128x64xf32, #tpu.memory_space<vmem>> -> memref<128x64xf32, #tpu.memory_space<vmem>>
        %dma_wait3A_221 = arith.constant 0 : i32
        %dma_wait3A_222 = tpu.memref_slice %arg6[%dma_wait3A_221] : memref<16384xi32, #tpu.memory_space<vmem>> -> memref<128xi32, #tpu.memory_space<vmem>>
        %dma_wait3A_223 = arith.constant 0 : i32
        %dma_wait3A_224 = arith.constant 0 : i32
        %dma_wait3A_225 = tpu.memref_slice %arg2[%dma_wait3A_223, %dma_wait3A_224] : memref<1015808x64xf32, #tpu.memory_space<hbm>> -> memref<1015808x64xf32, #tpu.memory_space<hbm>>
        tpu.wait_indirect_dma semaphore(%arg14 : memref<!tpu.dma_semaphore, #tpu.memory_space<semaphore_mem>>) src(%dma_wait3A_225 : memref<1015808x64xf32, #tpu.memory_space<hbm>>) dst(%dma_wait3A_220 : memref<128x64xf32, #tpu.memory_space<vmem>>)
        %add3A_226 = arith.constant 1 : i32
        %add3A_227 = arith.addi %mul3A_176, %add3A_226 : i32
        %run_scoped3A_228 = arith.constant 1 : i32
        "tpu.region"() ({
          %run_scoped3A_230 = tpu.sem_alloc : memref<!tpu.dma_semaphore, #tpu.memory_space<semaphore_mem>>
          %dma_start3A_231 = arith.constant 0 : i32
          %dma_start3A_232 = arith.constant 0 : i32
          %dma_start3A_233 = tpu.memref_slice %arg11[%run_scoped3A_228, %dma_start3A_231, %dma_start3A_232] : memref<2x128x64xf32, #tpu.memory_space<vmem>> -> memref<1x128x64xf32, #tpu.memory_space<vmem>>
          %dma_start3A_234 = tpu.memref_squeeze %dma_start3A_233 : memref<1x128x64xf32, #tpu.memory_space<vmem>> -> memref<128x64xf32, #tpu.memory_space<vmem>>
          %dma_start3A_235 = arith.constant 0 : i32
          %dma_start3A_236 = tpu.memref_slice %arg7[%add3A_227, %dma_start3A_235] : memref<128x128xi32, #tpu.memory_space<vmem>> -> memref<1x128xi32, #tpu.memory_space<vmem>>
          %dma_start3A_237 = tpu.memref_squeeze %dma_start3A_236 : memref<1x128xi32, #tpu.memory_space<vmem>> -> memref<128xi32, #tpu.memory_space<vmem>>
          %dma_start3A_238 = arith.constant 0 : i32
          %dma_start3A_239 = arith.constant 0 : i32
          %dma_start3A_240 = tpu.memref_slice %arg12[%dma_start3A_238, %dma_start3A_239] : memref<8320x64xf32, #tpu.memory_space<vmem_shared>> -> memref<8320x64xf32, #tpu.memory_space<vmem_shared>>
          tpu.enqueue_indirect_dma source(%dma_start3A_234 : memref<128x64xf32, #tpu.memory_space<vmem>>) target(%dma_start3A_240 : memref<8320x64xf32, #tpu.memory_space<vmem_shared>>) offsets(%dma_start3A_237 : memref<128xi32, #tpu.memory_space<vmem>>) semaphore(%run_scoped3A_230 : memref<!tpu.dma_semaphore, #tpu.memory_space<semaphore_mem>>) {add = true}
          %dma_wait3A_241 = arith.constant 0 : i32
          %dma_wait3A_242 = arith.constant 0 : i32
          %dma_wait3A_243 = tpu.memref_slice %arg11[%run_scoped3A_228, %dma_wait3A_241, %dma_wait3A_242] : memref<2x128x64xf32, #tpu.memory_space<vmem>> -> memref<1x128x64xf32, #tpu.memory_space<vmem>>
          %dma_wait3A_244 = tpu.memref_squeeze %dma_wait3A_243 : memref<1x128x64xf32, #tpu.memory_space<vmem>> -> memref<128x64xf32, #tpu.memory_space<vmem>>
          %dma_wait3A_245 = arith.constant 0 : i32
          %dma_wait3A_246 = tpu.memref_slice %arg7[%add3A_227, %dma_wait3A_245] : memref<128x128xi32, #tpu.memory_space<vmem>> -> memref<1x128xi32, #tpu.memory_space<vmem>>
          %dma_wait3A_247 = tpu.memref_squeeze %dma_wait3A_246 : memref<1x128xi32, #tpu.memory_space<vmem>> -> memref<128xi32, #tpu.memory_space<vmem>>
          %dma_wait3A_248 = arith.constant 0 : i32
          %dma_wait3A_249 = arith.constant 0 : i32
          %dma_wait3A_250 = tpu.memref_slice %arg12[%dma_wait3A_248, %dma_wait3A_249] : memref<8320x64xf32, #tpu.memory_space<vmem_shared>> -> memref<8320x64xf32, #tpu.memory_space<vmem_shared>>
          tpu.wait_indirect_dma semaphore(%run_scoped3A_230 : memref<!tpu.dma_semaphore, #tpu.memory_space<semaphore_mem>>) src(%dma_wait3A_244 : memref<128x64xf32, #tpu.memory_space<vmem>>) dst(%dma_wait3A_250 : memref<8320x64xf32, #tpu.memory_space<vmem_shared>>)
          tpu.yield
        }) : () -> ()
        %while3A_229 = arith.constant 0 : i32
        scf.yield %while3A_229 : i32
      }
      %and3A = arith.constant 1 : i32
      %and3A_141 = arith.andi %min3A, %and3A : i32
      %while3A_142 = arith.constant 0 : i32
      %while3A_143 = arith.constant 0 : i32
      %while3A_144 = arith.subi %and3A_141, %while3A_142 : i32
      %while3A_145 = arith.addi %while3A_142, %while3A_144 : i32
      %while3A_146 = arith.constant 1 : i32
      %while3A_147 = arith.divsi %while3A_144, %while3A_146 : i32
      %while3A_148 = arith.muli %while3A_147, %while3A_146 : i32
      %while3A_149 = arith.addi %while3A_142, %while3A_148 : i32
      %while3A_150 = arith.constant 1 : i32
      %while3A_151 = scf.for %while3A_173 = %while3A_142 to %while3A_149 step %while3A_150 iter_args(%while3A_174 = %while3A_143) -> (i32)  : i32 {
        %dma_wait3A = arith.constant 0 : i32
        %dma_wait3A_175 = arith.constant 0 : i32
        %dma_wait3A_176 = arith.constant 0 : i32
        %dma_wait3A_177 = tpu.memref_slice %arg11[%dma_wait3A, %dma_wait3A_175, %dma_wait3A_176] : memref<2x128x64xf32, #tpu.memory_space<vmem>> -> memref<1x128x64xf32, #tpu.memory_space<vmem>>
        %dma_wait3A_178 = tpu.memref_squeeze %dma_wait3A_177 : memref<1x128x64xf32, #tpu.memory_space<vmem>> -> memref<128x64xf32, #tpu.memory_space<vmem>>
        %dma_wait3A_179 = arith.constant 0 : i32
        %dma_wait3A_180 = tpu.memref_slice %arg6[%dma_wait3A_179] : memref<16384xi32, #tpu.memory_space<vmem>> -> memref<128xi32, #tpu.memory_space<vmem>>
        %dma_wait3A_181 = arith.constant 0 : i32
        %dma_wait3A_182 = arith.constant 0 : i32
        %dma_wait3A_183 = tpu.memref_slice %arg2[%dma_wait3A_181, %dma_wait3A_182] : memref<1015808x64xf32, #tpu.memory_space<hbm>> -> memref<1015808x64xf32, #tpu.memory_space<hbm>>
        tpu.wait_indirect_dma semaphore(%arg13 : memref<!tpu.dma_semaphore, #tpu.memory_space<semaphore_mem>>) src(%dma_wait3A_183 : memref<1015808x64xf32, #tpu.memory_space<hbm>>) dst(%dma_wait3A_178 : memref<128x64xf32, #tpu.memory_space<vmem>>)
        %sub3A_184 = arith.constant 1 : i32
        %sub3A_185 = arith.subi %min3A, %sub3A_184 : i32
        %run_scoped3A_186 = arith.constant 0 : i32
        "tpu.region"() ({
          %run_scoped3A_188 = tpu.sem_alloc : memref<!tpu.dma_semaphore, #tpu.memory_space<semaphore_mem>>
          %dma_start3A_189 = arith.constant 0 : i32
          %dma_start3A_190 = arith.constant 0 : i32
          %dma_start3A_191 = tpu.memref_slice %arg11[%run_scoped3A_186, %dma_start3A_189, %dma_start3A_190] : memref<2x128x64xf32, #tpu.memory_space<vmem>> -> memref<1x128x64xf32, #tpu.memory_space<vmem>>
          %dma_start3A_192 = tpu.memref_squeeze %dma_start3A_191 : memref<1x128x64xf32, #tpu.memory_space<vmem>> -> memref<128x64xf32, #tpu.memory_space<vmem>>
          %dma_start3A_193 = arith.constant 0 : i32
          %dma_start3A_194 = tpu.memref_slice %arg7[%sub3A_185, %dma_start3A_193] : memref<128x128xi32, #tpu.memory_space<vmem>> -> memref<1x128xi32, #tpu.memory_space<vmem>>
          %dma_start3A_195 = tpu.memref_squeeze %dma_start3A_194 : memref<1x128xi32, #tpu.memory_space<vmem>> -> memref<128xi32, #tpu.memory_space<vmem>>
          %dma_start3A_196 = arith.constant 0 : i32
          %dma_start3A_197 = arith.constant 0 : i32
          %dma_start3A_198 = tpu.memref_slice %arg12[%dma_start3A_196, %dma_start3A_197] : memref<8320x64xf32, #tpu.memory_space<vmem_shared>> -> memref<8320x64xf32, #tpu.memory_space<vmem_shared>>
          tpu.enqueue_indirect_dma source(%dma_start3A_192 : memref<128x64xf32, #tpu.memory_space<vmem>>) target(%dma_start3A_198 : memref<8320x64xf32, #tpu.memory_space<vmem_shared>>) offsets(%dma_start3A_195 : memref<128xi32, #tpu.memory_space<vmem>>) semaphore(%run_scoped3A_188 : memref<!tpu.dma_semaphore, #tpu.memory_space<semaphore_mem>>) {add = true}
          %dma_wait3A_199 = arith.constant 0 : i32
          %dma_wait3A_200 = arith.constant 0 : i32
          %dma_wait3A_201 = tpu.memref_slice %arg11[%run_scoped3A_186, %dma_wait3A_199, %dma_wait3A_200] : memref<2x128x64xf32, #tpu.memory_space<vmem>> -> memref<1x128x64xf32, #tpu.memory_space<vmem>>
          %dma_wait3A_202 = tpu.memref_squeeze %dma_wait3A_201 : memref<1x128x64xf32, #tpu.memory_space<vmem>> -> memref<128x64xf32, #tpu.memory_space<vmem>>
          %dma_wait3A_203 = arith.constant 0 : i32
          %dma_wait3A_204 = tpu.memref_slice %arg7[%sub3A_185, %dma_wait3A_203] : memref<128x128xi32, #tpu.memory_space<vmem>> -> memref<1x128xi32, #tpu.memory_space<vmem>>
          %dma_wait3A_205 = tpu.memref_squeeze %dma_wait3A_204 : memref<1x128xi32, #tpu.memory_space<vmem>> -> memref<128xi32, #tpu.memory_space<vmem>>
          %dma_wait3A_206 = arith.constant 0 : i32
          %dma_wait3A_207 = arith.constant 0 : i32
          %dma_wait3A_208 = tpu.memref_slice %arg12[%dma_wait3A_206, %dma_wait3A_207] : memref<8320x64xf32, #tpu.memory_space<vmem_shared>> -> memref<8320x64xf32, #tpu.memory_space<vmem_shared>>
          tpu.wait_indirect_dma semaphore(%run_scoped3A_188 : memref<!tpu.dma_semaphore, #tpu.memory_space<semaphore_mem>>) src(%dma_wait3A_202 : memref<128x64xf32, #tpu.memory_space<vmem>>) dst(%dma_wait3A_208 : memref<8320x64xf32, #tpu.memory_space<vmem_shared>>)
          tpu.yield
        }) : () -> ()
        %while3A_187 = arith.constant 0 : i32
        scf.yield %while3A_187 : i32
      }
      %while3A_152 = arith.constant 1 : i32
      %while3A_153 = scf.for %while3A_173 = %while3A_149 to %while3A_145 step %while3A_152 iter_args(%while3A_174 = %while3A_151) -> (i32)  : i32 {
        %dma_wait3A = arith.constant 0 : i32
        %dma_wait3A_175 = arith.constant 0 : i32
        %dma_wait3A_176 = arith.constant 0 : i32
        %dma_wait3A_177 = tpu.memref_slice %arg11[%dma_wait3A, %dma_wait3A_175, %dma_wait3A_176] : memref<2x128x64xf32, #tpu.memory_space<vmem>> -> memref<1x128x64xf32, #tpu.memory_space<vmem>>
        %dma_wait3A_178 = tpu.memref_squeeze %dma_wait3A_177 : memref<1x128x64xf32, #tpu.memory_space<vmem>> -> memref<128x64xf32, #tpu.memory_space<vmem>>
        %dma_wait3A_179 = arith.constant 0 : i32
        %dma_wait3A_180 = tpu.memref_slice %arg6[%dma_wait3A_179] : memref<16384xi32, #tpu.memory_space<vmem>> -> memref<128xi32, #tpu.memory_space<vmem>>
        %dma_wait3A_181 = arith.constant 0 : i32
        %dma_wait3A_182 = arith.constant 0 : i32
        %dma_wait3A_183 = tpu.memref_slice %arg2[%dma_wait3A_181, %dma_wait3A_182] : memref<1015808x64xf32, #tpu.memory_space<hbm>> -> memref<1015808x64xf32, #tpu.memory_space<hbm>>
        tpu.wait_indirect_dma semaphore(%arg13 : memref<!tpu.dma_semaphore, #tpu.memory_space<semaphore_mem>>) src(%dma_wait3A_183 : memref<1015808x64xf32, #tpu.memory_space<hbm>>) dst(%dma_wait3A_178 : memref<128x64xf32, #tpu.memory_space<vmem>>)
        %sub3A_184 = arith.constant 1 : i32
        %sub3A_185 = arith.subi %min3A, %sub3A_184 : i32
        %run_scoped3A_186 = arith.constant 0 : i32
        "tpu.region"() ({
          %run_scoped3A_188 = tpu.sem_alloc : memref<!tpu.dma_semaphore, #tpu.memory_space<semaphore_mem>>
          %dma_start3A_189 = arith.constant 0 : i32
          %dma_start3A_190 = arith.constant 0 : i32
          %dma_start3A_191 = tpu.memref_slice %arg11[%run_scoped3A_186, %dma_start3A_189, %dma_start3A_190] : memref<2x128x64xf32, #tpu.memory_space<vmem>> -> memref<1x128x64xf32, #tpu.memory_space<vmem>>
          %dma_start3A_192 = tpu.memref_squeeze %dma_start3A_191 : memref<1x128x64xf32, #tpu.memory_space<vmem>> -> memref<128x64xf32, #tpu.memory_space<vmem>>
          %dma_start3A_193 = arith.constant 0 : i32
          %dma_start3A_194 = tpu.memref_slice %arg7[%sub3A_185, %dma_start3A_193] : memref<128x128xi32, #tpu.memory_space<vmem>> -> memref<1x128xi32, #tpu.memory_space<vmem>>
          %dma_start3A_195 = tpu.memref_squeeze %dma_start3A_194 : memref<1x128xi32, #tpu.memory_space<vmem>> -> memref<128xi32, #tpu.memory_space<vmem>>
          %dma_start3A_196 = arith.constant 0 : i32
          %dma_start3A_197 = arith.constant 0 : i32
          %dma_start3A_198 = tpu.memref_slice %arg12[%dma_start3A_196, %dma_start3A_197] : memref<8320x64xf32, #tpu.memory_space<vmem_shared>> -> memref<8320x64xf32, #tpu.memory_space<vmem_shared>>
          tpu.enqueue_indirect_dma source(%dma_start3A_192 : memref<128x64xf32, #tpu.memory_space<vmem>>) target(%dma_start3A_198 : memref<8320x64xf32, #tpu.memory_space<vmem_shared>>) offsets(%dma_start3A_195 : memref<128xi32, #tpu.memory_space<vmem>>) semaphore(%run_scoped3A_188 : memref<!tpu.dma_semaphore, #tpu.memory_space<semaphore_mem>>) {add = true}
          %dma_wait3A_199 = arith.constant 0 : i32
          %dma_wait3A_200 = arith.constant 0 : i32
          %dma_wait3A_201 = tpu.memref_slice %arg11[%run_scoped3A_186, %dma_wait3A_199, %dma_wait3A_200] : memref<2x128x64xf32, #tpu.memory_space<vmem>> -> memref<1x128x64xf32, #tpu.memory_space<vmem>>
          %dma_wait3A_202 = tpu.memref_squeeze %dma_wait3A_201 : memref<1x128x64xf32, #tpu.memory_space<vmem>> -> memref<128x64xf32, #tpu.memory_space<vmem>>
          %dma_wait3A_203 = arith.constant 0 : i32
          %dma_wait3A_204 = tpu.memref_slice %arg7[%sub3A_185, %dma_wait3A_203] : memref<128x128xi32, #tpu.memory_space<vmem>> -> memref<1x128xi32, #tpu.memory_space<vmem>>
          %dma_wait3A_205 = tpu.memref_squeeze %dma_wait3A_204 : memref<1x128xi32, #tpu.memory_space<vmem>> -> memref<128xi32, #tpu.memory_space<vmem>>
          %dma_wait3A_206 = arith.constant 0 : i32
          %dma_wait3A_207 = arith.constant 0 : i32
          %dma_wait3A_208 = tpu.memref_slice %arg12[%dma_wait3A_206, %dma_wait3A_207] : memref<8320x64xf32, #tpu.memory_space<vmem_shared>> -> memref<8320x64xf32, #tpu.memory_space<vmem_shared>>
          tpu.wait_indirect_dma semaphore(%run_scoped3A_188 : memref<!tpu.dma_semaphore, #tpu.memory_space<semaphore_mem>>) src(%dma_wait3A_202 : memref<128x64xf32, #tpu.memory_space<vmem>>) dst(%dma_wait3A_208 : memref<8320x64xf32, #tpu.memory_space<vmem_shared>>)
          tpu.yield
        }) : () -> ()
        %while3A_187 = arith.constant 0 : i32
        scf.yield %while3A_187 : i32
      }
      %and3A_154 = arith.constant 1 : i32
      %and3A_155 = arith.andi %min3A, %and3A_154 : i32
      %xor3A = arith.constant 1 : i32
      %xor3A_156 = arith.xori %and3A_155, %xor3A : i32
      %min3A_157 = arith.constant 1 : i32
      %min3A_158 = arith.minsi %shift_right_arithmetic3A_119, %min3A_157 : i32
      %mul3A_159 = arith.muli %xor3A_156, %min3A_158 : i32
      %while3A_160 = arith.constant 0 : i32
      %while3A_161 = arith.constant 0 : i32
      %while3A_162 = arith.subi %mul3A_159, %while3A_160 : i32
      %while3A_163 = arith.addi %while3A_160, %while3A_162 : i32
      %while3A_164 = arith.constant 1 : i32
      %while3A_165 = arith.divsi %while3A_162, %while3A_164 : i32
      %while3A_166 = arith.muli %while3A_165, %while3A_164 : i32
      %while3A_167 = arith.addi %while3A_160, %while3A_166 : i32
      %while3A_168 = arith.constant 1 : i32
      %while3A_169 = scf.for %while3A_173 = %while3A_160 to %while3A_167 step %while3A_168 iter_args(%while3A_174 = %while3A_161) -> (i32)  : i32 {
        %dma_wait3A = arith.constant 0 : i32
        %dma_wait3A_175 = arith.constant 0 : i32
        %dma_wait3A_176 = arith.constant 0 : i32
        %dma_wait3A_177 = tpu.memref_slice %arg11[%dma_wait3A, %dma_wait3A_175, %dma_wait3A_176] : memref<2x128x64xf32, #tpu.memory_space<vmem>> -> memref<1x128x64xf32, #tpu.memory_space<vmem>>
        %dma_wait3A_178 = tpu.memref_squeeze %dma_wait3A_177 : memref<1x128x64xf32, #tpu.memory_space<vmem>> -> memref<128x64xf32, #tpu.memory_space<vmem>>
        %dma_wait3A_179 = arith.constant 0 : i32
        %dma_wait3A_180 = tpu.memref_slice %arg6[%dma_wait3A_179] : memref<16384xi32, #tpu.memory_space<vmem>> -> memref<128xi32, #tpu.memory_space<vmem>>
        %dma_wait3A_181 = arith.constant 0 : i32
        %dma_wait3A_182 = arith.constant 0 : i32
        %dma_wait3A_183 = tpu.memref_slice %arg2[%dma_wait3A_181, %dma_wait3A_182] : memref<1015808x64xf32, #tpu.memory_space<hbm>> -> memref<1015808x64xf32, #tpu.memory_space<hbm>>
        tpu.wait_indirect_dma semaphore(%arg13 : memref<!tpu.dma_semaphore, #tpu.memory_space<semaphore_mem>>) src(%dma_wait3A_183 : memref<1015808x64xf32, #tpu.memory_space<hbm>>) dst(%dma_wait3A_178 : memref<128x64xf32, #tpu.memory_space<vmem>>)
        %while3A_184 = arith.constant 0 : i32
        scf.yield %while3A_184 : i32
      }
      %while3A_170 = arith.constant 1 : i32
      %while3A_171 = scf.for %while3A_173 = %while3A_167 to %while3A_163 step %while3A_170 iter_args(%while3A_174 = %while3A_169) -> (i32)  : i32 {
        %dma_wait3A = arith.constant 0 : i32
        %dma_wait3A_175 = arith.constant 0 : i32
        %dma_wait3A_176 = arith.constant 0 : i32
        %dma_wait3A_177 = tpu.memref_slice %arg11[%dma_wait3A, %dma_wait3A_175, %dma_wait3A_176] : memref<2x128x64xf32, #tpu.memory_space<vmem>> -> memref<1x128x64xf32, #tpu.memory_space<vmem>>
        %dma_wait3A_178 = tpu.memref_squeeze %dma_wait3A_177 : memref<1x128x64xf32, #tpu.memory_space<vmem>> -> memref<128x64xf32, #tpu.memory_space<vmem>>
        %dma_wait3A_179 = arith.constant 0 : i32
        %dma_wait3A_180 = tpu.memref_slice %arg6[%dma_wait3A_179] : memref<16384xi32, #tpu.memory_space<vmem>> -> memref<128xi32, #tpu.memory_space<vmem>>
        %dma_wait3A_181 = arith.constant 0 : i32
        %dma_wait3A_182 = arith.constant 0 : i32
        %dma_wait3A_183 = tpu.memref_slice %arg2[%dma_wait3A_181, %dma_wait3A_182] : memref<1015808x64xf32, #tpu.memory_space<hbm>> -> memref<1015808x64xf32, #tpu.memory_space<hbm>>
        tpu.wait_indirect_dma semaphore(%arg13 : memref<!tpu.dma_semaphore, #tpu.memory_space<semaphore_mem>>) src(%dma_wait3A_183 : memref<1015808x64xf32, #tpu.memory_space<hbm>>) dst(%dma_wait3A_178 : memref<128x64xf32, #tpu.memory_space<vmem>>)
        %while3A_184 = arith.constant 0 : i32
        scf.yield %while3A_184 : i32
      }
      %while3A_172 = arith.constant 0 : i32
      scf.yield %while3A_172 : i32
    }
    %mul3A_62 = arith.constant 512 : i32
    %mul3A_63 = arith.muli %add3A, %mul3A_62 : i32
    "tpu.region"() ({
      %run_scoped3A_64 = tpu.sem_alloc : memref<!tpu.dma_semaphore, #tpu.memory_space<semaphore_mem>>
      %dma_start3A = arith.constant 0 : i32
      %dma_start3A_65 = tpu.memref_slice %arg5[%mul3A_63, %dma_start3A] : memref<16384x64xf32, #tpu.memory_space<hbm>> -> memref<512x64xf32, #tpu.memory_space<hbm>>
      %dma_start3A_66 = arith.constant 0 : i32
      %dma_start3A_67 = tpu.memref_slice %arg12[%mul3A_2, %dma_start3A_66] : memref<8320x64xf32, #tpu.memory_space<vmem_shared>> -> memref<512x64xf32, #tpu.memory_space<vmem_shared>>
      tpu.enqueue_dma source(%dma_start3A_67 : memref<512x64xf32, #tpu.memory_space<vmem_shared>>) target(%dma_start3A_65 : memref<512x64xf32, #tpu.memory_space<hbm>>) target_semaphore(%run_scoped3A_64 : memref<!tpu.dma_semaphore, #tpu.memory_space<semaphore_mem>>)
      %dma_wait3A = arith.constant 0 : i32
      %dma_wait3A_68 = tpu.memref_slice %arg5[%mul3A_63, %dma_wait3A] : memref<16384x64xf32, #tpu.memory_space<hbm>> -> memref<512x64xf32, #tpu.memory_space<hbm>>
      %dma_wait3A_69 = arith.constant 0 : i32
      %dma_wait3A_70 = tpu.memref_slice %arg12[%mul3A_2, %dma_wait3A_69] : memref<8320x64xf32, #tpu.memory_space<vmem_shared>> -> memref<512x64xf32, #tpu.memory_space<vmem_shared>>
      tpu.wait_dma2 semaphore(%run_scoped3A_64 : memref<!tpu.dma_semaphore, #tpu.memory_space<semaphore_mem>>) src(%dma_wait3A_70 : memref<512x64xf32, #tpu.memory_space<vmem_shared>>) dst(%dma_wait3A_68 : memref<512x64xf32, #tpu.memory_space<hbm>>)
      tpu.yield
    }) : () -> ()
    return
  }
}

module attributes {stable_mosaic.version = 14 : i64} {
  func.func @_tc_transpose_body(%arg0: i32, %arg1: memref<64x16384xf32, #tpu.memory_space<vmem>>, %arg2: memref<64x16384xf32, #tpu.memory_space<vmem>>, %arg3: memref<8192x128xf32, #tpu.memory_space<vmem>>) attributes {dimension_semantics = [#tpu.dimension_semantics<arbitrary>], iteration_bounds = array<i64: 62>, scalar_prefetch = 0 : i64, scratch_operands = 0 : i64, tpu.core_type = #tpu.core_type<tc>, window_params = [{transform_indices = @transform_0, window_bounds = array<i64: 64, 16384>}, {pipeline_mode = #tpu.pipeline_mode<synchronous>, transform_indices = @transform_1, window_bounds = array<i64: 64, 16384>}, {transform_indices = @transform_2, window_bounds = array<i64: 8192, 128>}]} {
    %eq3A = arith.constant 61 : i32
    %eq3A_0 = arith.cmpi eq, %arg0, %eq3A : i32
    %get3A = arith.constant 0 : index
    %get3A_1 = arith.constant 0 : index
    %get3A_2 = vector.load %arg2[%get3A, %get3A_1] : memref<64x16384xf32, #tpu.memory_space<vmem>>, vector<64x16384xf32>
    %get3A_3 = arith.constant 0 : index
    %get3A_4 = arith.constant 0 : index
    %get3A_5 = vector.load %arg1[%get3A_3, %get3A_4] : memref<64x16384xf32, #tpu.memory_space<vmem>>, vector<64x16384xf32>
    %select_n3A = arith.select %eq3A_0, %get3A_2, %get3A_5 : vector<64x16384xf32>
    %slice3A = vector.extract_strided_slice %select_n3A {offsets = [0, 0], sizes = [64, 2048], strides = [1, 1]} : vector<64x16384xf32> to vector<64x2048xf32>
    %transpose3A = tpu.transpose %slice3A, [1, 0] : vector<64x2048xf32> -> vector<2048x64xf32>
    %swap3A = arith.constant 0 : index
    %swap3A_6 = arith.constant 0 : index
    %swap3A_7 = vector.load %arg3[%swap3A, %swap3A_6] : memref<8192x128xf32, #tpu.memory_space<vmem>>, vector<2048x64xf32>
    tpu.vector_store %arg3[%swap3A, %swap3A_6], %transpose3A {strides = array<i32>} : memref<8192x128xf32, #tpu.memory_space<vmem>>, vector<2048x64xf32>,
    %slice3A_8 = vector.extract_strided_slice %select_n3A {offsets = [0, 2048], sizes = [64, 2048], strides = [1, 1]} : vector<64x16384xf32> to vector<64x2048xf32>
    %transpose3A_9 = tpu.transpose %slice3A_8, [1, 0] : vector<64x2048xf32> -> vector<2048x64xf32>
    %swap3A_10 = arith.constant 0 : index
    %swap3A_11 = arith.constant 64 : index
    %swap3A_12 = vector.load %arg3[%swap3A_10, %swap3A_11] : memref<8192x128xf32, #tpu.memory_space<vmem>>, vector<2048x64xf32>
    tpu.vector_store %arg3[%swap3A_10, %swap3A_11], %transpose3A_9 {strides = array<i32>} : memref<8192x128xf32, #tpu.memory_space<vmem>>, vector<2048x64xf32>,
    %slice3A_13 = vector.extract_strided_slice %select_n3A {offsets = [0, 4096], sizes = [64, 2048], strides = [1, 1]} : vector<64x16384xf32> to vector<64x2048xf32>
    %transpose3A_14 = tpu.transpose %slice3A_13, [1, 0] : vector<64x2048xf32> -> vector<2048x64xf32>
    %swap3A_15 = arith.constant 2048 : index
    %swap3A_16 = arith.constant 0 : index
    %swap3A_17 = vector.load %arg3[%swap3A_15, %swap3A_16] : memref<8192x128xf32, #tpu.memory_space<vmem>>, vector<2048x64xf32>
    tpu.vector_store %arg3[%swap3A_15, %swap3A_16], %transpose3A_14 {strides = array<i32>} : memref<8192x128xf32, #tpu.memory_space<vmem>>, vector<2048x64xf32>,
    %slice3A_18 = vector.extract_strided_slice %select_n3A {offsets = [0, 6144], sizes = [64, 2048], strides = [1, 1]} : vector<64x16384xf32> to vector<64x2048xf32>
    %transpose3A_19 = tpu.transpose %slice3A_18, [1, 0] : vector<64x2048xf32> -> vector<2048x64xf32>
    %swap3A_20 = arith.constant 2048 : index
    %swap3A_21 = arith.constant 64 : index
    %swap3A_22 = vector.load %arg3[%swap3A_20, %swap3A_21] : memref<8192x128xf32, #tpu.memory_space<vmem>>, vector<2048x64xf32>
    tpu.vector_store %arg3[%swap3A_20, %swap3A_21], %transpose3A_19 {strides = array<i32>} : memref<8192x128xf32, #tpu.memory_space<vmem>>, vector<2048x64xf32>,
    %slice3A_23 = vector.extract_strided_slice %select_n3A {offsets = [0, 8192], sizes = [64, 2048], strides = [1, 1]} : vector<64x16384xf32> to vector<64x2048xf32>
    %transpose3A_24 = tpu.transpose %slice3A_23, [1, 0] : vector<64x2048xf32> -> vector<2048x64xf32>
    %swap3A_25 = arith.constant 4096 : index
    %swap3A_26 = arith.constant 0 : index
    %swap3A_27 = vector.load %arg3[%swap3A_25, %swap3A_26] : memref<8192x128xf32, #tpu.memory_space<vmem>>, vector<2048x64xf32>
    tpu.vector_store %arg3[%swap3A_25, %swap3A_26], %transpose3A_24 {strides = array<i32>} : memref<8192x128xf32, #tpu.memory_space<vmem>>, vector<2048x64xf32>,
    %slice3A_28 = vector.extract_strided_slice %select_n3A {offsets = [0, 10240], sizes = [64, 2048], strides = [1, 1]} : vector<64x16384xf32> to vector<64x2048xf32>
    %transpose3A_29 = tpu.transpose %slice3A_28, [1, 0] : vector<64x2048xf32> -> vector<2048x64xf32>
    %swap3A_30 = arith.constant 4096 : index
    %swap3A_31 = arith.constant 64 : index
    %swap3A_32 = vector.load %arg3[%swap3A_30, %swap3A_31] : memref<8192x128xf32, #tpu.memory_space<vmem>>, vector<2048x64xf32>
    tpu.vector_store %arg3[%swap3A_30, %swap3A_31], %transpose3A_29 {strides = array<i32>} : memref<8192x128xf32, #tpu.memory_space<vmem>>, vector<2048x64xf32>,
    %slice3A_33 = vector.extract_strided_slice %select_n3A {offsets = [0, 12288], sizes = [64, 2048], strides = [1, 1]} : vector<64x16384xf32> to vector<64x2048xf32>
    %transpose3A_34 = tpu.transpose %slice3A_33, [1, 0] : vector<64x2048xf32> -> vector<2048x64xf32>
    %swap3A_35 = arith.constant 6144 : index
    %swap3A_36 = arith.constant 0 : index
    %swap3A_37 = vector.load %arg3[%swap3A_35, %swap3A_36] : memref<8192x128xf32, #tpu.memory_space<vmem>>, vector<2048x64xf32>
    tpu.vector_store %arg3[%swap3A_35, %swap3A_36], %transpose3A_34 {strides = array<i32>} : memref<8192x128xf32, #tpu.memory_space<vmem>>, vector<2048x64xf32>,
    %slice3A_38 = vector.extract_strided_slice %select_n3A {offsets = [0, 14336], sizes = [64, 2048], strides = [1, 1]} : vector<64x16384xf32> to vector<64x2048xf32>
    %transpose3A_39 = tpu.transpose %slice3A_38, [1, 0] : vector<64x2048xf32> -> vector<2048x64xf32>
    %swap3A_40 = arith.constant 6144 : index
    %swap3A_41 = arith.constant 64 : index
    %swap3A_42 = vector.load %arg3[%swap3A_40, %swap3A_41] : memref<8192x128xf32, #tpu.memory_space<vmem>>, vector<2048x64xf32>
    tpu.vector_store %arg3[%swap3A_40, %swap3A_41], %transpose3A_39 {strides = array<i32>} : memref<8192x128xf32, #tpu.memory_space<vmem>>, vector<2048x64xf32>,
    return
  }
  func.func @transform_0(%arg0: i32) -> (i32, i32) {
    %min3A = arith.constant 60 : i32
    %min3A_0 = arith.minsi %arg0, %min3A : i32
    %c0_i32 = arith.constant 0 : i32
    %c0_i32_1 = arith.constant 0 : i32
    return %c0_i32, %min3A_0 : i32, i32
  }
  func.func @transform_1(%arg0: i32) -> (i32, i32) {
    %c0_i32 = arith.constant 0 : i32
    %c0_i32_0 = arith.constant 0 : i32
    %c0_i32_1 = arith.constant 0 : i32
    return %c0_i32, %c0_i32_0 : i32, i32
  }
  func.func @transform_2(%arg0: i32) -> (i32, i32) {
    %c0_i32 = arith.constant 0 : i32
    %c0_i32_0 = arith.constant 0 : i32
    return %arg0, %c0_i32 : i32, i32
  }
}

</mosaic_0001>

<sc_bundles>
// kernel: kernel.4.cloned.1.call-start
scs
__scs_entry_jumppad:
0x0: {  	(pc) =	sbr.rel $0x88, $3  }
0x1: {  	(tag) =	ssettag $0x0;
	lr =	simm.s32 $0x1  }
0x2: {  	[smem:$0x3F9E] =	sst lr;
	_ =	strace $0xD0000000  }
0x3: {  	_ = 	snop  }
0x4: {  	_ = 	snop  }
0x5: {  	_ = 	snop  }
0x6: {  	_ = 	snop  }
0x7: {  	_ = 	snop  }
__scs_overlays_trampoline_lowered:
0x8: {  	[smem:$0x3FAD] =	sst s0  }
0x9: {  	[smem:$0x3FAE] =	sst s1  }
0xa: {  	[smem:$0x3FAF] =	sst s2  }
0xb: {  	[smem:$0x3FB0] =	sst s3  }
0xc: {  	[smem:$0x3FB1] =	sst s4  }
0xd: {  	[smem:$0x3FB2] =	sst s5  }
0xe: {  	[smem:$0x3FB3] =	sst s6  }
0xf: {  	[smem:$0x3FB4] =	sst s7  }
0x10: {  	[smem:$0x3FB5] =	sst s8  }
0x11: {  	[smem:$0x3FB6] =	sst s9;
	s0 =	simm.s32 @!p0 $0x0  }
0x12: {  	s1 =	sld [smem:$0x3F9C];
	s0 =	simm.s32 @p0 $0x1  }
0x13: {  	[smem:$0x3FB7] =	sst s0;
	s0 =	simm.s32 @!p1 $0x0  }
0x14: {  	s2 =	sld [smem:$0x3F9B];
	s0 =	simm.s32 @p1 $0x1  }
0x15: {  	[smem:$0x3FB8] =	sst s0;
	s0 =	simm.s32 @!p2 $0x0  }
0x16: {  	s3 =	sld [smem:$0x3FDB];
	s0 =	simm.s32 @p2 $0x1  }
0x17: {  	s4 =	simm.s32 $0x1BF5;
	[smem:$0x3FBA] =	sst s0  }
0x18: {  	s0 =	sld [smem:$0x3F9D];
	_ =	swait.ge [sflag:s4], $0x0  }
0x19: {  	s7 =	sld [smem:$0x3F9E]  }
0x1a: {  	s8 =	sadd.s32 $0xFFFFE003, lr  }
0x1b: {  	s9 =	sadd.s32 $0xFFFFFEF7, lr;
	s5 =	simm.s32 $0xFFFFFFFF;
	p2 =	slt.u32 s8, $0xFFFFF086  }
0x1c: {  	p1 =	slt.u32 s9, $0xF7A;
	s5 =	simm.s32 @!p2 $0x0  }
0x1d: {  	s5 =	simm.s32 @p1 $0x1;
	p0 =	seq.s32 s7, s2  }
0x1e: {  	s7 =	smul.u32 @!p0 $0xF7A, s2;
	p2 =	seq.s32 @!p0 s5, $0x0  }
0x1f: {  	s9 =	smul.u32 $0xF7A, s1;
	s8 =	simm.s32 @!p0 $0x1BF5;
	p2 =	por !p2, p0  }
0x20: {  	[sflag:s8] =	ssyncset.s32 @!p0 $0xFFFFF086;
	s6 =	sadd.s32 @!p0 s3, s7;
	s7 =	simm.s32 @!p0 $0x108  }
0x21: {  	s3 =	sadd.s32 s3, s9;
	s6 =	sadd.s32 @!p0 $0x88, s6;
	s7 =	simm.s32 @p2 $0x1082  }
0x22: {  	[simem:s7], [sflag:s8] =	dma.local @!p0 [hbm:s6], $0xF7A  }
0x23: {  	s9 =	sor.u32 $0xD0000000, s2;
	s6 =	simm.s32 $0x108;
	_ =	swait.ge @!p0 [sflag:s8], $0x0  }
0x24: {  	s3 =	sadd.s32 $0x88, s3;
	s6 =	simm.s32 @!p1 $0x1082;
	[sflag:s4] =	ssyncset.s32 $0xFFFFF086  }
0x25: {  	[simem:s6], [sflag:s4] =	dma.local [hbm:s3], $0xF7A  }
0x26: {  	[smem:$0x3F9E] =	sst s1;
	(tag) =	ssettag s2;
	_ =	strace s9  }
0x27: {  	s1 =	sld [smem:$0x3FAE]  }
0x28: {  	s2 =	sld [smem:$0x3FAF]  }
0x29: {  	s4 =	sld [smem:$0x3FB1]  }
0x2a: {  	p0 =	seq.s32 s5, $0x0;
	s5 =	sld [smem:$0x3FB2]  }
0x2b: {  	s6 =	sld [smem:$0x3FB3]  }
0x2c: {  	s7 =	sld [smem:$0x3FB4]  }
0x2d: {  	s3 =	simm.s32 $0x108;
	s8 =	sld [smem:$0x3FB5]  }
0x2e: {  	s3 =	simm.s32 @!p0 $0x1082;
	s9 =	sld [smem:$0x3FB6]  }
0x2f: {  	lr =	sadd.s32 s0, s3;
	s0 =	sld [smem:$0x3FAD]  }
0x30: {  	s3 =	sld [smem:$0x3FB0]  }
0x31: {  	[smem:$0x3FB9] =	sst s10  }
0x32: {  	s10 =	sld [smem:$0x3FB7];
	_ =	sdelay $0x3  }
0x33: {  	p0 =	seq.s32 s10, $0x1;
	s10 =	sld [smem:$0x3FB9];
	_ =	sdelay $0x3  }
0x34: {  	[smem:$0x3FB9] =	sst s10  }
0x35: {  	s10 =	sld [smem:$0x3FB8];
	_ =	sdelay $0x3  }
0x36: {  	p1 =	seq.s32 s10, $0x1;
	s10 =	sld [smem:$0x3FB9];
	_ =	sdelay $0x3  }
0x37: {  	[smem:$0x3FB9] =	sst s10  }
0x38: {  	s10 =	sld [smem:$0x3FBA]  }
0x39: {  	_ = 	snop;
	(pc) =	sbr.ind lr, $3  }
0x3a: {  	_ = 	snop  }
0x3b: {  	_ = 	snop  }
0x3c: {  	p2 =	seq.s32 s10, $0x1;
	s10 =	sld [smem:$0x3FB9]  }
0x3d: {  	_ =	shalt  }
0x3e: {  	_ =	shalt  }
0x3f: {  	_ =	shalt  }
0x40: {  	_ =	shalt  }
0x41: {  	_ =	shalt  }
0x42: {  	_ =	shalt  }
0x43: {  	_ =	shalt  }
0x44: {  	_ =	shalt  }
0x45: {  	_ =	shalt  }
0x46: {  	_ =	shalt  }
0x47: {  	_ =	shalt  }
0x48: {  	_ =	shalt  }
0x49: {  	_ =	shalt  }
0x4a: {  	_ =	shalt  }
0x4b: {  	_ =	shalt  }
0x4c: {  	_ =	shalt  }
0x4d: {  	_ =	shalt  }
0x4e: {  	_ =	shalt  }
0x4f: {  	_ =	shalt  }
0x50: {  	_ =	shalt  }
0x51: {  	_ =	shalt  }
0x52: {  	_ =	shalt  }
0x53: {  	_ =	shalt  }
0x54: {  	_ =	shalt  }
0x55: {  	_ =	shalt  }
0x56: {  	_ =	shalt  }
0x57: {  	_ =	shalt  }
0x58: {  	_ =	shalt  }
0x59: {  	_ =	shalt  }
0x5a: {  	_ =	shalt  }
0x5b: {  	_ =	shalt  }
0x5c: {  	_ =	shalt  }
0x5d: {  	_ =	shalt  }
0x5e: {  	_ =	shalt  }
0x5f: {  	_ =	shalt  }
0x60: {  	_ =	shalt  }
0x61: {  	_ =	shalt  }
0x62: {  	_ =	shalt  }
0x63: {  	_ =	shalt  }
0x64: {  	_ =	shalt  }
0x65: {  	_ =	shalt  }
0x66: {  	_ =	shalt  }
0x67: {  	_ =	shalt  }
0x68: {  	_ =	shalt  }
0x69: {  	_ =	shalt  }
0x6a: {  	_ =	shalt  }
0x6b: {  	_ =	shalt  }
0x6c: {  	_ =	shalt  }
0x6d: {  	_ =	shalt  }
0x6e: {  	_ =	shalt  }
0x6f: {  	_ =	shalt  }
0x70: {  	_ =	shalt  }
0x71: {  	_ =	shalt  }
0x72: {  	_ =	shalt  }
0x73: {  	_ =	shalt  }
0x74: {  	_ =	shalt  }
0x75: {  	_ =	shalt  }
0x76: {  	_ =	shalt  }
0x77: {  	_ =	shalt  }
0x78: {  	_ =	shalt  }
0x79: {  	_ =	shalt  }
0x7a: {  	_ =	shalt  }
0x7b: {  	_ =	shalt  }
0x7c: {  	_ =	shalt  }
0x7d: {  	_ =	shalt  }
0x7e: {  	_ =	shalt  }
0x7f: {  	_ =	shalt  }
0x80: {  	_ =	shalt  }
0x81: {  	_ =	shalt  }
0x82: {  	_ =	shalt  }
0x83: {  	_ =	shalt  }
0x84: {  	_ =	shalt  }
0x85: {  	_ =	shalt  }
0x86: {  	_ =	shalt  }
0x87: {  	_ =	shalt  }
.Lfunc_end0:
.L_simem_size_0:
called_computation_lowered:
.L_overlay_start_0:
0x88: {  	s2 =	sld [smem:$0x3FD9]  }
0x89: {  	s3 =	sld [smem:$0x3FFE];
	_ =	sdelay $0x1  }
0x8a: {  	s1 =	srdreg.scid  }
0x8b: {  	s0 =	sand.u32 $0x1, s1  }
0x8c: {  	s17 =	sshll.u32 s0, $0xA;
	s2 =	sadd.s32 s3, s2  }
0x8d: {  	s2 =	sadd.s32 s2, s17  }
0x8e: {  	[smem:$0x3FC5] =	sst s2  }
0x8f: {  	_ = 	snop  }
0x90: {  	s2 =	sld [smem:$0x3FD0];
	(tm) =	ssettm $0x1  }
0x91: {  	s18 =	sld [smem:$0x3FFB];
	_ =	sdelay $0x3  }
0x92: {  	_ =	strace s18  }
0x93: {  	s3 =	sld [smem:$0x3FFC];
	_ =	sdelay $0x3  }
0x94: {  	_ =	strace s3  }
0x95: {  	s3 =	sld [smem:$0x3FFD];
	_ =	sdelay $0x3  }
0x96: {  	_ =	strace s3  }
0x97: {  	_ =	strace $0x8FFFFFFF  }
0x98: {  	s19 =	sld [smem:$0x3FDB];
	_ =	sdelay $0x1  }
0x99: {  	s4 =	simm.s32 $_scs_section_size  }
0x9a: {  	s5 =	simm.s32 $_size__tile_overlayer_lowered;
	s6 =	simm.s32 $_tile_overlayer_lowered  }
0x9b: {  	s22 =	simm.s32 $0x1BFF;
	s21 =	sshll.u32 s6, $0x1;
	s3 =	sadd.s32 s4, s19  }
0x9c: {  	s7 =	simm.s32 $0x0;
	s20 =	sshll.u32 s5, $0x1;
	s5 =	sadd.s32 s21, s3  }
0x9d: {  	[timem:s7], [sflag:s22] =	dma.local [hbm:s5], s20  }
0x9e: {  	_ =	swait.ge [sflag:s22], s20  }
0x9f: {  	s4 =	ssub.s32 $0x0, s20;
	[sflag:s22] =	ssyncset.done $0x0  }
0xa0: {  	[sflag:s22] =	ssyncadd.s32 s4;
	_ =	sdelay $0x1  }
0xa1: {  	s23 =	simm.s32 $0x1B8B  }
0xa2: {  	_ =	swait.ge [sflag:s23], $0x1  }
0xa3: {  	[sflag:s23] =	ssyncset.done $0x0  }
0xa4: {  	s25 =	simm.s32 $0x1B8E;
	s24 =	sld [smem:$0x3FFE];
	[sflag:s23] =	ssyncadd.s32 $0xFFFFFFFF  }
0xa5: {  	s26 =	simm.s32 $execute0_lowered;
	[smem:$0x3FD2] =	sst s25  }
0xa6: {  	s5 =	sshll.u32 s26, $0x1;
	_ =	strace $0x80000046;
	[dreg:$0x1] =	wrdreg $0xFFFFFFFF  }
0xa7: {  	s28 =	simm.s32 $_size_execute0_lowered;
	s3 =	sadd.s32 s3, s5;
	[dreg:$0x0] =	wrdreg $0x0  }
0xa8: {  	s5 =	sshll.u32 s28, $0x1;
	[dreg:$0x2] =	wrdreg s3  }
0xa9: {  	[dreg:$0x3] =	wrdreg s5  }
0xaa: {  	[dreg:$0x4] =	wrdreg $0xC0  }
0xab: {  	_ =	task [dreg:s7], $0x5FFFF  }
0xac: {  	[dreg:$0x1] =	wrdreg $0xFFFFFFFF  }
0xad: {  	[dreg:$0x0] =	wrdreg $0x60  }
0xae: {  	[dreg:$0x2] =	wrdreg s24  }
0xaf: {  	[dreg:$0x3] =	wrdreg s2  }
0xb0: {  	[dreg:$0x4] =	wrdreg $0xCA100  }
0xb1: {  	[dreg:$0x5] =	wrdreg $0x9  }
0xb2: {  	_ =	task.clear_ibuf [dreg:s7], $0x6FFFF;
	_ =	strace $0x90000046  }
0xb3: {  	s29 =	simm.s32 $0x9;
	_ =	strace $0x80000048  }
0xb4: {  	_ =	swait.ge [sflag:s29], $0x1  }
0xb5: {  	[sflag:s29] =	ssyncadd.s32 $0xFFFFFFFF  }
0xb6: {  	_ =	strace $0x90000048  }
0xb7: {  	_ =	sfence  }
0xb8: {  	s30 =	sld [smem:$0x0];
	_ =	sdelay $0x2  }
0xb9: {  	s31 =	sshll.u32 s1, $0xD;
	s1 =	sshrl.u32 s1, $0x2  }
0xba: {  	s3 =	sand.u32 $0x4000, s31;
	s1 =	sadd.s32 s1, s30  }
0xbb: {  	s0 =	sor.u32 s3, s0;
	s1 =	sshll.u32 s1, $0x11  }
0xbc: {  	s0 =	sor.u32 s1, s0  }
0xbd: {  	s0 =	sadd.s32 $0x8F2B, s0  }
0xbe: {  	[sflag:s0] =	ssyncadd.remote.s32 $0x1  }
0xbf: {  	_ =	sfence.sel $0xFFFF  }
0xc0: {  	[dreg:$0x0] =	wrdreg $0xFFFFFFFF;
	(pc) =	sbr.abs _section_cstart, $3  }
0xc1: {  	[dreg:$0x1] =	wrdreg $0xFFFFFFFF  }
0xc2: {  	_ =	task.clear_ibuf [dreg:s7], $0x2FFFF;
	_ =	strace $0x9FFFFFFF  }
0xc3: {  	(tm) =	ssettm $0x7FFFFFFF  }
tec
execute0_lowered:
.L_overlay_start_1:
0x0: {  	(tag) =	ssettag $0x1  }
0x1: {  	s0 =	rddreg [dreg:$0x0]  }
0x2: {  	s1 =	rddreg [dreg:$0x1]  }
0x3: {  	s7 =	stileid.u32;
	s2 =	rddreg [dreg:$0x2]  }
0x4: {  	v0 =	vimm.s32 $0xEDCBA987;
	s4 =	simm.s32 $0x0;
	v1 =	vimm.f32 $0.0e+00;
	v3 =	vimm.s32 $0x65432100;
	s23 =	srdreg.scid;
	s14 =	simm.s32 $0x8A10  }
0x5: {  	v5 =	vimm.s32 $0xDCBA9876;
	v6 =	vimm.s32 $0x54321000;
	v8 =	vimm.s32 $0xE40000;
	s15 =	simm.s32 $0x3;
	s17 =	simm.s32 $0x1;
	s18 =	simm.s32 $0x80  }
0x6: {  	v7 =	vimm.s32 $0xBA987654;
	s19 =	simm.s32 $0xAA10;
	s20 =	simm.s32 $0x2;
	s3 =	smul.u32 $0x208, s7;
	v5 =	vunpack.c.l.s4.s8 v5;
	v8 =	vunpack.c.l.s2.s4 v8  }
0x7: {  	v9 =	vimm.s32 $0x32100000;
	v2 =	vunpack.c.l.s4.s8 v0;
	[smem:$0x7FF] =	sst s4;
	s4 =	sadd.s32 $0x800, s0;
	s6 =	smul.u32 $0x20800, s7;
	v6 =	vunpack.c.l.s4.s8 v6  }
0x8: {  	s8 =	sadd.s32 $0x7C1200, s0;
	_ =	strace $0x80000047;
	v0 =	vmov s3;
	s3 =	sand.u32 $0x1, s23;
	v5 =	vunpack.c.0.s8.s32 v5;
	v8 =	vunpack.c.l.s4.s8 v8  }
0x9: {  	vm1 =	vmmov $0x3;
	v9 =	vunpack.c.l.s4.s8 v9;
	[dreg:$0x4] =	wrdreg s8;
	s6 =	sshrl.u32 s6, $0x2;
	v6 =	vunpack.c.0.s8.s32 v6;
	s5 =	sshll.u32 s3, $0x4  }
0xa: {  	vm0 =	vcmask $0x3F30;
	s3 =	ssub.s32 $0x2, s3;
	s6 =	sadd.s32 s6, s2;
	s5 =	sor.u32 s7, s5;
	v5 =	vand.u32 $0xF, v5;
	v8 =	vunpack.c.0.s8.s32 v8  }
0xb: {  	s24 =	sshrl.u32 s3, $0x1;
	s25 =	sadd.s32 $0x2000, s6;
	[dreg:$0x5] =	wrdreg s6;
	v5 =	vcombine.low v6, v5;
	v6 =	vunpack.c.0.s8.s32 v9;
	v9 =	vimm.s32 $0x7060504  }
0xc: {  	vm4 =	vmmov $0xf;
	v7 =	vunpack.c.l.s4.s8 v7;
	s26 =	sadd.s32 $0x4000, s6;
	s28 =	sadd.s32 $0x6000, s6;
	[dreg:$0x6] =	wrdreg s25;
	v9 =	vunpack.c.0.s8.s32 v9  }
0xd: {  	v3 =	vunpack.c.l.s4.s8 v3;
	v4 =	vunpack.c.0.s8.s32 v2;
	s29 =	sadd.s32 $0x8000, s6;
	s7 =	sshll.u32 s5, $0x6;
	[dreg:$0x7] =	wrdreg s26;
	v8 =	vand.u32 $0x3, v8  }
.Ltmp0:
0xe: {  	v7 =	vunpack.c.0.s8.s32 v7;
	s3 =	ssub.s32 s3, s24;
	[dreg:$0x8] =	wrdreg s28;
	v8 =	vsel vm0, v9, v8;
	v9 =	vimm.s32 $0x0;
	(pc) =	sbr.rel .LBB2_1-.Ltmp0, $4  }
0xf: {  	vm2 =	vmmov $0xff;
	v3 =	vunpack.c.0.s8.s32 v3;
	[dreg:$0x9] =	wrdreg s29;
	s0 =	sadd.s32 s7, s0;
	s31 =	smax.u32 s3, $0x1;
	v9 =	vsel vm1, $0xFFFFFFFF, v9  }
0x10: {  	v4 =	vand.u32 $0xF, v4;
	v7 =	vand.u32 $0xF, v7;
	s30 =	sshll.u32 s5, $0xC;
	s0 =	sadd.s32 $0x7C0800, s0;
	[dreg:$0xc] =	wrdreg s31;
	[tilespmem:$0x1FFE0] =	vst v9;
	v9 =	vimm.s32 $0x0  }
0x11: {  	v3 =	vcombine.low v3, v4;
	v4 =	vlaneseq.u32;
	p0 =	seq.s32 s5, $0x1F;
	[dreg:$0xa] =	wrdreg s0;
	s0 =	sadd.s32 s1, s30;
	v9 =	vsel vm4, $0xFFFFFFFF, v9  }
0x12: {  	v2 =	vimm.s32 $0x0;
	p1 =	seq.s32 s5, $0x0;
	v6 =	vcombine.low v6, v7;
	v7 =	vadd.s32 $0x1, v4;
	s1 =	simm.s32 $0x0;
	[dreg:$0xb] =	wrdreg s0;
	[tilespmem:$0x1FFF0] =	vst v9  }
.LBB2_22:
0x13: {  	s0 =	stileid.u32  }
0x14: {  	s6 =	rddreg [dreg:$0x5];
	s0 =	sshll.u32 s0, $0x6  }
0x15: {  	s3 =	rddreg [dreg:$0xb];
	s1 =	sshrl.u32 s6, $0x3;
	s0 =	sor.u32 $0x1C03, s0  }
0x16: {  	[hbm:s3], [sflag:s0] =	dma.local [spmem:s1], $0x1000  }
0x17: {  	_ =	swait.ge [sflag:s15], $0x1000  }
0x18: {  	s30 =	rddreg [dreg:$0xd]  }
0x19: {  	s31 =	rddreg [dreg:$0xc];
	s1 =	sadd.s32 $0x1, s30  }
0x1a: {  	p2 =	sne.s32 s1, s31  }
.Ltmp1:
0x1b: {  	_ = 	snop;
	(pc) =	sbr.rel @!p2 .LBB2_23-.Ltmp1, $3  }
0x1c: {  	_ =	sdelay $0x1  }
0x1d: {  	[sflag:s15] =	ssyncset.done $0x0  }
0x1e: {  	[sflag:s15] =	ssyncadd.s32 $0xFFFFF000  }
.LBB2_1:
0x1f: {  	s31 =	simm.s32 $0x0  }
0x20: {  	[dreg:$0xd] =	wrdreg s1;
	s0 =	simm.s32 $0x10;
	s1 =	sand.u32 $0x1FF0, s31  }
.LBB2_2:
0x21: {  	p2 =	sne.s32 s0, $0x1FF0;
	[tilespmem:s1+$0x8A10] =	vst v1;
	s1 =	smov.u32 s0;
	s0 =	sadd.s32 $0x10, s0  }
.Ltmp2:
0x22: {  	(pc) =	sbr.rel @p2 .LBB2_2-.Ltmp2, $2  }
0x23: {  	_ =	sdelay $0x2  }
0x24: {  	s1 =	sand.u32 $0x1FF0, s1  }
0x25: {  	[tilespmem:s1+$0x8A10] =	vst v1  }
0x26: {  	[spmem:s6] =	stream.linear.scatter [tilespmem:s14], [sflag:$0x3], $0x2000, $0x38;
	[tilespmem:$0x14C10] =	vst v63  }
0x27: {  	_ =	swait.ge [sflag:s15], $0x2000  }
0x28: {  	[sflag:s15] =	ssyncset.done $0x0  }
0x29: {  	s0 =	rddreg [dreg:$0x6];
	[sflag:s15] =	ssyncadd.s32 $0xFFFFE000  }
0x2a: {  	[spmem:s0] =	stream.linear.scatter [tilespmem:s14], [sflag:$0x3], $0x2000, $0x38;
	[tilespmem:$0x14C10] =	vst v63  }
0x2b: {  	_ =	swait.ge [sflag:s15], $0x2000  }
0x2c: {  	[sflag:s15] =	ssyncset.done $0x0  }
0x2d: {  	s25 =	rddreg [dreg:$0x7];
	[sflag:s15] =	ssyncadd.s32 $0xFFFFE000  }
0x2e: {  	[spmem:s25] =	stream.linear.scatter [tilespmem:s14], [sflag:$0x3], $0x2000, $0x38;
	[tilespmem:$0x14C10] =	vst v63  }
0x2f: {  	_ =	swait.ge [sflag:s15], $0x2000  }
0x30: {  	[sflag:s15] =	ssyncset.done $0x0  }
0x31: {  	s26 =	rddreg [dreg:$0x8];
	[sflag:s15] =	ssyncadd.s32 $0xFFFFE000  }
0x32: {  	[spmem:s26] =	stream.linear.scatter [tilespmem:s14], [sflag:$0x3], $0x2000, $0x38;
	[tilespmem:$0x14C10] =	vst v63  }
0x33: {  	_ =	swait.ge [sflag:s15], $0x2000  }
0x34: {  	[sflag:s15] =	ssyncset.done $0x0  }
0x35: {  	s28 =	rddreg [dreg:$0x9];
	[sflag:s15] =	ssyncadd.s32 $0xFFFFE000  }
0x36: {  	[spmem:s28] =	stream.linear.scatter [tilespmem:s14], [sflag:$0x3], $0x200, $0x38;
	[tilespmem:$0x14C10] =	vst v63  }
0x37: {  	_ =	swait.ge [sflag:s15], $0x200  }
0x38: {  	s29 =	simm.s32 $0x0;
	[sflag:s15] =	ssyncset.done $0x0  }
0x39: {  	s3 =	simm.s32 $0x8000;
	s30 =	rddreg [dreg:$0xa];
	[sflag:s15] =	ssyncadd.s32 $0xFFFFFE00  }
0x3a: {  	[tilespmem:s3], [sflag:$0x3] =	stream.linear.gather [hbm4b:s30+s29], $0x210, $0x38;
	[tilespmem:$0x14C10] =	vst v63  }
0x3b: {  	_ =	swait.ge [sflag:s15], $0x210  }
0x3c: {  	[sflag:s15] =	ssyncset.done $0x0  }
0x3d: {  	[sflag:s15] =	ssyncadd.s32 $0xFFFFFDF0  }
0x3e: {  	v9 =	vld [tilespmem:$0x8000]  }
0x3f: {  	v10 =	vld [tilespmem:$0x8200];
	_ =	sdelay $0x3  }
0x40: {  	(v2sf) =	vpush v9, $0x0  }
0x41: {  	(v2sf) =	vpush v10, $0x0;
	_ =	sdelay $0xd  }
0x42: {  	s0 =	spop (v2sf)  }
0x43: {  	s1 =	spop (v2sf);
	s0 =	simm.s32 @p1 $0x0  }
0x44: {  	s1 =	simm.s32 @p0 $0x50000;
	s31 =	sand.u32 $0xFFFFFF80, s0  }
0x45: {  	s3 =	ssub.s32 s1, s31  }
0x46: {  	s3 =	sadd.s32 $0x3FFF, s3  }
0x47: {  	s3 =	sshra.s32 s3, $0xE  }
0x48: {  	p2 =	slt.s32 s3, $0x1  }
.Ltmp3:
0x49: {  	_ = 	snop;
	(pc) =	sbr.rel @p2 .LBB2_22-.Ltmp3, $3  }
0x4a: {  	_ =	sdelay $0x1  }
0x4b: {  	[dreg:$0xe] =	wrdreg s31  }
0x4c: {  	[dreg:$0xf] =	wrdreg s3  }
.Ltmp4:
0x4d: {  	(pc) =	sbr.rel .LBB2_5-.Ltmp4, $3  }
0x4e: {  	_ =	sdelay $0x1  }
0x4f: {  	s31 =	sadd.s32 $0x7F, s1;
	s26 =	rddreg [dreg:$0xe]  }
0x50: {  	v9 =	vmov s0;
	s3 =	simm.s32 $0x0;
	[dreg:$0x10] =	wrdreg s31  }
.LBB2_20:
0x51: {  	[sflag:s15] =	ssyncadd.s32 $0xFFFFE000  }
.LBB2_21:
0x52: {  	s0 =	sand.u32 $0x1, s1  }
0x53: {  	p3 =	seq.s32 s0, $0x0  }
0x54: {  	s3 =	simm.s32 @!p3 $0x1  }
0x55: {  	_ =	swait.ge @!p3 [sflag:s3], $0x2000  }
0x56: {  	s1 =	sshll.u32 @!p3 s1, $0x7;
	s5 =	simm.s32 @!p3 $0x8A10;
	[sflag:s3] =	ssyncset.done @!p3 $0x0  }
0x57: {  	s1 =	sadd.s32 @!p3 $0x3F80, s1;
	[sflag:s3] =	ssyncadd.s32 @!p3 $0xFFFFE000;
	s3 =	simm.s32 @!p3 $0x80  }
0x58: {  	[spmem:s2] =	stream.indirect.scatter.add.f32 @!p3 [tilespmem:s5], [sflag:$0x3], $0x40, s1, s3, $0xb8;
	[tilespmem:$0x14C10] =	vst v63  }
0x59: {  	s1 =	simm.s32 @!p3 $0x3  }
0x5a: {  	p4 =	seq.s32 s0, $0x1;
	_ =	swait.ge @!p3 [sflag:s1], $0x2000  }
0x5b: {  	p2 =	por p2, p4;
	[sflag:s1] =	ssyncset.done @!p3 $0x0  }
0x5c: {  	s0 =	simm.s32 @!p2 $0x1;
	[sflag:s1] =	ssyncadd.s32 @!p3 $0xFFFFE000  }
0x5d: {  	_ =	swait.ge @!p2 [sflag:s0], $0x2000  }
0x5e: {  	s30 =	rddreg [dreg:$0x11]  }
0x5f: {  	s31 =	rddreg [dreg:$0xf];
	s3 =	sadd.s32 $0x1, s30  }
0x60: {  	v10 =	vld [tilespmem:$0x1FFE0];
	p3 =	sne.s32 s3, s31  }
.Ltmp5:
0x61: {  	_ = 	snop;
	(pc) =	sbr.rel @!p3 .LBB2_22-.Ltmp5, $3  }
0x62: {  	_ =	sdelay $0x1  }
0x63: {  	[sflag:s0] =	ssyncset.done @!p2 $0x0  }
0x64: {  	s26 =	sadd.s32 $0x4000, s26;
	[sflag:s0] =	ssyncadd.s32 @!p2 $0xFFFFE000;
	vm1 =	vnez.u8 v10  }
.LBB2_5:
0x65: {  	s0 =	simm.s32 $0x0  }
.LBB2_6:
0x66: {  	p2 =	sne.s32 s0, $0x3FF0  }
.Ltmp6:
0x67: {  	_ = 	snop;
	(pc) =	sbr.rel @p2 .LBB2_6-.Ltmp6, $3  }
0x68: {  	_ =	sdelay $0x1  }
0x69: {  	s1 =	sand.u32 $0x3FF0, s0  }
0x6a: {  	s0 =	sadd.s32 $0x10, s0;
	[tilespmem:s1+$0x4000] =	vst v2  }
0x6b: {  	s0 =	simm.s32 $0x40;
	s1 =	simm.s32 $0x0  }
.LBB2_8:
0x6c: {  	p2 =	sne.s32 s0, $0xFC0;
	[tilespmem:s1+$0x8210] =	vst v2;
	s1 =	smov.u32 s0;
	s0 =	sadd.s32 $0x40, s0  }
.Ltmp7:
0x6d: {  	(pc) =	sbr.rel @p2 .LBB2_8-.Ltmp7, $2  }
0x6e: {  	_ =	sdelay $0x2  }
0x6f: {  	s1 =	sshra.s32 s1, $0x2  }
0x70: {  	s0 =	sshll.u32 s3, $0xE;
	s30 =	rddreg [dreg:$0xe]  }
0x71: {  	s28 =	sadd.s32 s30, s0  }
0x72: {  	s31 =	rddreg [dreg:$0x4];
	s0 =	sshrl.u32 s28, $0x3  }
0x73: {  	[dreg:$0x11] =	wrdreg s3;
	[tilespmem:s1+$0x8210] =	vst v2;
	s29 =	simm.s32 $0x0;
	s0 =	sadd.s32 s31, s0  }
0x74: {  	[tilespmem:s29], [sflag:$0x3] =	stream.linear.gather [hbm4b:s0+s29], $0x4000, $0x38;
	[tilespmem:$0x14C10] =	vst v63  }
0x75: {  	_ =	swait.ge [sflag:s15], $0x4000  }
0x76: {  	[sflag:s15] =	ssyncset.done $0x0  }
0x77: {  	s1 =	simm.s32 $0x40;
	s0 =	simm.s32 $0x0;
	[sflag:s15] =	ssyncadd.s32 $0xFFFFC000  }
.LBB2_10:
0x78: {  	p2 =	sne.s32 s1, $0xFFC0;
	v10 =	vld [tilespmem:s0+$0x0];
	_ =	sdelay $0x4  }
.Ltmp8:
0x79: {  	v11 =	vshll.u32 v10, $0x1;
	(pc) =	sbr.rel @p2 .LBB2_10-.Ltmp8, $4  }
0x7a: {  	v12 =	vshrl.u32 v10, $0xB;
	v10 =	vand.u32 $0xFFFFF000, v10;
	v11 =	vand.u32 $0xFFE, v11  }
0x7b: {  	v12 =	vand.u32 $0x1, v12;
	v10 =	vor.u32 v10, v11  }
0x7c: {  	v10 =	vor.u32 v12, v10  }
0x7d: {  	[tilespmem:s0+$0x0] =	vst v10;
	s0 =	sshra.s32 s1, $0x2;
	s1 =	sadd.s32 $0x40, s1  }
0x7e: {  	v10 =	vld [tilespmem:s0+$0x0];
	_ =	sdelay $0x4  }
0x7f: {  	v11 =	vshll.u32 v10, $0x1  }
0x80: {  	v12 =	vshrl.u32 v10, $0xB;
	v10 =	vand.u32 $0xFFFFF000, v10;
	v11 =	vand.u32 $0xFFE, v11  }
0x81: {  	v12 =	vand.u32 $0x1, v12;
	v10 =	vor.u32 v10, v11  }
0x82: {  	v10 =	vor.u32 v12, v10  }
0x83: {  	s16 =	simm.s32 $0xFFFFFFF0;
	s31 =	simm.s32 $0x8000;
	s1 =	simm.s32 $0x0;
	[tilespmem:s0+$0x0] =	vst v10  }
.LBB2_12:
0x84: {  	v10 =	vld [tilespmem:s31+$0x0];
	_ =	sdelay $0x4  }
0x85: {  	(v2sf) =	vpush v10, $0x0;
	_ =	sdelay $0xe  }
0x86: {  	p2 =	slt.u32 s16, $0x200;
	s0 =	spop (v2sf)  }
0x87: {  	s0 =	simm.s32 @!p2 $0xA0000  }
0x88: {  	(v2sf) =	vpush v10, $0x1;
	p2 =	seq.s32 s1, $0x20;
	s3 =	smov.u32 s0  }
0x89: {  	s3 =	simm.s32 @p2 $0x50000  }
0x8a: {  	s0 =	smov.u32 @p0 s3  }
0x8b: {  	s5 =	ssub.s32 s0, s28  }
0x8c: {  	p2 =	sgt.s32 s5, $0x0;
	s0 =	smov.u32 s5  }
0x8d: {  	s0 =	simm.s32 @!p2 $0x0  }
0x8e: {  	s0 =	smin.u32 s0, $0x3FFF  }
0x8f: {  	s25 =	sand.u32 $0x3FF0, s0  }
0x90: {  	v11 =	vld [tilespmem:s25+$0x4000]  }
0x91: {  	s6 =	simm.s32 $0x1;
	p2 =	slt.u32 s5, $0x4000;
	s30 =	sand.u32 $0xF, s0  }
0x92: {  	s6 =	simm.s32 @!p2 $0x0;
	v12 =	vmov s30  }
0x93: {  	v55 =	vmov s6;
	vm0 =	vlt.u32 v12, v7  }
0x94: {  	v13 =	vnsel vm0, $0x0, v55  }
0x95: {  	s0 =	sshrl.u32 s0, $0x4;
	v11 =	vadd.s32 v11, v13  }
0x96: {  	(v2sf) =	vpush v10, $0x2;
	s6 =	sand.u32 $0x3F0, s0;
	[tilespmem:s25+$0x4000] =	vst v11  }
0x97: {  	[dreg:$0x12] =	wrdreg s5;
	p2 =	slt.u32 s1, $0x20;
	s5 =	spop (v2sf);
	v11 =	vld [tilespmem:s6+$0x8210]  }
0x98: {  	s0 =	sand.u32 $0xF, s0;
	s5 =	simm.s32 @!p2 $0xA0000  }
0x99: {  	v56 =	vmov s0;
	s7 =	ssub.s32 s5, s28  }
0x9a: {  	vm0 =	veq.s32 v56, v4;
	p3 =	sgt.s32 s7, $0x0;
	s5 =	smov.u32 s7  }
0x9b: {  	v12 =	vnsel vm0, $0x0, v55;
	s5 =	simm.s32 @!p3 $0x0  }
0x9c: {  	s5 =	smin.u32 s5, $0x3FFF;
	v11 =	vadd.s32 v11, v12  }
0x9d: {  	s8 =	sand.u32 $0x3FF0, s5;
	[tilespmem:s6+$0x8210] =	vst v11  }
0x9e: {  	[dreg:$0x13] =	wrdreg s7;
	v11 =	vld [tilespmem:s8+$0x4000]  }
0x9f: {  	p3 =	slt.u32 s7, $0x4000;
	s7 =	simm.s32 $0x1;
	s9 =	sand.u32 $0xF, s5  }
0xa0: {  	s7 =	simm.s32 @!p3 $0x0;
	v57 =	vmov s9  }
0xa1: {  	v58 =	vmov s7;
	vm0 =	vlt.u32 v57, v7  }
0xa2: {  	v59 =	vnsel vm0, $0x0, v58  }
0xa3: {  	s5 =	sshrl.u32 s5, $0x4;
	v11 =	vadd.s32 v11, v59  }
0xa4: {  	(v2sf) =	vpush v10, $0x3;
	s10 =	sand.u32 $0x3F0, s5;
	[tilespmem:s8+$0x4000] =	vst v11  }
0xa5: {  	s6 =	spop (v2sf);
	v11 =	vld [tilespmem:s10+$0x8210]  }
0xa6: {  	s5 =	sand.u32 $0xF, s5;
	s6 =	simm.s32 @!p2 $0xA0000  }
0xa7: {  	v60 =	vmov s5;
	s7 =	ssub.s32 s6, s28  }
0xa8: {  	vm0 =	veq.s32 v60, v4;
	p3 =	sgt.s32 s7, $0x0;
	s5 =	smov.u32 s7  }
0xa9: {  	v12 =	vnsel vm0, $0x0, v58;
	s5 =	simm.s32 @!p3 $0x0  }
0xaa: {  	s5 =	smin.u32 s5, $0x3FFF;
	v11 =	vadd.s32 v11, v12  }
0xab: {  	s11 =	sand.u32 $0x3FF0, s5;
	[tilespmem:s10+$0x8210] =	vst v11  }
0xac: {  	v11 =	vld [tilespmem:s11+$0x4000]  }
0xad: {  	p3 =	slt.u32 s7, $0x4000;
	s12 =	sand.u32 $0xF, s5;
	s8 =	simm.s32 $0x1  }
0xae: {  	v61 =	vmov s12;
	s8 =	simm.s32 @!p3 $0x0  }
0xaf: {  	vm0 =	vlt.u32 v61, v7;
	v62 =	vmov s8  }
0xb0: {  	v63 =	vnsel vm0, $0x0, v62  }
0xb1: {  	s5 =	sshrl.u32 s5, $0x4;
	v11 =	vadd.s32 v11, v63  }
0xb2: {  	(v2sf) =	vpush v10, $0x4;
	s13 =	sand.u32 $0x3F0, s5;
	[tilespmem:s11+$0x4000] =	vst v11  }
0xb3: {  	s6 =	spop (v2sf);
	v11 =	vld [tilespmem:s13+$0x8210]  }
0xb4: {  	s5 =	sand.u32 $0xF, s5;
	s6 =	simm.s32 @!p2 $0xA0000  }
0xb5: {  	v16 =	vmov s5;
	s8 =	ssub.s32 s6, s28  }
0xb6: {  	vm0 =	veq.s32 v16, v4;
	p3 =	sgt.s32 s8, $0x0;
	s5 =	smov.u32 s8  }
0xb7: {  	s5 =	simm.s32 @!p3 $0x0;
	v12 =	vnsel vm0, $0x0, v62  }
0xb8: {  	s5 =	smin.u32 s5, $0x3FFF;
	v11 =	vadd.s32 v12, v11  }
0xb9: {  	s21 =	sand.u32 $0x3FF0, s5;
	[tilespmem:s13+$0x8210] =	vst v11  }
0xba: {  	v11 =	vld [tilespmem:s21+$0x4000]  }
0xbb: {  	s9 =	simm.s32 $0x1;
	p3 =	slt.u32 s8, $0x4000;
	s22 =	sand.u32 $0xF, s5  }
0xbc: {  	s9 =	simm.s32 @!p3 $0x0;
	v17 =	vmov s22  }
0xbd: {  	v18 =	vmov s9;
	vm0 =	vlt.u32 v17, v7  }
0xbe: {  	v19 =	vnsel vm0, $0x0, v18  }
0xbf: {  	s5 =	sshrl.u32 s5, $0x4;
	v11 =	vadd.s32 v19, v11  }
0xc0: {  	(v2sf) =	vpush v10, $0x5;
	s23 =	sand.u32 $0x3F0, s5;
	[tilespmem:s21+$0x4000] =	vst v11  }
0xc1: {  	s6 =	spop (v2sf);
	v11 =	vld [tilespmem:s23+$0x8210]  }
0xc2: {  	s5 =	sand.u32 $0xF, s5;
	s6 =	simm.s32 @!p2 $0xA0000  }
0xc3: {  	v20 =	vmov s5;
	s9 =	ssub.s32 s6, s28  }
0xc4: {  	vm0 =	veq.s32 v20, v4;
	p3 =	sgt.s32 s9, $0x0;
	s5 =	smov.u32 s9  }
0xc5: {  	s5 =	simm.s32 @!p3 $0x0;
	v12 =	vnsel vm0, $0x0, v18  }
0xc6: {  	s5 =	smin.u32 s5, $0x3FFF;
	v11 =	vadd.s32 v12, v11  }
0xc7: {  	s24 =	sand.u32 $0x3FF0, s5;
	[tilespmem:s23+$0x8210] =	vst v11  }
0xc8: {  	v11 =	vld [tilespmem:s24+$0x4000]  }
0xc9: {  	s10 =	simm.s32 $0x1;
	p3 =	slt.u32 s9, $0x4000;
	s25 =	sand.u32 $0xF, s5  }
0xca: {  	s10 =	simm.s32 @!p3 $0x0;
	v21 =	vmov s25  }
0xcb: {  	v22 =	vmov s10;
	vm0 =	vlt.u32 v21, v7  }
0xcc: {  	v23 =	vnsel vm0, $0x0, v22  }
0xcd: {  	s5 =	sshrl.u32 s5, $0x4;
	v11 =	vadd.s32 v23, v11  }
0xce: {  	(v2sf) =	vpush v10, $0x6;
	s30 =	sand.u32 $0x3F0, s5;
	[tilespmem:s24+$0x4000] =	vst v11  }
0xcf: {  	s6 =	spop (v2sf);
	v11 =	vld [tilespmem:s30+$0x8210]  }
0xd0: {  	s5 =	sand.u32 $0xF, s5;
	s6 =	simm.s32 @!p2 $0xA0000  }
0xd1: {  	v24 =	vmov s5;
	s10 =	ssub.s32 s6, s28  }
0xd2: {  	p3 =	sgt.s32 s10, $0x0;
	s5 =	smov.u32 s10;
	vm0 =	veq.s32 v24, v4  }
0xd3: {  	s5 =	simm.s32 @!p3 $0x0;
	v12 =	vnsel vm0, $0x0, v22  }
0xd4: {  	s5 =	smin.u32 s5, $0x3FFF;
	v11 =	vadd.s32 v12, v11  }
0xd5: {  	s0 =	sand.u32 $0x3FF0, s5;
	[tilespmem:s30+$0x8210] =	vst v11  }
0xd6: {  	v11 =	vld [tilespmem:s0+$0x4000]  }
0xd7: {  	s11 =	simm.s32 $0x1;
	p3 =	slt.u32 s10, $0x4000;
	s12 =	sand.u32 $0xF, s5  }
0xd8: {  	s11 =	simm.s32 @!p3 $0x0;
	v25 =	vmov s12  }
0xd9: {  	v26 =	vmov s11;
	vm0 =	vlt.u32 v25, v7  }
0xda: {  	v27 =	vnsel vm0, $0x0, v26  }
0xdb: {  	s5 =	sshrl.u32 s5, $0x4;
	v11 =	vadd.s32 v27, v11  }
0xdc: {  	(v2sf) =	vpush v10, $0x7;
	s13 =	sand.u32 $0x3F0, s5;
	[tilespmem:s0+$0x4000] =	vst v11  }
0xdd: {  	s6 =	spop (v2sf);
	v11 =	vld [tilespmem:s13+$0x8210]  }
0xde: {  	s5 =	sand.u32 $0xF, s5;
	s6 =	simm.s32 @!p2 $0xA0000  }
0xdf: {  	v28 =	vmov s5;
	s11 =	ssub.s32 s6, s28  }
0xe0: {  	p3 =	sgt.s32 s11, $0x0;
	s5 =	smov.u32 s11;
	vm0 =	veq.s32 v28, v4  }
0xe1: {  	s5 =	simm.s32 @!p3 $0x0;
	v12 =	vnsel vm0, $0x0, v26  }
0xe2: {  	s5 =	smin.u32 s5, $0x3FFF;
	v11 =	vadd.s32 v12, v11  }
0xe3: {  	s21 =	sand.u32 $0x3FF0, s5;
	[tilespmem:s13+$0x8210] =	vst v11  }
0xe4: {  	v11 =	vld [tilespmem:s21+$0x4000]  }
0xe5: {  	s12 =	simm.s32 $0x1;
	p3 =	slt.u32 s11, $0x4000;
	s22 =	sand.u32 $0xF, s5  }
0xe6: {  	s12 =	simm.s32 @!p3 $0x0;
	v29 =	vmov s22  }
0xe7: {  	v30 =	vmov s12;
	vm0 =	vlt.u32 v29, v7  }
0xe8: {  	v31 =	vnsel vm0, $0x0, v30  }
0xe9: {  	s5 =	sshrl.u32 s5, $0x4;
	v11 =	vadd.s32 v31, v11  }
0xea: {  	(v2sf) =	vpush v10, $0x8;
	s23 =	sand.u32 $0x3F0, s5;
	[tilespmem:s21+$0x4000] =	vst v11  }
0xeb: {  	s6 =	spop (v2sf);
	v11 =	vld [tilespmem:s23+$0x8210]  }
0xec: {  	s6 =	simm.s32 @!p2 $0xA0000;
	s5 =	sand.u32 $0xF, s5  }
0xed: {  	s12 =	ssub.s32 s6, s28;
	v32 =	vmov s5  }
0xee: {  	p3 =	sgt.s32 s12, $0x0;
	s5 =	smov.u32 s12;
	vm0 =	veq.s32 v32, v4  }
0xef: {  	s5 =	simm.s32 @!p3 $0x0;
	v12 =	vnsel vm0, $0x0, v30  }
0xf0: {  	s5 =	smin.u32 s5, $0x3FFF;
	v11 =	vadd.s32 v12, v11  }
0xf1: {  	s24 =	sand.u32 $0x3FF0, s5;
	[tilespmem:s23+$0x8210] =	vst v11  }
0xf2: {  	v11 =	vld [tilespmem:s24+$0x4000]  }
0xf3: {  	p3 =	slt.u32 s12, $0x4000;
	s25 =	sand.u32 $0xF, s5;
	s13 =	simm.s32 $0x1  }
0xf4: {  	v33 =	vmov s25;
	s13 =	simm.s32 @!p3 $0x0  }
0xf5: {  	vm0 =	vlt.u32 v33, v7;
	v34 =	vmov s13  }
0xf6: {  	v35 =	vnsel vm0, $0x0, v34  }
0xf7: {  	s5 =	sshrl.u32 s5, $0x4;
	v11 =	vadd.s32 v35, v11  }
0xf8: {  	(v2sf) =	vpush v10, $0x9;
	s30 =	sand.u32 $0x3F0, s5;
	[tilespmem:s24+$0x4000] =	vst v11  }
0xf9: {  	s6 =	spop (v2sf);
	v11 =	vld [tilespmem:s30+$0x8210]  }
0xfa: {  	s6 =	simm.s32 @!p2 $0xA0000;
	s5 =	sand.u32 $0xF, s5  }
0xfb: {  	v36 =	vmov s5;
	s13 =	ssub.s32 s6, s28  }
0xfc: {  	vm0 =	veq.s32 v36, v4;
	p3 =	sgt.s32 s13, $0x0;
	s5 =	smov.u32 s13  }
0xfd: {  	s5 =	simm.s32 @!p3 $0x0;
	v12 =	vnsel vm0, $0x0, v34  }
0xfe: {  	s5 =	smin.u32 s5, $0x3FFF;
	v11 =	vadd.s32 v12, v11  }
0xff: {  	s0 =	sand.u32 $0x3FF0, s5;
	[tilespmem:s30+$0x8210] =	vst v11  }
0x100: {  	v11 =	vld [tilespmem:s0+$0x4000]  }
0x101: {  	p3 =	slt.u32 s13, $0x4000;
	s22 =	sand.u32 $0xF, s5;
	s21 =	simm.s32 $0x1  }
0x102: {  	v37 =	vmov s22;
	s21 =	simm.s32 @!p3 $0x0  }
0x103: {  	v38 =	vmov s21;
	vm0 =	vlt.u32 v37, v7  }
0x104: {  	v39 =	vnsel vm0, $0x0, v38  }
0x105: {  	s5 =	sshrl.u32 s5, $0x4;
	v11 =	vadd.s32 v39, v11  }
0x106: {  	(v2sf) =	vpush v10, $0xA;
	s23 =	sand.u32 $0x3F0, s5;
	[tilespmem:s0+$0x4000] =	vst v11  }
0x107: {  	s6 =	spop (v2sf);
	v11 =	vld [tilespmem:s23+$0x8210]  }
0x108: {  	s6 =	simm.s32 @!p2 $0xA0000;
	s5 =	sand.u32 $0xF, s5  }
0x109: {  	s6 =	ssub.s32 s6, s28;
	v40 =	vmov s5  }
0x10a: {  	p3 =	sgt.s32 s6, $0x0;
	s5 =	smov.u32 s6;
	vm0 =	veq.s32 v40, v4  }
0x10b: {  	s5 =	simm.s32 @!p3 $0x0;
	v12 =	vnsel vm0, $0x0, v38  }
0x10c: {  	s5 =	smin.u32 s5, $0x3FFF;
	v11 =	vadd.s32 v12, v11  }
0x10d: {  	s24 =	sand.u32 $0x3FF0, s5;
	[tilespmem:s23+$0x8210] =	vst v11  }
0x10e: {  	v11 =	vld [tilespmem:s24+$0x4000]  }
0x10f: {  	p3 =	slt.u32 s6, $0x4000;
	s25 =	sand.u32 $0xF, s5;
	s23 =	simm.s32 $0x1  }
0x110: {  	v41 =	vmov s25;
	s23 =	simm.s32 @!p3 $0x0  }
0x111: {  	vm0 =	vlt.u32 v41, v7;
	v42 =	vmov s23  }
0x112: {  	v43 =	vnsel vm0, $0x0, v42  }
0x113: {  	s5 =	sshrl.u32 s5, $0x4;
	v11 =	vadd.s32 v43, v11  }
0x114: {  	(v2sf) =	vpush v10, $0xB;
	s30 =	sand.u32 $0x3F0, s5;
	[tilespmem:s24+$0x4000] =	vst v11  }
0x115: {  	s21 =	spop (v2sf);
	v11 =	vld [tilespmem:s30+$0x8210]  }
0x116: {  	s21 =	simm.s32 @!p2 $0xA0000;
	s5 =	sand.u32 $0xF, s5  }
0x117: {  	s21 =	ssub.s32 s21, s28;
	v44 =	vmov s5  }
0x118: {  	s5 =	smov.u32 s21;
	p3 =	sgt.s32 s21, $0x0;
	vm0 =	veq.s32 v44, v4  }
0x119: {  	s5 =	simm.s32 @!p3 $0x0;
	v12 =	vnsel vm0, $0x0, v42  }
0x11a: {  	s5 =	smin.u32 s5, $0x3FFF;
	v11 =	vadd.s32 v12, v11  }
0x11b: {  	s0 =	sand.u32 $0x3FF0, s5;
	[tilespmem:s30+$0x8210] =	vst v11  }
0x11c: {  	v11 =	vld [tilespmem:s0+$0x4000]  }
0x11d: {  	p3 =	slt.u32 s21, $0x4000;
	s22 =	sand.u32 $0xF, s5;
	s24 =	simm.s32 $0x1  }
0x11e: {  	v45 =	vmov s22;
	s24 =	simm.s32 @!p3 $0x0  }
0x11f: {  	vm0 =	vlt.u32 v45, v7;
	v46 =	vmov s24  }
0x120: {  	v47 =	vnsel vm0, $0x0, v46  }
0x121: {  	s5 =	sshrl.u32 s5, $0x4;
	v11 =	vadd.s32 v47, v11  }
0x122: {  	(v2sf) =	vpush v10, $0xC;
	s25 =	sand.u32 $0x3F0, s5;
	[tilespmem:s0+$0x4000] =	vst v11  }
0x123: {  	s3 =	spop (v2sf);
	v11 =	vld [tilespmem:s25+$0x8210]  }
0x124: {  	s3 =	simm.s32 @!p2 $0xA0000;
	s5 =	sand.u32 $0xF, s5  }
0x125: {  	s3 =	ssub.s32 s3, s28;
	v48 =	vmov s5  }
0x126: {  	s5 =	smov.u32 s3;
	p3 =	sgt.s32 s3, $0x0;
	vm0 =	veq.s32 v48, v4  }
0x127: {  	s5 =	simm.s32 @!p3 $0x0;
	v12 =	vnsel vm0, $0x0, v46  }
0x128: {  	s5 =	smin.u32 s5, $0x3FFF;
	v11 =	vadd.s32 v12, v11  }
0x129: {  	s30 =	sand.u32 $0x3FF0, s5;
	[tilespmem:s25+$0x8210] =	vst v11  }
0x12a: {  	v11 =	vld [tilespmem:s30+$0x4000]  }
0x12b: {  	s22 =	simm.s32 $0x1;
	p3 =	slt.u32 s3, $0x4000;
	s0 =	sand.u32 $0xF, s5  }
0x12c: {  	s22 =	simm.s32 @!p3 $0x0;
	v49 =	vmov s0  }
0x12d: {  	v50 =	vmov s22;
	vm0 =	vlt.u32 v49, v7  }
0x12e: {  	v51 =	vnsel vm0, $0x0, v50  }
0x12f: {  	s5 =	sshrl.u32 s5, $0x4;
	v11 =	vadd.s32 v51, v11  }
0x130: {  	(v2sf) =	vpush v10, $0xD;
	s25 =	sand.u32 $0x3F0, s5;
	[tilespmem:s30+$0x4000] =	vst v11  }
0x131: {  	s23 =	spop (v2sf);
	v11 =	vld [tilespmem:s25+$0x8210]  }
0x132: {  	s23 =	simm.s32 @!p2 $0xA0000;
	s5 =	sand.u32 $0xF, s5  }
0x133: {  	v52 =	vmov s5;
	s5 =	ssub.s32 s23, s28  }
0x134: {  	vm0 =	veq.s32 v52, v4;
	p3 =	sgt.s32 s5, $0x0;
	s23 =	smov.u32 s5  }
0x135: {  	v12 =	vnsel vm0, $0x0, v50;
	s23 =	simm.s32 @!p3 $0x0  }
0x136: {  	s23 =	smin.u32 s23, $0x3FFF;
	v11 =	vadd.s32 v12, v11  }
0x137: {  	s30 =	sand.u32 $0x3FF0, s23;
	[tilespmem:s25+$0x8210] =	vst v11  }
0x138: {  	v11 =	vld [tilespmem:s30+$0x4000]  }
0x139: {  	p3 =	slt.u32 s5, $0x4000;
	s0 =	sand.u32 $0xF, s23;
	s25 =	simm.s32 $0x1  }
0x13a: {  	v53 =	vmov s0;
	s25 =	simm.s32 @!p3 $0x0  }
0x13b: {  	vm0 =	vlt.u32 v53, v7;
	v54 =	vmov s25  }
0x13c: {  	v55 =	vnsel vm0, $0x0, v54  }
0x13d: {  	s23 =	sshrl.u32 s23, $0x4;
	v11 =	vadd.s32 v55, v11  }
0x13e: {  	(v2sf) =	vpush v10, $0xE;
	s25 =	sand.u32 $0x3F0, s23;
	[tilespmem:s30+$0x4000] =	vst v11  }
0x13f: {  	s24 =	spop (v2sf);
	v11 =	vld [tilespmem:s25+$0x8210]  }
0x140: {  	s24 =	simm.s32 @!p2 $0xA0000;
	s23 =	sand.u32 $0xF, s23  }
0x141: {  	s24 =	ssub.s32 s24, s28;
	v56 =	vmov s23  }
0x142: {  	p3 =	sgt.s32 s24, $0x0;
	s23 =	smov.u32 s24;
	vm0 =	veq.s32 v56, v4  }
0x143: {  	s23 =	simm.s32 @!p3 $0x0;
	v12 =	vnsel vm0, $0x0, v54  }
0x144: {  	s23 =	smin.u32 s23, $0x3FFF;
	v11 =	vadd.s32 v12, v11  }
0x145: {  	s22 =	sand.u32 $0x3FF0, s23;
	[tilespmem:s25+$0x8210] =	vst v11  }
0x146: {  	v11 =	vld [tilespmem:s22+$0x4000]  }
0x147: {  	s0 =	simm.s32 $0x1;
	p3 =	slt.u32 s24, $0x4000;
	s30 =	sand.u32 $0xF, s23  }
0x148: {  	s0 =	simm.s32 @!p3 $0x0;
	v57 =	vmov s30  }
0x149: {  	v58 =	vmov s0;
	vm0 =	vlt.u32 v57, v7  }
0x14a: {  	v59 =	vnsel vm0, $0x0, v58  }
0x14b: {  	s30 =	sshrl.u32 s23, $0x4;
	v11 =	vadd.s32 v59, v11  }
0x14c: {  	(v2sf) =	vpush v10, $0xF;
	s25 =	sand.u32 $0x3F0, s30;
	[tilespmem:s22+$0x4000] =	vst v11  }
0x14d: {  	s23 =	spop (v2sf);
	v10 =	vld [tilespmem:s25+$0x8210]  }
0x14e: {  	s0 =	sand.u32 $0xF, s30;
	s23 =	simm.s32 @!p2 $0xA0000  }
0x14f: {  	s23 =	ssub.s32 s23, s28;
	v11 =	vmov s0  }
0x150: {  	p3 =	sgt.s32 s23, $0x0;
	s0 =	smov.u32 s23;
	vm0 =	veq.s32 v11, v4  }
0x151: {  	s0 =	simm.s32 @!p3 $0x0;
	v11 =	vnsel vm0, $0x0, v58  }
0x152: {  	s0 =	smin.u32 s0, $0x3FFF;
	v10 =	vadd.s32 v11, v10  }
0x153: {  	s22 =	sand.u32 $0x3FF0, s0;
	[tilespmem:s25+$0x8210] =	vst v10  }
0x154: {  	v10 =	vld [tilespmem:s22+$0x4000]  }
0x155: {  	s30 =	simm.s32 $0x1;
	p3 =	slt.u32 s23, $0x4000;
	s25 =	sand.u32 $0xF, s0  }
0x156: {  	s30 =	simm.s32 @!p3 $0x0;
	v11 =	vmov s25  }
0x157: {  	vm0 =	vlt.u32 v11, v7;
	v11 =	vmov s30  }
0x158: {  	v60 =	vnsel vm0, $0x0, v11  }
0x159: {  	s0 =	sshrl.u32 s0, $0x4;
	v10 =	vadd.s32 v60, v10  }
0x15a: {  	[tilespmem:s22+$0x4000] =	vst v10;
	s22 =	sand.u32 $0x3F0, s0  }
0x15b: {  	s25 =	spop (v2sf);
	v10 =	vld [tilespmem:s22+$0x8210]  }
0x15c: {  	s25 =	simm.s32 @!p2 $0xA0000;
	s0 =	sand.u32 $0xF, s0  }
0x15d: {  	s30 =	rddreg [dreg:$0x13];
	v61 =	vmov s0;
	s0 =	ssub.s32 s25, s28  }
0x15e: {  	s25 =	sshrl.u32 s30, $0x1F;
	vm0 =	veq.s32 v61, v4;
	p2 =	sgt.s32 s0, $0x0;
	s30 =	smov.u32 s0  }
0x15f: {  	s7 =	sshrl.u32 s7, $0x1F;
	s8 =	sshrl.u32 s8, $0x1F;
	v11 =	vnsel vm0, $0x0, v11;
	s30 =	simm.s32 @!p2 $0x0  }
0x160: {  	s9 =	sshrl.u32 s9, $0x1F;
	s25 =	sadd.s32 s29, s25;
	s29 =	smin.u32 s30, $0x3FFF;
	v10 =	vadd.s32 v11, v10  }
0x161: {  	s10 =	sshrl.u32 s10, $0x1F;
	s7 =	sadd.s32 s7, s25;
	[tilespmem:s22+$0x8210] =	vst v10;
	s22 =	sand.u32 $0x3FF0, s29  }
0x162: {  	p2 =	slt.u32 s0, $0x4000;
	s7 =	sadd.s32 s8, s7;
	s8 =	sshrl.u32 s11, $0x1F;
	v10 =	vld [tilespmem:s22+$0x4000]  }
0x163: {  	s11 =	simm.s32 $0x1;
	s7 =	sadd.s32 s9, s7;
	s25 =	sand.u32 $0xF, s29  }
0x164: {  	s11 =	simm.s32 @!p2 $0x0;
	s7 =	sadd.s32 s10, s7;
	v11 =	vmov s25  }
0x165: {  	s30 =	sshrl.u32 s12, $0x1F;
	s7 =	sadd.s32 s8, s7;
	vm0 =	vlt.u32 v11, v7;
	v11 =	vmov s11  }
0x166: {  	s6 =	sshrl.u32 s6, $0x1F;
	s9 =	sshrl.u32 s13, $0x1F;
	s7 =	sadd.s32 s30, s7;
	v62 =	vnsel vm0, $0x0, v11  }
0x167: {  	s3 =	sshrl.u32 s3, $0x1F;
	s13 =	sshrl.u32 s29, $0x4;
	s7 =	sadd.s32 s9, s7;
	v10 =	vadd.s32 v62, v10  }
0x168: {  	s12 =	sshrl.u32 s21, $0x1F;
	s21 =	sand.u32 $0x3F0, s13;
	s6 =	sadd.s32 s6, s7;
	[tilespmem:s22+$0x4000] =	vst v10  }
0x169: {  	s5 =	sshrl.u32 s5, $0x1F;
	p2 =	sne.s32 s1, $0x20;
	s6 =	sadd.s32 s12, s6;
	v10 =	vld [tilespmem:s21+$0x8210]  }
0x16a: {  	s3 =	sadd.s32 s3, s6;
	s22 =	sshrl.u32 s24, $0x1F;
	s24 =	sand.u32 $0xF, s13  }
.Ltmp9:
0x16b: {  	s3 =	sadd.s32 s5, s3;
	v63 =	vmov s24;
	(pc) =	sbr.rel @p2 .LBB2_12-.Ltmp9, $4  }
0x16c: {  	s25 =	sshrl.u32 s23, $0x1F;
	s3 =	sadd.s32 s22, s3;
	vm0 =	veq.s32 v63, v4  }
0x16d: {  	s0 =	sshrl.u32 s0, $0x1F;
	s30 =	rddreg [dreg:$0x12];
	s3 =	sadd.s32 s25, s3;
	v11 =	vnsel vm0, $0x0, v11  }
0x16e: {  	s16 =	sadd.s32 $0x10, s16;
	s5 =	sshrl.u32 s30, $0x1F;
	s0 =	sadd.s32 s0, s3;
	v10 =	vadd.s32 v11, v10  }
0x16f: {  	s31 =	sadd.s32 $0x10, s31;
	s1 =	sadd.s32 $0x1, s1;
	s29 =	sadd.s32 s5, s0;
	[tilespmem:s21+$0x8210] =	vst v10  }
0x170: {  	s6 =	simm.s32 $0x0  }
0x171: {  	s1 =	simm.s32 $0x10;
	v14 =	vld [tilespmem:s6+$0x8210]  }
0x172: {  	v11 =	vld [tilespmem:s1+$0x8210];
	_ =	sdelay $0x1  }
0x173: {  	s0 =	simm.s32 $0x20  }
0x174: {  	v10 =	vld [tilespmem:s0+$0x8210]  }
0x175: {  	v12 =	vperm.xlane v14, v3  }
0x176: {  	vm3 =	veq.s32 v4, $0x0;
	v13 =	vperm.xlane v11, v3  }
0x177: {  	v12 =	vsel vm3, $0x0, v12  }
0x178: {  	v13 =	vsel vm3, $0x0, v13;
	v15 =	vadd.s32 v14, v12  }
0x179: {  	v16 =	vperm.xlane v10, v3;
	v13 =	vadd.s32 v11, v13;
	v12 =	vperm.xlane v15, v5  }
0x17a: {  	s3 =	simm.s32 $0x30;
	v18 =	vperm.xlane v13, v5  }
0x17b: {  	v16 =	vsel vm3, $0x0, v16;
	v17 =	vsel vm1, $0x0, v12;
	v12 =	vld [tilespmem:s3+$0x8210]  }
0x17c: {  	v16 =	vadd.s32 v10, v16;
	v18 =	vsel vm1, $0x0, v18;
	v15 =	vadd.s32 v17, v15  }
0x17d: {  	v18 =	vadd.s32 v18, v13;
	v13 =	vperm.xlane v16, v5;
	v17 =	vperm.xlane v15, v6  }
0x17e: {  	v19 =	vperm.xlane v18, v6  }
0x17f: {  	v20 =	vsel vm1, $0x0, v13;
	v17 =	vsel vm4, $0x0, v17  }
0x180: {  	v19 =	vsel vm4, $0x0, v19;
	v15 =	vadd.s32 v17, v15;
	v17 =	vperm.xlane v12, v3  }
0x181: {  	v16 =	vadd.s32 v20, v16;
	v18 =	vadd.s32 v19, v18  }
0x182: {  	v19 =	vperm.xlane v16, v6;
	v21 =	vperm.xlane v15, v8;
	v17 =	vsel vm3, $0x0, v17  }
0x183: {  	v20 =	vperm.xlane v18, v8;
	v17 =	vadd.s32 v12, v17  }
0x184: {  	v19 =	vsel vm4, $0x0, v19;
	v21 =	vsel vm2, $0x0, v21;
	v22 =	vperm.xlane v17, v5  }
0x185: {  	v16 =	vadd.s32 v19, v16;
	v21 =	vadd.s32 v21, v15;
	v15 =	vsel vm2, $0x0, v20  }
0x186: {  	(v2sf) =	vpush v21, $0xF;
	v20 =	vsel vm1, $0x0, v22;
	v22 =	vperm.xlane v16, v8;
	_ =	sdelay $0x1  }
0x187: {  	s7 =	simm.s32 $0x40;
	v15 =	vadd.s32 v15, v18;
	v18 =	vadd.s32 v20, v17;
	v20 =	vsel vm2, $0x0, v22  }
0x188: {  	v13 =	vld [tilespmem:s7+$0x8210];
	(v2sf) =	vpush v15, $0xF;
	v16 =	vadd.s32 v20, v16  }
0x189: {  	(v2sf) =	vpush v16, $0xF;
	_ =	sdelay $0x3  }
0x18a: {  	s5 =	simm.s32 $0x50;
	v19 =	vperm.xlane v13, v3  }
0x18b: {  	v22 =	vsub.s32 s29, v14;
	v14 =	vld [tilespmem:s5+$0x8210]  }
0x18c: {  	v17 =	vsel vm3, $0x0, v19;
	v19 =	vperm.xlane v18, v6  }
0x18d: {  	v17 =	vadd.s32 v13, v17  }
0x18e: {  	v20 =	vperm.xlane v17, v5;
	v19 =	vsel vm4, $0x0, v19  }
0x18f: {  	s8 =	simm.s32 $0x180;
	v19 =	vadd.s32 v19, v18;
	v18 =	vadd.s32 v21, v22  }
.LBB2_14:
0x190: {  	s9 =	sshra.s32 s8, $0x2;
	p2 =	sne.s32 s8, $0xFC0;
	s8 =	sadd.s32 $0x40, s8;
	v21 =	vperm.xlane v14, v3;
	v20 =	vsel vm1, $0x0, v20;
	v22 =	vperm.xlane v19, v8;
	[tilespmem:s6+$0x8610] =	vst v18;
	v18 =	vmovc v14  }
.Ltmp10:
0x191: {  	s6 =	smov.u32 s1;
	v14 =	vld [tilespmem:s9+$0x8210];
	v23 =	vadd.s32 v20, v17;
	s10 =	spop (v2sf);
	(pc) =	sbr.rel @p2 .LBB2_14-.Ltmp10, $4  }
0x192: {  	s1 =	smov.u32 s0;
	s0 =	smov.u32 s3;
	v17 =	vsel vm3, $0x0, v21;
	v21 =	vperm.xlane v23, v6;
	v20 =	vsel vm2, $0x0, v22;
	s29 =	sadd.s32 s29, s10  }
0x193: {  	s3 =	smov.u32 s7;
	s7 =	smov.u32 s5;
	s5 =	smov.u32 s9;
	v17 =	vadd.s32 v18, v17;
	v22 =	vadd.s32 v20, v19;
	v24 =	vsub.s32 s29, v11;
	v11 =	vmovc v10;
	v10 =	vmovc v12  }
0x194: {  	v12 =	vmovc v13;
	v13 =	vmovc v18;
	v20 =	vperm.xlane v17, v5;
	v19 =	vsel vm4, $0x0, v21;
	(v2sf) =	vpush v22, $0xF  }
0x195: {  	v18 =	vadd.s32 v15, v24;
	v15 =	vmovc v16;
	v16 =	vmov v22;
	v19 =	vadd.s32 v19, v23  }
0x196: {  	v20 =	vsel vm1, $0x0, v20  }
0x197: {  	v17 =	vadd.s32 v20, v17  }
0x198: {  	v20 =	vperm.xlane v17, v6;
	_ =	sdelay $0x1  }
0x199: {  	v20 =	vsel vm4, $0x0, v20  }
0x19a: {  	v21 =	vperm.xlane v19, v8;
	v17 =	vadd.s32 v20, v17  }
0x19b: {  	v20 =	vperm.xlane v17, v8  }
0x19c: {  	v21 =	vsel vm2, $0x0, v21  }
0x19d: {  	v32 =	vadd.s32 v21, v19;
	v20 =	vsel vm2, $0x0, v20  }
0x19e: {  	(v2sf) =	vpush v32, $0xF;
	v17 =	vadd.s32 v20, v17  }
0x19f: {  	(v2sf) =	vpush v17, $0xF;
	_ =	sdelay $0x1  }
0x1a0: {  	v33 =	vperm.xlane v14, v3  }
0x1a1: {  	vm0 =	veq.s32 v4, $0x0  }
0x1a2: {  	v20 =	vsel vm0, $0x0, v33  }
0x1a3: {  	v20 =	vadd.s32 v14, v20  }
0x1a4: {  	v34 =	vperm.xlane v20, v5;
	_ =	sdelay $0x1  }
0x1a5: {  	v21 =	vsel vm1, $0x0, v34  }
0x1a6: {  	v20 =	vadd.s32 v21, v20  }
0x1a7: {  	v21 =	vperm.xlane v20, v6  }
0x1a8: {  	s8 =	spop (v2sf)  }
0x1a9: {  	s9 =	spop (v2sf);
	s8 =	sadd.s32 s29, s8;
	v21 =	vsel vm4, $0x0, v21  }
0x1aa: {  	v11 =	vsub.s32 s8, v11;
	s8 =	sadd.s32 s8, s9;
	s21 =	spop (v2sf);
	v20 =	vadd.s32 v21, v20  }
0x1ab: {  	[tilespmem:s6+$0x8610] =	vst v18;
	v11 =	vadd.s32 v15, v11;
	v10 =	vsub.s32 s8, v10;
	s22 =	sadd.s32 s8, s21;
	v15 =	vperm.xlane v20, v8;
	s23 =	spop (v2sf)  }
0x1ac: {  	[tilespmem:s1+$0x8610] =	vst v11;
	v10 =	vadd.s32 v16, v10;
	v11 =	vsub.s32 s22, v12;
	s24 =	sadd.s32 s22, s23;
	s25 =	spop (v2sf)  }
0x1ad: {  	[tilespmem:s0+$0x8610] =	vst v10;
	v11 =	vadd.s32 v32, v11;
	v10 =	vsel vm2, $0x0, v15;
	v12 =	vsub.s32 s24, v13;
	s29 =	sadd.s32 s24, s25  }
0x1ae: {  	[tilespmem:s3+$0x8610] =	vst v11;
	v10 =	vadd.s32 v10, v20;
	v11 =	vadd.s32 v17, v12;
	v12 =	vsub.s32 s29, v14  }
0x1af: {  	s30 =	simm.s32 $0x8610;
	s31 =	sadd.s32 $0x0, s26;
	[tilespmem:s7+$0x8610] =	vst v11;
	v11 =	vadd.s32 v10, v12  }
0x1b0: {  	s11 =	sadd.s32 $0xE0, s31;
	s13 =	sadd.s32 $0xC0, s31;
	s16 =	sadd.s32 $0x10, s31;
	[tilespmem:s5+$0x8610] =	vst v11  }
0x1b1: {  	s10 =	sadd.s32 $0x70, s31;
	v36 =	vor.u32 s13, v4;
	v37 =	vor.u32 s16, v4;
	v16 =	vor.u32 s11, v4;
	s1 =	sadd.s32 $0x20, s31;
	s21 =	sadd.s32 $0x30, s31;
	v12 =	vld [tilespmem:s30+$0x0]  }
0x1b2: {  	s0 =	simm.s32 $0x4080;
	v57 =	vor.u32 s1, v4;
	s8 =	sadd.s32 $0x40, s31;
	v38 =	vor.u32 s21, v4;
	vm4 =	vlt.s32 v36, v9;
	s23 =	sadd.s32 $0xA0, s31  }
0x1b3: {  	s12 =	sadd.s32 $0x60, s31;
	s22 =	sadd.s32 $0xF0, s31;
	v13 =	vor.u32 s8, v4;
	v15 =	vor.u32 s10, v4;
	v39 =	vor.u32 s23, v4;
	v11 =	vld [tilespmem:s0+$0x40]  }
0x1b4: {  	s9 =	sadd.s32 $0x90, s31;
	v40 =	vor.u32 s22, v4;
	v17 =	vor.u32 s12, v4;
	vm0 =	vlt.s32 v15, v9;
	v22 =	vld [tilespmem:s0+$0x50]  }
0x1b5: {  	vm3 =	vlt.s32 v13, v9;
	(v2sf) =	vpush v10, $0xF;
	s25 =	sadd.s32 $0xB0, s31;
	v14 =	vor.u32 s9, v4;
	v13 =	vld [tilespmem:s0+$0xFFFFFFE0]  }
0x1b6: {  	v43 =	vor.u32 s25, v4;
	v24 =	vld [tilespmem:s0+$0x20];
	v35 =	vbroadcast v12, $0xC;
	v23 =	vbroadcast v12, $0xD  }
0x1b7: {  	s29 =	sadd.s32 $0x50, s31;
	v10 =	vor.u32 s31, v4;
	v26 =	vld [tilespmem:s0+$0x30];
	v25 =	vbroadcast v12, $0x6;
	v41 =	vbroadcast v12, $0xA  }
0x1b8: {  	v51 =	vor.u32 s29, v4;
	v44 =	vld [tilespmem:s0+$0xFFFFFF80];
	v27 =	vbroadcast v12, $0xB;
	v45 =	vbroadcast v12, $0xF  }
0x1b9: {  	vm5 =	vlt.s32 v14, v9;
	s30 =	sadd.s32 $0x80, s31;
	v55 =	vld [tilespmem:s0+$0x10];
	v50 =	vbroadcast v12, $0x0;
	v53 =	vbroadcast v12, $0x3  }
0x1ba: {  	v15 =	vld [tilespmem:s0+$0xFFFFFFF0];
	v56 =	vor.u32 s30, v4;
	v54 =	vbroadcast v12, $0x5;
	v58 =	vbroadcast v12, $0x2  }
0x1bb: {  	v14 =	vbroadcast v12, $0x9;
	v63 =	vbroadcast v12, $0x4;
	v11 =	vadd.s32 v35, v11  }
0x1bc: {  	v22 =	vadd.s32 v23, v22;
	v13 =	vadd.s32 v25, v13;
	v18 =	vadd.s32 v41, v24  }
0x1bd: {  	v42 =	vld [tilespmem:s0+$0x70];
	v11 =	vsel vm4, $0x200, v11;
	vm4 =	vlt.s32 v17, v9;
	v17 =	vbroadcast v12, $0x7  }
0x1be: {  	v46 =	vadd.s32 v27, v26;
	v23 =	vadd.s32 v50, v44;
	v14 =	vadd.s32 v14, v55  }
0x1bf: {  	s24 =	sadd.s32 $0xD0, s31;
	v13 =	vsel vm4, $0x200, v13;
	vm4 =	vlt.s32 v43, v9;
	v15 =	vadd.s32 v17, v15  }
0x1c0: {  	v48 =	vld [tilespmem:s0+$0xFFFFFF90];
	v17 =	vor.u32 s24, v4;
	v47 =	vsel vm4, $0x200, v46;
	vm4 =	vlt.s32 v40, v9  }
0x1c1: {  	v52 =	vld [tilespmem:s0+$0xFFFFFFA0];
	v13 =	vadd.s32 v0, v13;
	v15 =	vsel vm0, $0x200, v15;
	vm0 =	vlt.s32 v17, v9  }
0x1c2: {  	v62 =	vld [tilespmem:s0+$0xFFFFFFC0];
	v17 =	vsel vm0, $0x200, v22;
	vm0 =	vlt.s32 v39, v9;
	v22 =	vadd.s32 v45, v42  }
0x1c3: {  	v15 =	vadd.s32 v0, v15;
	v22 =	vsel vm4, $0x200, v22;
	vm4 =	vlt.s32 v10, v9;
	v10 =	vld [tilespmem:s0+$0xFFFFFFB0]  }
0x1c4: {  	v59 =	vadd.s32 v0, v47;
	v18 =	vsel vm0, $0x200, v18;
	v17 =	vadd.s32 v0, v17;
	[tilespmem:s0+$0xFFFFFFF0] =	vst v15;
	v15 =	vld [tilespmem:s0+$0xFFFFFFD0]  }
0x1c5: {  	vm0 =	vlt.s32 v37, v9;
	[tilespmem:s0+$0x50] =	vst v17;
	v17 =	vbroadcast v12, $0x1;
	v18 =	vadd.s32 v0, v18  }
0x1c6: {  	[tilespmem:s0+$0xFFFFFFE0] =	vst v13;
	v13 =	vsel vm4, $0x200, v23;
	vm4 =	vlt.s32 v38, v9;
	v61 =	vadd.s32 v0, v22  }
0x1c7: {  	[tilespmem:s0+$0x20] =	vst v18;
	v18 =	vadd.s32 v58, v52;
	v13 =	vadd.s32 v0, v13;
	v17 =	vadd.s32 v17, v48  }
0x1c8: {  	v49 =	vld [tilespmem:s0+$0x0];
	[tilespmem:s0+$0xFFFFFF80] =	vst v13;
	v13 =	vadd.s32 v63, v62;
	v17 =	vsel vm0, $0x200, v17;
	vm0 =	vlt.s32 v51, v9  }
0x1c9: {  	v60 =	vld [tilespmem:s0+$0x60];
	v10 =	vadd.s32 v53, v10;
	v15 =	vadd.s32 v54, v15;
	v17 =	vadd.s32 v0, v17  }
0x1ca: {  	[tilespmem:s0+$0x30] =	vst v59;
	v10 =	vsel vm4, $0x200, v10;
	v15 =	vsel vm0, $0x200, v15;
	vm4 =	vlt.s32 v16, v9  }
0x1cb: {  	[tilespmem:s0+$0x70] =	vst v61;
	v16 =	vadd.s32 v0, v11;
	v11 =	vsel vm5, $0x200, v14;
	v14 =	vbroadcast v12, $0x8  }
0x1cc: {  	vm0 =	vlt.s32 v57, v9;
	vm5 =	vlt.s32 v56, v9;
	[tilespmem:s0+$0x40] =	vst v16;
	v16 =	vbroadcast v12, $0xE  }
0x1cd: {  	s6 =	simm.s32 $0x4080;
	[tilespmem:s0+$0xFFFFFF90] =	vst v17;
	v18 =	vsel vm0, $0x200, v18;
	v17 =	vadd.s32 v0, v10;
	v10 =	vadd.s32 v14, v49  }
0x1ce: {  	s1 =	simm.s32 $0x8620;
	s5 =	simm.s32 $0x100;
	s31 =	spop (v2sf);
	v12 =	vadd.s32 v0, v18;
	[tilespmem:s0+$0xFFFFFFB0] =	vst v17;
	v14 =	vadd.s32 v0, v15;
	v15 =	vadd.s32 v16, v60  }
.LBB2_16:
0x1cf: {  	s7 =	smov.u32 s5  }
0x1d0: {  	s3 =	sadd.s32 s5, s26;
	[tilespmem:s0+$0xFFFFFFD0] =	vst v14;
	v10 =	vsel vm5, $0x200, v10;
	v11 =	vadd.s32 v0, v11;
	v14 =	vsel vm4, $0x200, v15;
	s6 =	sadd.s32 $0x100, s6;
	s7 =	sadd.s32 $0x100, s5  }
0x1d1: {  	v15 =	vor.u32 s3, v4;
	s8 =	sadd.s32 $0x40, s3;
	s9 =	sadd.s32 $0x90, s3;
	s10 =	sadd.s32 $0xB0, s3;
	v10 =	vadd.s32 v0, v10;
	[tilespmem:s0+$0xFFFFFFA0] =	vst v12;
	v12 =	vsel vm3, $0x200, v13  }
0x1d2: {  	s11 =	sadd.s32 $0x70, s3;
	v13 =	vor.u32 s8, v4;
	s8 =	sadd.s32 $0x60, s3;
	v16 =	vor.u32 s9, v4;
	s9 =	sadd.s32 $0xE0, s3;
	[tilespmem:s0+$0x0] =	vst v10;
	v10 =	vadd.s32 v0, v14  }
0x1d3: {  	s12 =	sadd.s32 $0xC0, s3;
	v14 =	vor.u32 s11, v4;
	s11 =	sadd.s32 $0x80, s3;
	v17 =	vor.u32 s9, v4;
	s9 =	sadd.s32 $0xF0, s3;
	v12 =	vadd.s32 v0, v12;
	[tilespmem:s0+$0x60] =	vst v10  }
0x1d4: {  	s13 =	sadd.s32 $0x10, s3;
	s16 =	sadd.s32 $0x30, s3;
	v10 =	vor.u32 s8, v4;
	vm12 =	vlt.s32 v14, v9;
	s8 =	sadd.s32 $0xA0, s3;
	v14 =	vor.u32 s12, v4;
	[tilespmem:s0+$0x10] =	vst v11  }
0x1d5: {  	p2 =	sne.s32 s5, $0x3F00;
	v18 =	vor.u32 s16, v4;
	vm3 =	vlt.s32 v13, v9;
	v11 =	vor.u32 s13, v4;
	[tilespmem:s0+$0xFFFFFFC0] =	vst v12;
	s0 =	smov.u32 s6  }
0x1d6: {  	s5 =	sadd.s32 $0x50, s3;
	v13 =	vor.u32 s9, v4;
	vm13 =	vlt.s32 v10, v9;
	v10 =	vor.u32 s8, v4;
	v12 =	vld [tilespmem:s1+$0x0]  }
0x1d7: {  	vm7 =	vlt.s32 v11, v9;
	v11 =	vor.u32 s5, v4;
	vm14 =	vlt.s32 v10, v9;
	v19 =	vld [tilespmem:s6+$0xFFFFFFE0]  }
0x1d8: {  	vm8 =	vlt.s32 v18, v9;
	s5 =	sadd.s32 $0x20, s3;
	v10 =	vor.u32 s11, v4;
	vm9 =	vlt.s32 v11, v9;
	v11 =	vld [tilespmem:s6+$0x40]  }
0x1d9: {  	vm6 =	vlt.s32 v16, v9;
	v16 =	vor.u32 s10, v4;
	v18 =	vor.u32 s5, v4;
	v20 =	vld [tilespmem:s6+$0x0]  }
0x1da: {  	vm11 =	vlt.s32 v15, v9;
	vm15 =	vlt.s32 v16, v9;
	vm10 =	vlt.s32 v18, v9;
	v15 =	vld [tilespmem:s6+$0xFFFFFFF0]  }
0x1db: {  	vm4 =	vlt.s32 v17, v9;
	v16 =	vbroadcast v12, $0xA;
	v18 =	vbroadcast v12, $0xC;
	v17 =	vld [tilespmem:s6+$0x70]  }
0x1dc: {  	vm5 =	vlt.s32 v10, v9;
	v21 =	vbroadcast v12, $0xD;
	v22 =	vbroadcast v12, $0xF  }
0x1dd: {  	vm0 =	vlt.s32 v13, v9;
	v10 =	vbroadcast v12, $0x6;
	v11 =	vadd.s32 v18, v11;
	v18 =	vld [tilespmem:s6+$0x50]  }
0x1de: {  	vm1 =	vlt.s32 v14, v9;
	v13 =	vbroadcast v12, $0x8;
	v24 =	vbroadcast v12, $0xE;
	v23 =	vld [tilespmem:s6+$0x20]  }
0x1df: {  	v14 =	vbroadcast v12, $0x7;
	v26 =	vbroadcast v12, $0xB;
	v11 =	vsel vm1, $0x200, v11;
	v25 =	vld [tilespmem:s6+$0x30]  }
0x1e0: {  	s3 =	sadd.s32 $0xD0, s3;
	v19 =	vadd.s32 v10, v19;
	v10 =	vadd.s32 v13, v20;
	v13 =	vadd.s32 v22, v17  }
0x1e1: {  	v14 =	vadd.s32 v14, v15;
	v15 =	vor.u32 s3, v4;
	v17 =	vbroadcast v12, $0x4  }
0x1e2: {  	v20 =	vbroadcast v12, $0x0;
	vm1 =	vlt.s32 v15, v9;
	v22 =	vld [tilespmem:s6+$0xFFFFFFB0];
	v18 =	vadd.s32 v21, v18  }
0x1e3: {  	v14 =	vsel vm12, $0x200, v14;
	v15 =	vld [tilespmem:s6+$0xFFFFFF90];
	v16 =	vadd.s32 v16, v23;
	v18 =	vsel vm1, $0x200, v18  }
0x1e4: {  	v14 =	vadd.s32 v0, v14;
	v21 =	vld [tilespmem:s6+$0xFFFFFF80];
	v23 =	vadd.s32 v26, v25;
	v18 =	vadd.s32 v0, v18  }
0x1e5: {  	v19 =	vsel vm13, $0x200, v19;
	v25 =	vld [tilespmem:s6+$0xFFFFFFA0];
	[tilespmem:s6+$0xFFFFFFF0] =	vst v14;
	v14 =	vsel vm14, $0x200, v16;
	v16 =	vsel vm15, $0x200, v23  }
0x1e6: {  	v19 =	vadd.s32 v0, v19;
	v23 =	vld [tilespmem:s6+$0xFFFFFFD0];
	v14 =	vadd.s32 v0, v14;
	v16 =	vadd.s32 v0, v16;
	[tilespmem:s6+$0x50] =	vst v18  }
0x1e7: {  	v11 =	vadd.s32 v0, v11;
	v13 =	vsel vm0, $0x200, v13;
	v18 =	vbroadcast v12, $0x9;
	[tilespmem:s6+$0xFFFFFFE0] =	vst v19  }
0x1e8: {  	v13 =	vadd.s32 v0, v13;
	v26 =	vbroadcast v12, $0x2;
	v19 =	vbroadcast v12, $0x1;
	[tilespmem:s6+$0x20] =	vst v14;
	v27 =	vld [tilespmem:s6+$0x60]  }
0x1e9: {  	v14 =	vadd.s32 v20, v21;
	v20 =	vbroadcast v12, $0x3;
	v12 =	vbroadcast v12, $0x5;
	v21 =	vld [tilespmem:s6+$0x10];
	[tilespmem:s6+$0x30] =	vst v16  }
0x1ea: {  	v15 =	vadd.s32 v19, v15;
	v14 =	vsel vm11, $0x200, v14;
	v16 =	vadd.s32 v26, v25;
	v19 =	vld [tilespmem:s6+$0xFFFFFFC0]  }
.Ltmp11:
0x1eb: {  	v15 =	vsel vm7, $0x200, v15;
	v20 =	vadd.s32 v20, v22;
	v12 =	vadd.s32 v12, v23;
	[tilespmem:s6+$0x70] =	vst v13;
	(pc) =	sbr.rel @p2 .LBB2_16-.Ltmp11, $4  }
0x1ec: {  	v13 =	vadd.s32 v0, v15;
	v15 =	vsel vm8, $0x200, v20;
	v20 =	vsel vm9, $0x200, v12;
	[tilespmem:s6+$0x40] =	vst v11  }
0x1ed: {  	v11 =	vadd.s32 v0, v14;
	v12 =	vsel vm10, $0x200, v16;
	[tilespmem:s6+$0xFFFFFF90] =	vst v13;
	v13 =	vadd.s32 v0, v15  }
0x1ee: {  	v12 =	vadd.s32 v0, v12;
	v14 =	vadd.s32 v0, v20;
	[tilespmem:s6+$0xFFFFFFB0] =	vst v13;
	v15 =	vadd.s32 v18, v21  }
0x1ef: {  	s1 =	sadd.s32 $0x10, s1;
	s5 =	smov.u32 s7;
	[tilespmem:s6+$0xFFFFFF80] =	vst v11;
	v13 =	vadd.s32 v17, v19;
	v11 =	vsel vm6, $0x200, v15;
	v15 =	vadd.s32 v24, v27  }
0x1f0: {  	s1 =	rddreg [dreg:$0x10]  }
0x1f1: {  	s1 =	ssub.s32 s1, s28  }
0x1f2: {  	s1 =	sshra.s32 s1, $0x7  }
0x1f3: {  	v10 =	vsel vm5, $0x200, v10;
	p2 =	sgt.s32 s1, $0x0  }
0x1f4: {  	v62 =	vsel vm4, $0x200, v15;
	v10 =	vadd.s32 v0, v10;
	s1 =	simm.s32 @!p2 $0x0  }
0x1f5: {  	v63 =	vsel vm3, $0x200, v13;
	[tilespmem:s0+$0x0] =	vst v10;
	v10 =	vadd.s32 v0, v62;
	s1 =	smin.u32 s1, $0x80  }
0x1f6: {  	[tilespmem:s0+$0x60] =	vst v10;
	v10 =	vadd.s32 v0, v63;
	s6 =	sshrl.u32 s1, $0x1  }
0x1f7: {  	[tilespmem:s0+$0xFFFFFFC0] =	vst v10;
	v10 =	vld [tilespmem:$0x1FFF0];
	p2 =	seq.s32 s6, $0x0  }
.Ltmp12:
0x1f8: {  	_ = 	snop;
	(pc) =	sbr.rel @p2 .LBB2_21-.Ltmp12, $4  }
0x1f9: {  	[tilespmem:s0+$0xFFFFFFD0] =	vst v14  }
0x1fa: {  	[tilespmem:s0+$0xFFFFFFA0] =	vst v12;
	v11 =	vadd.s32 v0, v11  }
0x1fb: {  	s31 =	simm.s32 $0x0;
	[tilespmem:s0+$0x10] =	vst v11  }
0x1fc: {  	[tilespmem:s14], [sflag:$0x1] =	stream.indirect.gather [hbm4b:s4+s18], $0x40, s31, s18, $0xb8;
	vm4 =	vnez.u8 v10;
	[tilespmem:$0x14C10] =	vst v63  }
0x1fd: {  	s0 =	simm.s32 $0x80  }
0x1fe: {  	[tilespmem:s19], [sflag:$0x2] =	stream.indirect.gather [hbm4b:s4+s18], $0x40, s0, s18, $0xb8;
	[tilespmem:$0x14C10] =	vst v63  }
0x1ff: {  	s3 =	simm.s32 $0x4000;
	_ =	swait.ge [sflag:s17], $0x2000  }
0x200: {  	s5 =	simm.s32 $0x2;
	s0 =	sadd.s32 $0xFFFFFFFF, s1;
	[sflag:s17] =	ssyncset.done $0x0  }
0x201: {  	p3 =	sgt.s32 s0, $0x2;
	s7 =	smov.u32 s0;
	[sflag:s17] =	ssyncadd.s32 $0xFFFFE000  }
0x202: {  	[spmem:s2] =	stream.indirect.scatter.add.f32 [tilespmem:s14], [sflag:$0x3], $0x40, s3, s18, $0xb8;
	[tilespmem:$0x14C10] =	vst v63  }
0x203: {  	s7 =	smov.u32 @p3 s5;
	_ =	swait.ge [sflag:s15], $0x2000  }
0x204: {  	s7 =	sshll.u32 s7, $0x9;
	[sflag:s15] =	ssyncset.done $0x0  }
0x205: {  	s6 =	sshll.u32 s6, $0x1;
	s7 =	sshra.s32 s7, $0x2;
	[sflag:s15] =	ssyncadd.s32 $0xFFFFE000  }
0x206: {  	[tilespmem:s14], [sflag:$0x1] =	stream.indirect.gather [hbm4b:s4+s18], $0x40, s7, s18, $0xb8;
	[tilespmem:$0x14C10] =	vst v63  }
0x207: {  	p3 =	sne.s32 s6, $0x2;
	_ =	swait.ge [sflag:s20], $0x2000  }
.Ltmp13:
0x208: {  	[sflag:s20] =	ssyncset.done $0x0;
	(pc) =	sbr.rel @!p3 .LBB2_20-.Ltmp13, $4  }
0x209: {  	s31 =	simm.s32 $0x4080;
	[sflag:s20] =	ssyncadd.s32 $0xFFFFE000  }
0x20a: {  	[spmem:s2] =	stream.indirect.scatter.add.f32 [tilespmem:s19], [sflag:$0x3], $0x40, s31, s18, $0xb8;
	[tilespmem:$0x14C10] =	vst v63  }
0x20b: {  	_ =	swait.ge [sflag:s15], $0x2000  }
0x20c: {  	s7 =	simm.s32 $0x180;
	[sflag:s15] =	ssyncset.done $0x0  }
.LBB2_19:
0x20d: {  	s5 =	sadd.s32 $0x2, s5  }
0x20e: {  	[sflag:s15] =	ssyncadd.s32 $0xFFFFE000;
	s3 =	sadd.s32 $0x100, s3;
	s8 =	smov.u32 s0  }
0x20f: {  	[tilespmem:s19], [sflag:$0x2] =	stream.indirect.gather [hbm4b:s4+s18], $0x40, s7, s18, $0xb8;
	[tilespmem:$0x14C10] =	vst v63  }
0x210: {  	p4 =	slt.s32 s5, s0;
	p3 =	sne.s32 s6, s5;
	_ =	swait.ge [sflag:s17], $0x2000  }
0x211: {  	s8 =	smov.u32 @p4 s5;
	[sflag:s17] =	ssyncset.done $0x0  }
0x212: {  	s8 =	sshll.u32 s8, $0x9;
	[sflag:s17] =	ssyncadd.s32 $0xFFFFE000  }
0x213: {  	[spmem:s2] =	stream.indirect.scatter.add.f32 [tilespmem:s14], [sflag:$0x3], $0x40, s3, s18, $0xb8;
	[tilespmem:$0x14C10] =	vst v63  }
0x214: {  	_ =	swait.ge [sflag:s15], $0x2000  }
0x215: {  	[sflag:s15] =	ssyncset.done $0x0  }
0x216: {  	s8 =	sshra.s32 s8, $0x2;
	[sflag:s15] =	ssyncadd.s32 $0xFFFFE000  }
0x217: {  	[tilespmem:s14], [sflag:$0x1] =	stream.indirect.gather [hbm4b:s4+s18], $0x40, s8, s18, $0xb8;
	[tilespmem:$0x14C10] =	vst v63  }
0x218: {  	_ =	swait.ge [sflag:s20], $0x2000  }
.Ltmp14:
0x219: {  	[sflag:s20] =	ssyncset.done $0x0;
	(pc) =	sbr.rel @p3 .LBB2_19-.Ltmp14, $4  }
0x21a: {  	s8 =	sadd.s32 $0x80, s3;
	[sflag:s20] =	ssyncadd.s32 $0xFFFFE000  }
0x21b: {  	[spmem:s2] =	stream.indirect.scatter.add.f32 [tilespmem:s19], [sflag:$0x3], $0x40, s8, s18, $0xb8;
	[tilespmem:$0x14C10] =	vst v63  }
0x21c: {  	_ =	swait.ge [sflag:s15], $0x2000  }
0x21d: {  	s7 =	sadd.s32 $0x100, s7;
	[sflag:s15] =	ssyncset.done $0x0  }
.Ltmp15:
0x21e: {  	_ = 	snop;
	(pc) =	sbr.rel .LBB2_20-.Ltmp15, $1  }
0x21f: {  	_ =	sdelay $0x3  }
.LBB2_23:
0x220: {  	_ =	sfence.sel $0x180000  }
0x221: {  	[bflag:$0x0] =	sbarrier.arrive $0xFFFF  }
0x222: {  	_ =	strace $0x90000047  }
0x223: {  	s0 =	stileid.u32;
	[bflag:$0x2] =	sbarrier.arrive $0xFFFF  }
0x224: {  	p0 =	sne.s32 s0, $0x0;
	s0 =	rddreg [dreg:$0x3]  }
0x225: {  	s0 =	sadd.s32 @!p0 $0x100000, s0  }
0x226: {  	[sflag:s0] =	ssyncadd.tile.s32 @!p0 $0x1;
	_ =	shalt  }
.Lfunc_end2:
_tile_overlayer_lowered:
.L_overlay_start_2:
0x227: {  	(tag) =	ssettag $0x2  }
0x228: {  	s0 =	rddreg [dreg:$0x0];
	s2 =	stileid.u32  }
0x229: {  	s1 =	rddreg [dreg:$0x1];
	p0 =	sne.s32 s2, $0x0  }
0x22a: {  	s3 =	rddreg [dreg:$0x2];
	[bflag:$0x3] =	sbarrier.arrive $0xFFFF;
	s2 =	simm.s32 @!p0 $0x1C03  }
0x22b: {  	[timem:s3], [sflag:s2] =	dma.local @!p0 [hbm:s0], s1  }
0x22c: {  	s0 =	simm.s32 @!p0 $0x3  }
0x22d: {  	_ =	swait.ge @!p0 [sflag:s0], s1  }
0x22e: {  	s1 =	ssub.s32 @!p0 $0x0, s1;
	[sflag:s0] =	ssyncset.done @!p0 $0x0  }
0x22f: {  	[sflag:s0] =	ssyncadd.s32 @!p0 s1  }
0x230: {  	[bflag:$0x3] =	sbarrier.arrive $0xFFFF  }
0x231: {  	_ =	shalt  }

</sc_bundles>
